<compile_context>
chip_gen: v7x
topology: tpu7x:2x2x1
jax: 0.10.2.dev20260603
libtpu: 0.0.44.dev20260713+nightly
codegen_flags: <defaults>
</compile_context>

<pallas_src>
import functools

import jax
import jax.numpy as jnp
from jax import lax
from jax.experimental import pallas as pl
from jax.experimental.pallas import tpu as pltpu
from jax.experimental.pallas import tpu_sc as plsc

ALPHA = 0.2
NC, NS, L = 2, 16, 16
NW = NC * NS
K = 80
H, D = 4, 32
ROW = H * D


def _project_body(x_ref, wf_ref, wsd_ref, t_ref, esed_ref, b_ref):
    xv = x_ref[...]
    t_ref[...] = jnp.dot(xv, wf_ref[...], preferred_element_type=jnp.float32)
    esed = jnp.dot(xv, wsd_ref[...], preferred_element_type=jnp.float32)
    esed_ref[...] = esed
    mx = jnp.max(esed, axis=0, keepdims=True)
    b4 = mx[:, 0:4] + mx[:, 4:8]
    b4 = jnp.where(b4 >= 0.0, b4, ALPHA * b4)
    b_ref[...] = jnp.concatenate(
        [b4, jnp.zeros((1, 12), jnp.float32)], axis=1)


def _project(x, wflat, wsd):
    n = x.shape[0]
    return pl.pallas_call(
        _project_body,
        out_shape=[
            jax.ShapeDtypeStruct((n, ROW), jnp.float32),
            jax.ShapeDtypeStruct((n, L), jnp.float32),
            jax.ShapeDtypeStruct((1, L), jnp.float32),
        ],
    )(x, wflat, wsd)


def _combine_body(am_ref, ad_ref, r_ref, h_ref):
    m = am_ref[0] + am_ref[1]
    d = ad_ref[0] + ad_ref[1]
    db = jnp.dot(d, r_ref[...], preferred_element_type=jnp.float32)
    h_ref[...] = jnp.maximum(m / (db + 1e-16), 0.0)


def _combine(am, ad, r16):
    n = am.shape[1]
    return pl.pallas_call(
        _combine_body,
        out_shape=jax.ShapeDtypeStruct((n, ROW), jnp.float32),
    )(am, ad, r16)


def _edge_body(n, e, src_hbm, dst_hbm, t_hbm, esed_hbm, b_hbm, z128_hbm,
               z16_hbm, am_hbm, ad_hbm, esb_v, edb_v, b_v, src_v, dst_v,
               rows_v, exb_v, accm_s, accd_s, gsem0, gsem1, ssem0, ssem1):
    cid = lax.axis_index("c")
    sid = lax.axis_index("s")
    w = cid * NS + sid
    ew = e // NW
    c = ew // K
    nrs = n // NS
    ebase = w * ew
    gsems = (gsem0, gsem1)
    ssems = (ssem0, ssem1)
    iota = lax.iota(jnp.int32, L)

    pltpu.sync_copy(b_hbm, b_v)
    pltpu.sync_copy(z128_hbm.at[pl.ds(sid * nrs, nrs)],
                    accm_s.at[pl.ds(sid * nrs, nrs)])
    pltpu.sync_copy(z16_hbm.at[pl.ds(sid * nrs, nrs)],
                    accd_s.at[pl.ds(sid * nrs, nrs)])
    def _zero_exb(k_, _):
        exb_v[0, k_, :] = jnp.zeros((L,), jnp.float32)
        exb_v[1, k_, :] = jnp.zeros((L,), jnp.float32)
        return 0
    lax.fori_loop(0, K, _zero_exb, 0)

    bvec = b_v[0, :]
    bs = [bvec[h] for h in range(H)]

    plsc.subcore_barrier()

    def load_idx(i, buf):
        off = pl.multiple_of(ebase + i * K, 8)
        pltpu.sync_copy(src_hbm.at[pl.ds(off, K)], src_v.at[buf])
        pltpu.sync_copy(dst_hbm.at[pl.ds(off, K)], dst_v.at[buf])

    def gather_copies(buf):
        return (
            pltpu.make_async_copy(
                t_hbm.at[src_v.at[buf]], rows_v.at[buf], gsems[buf]),
            pltpu.make_async_copy(
                esed_hbm.at[src_v.at[buf]], esb_v.at[buf], gsems[buf]),
            pltpu.make_async_copy(
                esed_hbm.at[dst_v.at[buf]], edb_v.at[buf], gsems[buf]),
        )

    def start_gather(buf):
        for cp in gather_copies(buf):
            cp.start()

    def wait_gather(buf):
        for cp in gather_copies(buf):
            cp.wait()

    def start_scatter(buf):
        pltpu.make_async_copy(
            rows_v.at[buf], accm_s.at[dst_v.at[buf]], ssems[buf]
        ).start(add=True)
        pltpu.make_async_copy(
            exb_v.at[buf], accd_s.at[dst_v.at[buf]], ssems[buf]
        ).start(add=True)

    def wait_scatter(buf):
        pltpu.make_async_copy(
            rows_v.at[buf], accm_s.at[dst_v.at[buf]], ssems[buf]).wait()
        pltpu.make_async_copy(
            exb_v.at[buf], accd_s.at[dst_v.at[buf]], ssems[buf]).wait()

    def compute(buf):
        def group(g, _):
            kv = g * L + iota
            for h in range(H):
                hh = jnp.full((L,), h, jnp.int32)
                es = plsc.load_gather(esb_v.at[buf], [kv, hh])
                ed = plsc.load_gather(edb_v.at[buf], [kv, hh + 4])
                z = es + ed
                z = jnp.where(z >= 0.0, z, ALPHA * z)
                ex = jnp.exp(z - bs[h])
                plsc.store_scatter(exb_v.at[buf], [kv, hh], ex)
            return 0
        lax.fori_loop(0, K // L, group, 0)

        def edge(k, _):
            exrow = exb_v[buf, k, :]
            for h in range(H):
                exf = exrow[h]
                for jj in range(2):
                    sl = pl.ds(h * D + jj * L, L)
                    rows_v[buf, k, sl] = rows_v[buf, k, sl] * exf
            return 0
        lax.fori_loop(0, K, edge, 0)

    def step(i, buf):
        nbuf = 1 - buf

        @pl.when(i + 1 < c)
        def _():
            @pl.when(i >= 1)
            def _():
                wait_scatter(nbuf)
            load_idx(i + 1, nbuf)
            start_gather(nbuf)

        wait_gather(buf)
        compute(buf)
        start_scatter(buf)

    load_idx(0, 0)
    start_gather(0)

    def pair(t, _):
        step(2 * t, 0)
        step(2 * t + 1, 1)
        return 0
    lax.fori_loop(0, c // 2, pair, 0)
    if c % 2:
        step(c - 1, (c - 1) % 2)

    wait_scatter((c - 2) % 2)
    wait_scatter((c - 1) % 2)
    plsc.subcore_barrier()

    pltpu.sync_copy(accm_s.at[pl.ds(sid * nrs, nrs)],
                    am_hbm.at[cid, pl.ds(sid * nrs, nrs)])
    pltpu.sync_copy(accd_s.at[pl.ds(sid * nrs, nrs)],
                    ad_hbm.at[cid, pl.ds(sid * nrs, nrs)])


def _edges(src, dst, t, esed, b, z128, z16):
    n = t.shape[0]
    e = src.shape[0]
    mesh = plsc.VectorSubcoreMesh(core_axis_name="c", subcore_axis_name="s")
    return pl.kernel(
        functools.partial(_edge_body, n, e),
        out_type=[
            jax.ShapeDtypeStruct((NC, n, ROW), jnp.float32),
            jax.ShapeDtypeStruct((NC, n, L), jnp.float32),
        ],
        mesh=mesh,
        compiler_params=pltpu.CompilerParams(use_tc_tiling_on_sc=False,
                                             needs_layout_passes=False),
        scratch_types=[
            pltpu.VMEM((2, K, L), jnp.float32),
            pltpu.VMEM((2, K, L), jnp.float32),
            pltpu.VMEM((1, L), jnp.float32),
            pltpu.VMEM((2, K), jnp.int32),
            pltpu.VMEM((2, K), jnp.int32),
            pltpu.VMEM((2, K, ROW), jnp.float32),
            pltpu.VMEM((2, K, L), jnp.float32),
            pltpu.VMEM_SHARED((n, ROW), jnp.float32),
            pltpu.VMEM_SHARED((n, L), jnp.float32),
            pltpu.SemaphoreType.DMA,
            pltpu.SemaphoreType.DMA,
            pltpu.SemaphoreType.DMA,
            pltpu.SemaphoreType.DMA,
        ],
    )(src, dst, t, esed, b, z128, z16)


def _prep(wmat, a_src, a_dst):
    f = wmat.shape[1]
    wflat = wmat.transpose(1, 0, 2).reshape(f, H * D)
    ws = jnp.einsum("hfd,hd->fh", wmat, a_src)
    wd = jnp.einsum("hfd,hd->fh", wmat, a_dst)
    pad = jnp.zeros((f, 8), jnp.float32)
    return wflat, jnp.concatenate([ws, wd, pad], axis=1)


def kernel(x, edge_index, W1, a1_src, a1_dst, W2, a2_src, a2_dst):
    n = x.shape[0]
    src = edge_index[0]
    dst = edge_index[1]
    w1flat, wsd1 = _prep(W1, a1_src, a1_dst)
    w2flat, wsd2 = _prep(W2, a2_src, a2_dst)
    r16 = jnp.zeros((L, ROW), jnp.float32)
    r16 = r16.at[jnp.arange(ROW) // D, jnp.arange(ROW)].set(
        1.0, indices_are_sorted=False)
    z128 = jnp.zeros((n, ROW), jnp.float32)
    z16 = jnp.zeros((n, L), jnp.float32)

    t1, esed1, b1 = _project(x, w1flat, wsd1)
    am1, ad1 = _edges(src, dst, t1, esed1, b1, z128, z16)
    h1 = _combine(am1, ad1, r16)
    t2, esed2, b2 = _project(h1, w2flat, wsd2)
    am2, ad2 = _edges(src, dst, t2, esed2, b2, z128, z16)
    return _combine(am2, ad2, r16)

# --- scband reference (transcript-rebuilt; emitter-appended) ---
"""Pipeline reference for scband-gat-74594991997667 (READ-ONLY COPY).

The authoritative reference and input builder live on the scoring server;
editing this copy changes nothing except your own understanding.
"""

import jax, jax.numpy as jnp
import numpy as np

N = 10000
E = 320000
F_IN = 128
H = 4
D = 32
ALPHA = 0.2


def gat_layer(x, src, dst, W, a_s, a_d):
    n = x.shape[0]
    Wh = jnp.einsum('nf,hfd->hnd', x, W)
    es = jnp.einsum('hnd,hd->hn', Wh, a_s)
    ed = jnp.einsum('hnd,hd->hn', Wh, a_d)
    e = jax.nn.leaky_relu(es[:, src] + ed[:, dst], negative_slope=ALPHA).T
    m = jax.ops.segment_max(e, dst, num_segments=n)
    m = jnp.where(jnp.isfinite(m), m, 0.0)
    m = jax.lax.stop_gradient(m)
    ex = jnp.exp(e - m[dst])
    denom = jax.ops.segment_sum(ex, dst, num_segments=n)
    coef = ex / (denom[dst] + 1e-16)
    msgs = Wh[:, src, :].transpose(1, 0, 2) * coef[:, :, None]
    out = jax.ops.segment_sum(msgs, dst, num_segments=n)
    return jax.nn.relu(out.reshape(n, -1))


def setup_inputs(seed: int = 0):
    key = jax.random.key(seed)
    ks = jax.random.split(key, 8)
    x = jax.random.normal(ks[0], (N, F_IN), dtype=jnp.float32)
    edge_index = jax.random.randint(ks[1], (2, E), 0, N)
    W1 = jax.random.normal(ks[2], (H, F_IN, D), dtype=jnp.float32) * 0.1
    a1_src = jax.random.normal(ks[3], (H, D), dtype=jnp.float32) * 0.1
    a1_dst = jax.random.normal(ks[4], (H, D), dtype=jnp.float32) * 0.1
    W2 = jax.random.normal(ks[5], (H, H * D, D), dtype=jnp.float32) * 0.1
    a2_src = jax.random.normal(ks[6], (H, D), dtype=jnp.float32) * 0.1
    a2_dst = jax.random.normal(ks[7], (H, D), dtype=jnp.float32) * 0.1
    return {"x": x, "edge_index": edge_index, "W1": W1, "a1_src": a1_src, "a1_dst": a1_dst, "W2": W2, "a2_src": a2_src, "a2_dst": a2_dst}


def reference(x, edge_index, W1, a1_src, a1_dst, W2, a2_src, a2_dst):
    src = edge_index[0]
    dst = edge_index[1]
    h = gat_layer(x, src, dst, W1, a1_src, a1_dst)
    h = gat_layer(h, src, dst, W2, a2_src, a2_dst)
    return h

if __name__ == "__main__":
    import jax
    _d = setup_inputs()
    print(jax.jit(kernel)(*tuple(_d.values())))

</pallas_src>

<mosaic_0001>
#map = affine_map<(d0, d1) -> (0)>
#map1 = affine_map<(d0, d1) -> (0, 0)>
#map2 = affine_map<(d0, d1) -> (0, 0, 0)>
module attributes {stable_mosaic.version = 14 : i64} {
  func.func @_edge_body(%arg0: i32, %arg1: i32, %arg2: memref<320000xi32, #tpu.memory_space<hbm>>, %arg3: memref<320000xi32, #tpu.memory_space<hbm>>, %arg4: memref<10000x128xf32, #tpu.memory_space<hbm>>, %arg5: memref<10000x16xf32, #tpu.memory_space<hbm>>, %arg6: memref<1x16xf32, #tpu.memory_space<hbm>>, %arg7: memref<10000x128xf32, #tpu.memory_space<hbm>>, %arg8: memref<10000x16xf32, #tpu.memory_space<hbm>>, %arg9: memref<2x10000x128xf32, #tpu.memory_space<hbm>>, %arg10: memref<2x10000x16xf32, #tpu.memory_space<hbm>>, %arg11: memref<2x80x16xf32, #tpu.memory_space<vmem>>, %arg12: memref<2x80x16xf32, #tpu.memory_space<vmem>>, %arg13: memref<1x16xf32, #tpu.memory_space<vmem>>, %arg14: memref<2x80xi32, #tpu.memory_space<vmem>>, %arg15: memref<2x80xi32, #tpu.memory_space<vmem>>, %arg16: memref<2x80x128xf32, #tpu.memory_space<vmem>>, %arg17: memref<2x80x16xf32, #tpu.memory_space<vmem>>, %arg18: memref<10000x128xf32, #tpu.memory_space<vmem_shared>>, %arg19: memref<10000x16xf32, #tpu.memory_space<vmem_shared>>, %arg20: memref<!tpu.dma_semaphore, #tpu.memory_space<semaphore_mem>>, %arg21: memref<!tpu.dma_semaphore, #tpu.memory_space<semaphore_mem>>, %arg22: memref<!tpu.dma_semaphore, #tpu.memory_space<semaphore_mem>>, %arg23: memref<!tpu.dma_semaphore, #tpu.memory_space<semaphore_mem>>) attributes {dimension_semantics = [#tpu.dimension_semantics<core_parallel>, #tpu.dimension_semantics<subcore_parallel>], iteration_bounds = array<i64: 2, 16>, scalar_prefetch = 0 : i64, scratch_operands = 13 : i64, tpu.core_type = #tpu.core_type<sc_vector_subcore>, window_params = [{transform_indices = #map}, {transform_indices = #map}, {transform_indices = #map1}, {transform_indices = #map1}, {transform_indices = #map1}, {transform_indices = #map1}, {transform_indices = #map1}, {transform_indices = #map2}, {transform_indices = #map2}]} {
    %mul3A = arith.constant 16 : i32
    %mul3A_0 = arith.muli %arg0, %mul3A : i32
    %add3A = arith.addi %mul3A_0, %arg1 : i32
    %mul3A_1 = arith.constant 10000 : i32
    %mul3A_2 = arith.muli %add3A, %mul3A_1 : i32
    %iota3A = tpu.iota {dimensions = array<i32: 0>} : vector<16xi32>
    "tpu.region"() ({
      %run_scoped3A_201 = tpu.sem_alloc : memref<!tpu.dma_semaphore, #tpu.memory_space<semaphore_mem>>
      tpu.enqueue_dma source(%arg6 : memref<1x16xf32, #tpu.memory_space<hbm>>) target(%arg13 : memref<1x16xf32, #tpu.memory_space<vmem>>) target_semaphore(%run_scoped3A_201 : memref<!tpu.dma_semaphore, #tpu.memory_space<semaphore_mem>>)
      tpu.wait_dma2 semaphore(%run_scoped3A_201 : memref<!tpu.dma_semaphore, #tpu.memory_space<semaphore_mem>>) src(%arg6 : memref<1x16xf32, #tpu.memory_space<hbm>>) dst(%arg13 : memref<1x16xf32, #tpu.memory_space<vmem>>)
      tpu.yield
    }) : () -> ()
    %mul3A_3 = arith.constant 625 : i32
    %mul3A_4 = arith.muli %arg1, %mul3A_3 : i32
    %mul3A_5 = arith.constant 625 : i32
    %mul3A_6 = arith.muli %arg1, %mul3A_5 : i32
    "tpu.region"() ({
      %run_scoped3A_201 = tpu.sem_alloc : memref<!tpu.dma_semaphore, #tpu.memory_space<semaphore_mem>>
      %dma_start3A_202 = arith.constant 0 : i32
      %dma_start3A_203 = tpu.memref_slice %arg18[%mul3A_6, %dma_start3A_202] : memref<10000x128xf32, #tpu.memory_space<vmem_shared>> -> memref<625x128xf32, #tpu.memory_space<vmem_shared>>
      %dma_start3A_204 = arith.constant 0 : i32
      %dma_start3A_205 = tpu.memref_slice %arg7[%mul3A_4, %dma_start3A_204] : memref<10000x128xf32, #tpu.memory_space<hbm>> -> memref<625x128xf32, #tpu.memory_space<hbm>>
      tpu.enqueue_dma source(%dma_start3A_205 : memref<625x128xf32, #tpu.memory_space<hbm>>) target(%dma_start3A_203 : memref<625x128xf32, #tpu.memory_space<vmem_shared>>) target_semaphore(%run_scoped3A_201 : memref<!tpu.dma_semaphore, #tpu.memory_space<semaphore_mem>>)
      %dma_wait3A_206 = arith.constant 0 : i32
      %dma_wait3A_207 = tpu.memref_slice %arg18[%mul3A_6, %dma_wait3A_206] : memref<10000x128xf32, #tpu.memory_space<vmem_shared>> -> memref<625x128xf32, #tpu.memory_space<vmem_shared>>
      %dma_wait3A_208 = arith.constant 0 : i32
      %dma_wait3A_209 = tpu.memref_slice %arg7[%mul3A_4, %dma_wait3A_208] : memref<10000x128xf32, #tpu.memory_space<hbm>> -> memref<625x128xf32, #tpu.memory_space<hbm>>
      tpu.wait_dma2 semaphore(%run_scoped3A_201 : memref<!tpu.dma_semaphore, #tpu.memory_space<semaphore_mem>>) src(%dma_wait3A_209 : memref<625x128xf32, #tpu.memory_space<hbm>>) dst(%dma_wait3A_207 : memref<625x128xf32, #tpu.memory_space<vmem_shared>>)
      tpu.yield
    }) : () -> ()
    %mul3A_7 = arith.constant 625 : i32
    %mul3A_8 = arith.muli %arg1, %mul3A_7 : i32
    %mul3A_9 = arith.constant 625 : i32
    %mul3A_10 = arith.muli %arg1, %mul3A_9 : i32
    "tpu.region"() ({
      %run_scoped3A_201 = tpu.sem_alloc : memref<!tpu.dma_semaphore, #tpu.memory_space<semaphore_mem>>
      %dma_start3A_202 = arith.constant 0 : i32
      %dma_start3A_203 = tpu.memref_slice %arg19[%mul3A_10, %dma_start3A_202] : memref<10000x16xf32, #tpu.memory_space<vmem_shared>> -> memref<625x16xf32, #tpu.memory_space<vmem_shared>>
      %dma_start3A_204 = arith.constant 0 : i32
      %dma_start3A_205 = tpu.memref_slice %arg8[%mul3A_8, %dma_start3A_204] : memref<10000x16xf32, #tpu.memory_space<hbm>> -> memref<625x16xf32, #tpu.memory_space<hbm>>
      tpu.enqueue_dma source(%dma_start3A_205 : memref<625x16xf32, #tpu.memory_space<hbm>>) target(%dma_start3A_203 : memref<625x16xf32, #tpu.memory_space<vmem_shared>>) target_semaphore(%run_scoped3A_201 : memref<!tpu.dma_semaphore, #tpu.memory_space<semaphore_mem>>)
      %dma_wait3A_206 = arith.constant 0 : i32
      %dma_wait3A_207 = tpu.memref_slice %arg19[%mul3A_10, %dma_wait3A_206] : memref<10000x16xf32, #tpu.memory_space<vmem_shared>> -> memref<625x16xf32, #tpu.memory_space<vmem_shared>>
      %dma_wait3A_208 = arith.constant 0 : i32
      %dma_wait3A_209 = tpu.memref_slice %arg8[%mul3A_8, %dma_wait3A_208] : memref<10000x16xf32, #tpu.memory_space<hbm>> -> memref<625x16xf32, #tpu.memory_space<hbm>>
      tpu.wait_dma2 semaphore(%run_scoped3A_201 : memref<!tpu.dma_semaphore, #tpu.memory_space<semaphore_mem>>) src(%dma_wait3A_209 : memref<625x16xf32, #tpu.memory_space<hbm>>) dst(%dma_wait3A_207 : memref<625x16xf32, #tpu.memory_space<vmem_shared>>)
      tpu.yield
    }) : () -> ()
    %scan3A = arith.constant 0 : i32
    %scan3A_11 = arith.constant 0 : i32
    %scan3A_12 = arith.constant 80 : i32
    %scan3A_13 = arith.addi %scan3A_11, %scan3A_12 : i32
    %scan3A_14 = arith.constant 1 : i32
    %scan3A_15 = scf.for %scan3A_201 = %scan3A_11 to %scan3A_13 step %scan3A_14 iter_args(%scan3A_202 = %scan3A) -> (i32)  : i32 {
      %broadcast_in_dim3A = arith.constant 0.000000e+00 : f32
      %broadcast_in_dim3A_203 = vector.broadcast %broadcast_in_dim3A : f32 to vector<16xf32>
      %swap3A = arith.constant 0 : i32
      %swap3A_204 = arith.index_cast %swap3A : i32 to index
      %swap3A_205 = arith.index_cast %scan3A_201 : i32 to index
      %swap3A_206 = arith.constant 0 : index
      %swap3A_207 = tpu.vector_load %arg17[%swap3A_204, %swap3A_205, %swap3A_206] {strides = array<i32>} : memref<2x80x16xf32, #tpu.memory_space<vmem>>, vector<16xf32>,
      tpu.vector_store %arg17[%swap3A_204, %swap3A_205, %swap3A_206], %broadcast_in_dim3A_203 {strides = array<i32>} : memref<2x80x16xf32, #tpu.memory_space<vmem>>, vector<16xf32>,
      %broadcast_in_dim3A_208 = arith.constant 0.000000e+00 : f32
      %broadcast_in_dim3A_209 = vector.broadcast %broadcast_in_dim3A_208 : f32 to vector<16xf32>
      %swap3A_210 = arith.constant 1 : i32
      %swap3A_211 = arith.index_cast %swap3A_210 : i32 to index
      %swap3A_212 = arith.index_cast %scan3A_201 : i32 to index
      %swap3A_213 = arith.constant 0 : index
      %swap3A_214 = tpu.vector_load %arg17[%swap3A_211, %swap3A_212, %swap3A_213] {strides = array<i32>} : memref<2x80x16xf32, #tpu.memory_space<vmem>>, vector<16xf32>,
      tpu.vector_store %arg17[%swap3A_211, %swap3A_212, %swap3A_213], %broadcast_in_dim3A_209 {strides = array<i32>} : memref<2x80x16xf32, #tpu.memory_space<vmem>>, vector<16xf32>,
      %scan3A_215 = arith.constant 0 : i32
      scf.yield %scan3A_215 : i32
    }
    %scan3A_16 = arith.constant 80 : i32
    %get3A = arith.constant 0 : i32
    %get3A_17 = arith.index_cast %get3A : i32 to index
    %get3A_18 = arith.constant 0 : index
    %get3A_19 = tpu.vector_load %arg13[%get3A_17, %get3A_18] {strides = array<i32>} : memref<1x16xf32, #tpu.memory_space<vmem>>, vector<16xf32>,
    %slice3A = vector.extract_strided_slice %get3A_19 {offsets = [0], sizes = [1], strides = [1]} : vector<16xf32> to vector<1xf32>
    %squeeze3A = vector.extract %slice3A[0] : f32 from vector<1xf32>
    %slice3A_20 = vector.extract_strided_slice %get3A_19 {offsets = [1], sizes = [1], strides = [1]} : vector<16xf32> to vector<1xf32>
    %squeeze3A_21 = vector.extract %slice3A_20[0] : f32 from vector<1xf32>
    %slice3A_22 = vector.extract_strided_slice %get3A_19 {offsets = [2], sizes = [1], strides = [1]} : vector<16xf32> to vector<1xf32>
    %squeeze3A_23 = vector.extract %slice3A_22[0] : f32 from vector<1xf32>
    %slice3A_24 = vector.extract_strided_slice %get3A_19 {offsets = [3], sizes = [1], strides = [1]} : vector<16xf32> to vector<1xf32>
    %squeeze3A_25 = vector.extract %slice3A_24[0] : f32 from vector<1xf32>
    %barrier3A = arith.constant 0 : index
    tpu.barrier barrier_id(%barrier3A)
    %add3A_26 = arith.constant 0 : i32
    %add3A_27 = arith.addi %mul3A_2, %add3A_26 : i32
    %multiple_of3A = tpu.assume_multiple %add3A_27, 8 : i32
    %run_scoped3A = arith.constant 0 : i32
    "tpu.region"() ({
      %run_scoped3A_201 = tpu.sem_alloc : memref<!tpu.dma_semaphore, #tpu.memory_space<semaphore_mem>>
      %dma_start3A_202 = arith.constant 0 : i32
      %dma_start3A_203 = tpu.memref_slice %arg14[%run_scoped3A, %dma_start3A_202] : memref<2x80xi32, #tpu.memory_space<vmem>> -> memref<1x80xi32, #tpu.memory_space<vmem>>
      %dma_start3A_204 = tpu.memref_squeeze %dma_start3A_203 : memref<1x80xi32, #tpu.memory_space<vmem>> -> memref<80xi32, #tpu.memory_space<vmem>>
      %dma_start3A_205 = tpu.memref_slice %arg2[%multiple_of3A] : memref<320000xi32, #tpu.memory_space<hbm>> -> memref<80xi32, #tpu.memory_space<hbm>>
      %dma_start3A_206 = arith.constant 0 : i32
      %dma_start3A_207 = tpu.memref_slice %arg14[%run_scoped3A, %dma_start3A_206] : memref<2x80xi32, #tpu.memory_space<vmem>> -> memref<1x80xi32, #tpu.memory_space<vmem>>
      %dma_start3A_208 = tpu.memref_squeeze %dma_start3A_207 : memref<1x80xi32, #tpu.memory_space<vmem>> -> memref<80xi32, #tpu.memory_space<vmem>>
      %dma_start3A_209 = tpu.memref_slice %arg2[%multiple_of3A] : memref<320000xi32, #tpu.memory_space<hbm>> -> memref<80xi32, #tpu.memory_space<hbm>>
      tpu.enqueue_dma source(%dma_start3A_209 : memref<80xi32, #tpu.memory_space<hbm>>) target(%dma_start3A_208 : memref<80xi32, #tpu.memory_space<vmem>>) target_semaphore(%run_scoped3A_201 : memref<!tpu.dma_semaphore, #tpu.memory_space<semaphore_mem>>)
      %dma_wait3A_210 = arith.constant 0 : i32
      %dma_wait3A_211 = tpu.memref_slice %arg14[%run_scoped3A, %dma_wait3A_210] : memref<2x80xi32, #tpu.memory_space<vmem>> -> memref<1x80xi32, #tpu.memory_space<vmem>>
      %dma_wait3A_212 = tpu.memref_squeeze %dma_wait3A_211 : memref<1x80xi32, #tpu.memory_space<vmem>> -> memref<80xi32, #tpu.memory_space<vmem>>
      %dma_wait3A_213 = tpu.memref_slice %arg2[%multiple_of3A] : memref<320000xi32, #tpu.memory_space<hbm>> -> memref<80xi32, #tpu.memory_space<hbm>>
      %dma_wait3A_214 = arith.constant 0 : i32
      %dma_wait3A_215 = tpu.memref_slice %arg14[%run_scoped3A, %dma_wait3A_214] : memref<2x80xi32, #tpu.memory_space<vmem>> -> memref<1x80xi32, #tpu.memory_space<vmem>>
      %dma_wait3A_216 = tpu.memref_squeeze %dma_wait3A_215 : memref<1x80xi32, #tpu.memory_space<vmem>> -> memref<80xi32, #tpu.memory_space<vmem>>
      %dma_wait3A_217 = tpu.memref_slice %arg2[%multiple_of3A] : memref<320000xi32, #tpu.memory_space<hbm>> -> memref<80xi32, #tpu.memory_space<hbm>>
      tpu.wait_dma2 semaphore(%run_scoped3A_201 : memref<!tpu.dma_semaphore, #tpu.memory_space<semaphore_mem>>) src(%dma_wait3A_217 : memref<80xi32, #tpu.memory_space<hbm>>) dst(%dma_wait3A_216 : memref<80xi32, #tpu.memory_space<vmem>>)
      tpu.yield
    }) : () -> ()
    %run_scoped3A_28 = arith.constant 0 : i32
    "tpu.region"() ({
      %run_scoped3A_201 = tpu.sem_alloc : memref<!tpu.dma_semaphore, #tpu.memory_space<semaphore_mem>>
      %dma_start3A_202 = arith.constant 0 : i32
      %dma_start3A_203 = tpu.memref_slice %arg15[%run_scoped3A_28, %dma_start3A_202] : memref<2x80xi32, #tpu.memory_space<vmem>> -> memref<1x80xi32, #tpu.memory_space<vmem>>
      %dma_start3A_204 = tpu.memref_squeeze %dma_start3A_203 : memref<1x80xi32, #tpu.memory_space<vmem>> -> memref<80xi32, #tpu.memory_space<vmem>>
      %dma_start3A_205 = tpu.memref_slice %arg3[%multiple_of3A] : memref<320000xi32, #tpu.memory_space<hbm>> -> memref<80xi32, #tpu.memory_space<hbm>>
      %dma_start3A_206 = arith.constant 0 : i32
      %dma_start3A_207 = tpu.memref_slice %arg15[%run_scoped3A_28, %dma_start3A_206] : memref<2x80xi32, #tpu.memory_space<vmem>> -> memref<1x80xi32, #tpu.memory_space<vmem>>
      %dma_start3A_208 = tpu.memref_squeeze %dma_start3A_207 : memref<1x80xi32, #tpu.memory_space<vmem>> -> memref<80xi32, #tpu.memory_space<vmem>>
      %dma_start3A_209 = tpu.memref_slice %arg3[%multiple_of3A] : memref<320000xi32, #tpu.memory_space<hbm>> -> memref<80xi32, #tpu.memory_space<hbm>>
      tpu.enqueue_dma source(%dma_start3A_209 : memref<80xi32, #tpu.memory_space<hbm>>) target(%dma_start3A_208 : memref<80xi32, #tpu.memory_space<vmem>>) target_semaphore(%run_scoped3A_201 : memref<!tpu.dma_semaphore, #tpu.memory_space<semaphore_mem>>)
      %dma_wait3A_210 = arith.constant 0 : i32
      %dma_wait3A_211 = tpu.memref_slice %arg15[%run_scoped3A_28, %dma_wait3A_210] : memref<2x80xi32, #tpu.memory_space<vmem>> -> memref<1x80xi32, #tpu.memory_space<vmem>>
      %dma_wait3A_212 = tpu.memref_squeeze %dma_wait3A_211 : memref<1x80xi32, #tpu.memory_space<vmem>> -> memref<80xi32, #tpu.memory_space<vmem>>
      %dma_wait3A_213 = tpu.memref_slice %arg3[%multiple_of3A] : memref<320000xi32, #tpu.memory_space<hbm>> -> memref<80xi32, #tpu.memory_space<hbm>>
      %dma_wait3A_214 = arith.constant 0 : i32
      %dma_wait3A_215 = tpu.memref_slice %arg15[%run_scoped3A_28, %dma_wait3A_214] : memref<2x80xi32, #tpu.memory_space<vmem>> -> memref<1x80xi32, #tpu.memory_space<vmem>>
      %dma_wait3A_216 = tpu.memref_squeeze %dma_wait3A_215 : memref<1x80xi32, #tpu.memory_space<vmem>> -> memref<80xi32, #tpu.memory_space<vmem>>
      %dma_wait3A_217 = tpu.memref_slice %arg3[%multiple_of3A] : memref<320000xi32, #tpu.memory_space<hbm>> -> memref<80xi32, #tpu.memory_space<hbm>>
      tpu.wait_dma2 semaphore(%run_scoped3A_201 : memref<!tpu.dma_semaphore, #tpu.memory_space<semaphore_mem>>) src(%dma_wait3A_217 : memref<80xi32, #tpu.memory_space<hbm>>) dst(%dma_wait3A_216 : memref<80xi32, #tpu.memory_space<vmem>>)
      tpu.yield
    }) : () -> ()
    %dma_start3A = arith.constant 0 : i32
    %dma_start3A_29 = arith.constant 0 : i32
    %dma_start3A_30 = arith.constant 0 : i32
    %dma_start3A_31 = arith.constant 0 : i32
    %dma_start3A_32 = tpu.memref_slice %arg16[%dma_start3A_29, %dma_start3A_30, %dma_start3A_31] : memref<2x80x128xf32, #tpu.memory_space<vmem>> -> memref<1x80x128xf32, #tpu.memory_space<vmem>>
    %dma_start3A_33 = tpu.memref_squeeze %dma_start3A_32 : memref<1x80x128xf32, #tpu.memory_space<vmem>> -> memref<80x128xf32, #tpu.memory_space<vmem>>
    %dma_start3A_34 = arith.constant 0 : i32
    %dma_start3A_35 = tpu.memref_slice %arg14[%dma_start3A, %dma_start3A_34] : memref<2x80xi32, #tpu.memory_space<vmem>> -> memref<1x80xi32, #tpu.memory_space<vmem>>
    %dma_start3A_36 = tpu.memref_squeeze %dma_start3A_35 : memref<1x80xi32, #tpu.memory_space<vmem>> -> memref<80xi32, #tpu.memory_space<vmem>>
    %dma_start3A_37 = arith.constant 0 : i32
    %dma_start3A_38 = arith.constant 0 : i32
    %dma_start3A_39 = tpu.memref_slice %arg4[%dma_start3A_37, %dma_start3A_38] : memref<10000x128xf32, #tpu.memory_space<hbm>> -> memref<10000x128xf32, #tpu.memory_space<hbm>>
    tpu.enqueue_indirect_dma source(%dma_start3A_39 : memref<10000x128xf32, #tpu.memory_space<hbm>>) target(%dma_start3A_33 : memref<80x128xf32, #tpu.memory_space<vmem>>) offsets(%dma_start3A_36 : memref<80xi32, #tpu.memory_space<vmem>>) semaphore(%arg20 : memref<!tpu.dma_semaphore, #tpu.memory_space<semaphore_mem>>)
    %dma_start3A_40 = arith.constant 0 : i32
    %dma_start3A_41 = arith.constant 0 : i32
    %dma_start3A_42 = arith.constant 0 : i32
    %dma_start3A_43 = arith.constant 0 : i32
    %dma_start3A_44 = tpu.memref_slice %arg11[%dma_start3A_41, %dma_start3A_42, %dma_start3A_43] : memref<2x80x16xf32, #tpu.memory_space<vmem>> -> memref<1x80x16xf32, #tpu.memory_space<vmem>>
    %dma_start3A_45 = tpu.memref_squeeze %dma_start3A_44 : memref<1x80x16xf32, #tpu.memory_space<vmem>> -> memref<80x16xf32, #tpu.memory_space<vmem>>
    %dma_start3A_46 = arith.constant 0 : i32
    %dma_start3A_47 = tpu.memref_slice %arg14[%dma_start3A_40, %dma_start3A_46] : memref<2x80xi32, #tpu.memory_space<vmem>> -> memref<1x80xi32, #tpu.memory_space<vmem>>
    %dma_start3A_48 = tpu.memref_squeeze %dma_start3A_47 : memref<1x80xi32, #tpu.memory_space<vmem>> -> memref<80xi32, #tpu.memory_space<vmem>>
    %dma_start3A_49 = arith.constant 0 : i32
    %dma_start3A_50 = arith.constant 0 : i32
    %dma_start3A_51 = tpu.memref_slice %arg5[%dma_start3A_49, %dma_start3A_50] : memref<10000x16xf32, #tpu.memory_space<hbm>> -> memref<10000x16xf32, #tpu.memory_space<hbm>>
    tpu.enqueue_indirect_dma source(%dma_start3A_51 : memref<10000x16xf32, #tpu.memory_space<hbm>>) target(%dma_start3A_45 : memref<80x16xf32, #tpu.memory_space<vmem>>) offsets(%dma_start3A_48 : memref<80xi32, #tpu.memory_space<vmem>>) semaphore(%arg20 : memref<!tpu.dma_semaphore, #tpu.memory_space<semaphore_mem>>)
    %dma_start3A_52 = arith.constant 0 : i32
    %dma_start3A_53 = arith.constant 0 : i32
    %dma_start3A_54 = arith.constant 0 : i32
    %dma_start3A_55 = arith.constant 0 : i32
    %dma_start3A_56 = tpu.memref_slice %arg12[%dma_start3A_53, %dma_start3A_54, %dma_start3A_55] : memref<2x80x16xf32, #tpu.memory_space<vmem>> -> memref<1x80x16xf32, #tpu.memory_space<vmem>>
    %dma_start3A_57 = tpu.memref_squeeze %dma_start3A_56 : memref<1x80x16xf32, #tpu.memory_space<vmem>> -> memref<80x16xf32, #tpu.memory_space<vmem>>
    %dma_start3A_58 = arith.constant 0 : i32
    %dma_start3A_59 = tpu.memref_slice %arg15[%dma_start3A_52, %dma_start3A_58] : memref<2x80xi32, #tpu.memory_space<vmem>> -> memref<1x80xi32, #tpu.memory_space<vmem>>
    %dma_start3A_60 = tpu.memref_squeeze %dma_start3A_59 : memref<1x80xi32, #tpu.memory_space<vmem>> -> memref<80xi32, #tpu.memory_space<vmem>>
    %dma_start3A_61 = arith.constant 0 : i32
    %dma_start3A_62 = arith.constant 0 : i32
    %dma_start3A_63 = tpu.memref_slice %arg5[%dma_start3A_61, %dma_start3A_62] : memref<10000x16xf32, #tpu.memory_space<hbm>> -> memref<10000x16xf32, #tpu.memory_space<hbm>>
    tpu.enqueue_indirect_dma source(%dma_start3A_63 : memref<10000x16xf32, #tpu.memory_space<hbm>>) target(%dma_start3A_57 : memref<80x16xf32, #tpu.memory_space<vmem>>) offsets(%dma_start3A_60 : memref<80xi32, #tpu.memory_space<vmem>>) semaphore(%arg20 : memref<!tpu.dma_semaphore, #tpu.memory_space<semaphore_mem>>)
    %scan3A_64 = arith.constant 0 : i32
    %scan3A_65 = arith.constant 0 : i32
    %scan3A_66 = arith.constant 62 : i32
    %scan3A_67 = arith.addi %scan3A_65, %scan3A_66 : i32
    %scan3A_68 = arith.constant 1 : i32
    %scan3A_69 = scf.for %scan3A_201 = %scan3A_65 to %scan3A_67 step %scan3A_68 iter_args(%scan3A_202 = %scan3A_64) -> (i32)  : i32 {
      %mul3A_203 = arith.constant 2 : i32
      %mul3A_204 = arith.muli %mul3A_203, %scan3A_201 : i32
      %add3A_205 = arith.constant 1 : i32
      %add3A_206 = arith.addi %mul3A_204, %add3A_205 : i32
      %lt3A = arith.constant 125 : i32
      %lt3A_207 = arith.cmpi slt, %add3A_206, %lt3A : i32
      %convert_element_type3A = arith.extui %lt3A_207 : i1 to i32
      %cond3A = arith.constant 0 : i32
      %cond3A_208 = arith.cmpi ne, %convert_element_type3A, %cond3A : i32
      scf.if %cond3A_208 {
        %ge3A = arith.constant 1 : i32
        %ge3A_369 = arith.cmpi sge, %mul3A_204, %ge3A : i32
        %convert_element_type3A_370 = arith.extui %ge3A_369 : i1 to i32
        %cond3A_371 = arith.constant 0 : i32
        %cond3A_372 = arith.cmpi ne, %convert_element_type3A_370, %cond3A_371 : i32
        scf.if %cond3A_372 {
          %dma_wait3A_417 = arith.constant 1 : i32
          %dma_wait3A_418 = arith.constant 1 : i32
          %dma_wait3A_419 = arith.constant 0 : i32
          %dma_wait3A_420 = arith.constant 0 : i32
          %dma_wait3A_421 = tpu.memref_slice %arg16[%dma_wait3A_417, %dma_wait3A_419, %dma_wait3A_420] : memref<2x80x128xf32, #tpu.memory_space<vmem>> -> memref<1x80x128xf32, #tpu.memory_space<vmem>>
          %dma_wait3A_422 = tpu.memref_squeeze %dma_wait3A_421 : memref<1x80x128xf32, #tpu.memory_space<vmem>> -> memref<80x128xf32, #tpu.memory_space<vmem>>
          %dma_wait3A_423 = arith.constant 0 : i32
          %dma_wait3A_424 = tpu.memref_slice %arg15[%dma_wait3A_418, %dma_wait3A_423] : memref<2x80xi32, #tpu.memory_space<vmem>> -> memref<1x80xi32, #tpu.memory_space<vmem>>
          %dma_wait3A_425 = tpu.memref_squeeze %dma_wait3A_424 : memref<1x80xi32, #tpu.memory_space<vmem>> -> memref<80xi32, #tpu.memory_space<vmem>>
          %dma_wait3A_426 = arith.constant 0 : i32
          %dma_wait3A_427 = arith.constant 0 : i32
          %dma_wait3A_428 = tpu.memref_slice %arg18[%dma_wait3A_426, %dma_wait3A_427] : memref<10000x128xf32, #tpu.memory_space<vmem_shared>> -> memref<10000x128xf32, #tpu.memory_space<vmem_shared>>
          tpu.wait_indirect_dma semaphore(%arg23 : memref<!tpu.dma_semaphore, #tpu.memory_space<semaphore_mem>>) src(%dma_wait3A_422 : memref<80x128xf32, #tpu.memory_space<vmem>>) dst(%dma_wait3A_428 : memref<10000x128xf32, #tpu.memory_space<vmem_shared>>)
          %dma_wait3A_429 = arith.constant 1 : i32
          %dma_wait3A_430 = arith.constant 1 : i32
          %dma_wait3A_431 = arith.constant 0 : i32
          %dma_wait3A_432 = arith.constant 0 : i32
          %dma_wait3A_433 = tpu.memref_slice %arg17[%dma_wait3A_429, %dma_wait3A_431, %dma_wait3A_432] : memref<2x80x16xf32, #tpu.memory_space<vmem>> -> memref<1x80x16xf32, #tpu.memory_space<vmem>>
          %dma_wait3A_434 = tpu.memref_squeeze %dma_wait3A_433 : memref<1x80x16xf32, #tpu.memory_space<vmem>> -> memref<80x16xf32, #tpu.memory_space<vmem>>
          %dma_wait3A_435 = arith.constant 0 : i32
          %dma_wait3A_436 = tpu.memref_slice %arg15[%dma_wait3A_430, %dma_wait3A_435] : memref<2x80xi32, #tpu.memory_space<vmem>> -> memref<1x80xi32, #tpu.memory_space<vmem>>
          %dma_wait3A_437 = tpu.memref_squeeze %dma_wait3A_436 : memref<1x80xi32, #tpu.memory_space<vmem>> -> memref<80xi32, #tpu.memory_space<vmem>>
          %dma_wait3A_438 = arith.constant 0 : i32
          %dma_wait3A_439 = arith.constant 0 : i32
          %dma_wait3A_440 = tpu.memref_slice %arg19[%dma_wait3A_438, %dma_wait3A_439] : memref<10000x16xf32, #tpu.memory_space<vmem_shared>> -> memref<10000x16xf32, #tpu.memory_space<vmem_shared>>
          tpu.wait_indirect_dma semaphore(%arg23 : memref<!tpu.dma_semaphore, #tpu.memory_space<semaphore_mem>>) src(%dma_wait3A_434 : memref<80x16xf32, #tpu.memory_space<vmem>>) dst(%dma_wait3A_440 : memref<10000x16xf32, #tpu.memory_space<vmem_shared>>)
        } else {
        }
        %add3A_373 = arith.constant 1 : i32
        %add3A_374 = arith.addi %mul3A_204, %add3A_373 : i32
        %mul3A_375 = arith.constant 80 : i32
        %mul3A_376 = arith.muli %add3A_374, %mul3A_375 : i32
        %add3A_377 = arith.addi %mul3A_2, %mul3A_376 : i32
        %multiple_of3A_378 = tpu.assume_multiple %add3A_377, 8 : i32
        %run_scoped3A_379 = arith.constant 1 : i32
        "tpu.region"() ({
          %run_scoped3A_417 = tpu.sem_alloc : memref<!tpu.dma_semaphore, #tpu.memory_space<semaphore_mem>>
          %dma_start3A_418 = arith.constant 0 : i32
          %dma_start3A_419 = tpu.memref_slice %arg14[%run_scoped3A_379, %dma_start3A_418] : memref<2x80xi32, #tpu.memory_space<vmem>> -> memref<1x80xi32, #tpu.memory_space<vmem>>
          %dma_start3A_420 = tpu.memref_squeeze %dma_start3A_419 : memref<1x80xi32, #tpu.memory_space<vmem>> -> memref<80xi32, #tpu.memory_space<vmem>>
          %dma_start3A_421 = tpu.memref_slice %arg2[%multiple_of3A_378] : memref<320000xi32, #tpu.memory_space<hbm>> -> memref<80xi32, #tpu.memory_space<hbm>>
          %dma_start3A_422 = arith.constant 0 : i32
          %dma_start3A_423 = tpu.memref_slice %arg14[%run_scoped3A_379, %dma_start3A_422] : memref<2x80xi32, #tpu.memory_space<vmem>> -> memref<1x80xi32, #tpu.memory_space<vmem>>
          %dma_start3A_424 = tpu.memref_squeeze %dma_start3A_423 : memref<1x80xi32, #tpu.memory_space<vmem>> -> memref<80xi32, #tpu.memory_space<vmem>>
          %dma_start3A_425 = tpu.memref_slice %arg2[%multiple_of3A_378] : memref<320000xi32, #tpu.memory_space<hbm>> -> memref<80xi32, #tpu.memory_space<hbm>>
          tpu.enqueue_dma source(%dma_start3A_425 : memref<80xi32, #tpu.memory_space<hbm>>) target(%dma_start3A_424 : memref<80xi32, #tpu.memory_space<vmem>>) target_semaphore(%run_scoped3A_417 : memref<!tpu.dma_semaphore, #tpu.memory_space<semaphore_mem>>)
          %dma_wait3A_426 = arith.constant 0 : i32
          %dma_wait3A_427 = tpu.memref_slice %arg14[%run_scoped3A_379, %dma_wait3A_426] : memref<2x80xi32, #tpu.memory_space<vmem>> -> memref<1x80xi32, #tpu.memory_space<vmem>>
          %dma_wait3A_428 = tpu.memref_squeeze %dma_wait3A_427 : memref<1x80xi32, #tpu.memory_space<vmem>> -> memref<80xi32, #tpu.memory_space<vmem>>
          %dma_wait3A_429 = tpu.memref_slice %arg2[%multiple_of3A_378] : memref<320000xi32, #tpu.memory_space<hbm>> -> memref<80xi32, #tpu.memory_space<hbm>>
          %dma_wait3A_430 = arith.constant 0 : i32
          %dma_wait3A_431 = tpu.memref_slice %arg14[%run_scoped3A_379, %dma_wait3A_430] : memref<2x80xi32, #tpu.memory_space<vmem>> -> memref<1x80xi32, #tpu.memory_space<vmem>>
          %dma_wait3A_432 = tpu.memref_squeeze %dma_wait3A_431 : memref<1x80xi32, #tpu.memory_space<vmem>> -> memref<80xi32, #tpu.memory_space<vmem>>
          %dma_wait3A_433 = tpu.memref_slice %arg2[%multiple_of3A_378] : memref<320000xi32, #tpu.memory_space<hbm>> -> memref<80xi32, #tpu.memory_space<hbm>>
          tpu.wait_dma2 semaphore(%run_scoped3A_417 : memref<!tpu.dma_semaphore, #tpu.memory_space<semaphore_mem>>) src(%dma_wait3A_433 : memref<80xi32, #tpu.memory_space<hbm>>) dst(%dma_wait3A_432 : memref<80xi32, #tpu.memory_space<vmem>>)
          tpu.yield
        }) : () -> ()
        %run_scoped3A_380 = arith.constant 1 : i32
        "tpu.region"() ({
          %run_scoped3A_417 = tpu.sem_alloc : memref<!tpu.dma_semaphore, #tpu.memory_space<semaphore_mem>>
          %dma_start3A_418 = arith.constant 0 : i32
          %dma_start3A_419 = tpu.memref_slice %arg15[%run_scoped3A_380, %dma_start3A_418] : memref<2x80xi32, #tpu.memory_space<vmem>> -> memref<1x80xi32, #tpu.memory_space<vmem>>
          %dma_start3A_420 = tpu.memref_squeeze %dma_start3A_419 : memref<1x80xi32, #tpu.memory_space<vmem>> -> memref<80xi32, #tpu.memory_space<vmem>>
          %dma_start3A_421 = tpu.memref_slice %arg3[%multiple_of3A_378] : memref<320000xi32, #tpu.memory_space<hbm>> -> memref<80xi32, #tpu.memory_space<hbm>>
          %dma_start3A_422 = arith.constant 0 : i32
          %dma_start3A_423 = tpu.memref_slice %arg15[%run_scoped3A_380, %dma_start3A_422] : memref<2x80xi32, #tpu.memory_space<vmem>> -> memref<1x80xi32, #tpu.memory_space<vmem>>
          %dma_start3A_424 = tpu.memref_squeeze %dma_start3A_423 : memref<1x80xi32, #tpu.memory_space<vmem>> -> memref<80xi32, #tpu.memory_space<vmem>>
          %dma_start3A_425 = tpu.memref_slice %arg3[%multiple_of3A_378] : memref<320000xi32, #tpu.memory_space<hbm>> -> memref<80xi32, #tpu.memory_space<hbm>>
          tpu.enqueue_dma source(%dma_start3A_425 : memref<80xi32, #tpu.memory_space<hbm>>) target(%dma_start3A_424 : memref<80xi32, #tpu.memory_space<vmem>>) target_semaphore(%run_scoped3A_417 : memref<!tpu.dma_semaphore, #tpu.memory_space<semaphore_mem>>)
          %dma_wait3A_426 = arith.constant 0 : i32
          %dma_wait3A_427 = tpu.memref_slice %arg15[%run_scoped3A_380, %dma_wait3A_426] : memref<2x80xi32, #tpu.memory_space<vmem>> -> memref<1x80xi32, #tpu.memory_space<vmem>>
          %dma_wait3A_428 = tpu.memref_squeeze %dma_wait3A_427 : memref<1x80xi32, #tpu.memory_space<vmem>> -> memref<80xi32, #tpu.memory_space<vmem>>
          %dma_wait3A_429 = tpu.memref_slice %arg3[%multiple_of3A_378] : memref<320000xi32, #tpu.memory_space<hbm>> -> memref<80xi32, #tpu.memory_space<hbm>>
          %dma_wait3A_430 = arith.constant 0 : i32
          %dma_wait3A_431 = tpu.memref_slice %arg15[%run_scoped3A_380, %dma_wait3A_430] : memref<2x80xi32, #tpu.memory_space<vmem>> -> memref<1x80xi32, #tpu.memory_space<vmem>>
          %dma_wait3A_432 = tpu.memref_squeeze %dma_wait3A_431 : memref<1x80xi32, #tpu.memory_space<vmem>> -> memref<80xi32, #tpu.memory_space<vmem>>
          %dma_wait3A_433 = tpu.memref_slice %arg3[%multiple_of3A_378] : memref<320000xi32, #tpu.memory_space<hbm>> -> memref<80xi32, #tpu.memory_space<hbm>>
          tpu.wait_dma2 semaphore(%run_scoped3A_417 : memref<!tpu.dma_semaphore, #tpu.memory_space<semaphore_mem>>) src(%dma_wait3A_433 : memref<80xi32, #tpu.memory_space<hbm>>) dst(%dma_wait3A_432 : memref<80xi32, #tpu.memory_space<vmem>>)
          tpu.yield
        }) : () -> ()
        %dma_start3A_381 = arith.constant 1 : i32
        %dma_start3A_382 = arith.constant 1 : i32
        %dma_start3A_383 = arith.constant 0 : i32
        %dma_start3A_384 = arith.constant 0 : i32
        %dma_start3A_385 = tpu.memref_slice %arg16[%dma_start3A_382, %dma_start3A_383, %dma_start3A_384] : memref<2x80x128xf32, #tpu.memory_space<vmem>> -> memref<1x80x128xf32, #tpu.memory_space<vmem>>
        %dma_start3A_386 = tpu.memref_squeeze %dma_start3A_385 : memref<1x80x128xf32, #tpu.memory_space<vmem>> -> memref<80x128xf32, #tpu.memory_space<vmem>>
        %dma_start3A_387 = arith.constant 0 : i32
        %dma_start3A_388 = tpu.memref_slice %arg14[%dma_start3A_381, %dma_start3A_387] : memref<2x80xi32, #tpu.memory_space<vmem>> -> memref<1x80xi32, #tpu.memory_space<vmem>>
        %dma_start3A_389 = tpu.memref_squeeze %dma_start3A_388 : memref<1x80xi32, #tpu.memory_space<vmem>> -> memref<80xi32, #tpu.memory_space<vmem>>
        %dma_start3A_390 = arith.constant 0 : i32
        %dma_start3A_391 = arith.constant 0 : i32
        %dma_start3A_392 = tpu.memref_slice %arg4[%dma_start3A_390, %dma_start3A_391] : memref<10000x128xf32, #tpu.memory_space<hbm>> -> memref<10000x128xf32, #tpu.memory_space<hbm>>
        tpu.enqueue_indirect_dma source(%dma_start3A_392 : memref<10000x128xf32, #tpu.memory_space<hbm>>) target(%dma_start3A_386 : memref<80x128xf32, #tpu.memory_space<vmem>>) offsets(%dma_start3A_389 : memref<80xi32, #tpu.memory_space<vmem>>) semaphore(%arg21 : memref<!tpu.dma_semaphore, #tpu.memory_space<semaphore_mem>>)
        %dma_start3A_393 = arith.constant 1 : i32
        %dma_start3A_394 = arith.constant 1 : i32
        %dma_start3A_395 = arith.constant 0 : i32
        %dma_start3A_396 = arith.constant 0 : i32
        %dma_start3A_397 = tpu.memref_slice %arg11[%dma_start3A_394, %dma_start3A_395, %dma_start3A_396] : memref<2x80x16xf32, #tpu.memory_space<vmem>> -> memref<1x80x16xf32, #tpu.memory_space<vmem>>
        %dma_start3A_398 = tpu.memref_squeeze %dma_start3A_397 : memref<1x80x16xf32, #tpu.memory_space<vmem>> -> memref<80x16xf32, #tpu.memory_space<vmem>>
        %dma_start3A_399 = arith.constant 0 : i32
        %dma_start3A_400 = tpu.memref_slice %arg14[%dma_start3A_393, %dma_start3A_399] : memref<2x80xi32, #tpu.memory_space<vmem>> -> memref<1x80xi32, #tpu.memory_space<vmem>>
        %dma_start3A_401 = tpu.memref_squeeze %dma_start3A_400 : memref<1x80xi32, #tpu.memory_space<vmem>> -> memref<80xi32, #tpu.memory_space<vmem>>
        %dma_start3A_402 = arith.constant 0 : i32
        %dma_start3A_403 = arith.constant 0 : i32
        %dma_start3A_404 = tpu.memref_slice %arg5[%dma_start3A_402, %dma_start3A_403] : memref<10000x16xf32, #tpu.memory_space<hbm>> -> memref<10000x16xf32, #tpu.memory_space<hbm>>
        tpu.enqueue_indirect_dma source(%dma_start3A_404 : memref<10000x16xf32, #tpu.memory_space<hbm>>) target(%dma_start3A_398 : memref<80x16xf32, #tpu.memory_space<vmem>>) offsets(%dma_start3A_401 : memref<80xi32, #tpu.memory_space<vmem>>) semaphore(%arg21 : memref<!tpu.dma_semaphore, #tpu.memory_space<semaphore_mem>>)
        %dma_start3A_405 = arith.constant 1 : i32
        %dma_start3A_406 = arith.constant 1 : i32
        %dma_start3A_407 = arith.constant 0 : i32
        %dma_start3A_408 = arith.constant 0 : i32
        %dma_start3A_409 = tpu.memref_slice %arg12[%dma_start3A_406, %dma_start3A_407, %dma_start3A_408] : memref<2x80x16xf32, #tpu.memory_space<vmem>> -> memref<1x80x16xf32, #tpu.memory_space<vmem>>
        %dma_start3A_410 = tpu.memref_squeeze %dma_start3A_409 : memref<1x80x16xf32, #tpu.memory_space<vmem>> -> memref<80x16xf32, #tpu.memory_space<vmem>>
        %dma_start3A_411 = arith.constant 0 : i32
        %dma_start3A_412 = tpu.memref_slice %arg15[%dma_start3A_405, %dma_start3A_411] : memref<2x80xi32, #tpu.memory_space<vmem>> -> memref<1x80xi32, #tpu.memory_space<vmem>>
        %dma_start3A_413 = tpu.memref_squeeze %dma_start3A_412 : memref<1x80xi32, #tpu.memory_space<vmem>> -> memref<80xi32, #tpu.memory_space<vmem>>
        %dma_start3A_414 = arith.constant 0 : i32
        %dma_start3A_415 = arith.constant 0 : i32
        %dma_start3A_416 = tpu.memref_slice %arg5[%dma_start3A_414, %dma_start3A_415] : memref<10000x16xf32, #tpu.memory_space<hbm>> -> memref<10000x16xf32, #tpu.memory_space<hbm>>
        tpu.enqueue_indirect_dma source(%dma_start3A_416 : memref<10000x16xf32, #tpu.memory_space<hbm>>) target(%dma_start3A_410 : memref<80x16xf32, #tpu.memory_space<vmem>>) offsets(%dma_start3A_413 : memref<80xi32, #tpu.memory_space<vmem>>) semaphore(%arg21 : memref<!tpu.dma_semaphore, #tpu.memory_space<semaphore_mem>>)
      } else {
      }
      %dma_wait3A_209 = arith.constant 0 : i32
      %dma_wait3A_210 = arith.constant 0 : i32
      %dma_wait3A_211 = arith.constant 0 : i32
      %dma_wait3A_212 = arith.constant 0 : i32
      %dma_wait3A_213 = tpu.memref_slice %arg16[%dma_wait3A_210, %dma_wait3A_211, %dma_wait3A_212] : memref<2x80x128xf32, #tpu.memory_space<vmem>> -> memref<1x80x128xf32, #tpu.memory_space<vmem>>
      %dma_wait3A_214 = tpu.memref_squeeze %dma_wait3A_213 : memref<1x80x128xf32, #tpu.memory_space<vmem>> -> memref<80x128xf32, #tpu.memory_space<vmem>>
      %dma_wait3A_215 = arith.constant 0 : i32
      %dma_wait3A_216 = tpu.memref_slice %arg14[%dma_wait3A_209, %dma_wait3A_215] : memref<2x80xi32, #tpu.memory_space<vmem>> -> memref<1x80xi32, #tpu.memory_space<vmem>>
      %dma_wait3A_217 = tpu.memref_squeeze %dma_wait3A_216 : memref<1x80xi32, #tpu.memory_space<vmem>> -> memref<80xi32, #tpu.memory_space<vmem>>
      %dma_wait3A_218 = arith.constant 0 : i32
      %dma_wait3A_219 = arith.constant 0 : i32
      %dma_wait3A_220 = tpu.memref_slice %arg4[%dma_wait3A_218, %dma_wait3A_219] : memref<10000x128xf32, #tpu.memory_space<hbm>> -> memref<10000x128xf32, #tpu.memory_space<hbm>>
      tpu.wait_indirect_dma semaphore(%arg20 : memref<!tpu.dma_semaphore, #tpu.memory_space<semaphore_mem>>) src(%dma_wait3A_220 : memref<10000x128xf32, #tpu.memory_space<hbm>>) dst(%dma_wait3A_214 : memref<80x128xf32, #tpu.memory_space<vmem>>)
      %dma_wait3A_221 = arith.constant 0 : i32
      %dma_wait3A_222 = arith.constant 0 : i32
      %dma_wait3A_223 = arith.constant 0 : i32
      %dma_wait3A_224 = arith.constant 0 : i32
      %dma_wait3A_225 = tpu.memref_slice %arg11[%dma_wait3A_222, %dma_wait3A_223, %dma_wait3A_224] : memref<2x80x16xf32, #tpu.memory_space<vmem>> -> memref<1x80x16xf32, #tpu.memory_space<vmem>>
      %dma_wait3A_226 = tpu.memref_squeeze %dma_wait3A_225 : memref<1x80x16xf32, #tpu.memory_space<vmem>> -> memref<80x16xf32, #tpu.memory_space<vmem>>
      %dma_wait3A_227 = arith.constant 0 : i32
      %dma_wait3A_228 = tpu.memref_slice %arg14[%dma_wait3A_221, %dma_wait3A_227] : memref<2x80xi32, #tpu.memory_space<vmem>> -> memref<1x80xi32, #tpu.memory_space<vmem>>
      %dma_wait3A_229 = tpu.memref_squeeze %dma_wait3A_228 : memref<1x80xi32, #tpu.memory_space<vmem>> -> memref<80xi32, #tpu.memory_space<vmem>>
      %dma_wait3A_230 = arith.constant 0 : i32
      %dma_wait3A_231 = arith.constant 0 : i32
      %dma_wait3A_232 = tpu.memref_slice %arg5[%dma_wait3A_230, %dma_wait3A_231] : memref<10000x16xf32, #tpu.memory_space<hbm>> -> memref<10000x16xf32, #tpu.memory_space<hbm>>
      tpu.wait_indirect_dma semaphore(%arg20 : memref<!tpu.dma_semaphore, #tpu.memory_space<semaphore_mem>>) src(%dma_wait3A_232 : memref<10000x16xf32, #tpu.memory_space<hbm>>) dst(%dma_wait3A_226 : memref<80x16xf32, #tpu.memory_space<vmem>>)
      %dma_wait3A_233 = arith.constant 0 : i32
      %dma_wait3A_234 = arith.constant 0 : i32
      %dma_wait3A_235 = arith.constant 0 : i32
      %dma_wait3A_236 = arith.constant 0 : i32
      %dma_wait3A_237 = tpu.memref_slice %arg12[%dma_wait3A_234, %dma_wait3A_235, %dma_wait3A_236] : memref<2x80x16xf32, #tpu.memory_space<vmem>> -> memref<1x80x16xf32, #tpu.memory_space<vmem>>
      %dma_wait3A_238 = tpu.memref_squeeze %dma_wait3A_237 : memref<1x80x16xf32, #tpu.memory_space<vmem>> -> memref<80x16xf32, #tpu.memory_space<vmem>>
      %dma_wait3A_239 = arith.constant 0 : i32
      %dma_wait3A_240 = tpu.memref_slice %arg15[%dma_wait3A_233, %dma_wait3A_239] : memref<2x80xi32, #tpu.memory_space<vmem>> -> memref<1x80xi32, #tpu.memory_space<vmem>>
      %dma_wait3A_241 = tpu.memref_squeeze %dma_wait3A_240 : memref<1x80xi32, #tpu.memory_space<vmem>> -> memref<80xi32, #tpu.memory_space<vmem>>
      %dma_wait3A_242 = arith.constant 0 : i32
      %dma_wait3A_243 = arith.constant 0 : i32
      %dma_wait3A_244 = tpu.memref_slice %arg5[%dma_wait3A_242, %dma_wait3A_243] : memref<10000x16xf32, #tpu.memory_space<hbm>> -> memref<10000x16xf32, #tpu.memory_space<hbm>>
      tpu.wait_indirect_dma semaphore(%arg20 : memref<!tpu.dma_semaphore, #tpu.memory_space<semaphore_mem>>) src(%dma_wait3A_244 : memref<10000x16xf32, #tpu.memory_space<hbm>>) dst(%dma_wait3A_238 : memref<80x16xf32, #tpu.memory_space<vmem>>)
      %scan3A_245 = arith.constant 0 : i32
      %scan3A_246 = arith.constant 0 : i32
      %scan3A_247 = arith.constant 5 : i32
      %scan3A_248 = arith.addi %scan3A_246, %scan3A_247 : i32
      %scan3A_249 = arith.constant 1 : i32
      %scan3A_250 = scf.for %scan3A_369 = %scan3A_246 to %scan3A_248 step %scan3A_249 iter_args(%scan3A_370 = %scan3A_245) -> (i32)  : i32 {
        %mul3A_371 = arith.constant 16 : i32
        %mul3A_372 = arith.muli %scan3A_369, %mul3A_371 : i32
        %add3A_373 = vector.broadcast %mul3A_372 : i32 to vector<16xi32>
        %add3A_374 = arith.addi %add3A_373, %iota3A : vector<16xi32>
        %broadcast_in_dim3A = arith.constant 0 : i32
        %broadcast_in_dim3A_375 = vector.broadcast %broadcast_in_dim3A : i32 to vector<16xi32>
        %gather3A = arith.constant 0 : i32
        %gather3A_376 = arith.constant 0 : i32
        %gather3A_377 = arith.constant 0 : i32
        %gather3A_378 = tpu.memref_slice %arg11[%gather3A, %gather3A_376, %gather3A_377] : memref<2x80x16xf32, #tpu.memory_space<vmem>> -> memref<1x80x16xf32, #tpu.memory_space<vmem>>
        %gather3A_379 = tpu.memref_squeeze %gather3A_378 : memref<1x80x16xf32, #tpu.memory_space<vmem>> -> memref<80x16xf32, #tpu.memory_space<vmem>>
        %gather3A_380 = tpu.vector_load_idx %gather3A_379[%add3A_374, %broadcast_in_dim3A_375] : memref<80x16xf32, #tpu.memory_space<vmem>>[vector<16xi32>, vector<16xi32>], vector<16xf32>,
        %add3A_381 = arith.constant 4 : i32
        %add3A_382 = vector.broadcast %add3A_381 : i32 to vector<16xi32>
        %add3A_383 = arith.addi %broadcast_in_dim3A_375, %add3A_382 : vector<16xi32>
        %gather3A_384 = arith.constant 0 : i32
        %gather3A_385 = arith.constant 0 : i32
        %gather3A_386 = arith.constant 0 : i32
        %gather3A_387 = tpu.memref_slice %arg12[%gather3A_384, %gather3A_385, %gather3A_386] : memref<2x80x16xf32, #tpu.memory_space<vmem>> -> memref<1x80x16xf32, #tpu.memory_space<vmem>>
        %gather3A_388 = tpu.memref_squeeze %gather3A_387 : memref<1x80x16xf32, #tpu.memory_space<vmem>> -> memref<80x16xf32, #tpu.memory_space<vmem>>
        %gather3A_389 = tpu.vector_load_idx %gather3A_388[%add3A_374, %add3A_383] : memref<80x16xf32, #tpu.memory_space<vmem>>[vector<16xi32>, vector<16xi32>], vector<16xf32>,
        %add3A_390 = arith.addf %gather3A_380, %gather3A_389 : vector<16xf32>
        %ge3A = arith.constant 0.000000e+00 : f32
        %ge3A_391 = vector.broadcast %ge3A : f32 to vector<16xf32>
        %ge3A_392 = arith.cmpf oge, %add3A_390, %ge3A_391 : vector<16xf32>
        %mul3A_393 = arith.constant 2.000000e-01 : f32
        %mul3A_394 = vector.broadcast %mul3A_393 : f32 to vector<16xf32>
        %mul3A_395 = arith.mulf %mul3A_394, %add3A_390 : vector<16xf32>
        %select_n3A = arith.select %ge3A_392, %add3A_390, %mul3A_395 : vector<16xi1>, vector<16xf32>
        %sub3A = vector.broadcast %squeeze3A : f32 to vector<16xf32>
        %sub3A_396 = arith.subf %select_n3A, %sub3A : vector<16xf32>
        %exp3A = math.exp %sub3A_396 : vector<16xf32>
        %scatter3A = arith.constant 0 : i32
        %scatter3A_397 = arith.constant 0 : i32
        %scatter3A_398 = arith.constant 0 : i32
        %scatter3A_399 = tpu.memref_slice %arg17[%scatter3A, %scatter3A_397, %scatter3A_398] : memref<2x80x16xf32, #tpu.memory_space<vmem>> -> memref<1x80x16xf32, #tpu.memory_space<vmem>>
        %scatter3A_400 = tpu.memref_squeeze %scatter3A_399 : memref<1x80x16xf32, #tpu.memory_space<vmem>> -> memref<80x16xf32, #tpu.memory_space<vmem>>
        tpu.vector_store_idx %scatter3A_400[%add3A_374, %broadcast_in_dim3A_375], %exp3A : memref<80x16xf32, #tpu.memory_space<vmem>>[vector<16xi32>, vector<16xi32>], vector<16xf32>,
        %broadcast_in_dim3A_401 = arith.constant 1 : i32
        %broadcast_in_dim3A_402 = vector.broadcast %broadcast_in_dim3A_401 : i32 to vector<16xi32>
        %gather3A_403 = arith.constant 0 : i32
        %gather3A_404 = arith.constant 0 : i32
        %gather3A_405 = arith.constant 0 : i32
        %gather3A_406 = tpu.memref_slice %arg11[%gather3A_403, %gather3A_404, %gather3A_405] : memref<2x80x16xf32, #tpu.memory_space<vmem>> -> memref<1x80x16xf32, #tpu.memory_space<vmem>>
        %gather3A_407 = tpu.memref_squeeze %gather3A_406 : memref<1x80x16xf32, #tpu.memory_space<vmem>> -> memref<80x16xf32, #tpu.memory_space<vmem>>
        %gather3A_408 = tpu.vector_load_idx %gather3A_407[%add3A_374, %broadcast_in_dim3A_402] : memref<80x16xf32, #tpu.memory_space<vmem>>[vector<16xi32>, vector<16xi32>], vector<16xf32>,
        %add3A_409 = arith.constant 4 : i32
        %add3A_410 = vector.broadcast %add3A_409 : i32 to vector<16xi32>
        %add3A_411 = arith.addi %broadcast_in_dim3A_402, %add3A_410 : vector<16xi32>
        %gather3A_412 = arith.constant 0 : i32
        %gather3A_413 = arith.constant 0 : i32
        %gather3A_414 = arith.constant 0 : i32
        %gather3A_415 = tpu.memref_slice %arg12[%gather3A_412, %gather3A_413, %gather3A_414] : memref<2x80x16xf32, #tpu.memory_space<vmem>> -> memref<1x80x16xf32, #tpu.memory_space<vmem>>
        %gather3A_416 = tpu.memref_squeeze %gather3A_415 : memref<1x80x16xf32, #tpu.memory_space<vmem>> -> memref<80x16xf32, #tpu.memory_space<vmem>>
        %gather3A_417 = tpu.vector_load_idx %gather3A_416[%add3A_374, %add3A_411] : memref<80x16xf32, #tpu.memory_space<vmem>>[vector<16xi32>, vector<16xi32>], vector<16xf32>,
        %add3A_418 = arith.addf %gather3A_408, %gather3A_417 : vector<16xf32>
        %ge3A_419 = arith.constant 0.000000e+00 : f32
        %ge3A_420 = vector.broadcast %ge3A_419 : f32 to vector<16xf32>
        %ge3A_421 = arith.cmpf oge, %add3A_418, %ge3A_420 : vector<16xf32>
        %mul3A_422 = arith.constant 2.000000e-01 : f32
        %mul3A_423 = vector.broadcast %mul3A_422 : f32 to vector<16xf32>
        %mul3A_424 = arith.mulf %mul3A_423, %add3A_418 : vector<16xf32>
        %select_n3A_425 = arith.select %ge3A_421, %add3A_418, %mul3A_424 : vector<16xi1>, vector<16xf32>
        %sub3A_426 = vector.broadcast %squeeze3A_21 : f32 to vector<16xf32>
        %sub3A_427 = arith.subf %select_n3A_425, %sub3A_426 : vector<16xf32>
        %exp3A_428 = math.exp %sub3A_427 : vector<16xf32>
        %scatter3A_429 = arith.constant 0 : i32
        %scatter3A_430 = arith.constant 0 : i32
        %scatter3A_431 = arith.constant 0 : i32
        %scatter3A_432 = tpu.memref_slice %arg17[%scatter3A_429, %scatter3A_430, %scatter3A_431] : memref<2x80x16xf32, #tpu.memory_space<vmem>> -> memref<1x80x16xf32, #tpu.memory_space<vmem>>
        %scatter3A_433 = tpu.memref_squeeze %scatter3A_432 : memref<1x80x16xf32, #tpu.memory_space<vmem>> -> memref<80x16xf32, #tpu.memory_space<vmem>>
        tpu.vector_store_idx %scatter3A_433[%add3A_374, %broadcast_in_dim3A_402], %exp3A_428 : memref<80x16xf32, #tpu.memory_space<vmem>>[vector<16xi32>, vector<16xi32>], vector<16xf32>,
        %broadcast_in_dim3A_434 = arith.constant 2 : i32
        %broadcast_in_dim3A_435 = vector.broadcast %broadcast_in_dim3A_434 : i32 to vector<16xi32>
        %gather3A_436 = arith.constant 0 : i32
        %gather3A_437 = arith.constant 0 : i32
        %gather3A_438 = arith.constant 0 : i32
        %gather3A_439 = tpu.memref_slice %arg11[%gather3A_436, %gather3A_437, %gather3A_438] : memref<2x80x16xf32, #tpu.memory_space<vmem>> -> memref<1x80x16xf32, #tpu.memory_space<vmem>>
        %gather3A_440 = tpu.memref_squeeze %gather3A_439 : memref<1x80x16xf32, #tpu.memory_space<vmem>> -> memref<80x16xf32, #tpu.memory_space<vmem>>
        %gather3A_441 = tpu.vector_load_idx %gather3A_440[%add3A_374, %broadcast_in_dim3A_435] : memref<80x16xf32, #tpu.memory_space<vmem>>[vector<16xi32>, vector<16xi32>], vector<16xf32>,
        %add3A_442 = arith.constant 4 : i32
        %add3A_443 = vector.broadcast %add3A_442 : i32 to vector<16xi32>
        %add3A_444 = arith.addi %broadcast_in_dim3A_435, %add3A_443 : vector<16xi32>
        %gather3A_445 = arith.constant 0 : i32
        %gather3A_446 = arith.constant 0 : i32
        %gather3A_447 = arith.constant 0 : i32
        %gather3A_448 = tpu.memref_slice %arg12[%gather3A_445, %gather3A_446, %gather3A_447] : memref<2x80x16xf32, #tpu.memory_space<vmem>> -> memref<1x80x16xf32, #tpu.memory_space<vmem>>
        %gather3A_449 = tpu.memref_squeeze %gather3A_448 : memref<1x80x16xf32, #tpu.memory_space<vmem>> -> memref<80x16xf32, #tpu.memory_space<vmem>>
        %gather3A_450 = tpu.vector_load_idx %gather3A_449[%add3A_374, %add3A_444] : memref<80x16xf32, #tpu.memory_space<vmem>>[vector<16xi32>, vector<16xi32>], vector<16xf32>,
        %add3A_451 = arith.addf %gather3A_441, %gather3A_450 : vector<16xf32>
        %ge3A_452 = arith.constant 0.000000e+00 : f32
        %ge3A_453 = vector.broadcast %ge3A_452 : f32 to vector<16xf32>
        %ge3A_454 = arith.cmpf oge, %add3A_451, %ge3A_453 : vector<16xf32>
        %mul3A_455 = arith.constant 2.000000e-01 : f32
        %mul3A_456 = vector.broadcast %mul3A_455 : f32 to vector<16xf32>
        %mul3A_457 = arith.mulf %mul3A_456, %add3A_451 : vector<16xf32>
        %select_n3A_458 = arith.select %ge3A_454, %add3A_451, %mul3A_457 : vector<16xi1>, vector<16xf32>
        %sub3A_459 = vector.broadcast %squeeze3A_23 : f32 to vector<16xf32>
        %sub3A_460 = arith.subf %select_n3A_458, %sub3A_459 : vector<16xf32>
        %exp3A_461 = math.exp %sub3A_460 : vector<16xf32>
        %scatter3A_462 = arith.constant 0 : i32
        %scatter3A_463 = arith.constant 0 : i32
        %scatter3A_464 = arith.constant 0 : i32
        %scatter3A_465 = tpu.memref_slice %arg17[%scatter3A_462, %scatter3A_463, %scatter3A_464] : memref<2x80x16xf32, #tpu.memory_space<vmem>> -> memref<1x80x16xf32, #tpu.memory_space<vmem>>
        %scatter3A_466 = tpu.memref_squeeze %scatter3A_465 : memref<1x80x16xf32, #tpu.memory_space<vmem>> -> memref<80x16xf32, #tpu.memory_space<vmem>>
        tpu.vector_store_idx %scatter3A_466[%add3A_374, %broadcast_in_dim3A_435], %exp3A_461 : memref<80x16xf32, #tpu.memory_space<vmem>>[vector<16xi32>, vector<16xi32>], vector<16xf32>,
        %broadcast_in_dim3A_467 = arith.constant 3 : i32
        %broadcast_in_dim3A_468 = vector.broadcast %broadcast_in_dim3A_467 : i32 to vector<16xi32>
        %gather3A_469 = arith.constant 0 : i32
        %gather3A_470 = arith.constant 0 : i32
        %gather3A_471 = arith.constant 0 : i32
        %gather3A_472 = tpu.memref_slice %arg11[%gather3A_469, %gather3A_470, %gather3A_471] : memref<2x80x16xf32, #tpu.memory_space<vmem>> -> memref<1x80x16xf32, #tpu.memory_space<vmem>>
        %gather3A_473 = tpu.memref_squeeze %gather3A_472 : memref<1x80x16xf32, #tpu.memory_space<vmem>> -> memref<80x16xf32, #tpu.memory_space<vmem>>
        %gather3A_474 = tpu.vector_load_idx %gather3A_473[%add3A_374, %broadcast_in_dim3A_468] : memref<80x16xf32, #tpu.memory_space<vmem>>[vector<16xi32>, vector<16xi32>], vector<16xf32>,
        %add3A_475 = arith.constant 4 : i32
        %add3A_476 = vector.broadcast %add3A_475 : i32 to vector<16xi32>
        %add3A_477 = arith.addi %broadcast_in_dim3A_468, %add3A_476 : vector<16xi32>
        %gather3A_478 = arith.constant 0 : i32
        %gather3A_479 = arith.constant 0 : i32
        %gather3A_480 = arith.constant 0 : i32
        %gather3A_481 = tpu.memref_slice %arg12[%gather3A_478, %gather3A_479, %gather3A_480] : memref<2x80x16xf32, #tpu.memory_space<vmem>> -> memref<1x80x16xf32, #tpu.memory_space<vmem>>
        %gather3A_482 = tpu.memref_squeeze %gather3A_481 : memref<1x80x16xf32, #tpu.memory_space<vmem>> -> memref<80x16xf32, #tpu.memory_space<vmem>>
        %gather3A_483 = tpu.vector_load_idx %gather3A_482[%add3A_374, %add3A_477] : memref<80x16xf32, #tpu.memory_space<vmem>>[vector<16xi32>, vector<16xi32>], vector<16xf32>,
        %add3A_484 = arith.addf %gather3A_474, %gather3A_483 : vector<16xf32>
        %ge3A_485 = arith.constant 0.000000e+00 : f32
        %ge3A_486 = vector.broadcast %ge3A_485 : f32 to vector<16xf32>
        %ge3A_487 = arith.cmpf oge, %add3A_484, %ge3A_486 : vector<16xf32>
        %mul3A_488 = arith.constant 2.000000e-01 : f32
        %mul3A_489 = vector.broadcast %mul3A_488 : f32 to vector<16xf32>
        %mul3A_490 = arith.mulf %mul3A_489, %add3A_484 : vector<16xf32>
        %select_n3A_491 = arith.select %ge3A_487, %add3A_484, %mul3A_490 : vector<16xi1>, vector<16xf32>
        %sub3A_492 = vector.broadcast %squeeze3A_25 : f32 to vector<16xf32>
        %sub3A_493 = arith.subf %select_n3A_491, %sub3A_492 : vector<16xf32>
        %exp3A_494 = math.exp %sub3A_493 : vector<16xf32>
        %scatter3A_495 = arith.constant 0 : i32
        %scatter3A_496 = arith.constant 0 : i32
        %scatter3A_497 = arith.constant 0 : i32
        %scatter3A_498 = tpu.memref_slice %arg17[%scatter3A_495, %scatter3A_496, %scatter3A_497] : memref<2x80x16xf32, #tpu.memory_space<vmem>> -> memref<1x80x16xf32, #tpu.memory_space<vmem>>
        %scatter3A_499 = tpu.memref_squeeze %scatter3A_498 : memref<1x80x16xf32, #tpu.memory_space<vmem>> -> memref<80x16xf32, #tpu.memory_space<vmem>>
        tpu.vector_store_idx %scatter3A_499[%add3A_374, %broadcast_in_dim3A_468], %exp3A_494 : memref<80x16xf32, #tpu.memory_space<vmem>>[vector<16xi32>, vector<16xi32>], vector<16xf32>,
        %scan3A_500 = arith.constant 0 : i32
        scf.yield %scan3A_500 : i32
      }
      %scan3A_251 = arith.constant 5 : i32
      %scan3A_252 = arith.constant 0 : i32
      %scan3A_253 = arith.constant 0 : i32
      %scan3A_254 = arith.constant 80 : i32
      %scan3A_255 = arith.addi %scan3A_253, %scan3A_254 : i32
      %scan3A_256 = arith.constant 1 : i32
      %scan3A_257 = scf.for %scan3A_369 = %scan3A_253 to %scan3A_255 step %scan3A_256 iter_args(%scan3A_370 = %scan3A_252) -> (i32)  : i32 {
        %get3A_371 = arith.constant 0 : i32
        %get3A_372 = arith.index_cast %get3A_371 : i32 to index
        %get3A_373 = arith.index_cast %scan3A_369 : i32 to index
        %get3A_374 = arith.constant 0 : index
        %get3A_375 = tpu.vector_load %arg17[%get3A_372, %get3A_373, %get3A_374] {strides = array<i32>} : memref<2x80x16xf32, #tpu.memory_space<vmem>>, vector<16xf32>,
        %slice3A_376 = vector.extract_strided_slice %get3A_375 {offsets = [0], sizes = [1], strides = [1]} : vector<16xf32> to vector<1xf32>
        %squeeze3A_377 = vector.extract %slice3A_376[0] : f32 from vector<1xf32>
        %get3A_378 = arith.constant 0 : i32
        %get3A_379 = arith.index_cast %get3A_378 : i32 to index
        %get3A_380 = arith.index_cast %scan3A_369 : i32 to index
        %get3A_381 = arith.constant 0 : index
        %get3A_382 = tpu.vector_load %arg16[%get3A_379, %get3A_380, %get3A_381] {strides = array<i32>} : memref<2x80x128xf32, #tpu.memory_space<vmem>>, vector<16xf32>,
        %mul3A_383 = vector.broadcast %squeeze3A_377 : f32 to vector<16xf32>
        %mul3A_384 = arith.mulf %get3A_382, %mul3A_383 : vector<16xf32>
        %swap3A = arith.constant 0 : i32
        %swap3A_385 = arith.index_cast %swap3A : i32 to index
        %swap3A_386 = arith.index_cast %scan3A_369 : i32 to index
        %swap3A_387 = arith.constant 0 : index
        %swap3A_388 = tpu.vector_load %arg16[%swap3A_385, %swap3A_386, %swap3A_387] {strides = array<i32>} : memref<2x80x128xf32, #tpu.memory_space<vmem>>, vector<16xf32>,
        tpu.vector_store %arg16[%swap3A_385, %swap3A_386, %swap3A_387], %mul3A_384 {strides = array<i32>} : memref<2x80x128xf32, #tpu.memory_space<vmem>>, vector<16xf32>,
        %get3A_389 = arith.constant 0 : i32
        %get3A_390 = arith.index_cast %get3A_389 : i32 to index
        %get3A_391 = arith.index_cast %scan3A_369 : i32 to index
        %get3A_392 = arith.constant 16 : index
        %get3A_393 = tpu.vector_load %arg16[%get3A_390, %get3A_391, %get3A_392] {strides = array<i32>} : memref<2x80x128xf32, #tpu.memory_space<vmem>>, vector<16xf32>,
        %mul3A_394 = vector.broadcast %squeeze3A_377 : f32 to vector<16xf32>
        %mul3A_395 = arith.mulf %get3A_393, %mul3A_394 : vector<16xf32>
        %swap3A_396 = arith.constant 0 : i32
        %swap3A_397 = arith.index_cast %swap3A_396 : i32 to index
        %swap3A_398 = arith.index_cast %scan3A_369 : i32 to index
        %swap3A_399 = arith.constant 16 : index
        %swap3A_400 = tpu.vector_load %arg16[%swap3A_397, %swap3A_398, %swap3A_399] {strides = array<i32>} : memref<2x80x128xf32, #tpu.memory_space<vmem>>, vector<16xf32>,
        tpu.vector_store %arg16[%swap3A_397, %swap3A_398, %swap3A_399], %mul3A_395 {strides = array<i32>} : memref<2x80x128xf32, #tpu.memory_space<vmem>>, vector<16xf32>,
        %slice3A_401 = vector.extract_strided_slice %get3A_375 {offsets = [1], sizes = [1], strides = [1]} : vector<16xf32> to vector<1xf32>
        %squeeze3A_402 = vector.extract %slice3A_401[0] : f32 from vector<1xf32>
        %get3A_403 = arith.constant 0 : i32
        %get3A_404 = arith.index_cast %get3A_403 : i32 to index
        %get3A_405 = arith.index_cast %scan3A_369 : i32 to index
        %get3A_406 = arith.constant 32 : index
        %get3A_407 = tpu.vector_load %arg16[%get3A_404, %get3A_405, %get3A_406] {strides = array<i32>} : memref<2x80x128xf32, #tpu.memory_space<vmem>>, vector<16xf32>,
        %mul3A_408 = vector.broadcast %squeeze3A_402 : f32 to vector<16xf32>
        %mul3A_409 = arith.mulf %get3A_407, %mul3A_408 : vector<16xf32>
        %swap3A_410 = arith.constant 0 : i32
        %swap3A_411 = arith.index_cast %swap3A_410 : i32 to index
        %swap3A_412 = arith.index_cast %scan3A_369 : i32 to index
        %swap3A_413 = arith.constant 32 : index
        %swap3A_414 = tpu.vector_load %arg16[%swap3A_411, %swap3A_412, %swap3A_413] {strides = array<i32>} : memref<2x80x128xf32, #tpu.memory_space<vmem>>, vector<16xf32>,
        tpu.vector_store %arg16[%swap3A_411, %swap3A_412, %swap3A_413], %mul3A_409 {strides = array<i32>} : memref<2x80x128xf32, #tpu.memory_space<vmem>>, vector<16xf32>,
        %get3A_415 = arith.constant 0 : i32
        %get3A_416 = arith.index_cast %get3A_415 : i32 to index
        %get3A_417 = arith.index_cast %scan3A_369 : i32 to index
        %get3A_418 = arith.constant 48 : index
        %get3A_419 = tpu.vector_load %arg16[%get3A_416, %get3A_417, %get3A_418] {strides = array<i32>} : memref<2x80x128xf32, #tpu.memory_space<vmem>>, vector<16xf32>,
        %mul3A_420 = vector.broadcast %squeeze3A_402 : f32 to vector<16xf32>
        %mul3A_421 = arith.mulf %get3A_419, %mul3A_420 : vector<16xf32>
        %swap3A_422 = arith.constant 0 : i32
        %swap3A_423 = arith.index_cast %swap3A_422 : i32 to index
        %swap3A_424 = arith.index_cast %scan3A_369 : i32 to index
        %swap3A_425 = arith.constant 48 : index
        %swap3A_426 = tpu.vector_load %arg16[%swap3A_423, %swap3A_424, %swap3A_425] {strides = array<i32>} : memref<2x80x128xf32, #tpu.memory_space<vmem>>, vector<16xf32>,
        tpu.vector_store %arg16[%swap3A_423, %swap3A_424, %swap3A_425], %mul3A_421 {strides = array<i32>} : memref<2x80x128xf32, #tpu.memory_space<vmem>>, vector<16xf32>,
        %slice3A_427 = vector.extract_strided_slice %get3A_375 {offsets = [2], sizes = [1], strides = [1]} : vector<16xf32> to vector<1xf32>
        %squeeze3A_428 = vector.extract %slice3A_427[0] : f32 from vector<1xf32>
        %get3A_429 = arith.constant 0 : i32
        %get3A_430 = arith.index_cast %get3A_429 : i32 to index
        %get3A_431 = arith.index_cast %scan3A_369 : i32 to index
        %get3A_432 = arith.constant 64 : index
        %get3A_433 = tpu.vector_load %arg16[%get3A_430, %get3A_431, %get3A_432] {strides = array<i32>} : memref<2x80x128xf32, #tpu.memory_space<vmem>>, vector<16xf32>,
        %mul3A_434 = vector.broadcast %squeeze3A_428 : f32 to vector<16xf32>
        %mul3A_435 = arith.mulf %get3A_433, %mul3A_434 : vector<16xf32>
        %swap3A_436 = arith.constant 0 : i32
        %swap3A_437 = arith.index_cast %swap3A_436 : i32 to index
        %swap3A_438 = arith.index_cast %scan3A_369 : i32 to index
        %swap3A_439 = arith.constant 64 : index
        %swap3A_440 = tpu.vector_load %arg16[%swap3A_437, %swap3A_438, %swap3A_439] {strides = array<i32>} : memref<2x80x128xf32, #tpu.memory_space<vmem>>, vector<16xf32>,
        tpu.vector_store %arg16[%swap3A_437, %swap3A_438, %swap3A_439], %mul3A_435 {strides = array<i32>} : memref<2x80x128xf32, #tpu.memory_space<vmem>>, vector<16xf32>,
        %get3A_441 = arith.constant 0 : i32
        %get3A_442 = arith.index_cast %get3A_441 : i32 to index
        %get3A_443 = arith.index_cast %scan3A_369 : i32 to index
        %get3A_444 = arith.constant 80 : index
        %get3A_445 = tpu.vector_load %arg16[%get3A_442, %get3A_443, %get3A_444] {strides = array<i32>} : memref<2x80x128xf32, #tpu.memory_space<vmem>>, vector<16xf32>,
        %mul3A_446 = vector.broadcast %squeeze3A_428 : f32 to vector<16xf32>
        %mul3A_447 = arith.mulf %get3A_445, %mul3A_446 : vector<16xf32>
        %swap3A_448 = arith.constant 0 : i32
        %swap3A_449 = arith.index_cast %swap3A_448 : i32 to index
        %swap3A_450 = arith.index_cast %scan3A_369 : i32 to index
        %swap3A_451 = arith.constant 80 : index
        %swap3A_452 = tpu.vector_load %arg16[%swap3A_449, %swap3A_450, %swap3A_451] {strides = array<i32>} : memref<2x80x128xf32, #tpu.memory_space<vmem>>, vector<16xf32>,
        tpu.vector_store %arg16[%swap3A_449, %swap3A_450, %swap3A_451], %mul3A_447 {strides = array<i32>} : memref<2x80x128xf32, #tpu.memory_space<vmem>>, vector<16xf32>,
        %slice3A_453 = vector.extract_strided_slice %get3A_375 {offsets = [3], sizes = [1], strides = [1]} : vector<16xf32> to vector<1xf32>
        %squeeze3A_454 = vector.extract %slice3A_453[0] : f32 from vector<1xf32>
        %get3A_455 = arith.constant 0 : i32
        %get3A_456 = arith.index_cast %get3A_455 : i32 to index
        %get3A_457 = arith.index_cast %scan3A_369 : i32 to index
        %get3A_458 = arith.constant 96 : index
        %get3A_459 = tpu.vector_load %arg16[%get3A_456, %get3A_457, %get3A_458] {strides = array<i32>} : memref<2x80x128xf32, #tpu.memory_space<vmem>>, vector<16xf32>,
        %mul3A_460 = vector.broadcast %squeeze3A_454 : f32 to vector<16xf32>
        %mul3A_461 = arith.mulf %get3A_459, %mul3A_460 : vector<16xf32>
        %swap3A_462 = arith.constant 0 : i32
        %swap3A_463 = arith.index_cast %swap3A_462 : i32 to index
        %swap3A_464 = arith.index_cast %scan3A_369 : i32 to index
        %swap3A_465 = arith.constant 96 : index
        %swap3A_466 = tpu.vector_load %arg16[%swap3A_463, %swap3A_464, %swap3A_465] {strides = array<i32>} : memref<2x80x128xf32, #tpu.memory_space<vmem>>, vector<16xf32>,
        tpu.vector_store %arg16[%swap3A_463, %swap3A_464, %swap3A_465], %mul3A_461 {strides = array<i32>} : memref<2x80x128xf32, #tpu.memory_space<vmem>>, vector<16xf32>,
        %get3A_467 = arith.constant 0 : i32
        %get3A_468 = arith.index_cast %get3A_467 : i32 to index
        %get3A_469 = arith.index_cast %scan3A_369 : i32 to index
        %get3A_470 = arith.constant 112 : index
        %get3A_471 = tpu.vector_load %arg16[%get3A_468, %get3A_469, %get3A_470] {strides = array<i32>} : memref<2x80x128xf32, #tpu.memory_space<vmem>>, vector<16xf32>,
        %mul3A_472 = vector.broadcast %squeeze3A_454 : f32 to vector<16xf32>
        %mul3A_473 = arith.mulf %get3A_471, %mul3A_472 : vector<16xf32>
        %swap3A_474 = arith.constant 0 : i32
        %swap3A_475 = arith.index_cast %swap3A_474 : i32 to index
        %swap3A_476 = arith.index_cast %scan3A_369 : i32 to index
        %swap3A_477 = arith.constant 112 : index
        %swap3A_478 = tpu.vector_load %arg16[%swap3A_475, %swap3A_476, %swap3A_477] {strides = array<i32>} : memref<2x80x128xf32, #tpu.memory_space<vmem>>, vector<16xf32>,
        tpu.vector_store %arg16[%swap3A_475, %swap3A_476, %swap3A_477], %mul3A_473 {strides = array<i32>} : memref<2x80x128xf32, #tpu.memory_space<vmem>>, vector<16xf32>,
        %scan3A_479 = arith.constant 0 : i32
        scf.yield %scan3A_479 : i32
      }
      %scan3A_258 = arith.constant 80 : i32
      %dma_start3A_259 = arith.constant 0 : i32
      %dma_start3A_260 = arith.constant 0 : i32
      %dma_start3A_261 = arith.constant 0 : i32
      %dma_start3A_262 = arith.constant 0 : i32
      %dma_start3A_263 = tpu.memref_slice %arg16[%dma_start3A_259, %dma_start3A_261, %dma_start3A_262] : memref<2x80x128xf32, #tpu.memory_space<vmem>> -> memref<1x80x128xf32, #tpu.memory_space<vmem>>
      %dma_start3A_264 = tpu.memref_squeeze %dma_start3A_263 : memref<1x80x128xf32, #tpu.memory_space<vmem>> -> memref<80x128xf32, #tpu.memory_space<vmem>>
      %dma_start3A_265 = arith.constant 0 : i32
      %dma_start3A_266 = tpu.memref_slice %arg15[%dma_start3A_260, %dma_start3A_265] : memref<2x80xi32, #tpu.memory_space<vmem>> -> memref<1x80xi32, #tpu.memory_space<vmem>>
      %dma_start3A_267 = tpu.memref_squeeze %dma_start3A_266 : memref<1x80xi32, #tpu.memory_space<vmem>> -> memref<80xi32, #tpu.memory_space<vmem>>
      %dma_start3A_268 = arith.constant 0 : i32
      %dma_start3A_269 = arith.constant 0 : i32
      %dma_start3A_270 = tpu.memref_slice %arg18[%dma_start3A_268, %dma_start3A_269] : memref<10000x128xf32, #tpu.memory_space<vmem_shared>> -> memref<10000x128xf32, #tpu.memory_space<vmem_shared>>
      tpu.enqueue_indirect_dma source(%dma_start3A_264 : memref<80x128xf32, #tpu.memory_space<vmem>>) target(%dma_start3A_270 : memref<10000x128xf32, #tpu.memory_space<vmem_shared>>) offsets(%dma_start3A_267 : memref<80xi32, #tpu.memory_space<vmem>>) semaphore(%arg22 : memref<!tpu.dma_semaphore, #tpu.memory_space<semaphore_mem>>) {add = true}
      %dma_start3A_271 = arith.constant 0 : i32
      %dma_start3A_272 = arith.constant 0 : i32
      %dma_start3A_273 = arith.constant 0 : i32
      %dma_start3A_274 = arith.constant 0 : i32
      %dma_start3A_275 = tpu.memref_slice %arg17[%dma_start3A_271, %dma_start3A_273, %dma_start3A_274] : memref<2x80x16xf32, #tpu.memory_space<vmem>> -> memref<1x80x16xf32, #tpu.memory_space<vmem>>
      %dma_start3A_276 = tpu.memref_squeeze %dma_start3A_275 : memref<1x80x16xf32, #tpu.memory_space<vmem>> -> memref<80x16xf32, #tpu.memory_space<vmem>>
      %dma_start3A_277 = arith.constant 0 : i32
      %dma_start3A_278 = tpu.memref_slice %arg15[%dma_start3A_272, %dma_start3A_277] : memref<2x80xi32, #tpu.memory_space<vmem>> -> memref<1x80xi32, #tpu.memory_space<vmem>>
      %dma_start3A_279 = tpu.memref_squeeze %dma_start3A_278 : memref<1x80xi32, #tpu.memory_space<vmem>> -> memref<80xi32, #tpu.memory_space<vmem>>
      %dma_start3A_280 = arith.constant 0 : i32
      %dma_start3A_281 = arith.constant 0 : i32
      %dma_start3A_282 = tpu.memref_slice %arg19[%dma_start3A_280, %dma_start3A_281] : memref<10000x16xf32, #tpu.memory_space<vmem_shared>> -> memref<10000x16xf32, #tpu.memory_space<vmem_shared>>
      tpu.enqueue_indirect_dma source(%dma_start3A_276 : memref<80x16xf32, #tpu.memory_space<vmem>>) target(%dma_start3A_282 : memref<10000x16xf32, #tpu.memory_space<vmem_shared>>) offsets(%dma_start3A_279 : memref<80xi32, #tpu.memory_space<vmem>>) semaphore(%arg22 : memref<!tpu.dma_semaphore, #tpu.memory_space<semaphore_mem>>) {add = true}
      %mul3A_283 = arith.constant 2 : i32
      %mul3A_284 = arith.muli %mul3A_283, %scan3A_201 : i32
      %add3A_285 = arith.constant 1 : i32
      %add3A_286 = arith.addi %mul3A_284, %add3A_285 : i32
      %add3A_287 = arith.constant 1 : i32
      %add3A_288 = arith.addi %add3A_286, %add3A_287 : i32
      %lt3A_289 = arith.constant 125 : i32
      %lt3A_290 = arith.cmpi slt, %add3A_288, %lt3A_289 : i32
      %convert_element_type3A_291 = arith.extui %lt3A_290 : i1 to i32
      %cond3A_292 = arith.constant 0 : i32
      %cond3A_293 = arith.cmpi ne, %convert_element_type3A_291, %cond3A_292 : i32
      scf.if %cond3A_293 {
        %ge3A = arith.constant 1 : i32
        %ge3A_369 = arith.cmpi sge, %add3A_286, %ge3A : i32
        %convert_element_type3A_370 = arith.extui %ge3A_369 : i1 to i32
        %cond3A_371 = arith.constant 0 : i32
        %cond3A_372 = arith.cmpi ne, %convert_element_type3A_370, %cond3A_371 : i32
        scf.if %cond3A_372 {
          %dma_wait3A_417 = arith.constant 0 : i32
          %dma_wait3A_418 = arith.constant 0 : i32
          %dma_wait3A_419 = arith.constant 0 : i32
          %dma_wait3A_420 = arith.constant 0 : i32
          %dma_wait3A_421 = tpu.memref_slice %arg16[%dma_wait3A_417, %dma_wait3A_419, %dma_wait3A_420] : memref<2x80x128xf32, #tpu.memory_space<vmem>> -> memref<1x80x128xf32, #tpu.memory_space<vmem>>
          %dma_wait3A_422 = tpu.memref_squeeze %dma_wait3A_421 : memref<1x80x128xf32, #tpu.memory_space<vmem>> -> memref<80x128xf32, #tpu.memory_space<vmem>>
          %dma_wait3A_423 = arith.constant 0 : i32
          %dma_wait3A_424 = tpu.memref_slice %arg15[%dma_wait3A_418, %dma_wait3A_423] : memref<2x80xi32, #tpu.memory_space<vmem>> -> memref<1x80xi32, #tpu.memory_space<vmem>>
          %dma_wait3A_425 = tpu.memref_squeeze %dma_wait3A_424 : memref<1x80xi32, #tpu.memory_space<vmem>> -> memref<80xi32, #tpu.memory_space<vmem>>
          %dma_wait3A_426 = arith.constant 0 : i32
          %dma_wait3A_427 = arith.constant 0 : i32
          %dma_wait3A_428 = tpu.memref_slice %arg18[%dma_wait3A_426, %dma_wait3A_427] : memref<10000x128xf32, #tpu.memory_space<vmem_shared>> -> memref<10000x128xf32, #tpu.memory_space<vmem_shared>>
          tpu.wait_indirect_dma semaphore(%arg22 : memref<!tpu.dma_semaphore, #tpu.memory_space<semaphore_mem>>) src(%dma_wait3A_422 : memref<80x128xf32, #tpu.memory_space<vmem>>) dst(%dma_wait3A_428 : memref<10000x128xf32, #tpu.memory_space<vmem_shared>>)
          %dma_wait3A_429 = arith.constant 0 : i32
          %dma_wait3A_430 = arith.constant 0 : i32
          %dma_wait3A_431 = arith.constant 0 : i32
          %dma_wait3A_432 = arith.constant 0 : i32
          %dma_wait3A_433 = tpu.memref_slice %arg17[%dma_wait3A_429, %dma_wait3A_431, %dma_wait3A_432] : memref<2x80x16xf32, #tpu.memory_space<vmem>> -> memref<1x80x16xf32, #tpu.memory_space<vmem>>
          %dma_wait3A_434 = tpu.memref_squeeze %dma_wait3A_433 : memref<1x80x16xf32, #tpu.memory_space<vmem>> -> memref<80x16xf32, #tpu.memory_space<vmem>>
          %dma_wait3A_435 = arith.constant 0 : i32
          %dma_wait3A_436 = tpu.memref_slice %arg15[%dma_wait3A_430, %dma_wait3A_435] : memref<2x80xi32, #tpu.memory_space<vmem>> -> memref<1x80xi32, #tpu.memory_space<vmem>>
          %dma_wait3A_437 = tpu.memref_squeeze %dma_wait3A_436 : memref<1x80xi32, #tpu.memory_space<vmem>> -> memref<80xi32, #tpu.memory_space<vmem>>
          %dma_wait3A_438 = arith.constant 0 : i32
          %dma_wait3A_439 = arith.constant 0 : i32
          %dma_wait3A_440 = tpu.memref_slice %arg19[%dma_wait3A_438, %dma_wait3A_439] : memref<10000x16xf32, #tpu.memory_space<vmem_shared>> -> memref<10000x16xf32, #tpu.memory_space<vmem_shared>>
          tpu.wait_indirect_dma semaphore(%arg22 : memref<!tpu.dma_semaphore, #tpu.memory_space<semaphore_mem>>) src(%dma_wait3A_434 : memref<80x16xf32, #tpu.memory_space<vmem>>) dst(%dma_wait3A_440 : memref<10000x16xf32, #tpu.memory_space<vmem_shared>>)
        } else {
        }
        %add3A_373 = arith.constant 1 : i32
        %add3A_374 = arith.addi %add3A_286, %add3A_373 : i32
        %mul3A_375 = arith.constant 80 : i32
        %mul3A_376 = arith.muli %add3A_374, %mul3A_375 : i32
        %add3A_377 = arith.addi %mul3A_2, %mul3A_376 : i32
        %multiple_of3A_378 = tpu.assume_multiple %add3A_377, 8 : i32
        %run_scoped3A_379 = arith.constant 0 : i32
        "tpu.region"() ({
          %run_scoped3A_417 = tpu.sem_alloc : memref<!tpu.dma_semaphore, #tpu.memory_space<semaphore_mem>>
          %dma_start3A_418 = arith.constant 0 : i32
          %dma_start3A_419 = tpu.memref_slice %arg14[%run_scoped3A_379, %dma_start3A_418] : memref<2x80xi32, #tpu.memory_space<vmem>> -> memref<1x80xi32, #tpu.memory_space<vmem>>
          %dma_start3A_420 = tpu.memref_squeeze %dma_start3A_419 : memref<1x80xi32, #tpu.memory_space<vmem>> -> memref<80xi32, #tpu.memory_space<vmem>>
          %dma_start3A_421 = tpu.memref_slice %arg2[%multiple_of3A_378] : memref<320000xi32, #tpu.memory_space<hbm>> -> memref<80xi32, #tpu.memory_space<hbm>>
          %dma_start3A_422 = arith.constant 0 : i32
          %dma_start3A_423 = tpu.memref_slice %arg14[%run_scoped3A_379, %dma_start3A_422] : memref<2x80xi32, #tpu.memory_space<vmem>> -> memref<1x80xi32, #tpu.memory_space<vmem>>
          %dma_start3A_424 = tpu.memref_squeeze %dma_start3A_423 : memref<1x80xi32, #tpu.memory_space<vmem>> -> memref<80xi32, #tpu.memory_space<vmem>>
          %dma_start3A_425 = tpu.memref_slice %arg2[%multiple_of3A_378] : memref<320000xi32, #tpu.memory_space<hbm>> -> memref<80xi32, #tpu.memory_space<hbm>>
          tpu.enqueue_dma source(%dma_start3A_425 : memref<80xi32, #tpu.memory_space<hbm>>) target(%dma_start3A_424 : memref<80xi32, #tpu.memory_space<vmem>>) target_semaphore(%run_scoped3A_417 : memref<!tpu.dma_semaphore, #tpu.memory_space<semaphore_mem>>)
          %dma_wait3A_426 = arith.constant 0 : i32
          %dma_wait3A_427 = tpu.memref_slice %arg14[%run_scoped3A_379, %dma_wait3A_426] : memref<2x80xi32, #tpu.memory_space<vmem>> -> memref<1x80xi32, #tpu.memory_space<vmem>>
          %dma_wait3A_428 = tpu.memref_squeeze %dma_wait3A_427 : memref<1x80xi32, #tpu.memory_space<vmem>> -> memref<80xi32, #tpu.memory_space<vmem>>
          %dma_wait3A_429 = tpu.memref_slice %arg2[%multiple_of3A_378] : memref<320000xi32, #tpu.memory_space<hbm>> -> memref<80xi32, #tpu.memory_space<hbm>>
          %dma_wait3A_430 = arith.constant 0 : i32
          %dma_wait3A_431 = tpu.memref_slice %arg14[%run_scoped3A_379, %dma_wait3A_430] : memref<2x80xi32, #tpu.memory_space<vmem>> -> memref<1x80xi32, #tpu.memory_space<vmem>>
          %dma_wait3A_432 = tpu.memref_squeeze %dma_wait3A_431 : memref<1x80xi32, #tpu.memory_space<vmem>> -> memref<80xi32, #tpu.memory_space<vmem>>
          %dma_wait3A_433 = tpu.memref_slice %arg2[%multiple_of3A_378] : memref<320000xi32, #tpu.memory_space<hbm>> -> memref<80xi32, #tpu.memory_space<hbm>>
          tpu.wait_dma2 semaphore(%run_scoped3A_417 : memref<!tpu.dma_semaphore, #tpu.memory_space<semaphore_mem>>) src(%dma_wait3A_433 : memref<80xi32, #tpu.memory_space<hbm>>) dst(%dma_wait3A_432 : memref<80xi32, #tpu.memory_space<vmem>>)
          tpu.yield
        }) : () -> ()
        %run_scoped3A_380 = arith.constant 0 : i32
        "tpu.region"() ({
          %run_scoped3A_417 = tpu.sem_alloc : memref<!tpu.dma_semaphore, #tpu.memory_space<semaphore_mem>>
          %dma_start3A_418 = arith.constant 0 : i32
          %dma_start3A_419 = tpu.memref_slice %arg15[%run_scoped3A_380, %dma_start3A_418] : memref<2x80xi32, #tpu.memory_space<vmem>> -> memref<1x80xi32, #tpu.memory_space<vmem>>
          %dma_start3A_420 = tpu.memref_squeeze %dma_start3A_419 : memref<1x80xi32, #tpu.memory_space<vmem>> -> memref<80xi32, #tpu.memory_space<vmem>>
          %dma_start3A_421 = tpu.memref_slice %arg3[%multiple_of3A_378] : memref<320000xi32, #tpu.memory_space<hbm>> -> memref<80xi32, #tpu.memory_space<hbm>>
          %dma_start3A_422 = arith.constant 0 : i32
          %dma_start3A_423 = tpu.memref_slice %arg15[%run_scoped3A_380, %dma_start3A_422] : memref<2x80xi32, #tpu.memory_space<vmem>> -> memref<1x80xi32, #tpu.memory_space<vmem>>
          %dma_start3A_424 = tpu.memref_squeeze %dma_start3A_423 : memref<1x80xi32, #tpu.memory_space<vmem>> -> memref<80xi32, #tpu.memory_space<vmem>>
          %dma_start3A_425 = tpu.memref_slice %arg3[%multiple_of3A_378] : memref<320000xi32, #tpu.memory_space<hbm>> -> memref<80xi32, #tpu.memory_space<hbm>>
          tpu.enqueue_dma source(%dma_start3A_425 : memref<80xi32, #tpu.memory_space<hbm>>) target(%dma_start3A_424 : memref<80xi32, #tpu.memory_space<vmem>>) target_semaphore(%run_scoped3A_417 : memref<!tpu.dma_semaphore, #tpu.memory_space<semaphore_mem>>)
          %dma_wait3A_426 = arith.constant 0 : i32
          %dma_wait3A_427 = tpu.memref_slice %arg15[%run_scoped3A_380, %dma_wait3A_426] : memref<2x80xi32, #tpu.memory_space<vmem>> -> memref<1x80xi32, #tpu.memory_space<vmem>>
          %dma_wait3A_428 = tpu.memref_squeeze %dma_wait3A_427 : memref<1x80xi32, #tpu.memory_space<vmem>> -> memref<80xi32, #tpu.memory_space<vmem>>
          %dma_wait3A_429 = tpu.memref_slice %arg3[%multiple_of3A_378] : memref<320000xi32, #tpu.memory_space<hbm>> -> memref<80xi32, #tpu.memory_space<hbm>>
          %dma_wait3A_430 = arith.constant 0 : i32
          %dma_wait3A_431 = tpu.memref_slice %arg15[%run_scoped3A_380, %dma_wait3A_430] : memref<2x80xi32, #tpu.memory_space<vmem>> -> memref<1x80xi32, #tpu.memory_space<vmem>>
          %dma_wait3A_432 = tpu.memref_squeeze %dma_wait3A_431 : memref<1x80xi32, #tpu.memory_space<vmem>> -> memref<80xi32, #tpu.memory_space<vmem>>
          %dma_wait3A_433 = tpu.memref_slice %arg3[%multiple_of3A_378] : memref<320000xi32, #tpu.memory_space<hbm>> -> memref<80xi32, #tpu.memory_space<hbm>>
          tpu.wait_dma2 semaphore(%run_scoped3A_417 : memref<!tpu.dma_semaphore, #tpu.memory_space<semaphore_mem>>) src(%dma_wait3A_433 : memref<80xi32, #tpu.memory_space<hbm>>) dst(%dma_wait3A_432 : memref<80xi32, #tpu.memory_space<vmem>>)
          tpu.yield
        }) : () -> ()
        %dma_start3A_381 = arith.constant 0 : i32
        %dma_start3A_382 = arith.constant 0 : i32
        %dma_start3A_383 = arith.constant 0 : i32
        %dma_start3A_384 = arith.constant 0 : i32
        %dma_start3A_385 = tpu.memref_slice %arg16[%dma_start3A_382, %dma_start3A_383, %dma_start3A_384] : memref<2x80x128xf32, #tpu.memory_space<vmem>> -> memref<1x80x128xf32, #tpu.memory_space<vmem>>
        %dma_start3A_386 = tpu.memref_squeeze %dma_start3A_385 : memref<1x80x128xf32, #tpu.memory_space<vmem>> -> memref<80x128xf32, #tpu.memory_space<vmem>>
        %dma_start3A_387 = arith.constant 0 : i32
        %dma_start3A_388 = tpu.memref_slice %arg14[%dma_start3A_381, %dma_start3A_387] : memref<2x80xi32, #tpu.memory_space<vmem>> -> memref<1x80xi32, #tpu.memory_space<vmem>>
        %dma_start3A_389 = tpu.memref_squeeze %dma_start3A_388 : memref<1x80xi32, #tpu.memory_space<vmem>> -> memref<80xi32, #tpu.memory_space<vmem>>
        %dma_start3A_390 = arith.constant 0 : i32
        %dma_start3A_391 = arith.constant 0 : i32
        %dma_start3A_392 = tpu.memref_slice %arg4[%dma_start3A_390, %dma_start3A_391] : memref<10000x128xf32, #tpu.memory_space<hbm>> -> memref<10000x128xf32, #tpu.memory_space<hbm>>
        tpu.enqueue_indirect_dma source(%dma_start3A_392 : memref<10000x128xf32, #tpu.memory_space<hbm>>) target(%dma_start3A_386 : memref<80x128xf32, #tpu.memory_space<vmem>>) offsets(%dma_start3A_389 : memref<80xi32, #tpu.memory_space<vmem>>) semaphore(%arg20 : memref<!tpu.dma_semaphore, #tpu.memory_space<semaphore_mem>>)
        %dma_start3A_393 = arith.constant 0 : i32
        %dma_start3A_394 = arith.constant 0 : i32
        %dma_start3A_395 = arith.constant 0 : i32
        %dma_start3A_396 = arith.constant 0 : i32
        %dma_start3A_397 = tpu.memref_slice %arg11[%dma_start3A_394, %dma_start3A_395, %dma_start3A_396] : memref<2x80x16xf32, #tpu.memory_space<vmem>> -> memref<1x80x16xf32, #tpu.memory_space<vmem>>
        %dma_start3A_398 = tpu.memref_squeeze %dma_start3A_397 : memref<1x80x16xf32, #tpu.memory_space<vmem>> -> memref<80x16xf32, #tpu.memory_space<vmem>>
        %dma_start3A_399 = arith.constant 0 : i32
        %dma_start3A_400 = tpu.memref_slice %arg14[%dma_start3A_393, %dma_start3A_399] : memref<2x80xi32, #tpu.memory_space<vmem>> -> memref<1x80xi32, #tpu.memory_space<vmem>>
        %dma_start3A_401 = tpu.memref_squeeze %dma_start3A_400 : memref<1x80xi32, #tpu.memory_space<vmem>> -> memref<80xi32, #tpu.memory_space<vmem>>
        %dma_start3A_402 = arith.constant 0 : i32
        %dma_start3A_403 = arith.constant 0 : i32
        %dma_start3A_404 = tpu.memref_slice %arg5[%dma_start3A_402, %dma_start3A_403] : memref<10000x16xf32, #tpu.memory_space<hbm>> -> memref<10000x16xf32, #tpu.memory_space<hbm>>
        tpu.enqueue_indirect_dma source(%dma_start3A_404 : memref<10000x16xf32, #tpu.memory_space<hbm>>) target(%dma_start3A_398 : memref<80x16xf32, #tpu.memory_space<vmem>>) offsets(%dma_start3A_401 : memref<80xi32, #tpu.memory_space<vmem>>) semaphore(%arg20 : memref<!tpu.dma_semaphore, #tpu.memory_space<semaphore_mem>>)
        %dma_start3A_405 = arith.constant 0 : i32
        %dma_start3A_406 = arith.constant 0 : i32
        %dma_start3A_407 = arith.constant 0 : i32
        %dma_start3A_408 = arith.constant 0 : i32
        %dma_start3A_409 = tpu.memref_slice %arg12[%dma_start3A_406, %dma_start3A_407, %dma_start3A_408] : memref<2x80x16xf32, #tpu.memory_space<vmem>> -> memref<1x80x16xf32, #tpu.memory_space<vmem>>
        %dma_start3A_410 = tpu.memref_squeeze %dma_start3A_409 : memref<1x80x16xf32, #tpu.memory_space<vmem>> -> memref<80x16xf32, #tpu.memory_space<vmem>>
        %dma_start3A_411 = arith.constant 0 : i32
        %dma_start3A_412 = tpu.memref_slice %arg15[%dma_start3A_405, %dma_start3A_411] : memref<2x80xi32, #tpu.memory_space<vmem>> -> memref<1x80xi32, #tpu.memory_space<vmem>>
        %dma_start3A_413 = tpu.memref_squeeze %dma_start3A_412 : memref<1x80xi32, #tpu.memory_space<vmem>> -> memref<80xi32, #tpu.memory_space<vmem>>
        %dma_start3A_414 = arith.constant 0 : i32
        %dma_start3A_415 = arith.constant 0 : i32
        %dma_start3A_416 = tpu.memref_slice %arg5[%dma_start3A_414, %dma_start3A_415] : memref<10000x16xf32, #tpu.memory_space<hbm>> -> memref<10000x16xf32, #tpu.memory_space<hbm>>
        tpu.enqueue_indirect_dma source(%dma_start3A_416 : memref<10000x16xf32, #tpu.memory_space<hbm>>) target(%dma_start3A_410 : memref<80x16xf32, #tpu.memory_space<vmem>>) offsets(%dma_start3A_413 : memref<80xi32, #tpu.memory_space<vmem>>) semaphore(%arg20 : memref<!tpu.dma_semaphore, #tpu.memory_space<semaphore_mem>>)
      } else {
      }
      %dma_wait3A_294 = arith.constant 1 : i32
      %dma_wait3A_295 = arith.constant 1 : i32
      %dma_wait3A_296 = arith.constant 0 : i32
      %dma_wait3A_297 = arith.constant 0 : i32
      %dma_wait3A_298 = tpu.memref_slice %arg16[%dma_wait3A_295, %dma_wait3A_296, %dma_wait3A_297] : memref<2x80x128xf32, #tpu.memory_space<vmem>> -> memref<1x80x128xf32, #tpu.memory_space<vmem>>
      %dma_wait3A_299 = tpu.memref_squeeze %dma_wait3A_298 : memref<1x80x128xf32, #tpu.memory_space<vmem>> -> memref<80x128xf32, #tpu.memory_space<vmem>>
      %dma_wait3A_300 = arith.constant 0 : i32
      %dma_wait3A_301 = tpu.memref_slice %arg14[%dma_wait3A_294, %dma_wait3A_300] : memref<2x80xi32, #tpu.memory_space<vmem>> -> memref<1x80xi32, #tpu.memory_space<vmem>>
      %dma_wait3A_302 = tpu.memref_squeeze %dma_wait3A_301 : memref<1x80xi32, #tpu.memory_space<vmem>> -> memref<80xi32, #tpu.memory_space<vmem>>
      %dma_wait3A_303 = arith.constant 0 : i32
      %dma_wait3A_304 = arith.constant 0 : i32
      %dma_wait3A_305 = tpu.memref_slice %arg4[%dma_wait3A_303, %dma_wait3A_304] : memref<10000x128xf32, #tpu.memory_space<hbm>> -> memref<10000x128xf32, #tpu.memory_space<hbm>>
      tpu.wait_indirect_dma semaphore(%arg21 : memref<!tpu.dma_semaphore, #tpu.memory_space<semaphore_mem>>) src(%dma_wait3A_305 : memref<10000x128xf32, #tpu.memory_space<hbm>>) dst(%dma_wait3A_299 : memref<80x128xf32, #tpu.memory_space<vmem>>)
      %dma_wait3A_306 = arith.constant 1 : i32
      %dma_wait3A_307 = arith.constant 1 : i32
      %dma_wait3A_308 = arith.constant 0 : i32
      %dma_wait3A_309 = arith.constant 0 : i32
      %dma_wait3A_310 = tpu.memref_slice %arg11[%dma_wait3A_307, %dma_wait3A_308, %dma_wait3A_309] : memref<2x80x16xf32, #tpu.memory_space<vmem>> -> memref<1x80x16xf32, #tpu.memory_space<vmem>>
      %dma_wait3A_311 = tpu.memref_squeeze %dma_wait3A_310 : memref<1x80x16xf32, #tpu.memory_space<vmem>> -> memref<80x16xf32, #tpu.memory_space<vmem>>
      %dma_wait3A_312 = arith.constant 0 : i32
      %dma_wait3A_313 = tpu.memref_slice %arg14[%dma_wait3A_306, %dma_wait3A_312] : memref<2x80xi32, #tpu.memory_space<vmem>> -> memref<1x80xi32, #tpu.memory_space<vmem>>
      %dma_wait3A_314 = tpu.memref_squeeze %dma_wait3A_313 : memref<1x80xi32, #tpu.memory_space<vmem>> -> memref<80xi32, #tpu.memory_space<vmem>>
      %dma_wait3A_315 = arith.constant 0 : i32
      %dma_wait3A_316 = arith.constant 0 : i32
      %dma_wait3A_317 = tpu.memref_slice %arg5[%dma_wait3A_315, %dma_wait3A_316] : memref<10000x16xf32, #tpu.memory_space<hbm>> -> memref<10000x16xf32, #tpu.memory_space<hbm>>
      tpu.wait_indirect_dma semaphore(%arg21 : memref<!tpu.dma_semaphore, #tpu.memory_space<semaphore_mem>>) src(%dma_wait3A_317 : memref<10000x16xf32, #tpu.memory_space<hbm>>) dst(%dma_wait3A_311 : memref<80x16xf32, #tpu.memory_space<vmem>>)
      %dma_wait3A_318 = arith.constant 1 : i32
      %dma_wait3A_319 = arith.constant 1 : i32
      %dma_wait3A_320 = arith.constant 0 : i32
      %dma_wait3A_321 = arith.constant 0 : i32
      %dma_wait3A_322 = tpu.memref_slice %arg12[%dma_wait3A_319, %dma_wait3A_320, %dma_wait3A_321] : memref<2x80x16xf32, #tpu.memory_space<vmem>> -> memref<1x80x16xf32, #tpu.memory_space<vmem>>
      %dma_wait3A_323 = tpu.memref_squeeze %dma_wait3A_322 : memref<1x80x16xf32, #tpu.memory_space<vmem>> -> memref<80x16xf32, #tpu.memory_space<vmem>>
      %dma_wait3A_324 = arith.constant 0 : i32
      %dma_wait3A_325 = tpu.memref_slice %arg15[%dma_wait3A_318, %dma_wait3A_324] : memref<2x80xi32, #tpu.memory_space<vmem>> -> memref<1x80xi32, #tpu.memory_space<vmem>>
      %dma_wait3A_326 = tpu.memref_squeeze %dma_wait3A_325 : memref<1x80xi32, #tpu.memory_space<vmem>> -> memref<80xi32, #tpu.memory_space<vmem>>
      %dma_wait3A_327 = arith.constant 0 : i32
      %dma_wait3A_328 = arith.constant 0 : i32
      %dma_wait3A_329 = tpu.memref_slice %arg5[%dma_wait3A_327, %dma_wait3A_328] : memref<10000x16xf32, #tpu.memory_space<hbm>> -> memref<10000x16xf32, #tpu.memory_space<hbm>>
      tpu.wait_indirect_dma semaphore(%arg21 : memref<!tpu.dma_semaphore, #tpu.memory_space<semaphore_mem>>) src(%dma_wait3A_329 : memref<10000x16xf32, #tpu.memory_space<hbm>>) dst(%dma_wait3A_323 : memref<80x16xf32, #tpu.memory_space<vmem>>)
      %scan3A_330 = arith.constant 0 : i32
      %scan3A_331 = arith.constant 0 : i32
      %scan3A_332 = arith.constant 5 : i32
      %scan3A_333 = arith.addi %scan3A_331, %scan3A_332 : i32
      %scan3A_334 = arith.constant 1 : i32
      %scan3A_335 = scf.for %scan3A_369 = %scan3A_331 to %scan3A_333 step %scan3A_334 iter_args(%scan3A_370 = %scan3A_330) -> (i32)  : i32 {
        %mul3A_371 = arith.constant 16 : i32
        %mul3A_372 = arith.muli %scan3A_369, %mul3A_371 : i32
        %add3A_373 = vector.broadcast %mul3A_372 : i32 to vector<16xi32>
        %add3A_374 = arith.addi %add3A_373, %iota3A : vector<16xi32>
        %broadcast_in_dim3A = arith.constant 0 : i32
        %broadcast_in_dim3A_375 = vector.broadcast %broadcast_in_dim3A : i32 to vector<16xi32>
        %gather3A = arith.constant 1 : i32
        %gather3A_376 = arith.constant 0 : i32
        %gather3A_377 = arith.constant 0 : i32
        %gather3A_378 = tpu.memref_slice %arg11[%gather3A, %gather3A_376, %gather3A_377] : memref<2x80x16xf32, #tpu.memory_space<vmem>> -> memref<1x80x16xf32, #tpu.memory_space<vmem>>
        %gather3A_379 = tpu.memref_squeeze %gather3A_378 : memref<1x80x16xf32, #tpu.memory_space<vmem>> -> memref<80x16xf32, #tpu.memory_space<vmem>>
        %gather3A_380 = tpu.vector_load_idx %gather3A_379[%add3A_374, %broadcast_in_dim3A_375] : memref<80x16xf32, #tpu.memory_space<vmem>>[vector<16xi32>, vector<16xi32>], vector<16xf32>,
        %add3A_381 = arith.constant 4 : i32
        %add3A_382 = vector.broadcast %add3A_381 : i32 to vector<16xi32>
        %add3A_383 = arith.addi %broadcast_in_dim3A_375, %add3A_382 : vector<16xi32>
        %gather3A_384 = arith.constant 1 : i32
        %gather3A_385 = arith.constant 0 : i32
        %gather3A_386 = arith.constant 0 : i32
        %gather3A_387 = tpu.memref_slice %arg12[%gather3A_384, %gather3A_385, %gather3A_386] : memref<2x80x16xf32, #tpu.memory_space<vmem>> -> memref<1x80x16xf32, #tpu.memory_space<vmem>>
        %gather3A_388 = tpu.memref_squeeze %gather3A_387 : memref<1x80x16xf32, #tpu.memory_space<vmem>> -> memref<80x16xf32, #tpu.memory_space<vmem>>
        %gather3A_389 = tpu.vector_load_idx %gather3A_388[%add3A_374, %add3A_383] : memref<80x16xf32, #tpu.memory_space<vmem>>[vector<16xi32>, vector<16xi32>], vector<16xf32>,
        %add3A_390 = arith.addf %gather3A_380, %gather3A_389 : vector<16xf32>
        %ge3A = arith.constant 0.000000e+00 : f32
        %ge3A_391 = vector.broadcast %ge3A : f32 to vector<16xf32>
        %ge3A_392 = arith.cmpf oge, %add3A_390, %ge3A_391 : vector<16xf32>
        %mul3A_393 = arith.constant 2.000000e-01 : f32
        %mul3A_394 = vector.broadcast %mul3A_393 : f32 to vector<16xf32>
        %mul3A_395 = arith.mulf %mul3A_394, %add3A_390 : vector<16xf32>
        %select_n3A = arith.select %ge3A_392, %add3A_390, %mul3A_395 : vector<16xi1>, vector<16xf32>
        %sub3A = vector.broadcast %squeeze3A : f32 to vector<16xf32>
        %sub3A_396 = arith.subf %select_n3A, %sub3A : vector<16xf32>
        %exp3A = math.exp %sub3A_396 : vector<16xf32>
        %scatter3A = arith.constant 1 : i32
        %scatter3A_397 = arith.constant 0 : i32
        %scatter3A_398 = arith.constant 0 : i32
        %scatter3A_399 = tpu.memref_slice %arg17[%scatter3A, %scatter3A_397, %scatter3A_398] : memref<2x80x16xf32, #tpu.memory_space<vmem>> -> memref<1x80x16xf32, #tpu.memory_space<vmem>>
        %scatter3A_400 = tpu.memref_squeeze %scatter3A_399 : memref<1x80x16xf32, #tpu.memory_space<vmem>> -> memref<80x16xf32, #tpu.memory_space<vmem>>
        tpu.vector_store_idx %scatter3A_400[%add3A_374, %broadcast_in_dim3A_375], %exp3A : memref<80x16xf32, #tpu.memory_space<vmem>>[vector<16xi32>, vector<16xi32>], vector<16xf32>,
        %broadcast_in_dim3A_401 = arith.constant 1 : i32
        %broadcast_in_dim3A_402 = vector.broadcast %broadcast_in_dim3A_401 : i32 to vector<16xi32>
        %gather3A_403 = arith.constant 1 : i32
        %gather3A_404 = arith.constant 0 : i32
        %gather3A_405 = arith.constant 0 : i32
        %gather3A_406 = tpu.memref_slice %arg11[%gather3A_403, %gather3A_404, %gather3A_405] : memref<2x80x16xf32, #tpu.memory_space<vmem>> -> memref<1x80x16xf32, #tpu.memory_space<vmem>>
        %gather3A_407 = tpu.memref_squeeze %gather3A_406 : memref<1x80x16xf32, #tpu.memory_space<vmem>> -> memref<80x16xf32, #tpu.memory_space<vmem>>
        %gather3A_408 = tpu.vector_load_idx %gather3A_407[%add3A_374, %broadcast_in_dim3A_402] : memref<80x16xf32, #tpu.memory_space<vmem>>[vector<16xi32>, vector<16xi32>], vector<16xf32>,
        %add3A_409 = arith.constant 4 : i32
        %add3A_410 = vector.broadcast %add3A_409 : i32 to vector<16xi32>
        %add3A_411 = arith.addi %broadcast_in_dim3A_402, %add3A_410 : vector<16xi32>
        %gather3A_412 = arith.constant 1 : i32
        %gather3A_413 = arith.constant 0 : i32
        %gather3A_414 = arith.constant 0 : i32
        %gather3A_415 = tpu.memref_slice %arg12[%gather3A_412, %gather3A_413, %gather3A_414] : memref<2x80x16xf32, #tpu.memory_space<vmem>> -> memref<1x80x16xf32, #tpu.memory_space<vmem>>
        %gather3A_416 = tpu.memref_squeeze %gather3A_415 : memref<1x80x16xf32, #tpu.memory_space<vmem>> -> memref<80x16xf32, #tpu.memory_space<vmem>>
        %gather3A_417 = tpu.vector_load_idx %gather3A_416[%add3A_374, %add3A_411] : memref<80x16xf32, #tpu.memory_space<vmem>>[vector<16xi32>, vector<16xi32>], vector<16xf32>,
        %add3A_418 = arith.addf %gather3A_408, %gather3A_417 : vector<16xf32>
        %ge3A_419 = arith.constant 0.000000e+00 : f32
        %ge3A_420 = vector.broadcast %ge3A_419 : f32 to vector<16xf32>
        %ge3A_421 = arith.cmpf oge, %add3A_418, %ge3A_420 : vector<16xf32>
        %mul3A_422 = arith.constant 2.000000e-01 : f32
        %mul3A_423 = vector.broadcast %mul3A_422 : f32 to vector<16xf32>
        %mul3A_424 = arith.mulf %mul3A_423, %add3A_418 : vector<16xf32>
        %select_n3A_425 = arith.select %ge3A_421, %add3A_418, %mul3A_424 : vector<16xi1>, vector<16xf32>
        %sub3A_426 = vector.broadcast %squeeze3A_21 : f32 to vector<16xf32>
        %sub3A_427 = arith.subf %select_n3A_425, %sub3A_426 : vector<16xf32>
        %exp3A_428 = math.exp %sub3A_427 : vector<16xf32>
        %scatter3A_429 = arith.constant 1 : i32
        %scatter3A_430 = arith.constant 0 : i32
        %scatter3A_431 = arith.constant 0 : i32
        %scatter3A_432 = tpu.memref_slice %arg17[%scatter3A_429, %scatter3A_430, %scatter3A_431] : memref<2x80x16xf32, #tpu.memory_space<vmem>> -> memref<1x80x16xf32, #tpu.memory_space<vmem>>
        %scatter3A_433 = tpu.memref_squeeze %scatter3A_432 : memref<1x80x16xf32, #tpu.memory_space<vmem>> -> memref<80x16xf32, #tpu.memory_space<vmem>>
        tpu.vector_store_idx %scatter3A_433[%add3A_374, %broadcast_in_dim3A_402], %exp3A_428 : memref<80x16xf32, #tpu.memory_space<vmem>>[vector<16xi32>, vector<16xi32>], vector<16xf32>,
        %broadcast_in_dim3A_434 = arith.constant 2 : i32
        %broadcast_in_dim3A_435 = vector.broadcast %broadcast_in_dim3A_434 : i32 to vector<16xi32>
        %gather3A_436 = arith.constant 1 : i32
        %gather3A_437 = arith.constant 0 : i32
        %gather3A_438 = arith.constant 0 : i32
        %gather3A_439 = tpu.memref_slice %arg11[%gather3A_436, %gather3A_437, %gather3A_438] : memref<2x80x16xf32, #tpu.memory_space<vmem>> -> memref<1x80x16xf32, #tpu.memory_space<vmem>>
        %gather3A_440 = tpu.memref_squeeze %gather3A_439 : memref<1x80x16xf32, #tpu.memory_space<vmem>> -> memref<80x16xf32, #tpu.memory_space<vmem>>
        %gather3A_441 = tpu.vector_load_idx %gather3A_440[%add3A_374, %broadcast_in_dim3A_435] : memref<80x16xf32, #tpu.memory_space<vmem>>[vector<16xi32>, vector<16xi32>], vector<16xf32>,
        %add3A_442 = arith.constant 4 : i32
        %add3A_443 = vector.broadcast %add3A_442 : i32 to vector<16xi32>
        %add3A_444 = arith.addi %broadcast_in_dim3A_435, %add3A_443 : vector<16xi32>
        %gather3A_445 = arith.constant 1 : i32
        %gather3A_446 = arith.constant 0 : i32
        %gather3A_447 = arith.constant 0 : i32
        %gather3A_448 = tpu.memref_slice %arg12[%gather3A_445, %gather3A_446, %gather3A_447] : memref<2x80x16xf32, #tpu.memory_space<vmem>> -> memref<1x80x16xf32, #tpu.memory_space<vmem>>
        %gather3A_449 = tpu.memref_squeeze %gather3A_448 : memref<1x80x16xf32, #tpu.memory_space<vmem>> -> memref<80x16xf32, #tpu.memory_space<vmem>>
        %gather3A_450 = tpu.vector_load_idx %gather3A_449[%add3A_374, %add3A_444] : memref<80x16xf32, #tpu.memory_space<vmem>>[vector<16xi32>, vector<16xi32>], vector<16xf32>,
        %add3A_451 = arith.addf %gather3A_441, %gather3A_450 : vector<16xf32>
        %ge3A_452 = arith.constant 0.000000e+00 : f32
        %ge3A_453 = vector.broadcast %ge3A_452 : f32 to vector<16xf32>
        %ge3A_454 = arith.cmpf oge, %add3A_451, %ge3A_453 : vector<16xf32>
        %mul3A_455 = arith.constant 2.000000e-01 : f32
        %mul3A_456 = vector.broadcast %mul3A_455 : f32 to vector<16xf32>
        %mul3A_457 = arith.mulf %mul3A_456, %add3A_451 : vector<16xf32>
        %select_n3A_458 = arith.select %ge3A_454, %add3A_451, %mul3A_457 : vector<16xi1>, vector<16xf32>
        %sub3A_459 = vector.broadcast %squeeze3A_23 : f32 to vector<16xf32>
        %sub3A_460 = arith.subf %select_n3A_458, %sub3A_459 : vector<16xf32>
        %exp3A_461 = math.exp %sub3A_460 : vector<16xf32>
        %scatter3A_462 = arith.constant 1 : i32
        %scatter3A_463 = arith.constant 0 : i32
        %scatter3A_464 = arith.constant 0 : i32
        %scatter3A_465 = tpu.memref_slice %arg17[%scatter3A_462, %scatter3A_463, %scatter3A_464] : memref<2x80x16xf32, #tpu.memory_space<vmem>> -> memref<1x80x16xf32, #tpu.memory_space<vmem>>
        %scatter3A_466 = tpu.memref_squeeze %scatter3A_465 : memref<1x80x16xf32, #tpu.memory_space<vmem>> -> memref<80x16xf32, #tpu.memory_space<vmem>>
        tpu.vector_store_idx %scatter3A_466[%add3A_374, %broadcast_in_dim3A_435], %exp3A_461 : memref<80x16xf32, #tpu.memory_space<vmem>>[vector<16xi32>, vector<16xi32>], vector<16xf32>,
        %broadcast_in_dim3A_467 = arith.constant 3 : i32
        %broadcast_in_dim3A_468 = vector.broadcast %broadcast_in_dim3A_467 : i32 to vector<16xi32>
        %gather3A_469 = arith.constant 1 : i32
        %gather3A_470 = arith.constant 0 : i32
        %gather3A_471 = arith.constant 0 : i32
        %gather3A_472 = tpu.memref_slice %arg11[%gather3A_469, %gather3A_470, %gather3A_471] : memref<2x80x16xf32, #tpu.memory_space<vmem>> -> memref<1x80x16xf32, #tpu.memory_space<vmem>>
        %gather3A_473 = tpu.memref_squeeze %gather3A_472 : memref<1x80x16xf32, #tpu.memory_space<vmem>> -> memref<80x16xf32, #tpu.memory_space<vmem>>
        %gather3A_474 = tpu.vector_load_idx %gather3A_473[%add3A_374, %broadcast_in_dim3A_468] : memref<80x16xf32, #tpu.memory_space<vmem>>[vector<16xi32>, vector<16xi32>], vector<16xf32>,
        %add3A_475 = arith.constant 4 : i32
        %add3A_476 = vector.broadcast %add3A_475 : i32 to vector<16xi32>
        %add3A_477 = arith.addi %broadcast_in_dim3A_468, %add3A_476 : vector<16xi32>
        %gather3A_478 = arith.constant 1 : i32
        %gather3A_479 = arith.constant 0 : i32
        %gather3A_480 = arith.constant 0 : i32
        %gather3A_481 = tpu.memref_slice %arg12[%gather3A_478, %gather3A_479, %gather3A_480] : memref<2x80x16xf32, #tpu.memory_space<vmem>> -> memref<1x80x16xf32, #tpu.memory_space<vmem>>
        %gather3A_482 = tpu.memref_squeeze %gather3A_481 : memref<1x80x16xf32, #tpu.memory_space<vmem>> -> memref<80x16xf32, #tpu.memory_space<vmem>>
        %gather3A_483 = tpu.vector_load_idx %gather3A_482[%add3A_374, %add3A_477] : memref<80x16xf32, #tpu.memory_space<vmem>>[vector<16xi32>, vector<16xi32>], vector<16xf32>,
        %add3A_484 = arith.addf %gather3A_474, %gather3A_483 : vector<16xf32>
        %ge3A_485 = arith.constant 0.000000e+00 : f32
        %ge3A_486 = vector.broadcast %ge3A_485 : f32 to vector<16xf32>
        %ge3A_487 = arith.cmpf oge, %add3A_484, %ge3A_486 : vector<16xf32>
        %mul3A_488 = arith.constant 2.000000e-01 : f32
        %mul3A_489 = vector.broadcast %mul3A_488 : f32 to vector<16xf32>
        %mul3A_490 = arith.mulf %mul3A_489, %add3A_484 : vector<16xf32>
        %select_n3A_491 = arith.select %ge3A_487, %add3A_484, %mul3A_490 : vector<16xi1>, vector<16xf32>
        %sub3A_492 = vector.broadcast %squeeze3A_25 : f32 to vector<16xf32>
        %sub3A_493 = arith.subf %select_n3A_491, %sub3A_492 : vector<16xf32>
        %exp3A_494 = math.exp %sub3A_493 : vector<16xf32>
        %scatter3A_495 = arith.constant 1 : i32
        %scatter3A_496 = arith.constant 0 : i32
        %scatter3A_497 = arith.constant 0 : i32
        %scatter3A_498 = tpu.memref_slice %arg17[%scatter3A_495, %scatter3A_496, %scatter3A_497] : memref<2x80x16xf32, #tpu.memory_space<vmem>> -> memref<1x80x16xf32, #tpu.memory_space<vmem>>
        %scatter3A_499 = tpu.memref_squeeze %scatter3A_498 : memref<1x80x16xf32, #tpu.memory_space<vmem>> -> memref<80x16xf32, #tpu.memory_space<vmem>>
        tpu.vector_store_idx %scatter3A_499[%add3A_374, %broadcast_in_dim3A_468], %exp3A_494 : memref<80x16xf32, #tpu.memory_space<vmem>>[vector<16xi32>, vector<16xi32>], vector<16xf32>,
        %scan3A_500 = arith.constant 0 : i32
        scf.yield %scan3A_500 : i32
      }
      %scan3A_336 = arith.constant 5 : i32
      %scan3A_337 = arith.constant 0 : i32
      %scan3A_338 = arith.constant 0 : i32
      %scan3A_339 = arith.constant 80 : i32
      %scan3A_340 = arith.addi %scan3A_338, %scan3A_339 : i32
      %scan3A_341 = arith.constant 1 : i32
      %scan3A_342 = scf.for %scan3A_369 = %scan3A_338 to %scan3A_340 step %scan3A_341 iter_args(%scan3A_370 = %scan3A_337) -> (i32)  : i32 {
        %get3A_371 = arith.constant 1 : i32
        %get3A_372 = arith.index_cast %get3A_371 : i32 to index
        %get3A_373 = arith.index_cast %scan3A_369 : i32 to index
        %get3A_374 = arith.constant 0 : index
        %get3A_375 = tpu.vector_load %arg17[%get3A_372, %get3A_373, %get3A_374] {strides = array<i32>} : memref<2x80x16xf32, #tpu.memory_space<vmem>>, vector<16xf32>,
        %slice3A_376 = vector.extract_strided_slice %get3A_375 {offsets = [0], sizes = [1], strides = [1]} : vector<16xf32> to vector<1xf32>
        %squeeze3A_377 = vector.extract %slice3A_376[0] : f32 from vector<1xf32>
        %get3A_378 = arith.constant 1 : i32
        %get3A_379 = arith.index_cast %get3A_378 : i32 to index
        %get3A_380 = arith.index_cast %scan3A_369 : i32 to index
        %get3A_381 = arith.constant 0 : index
        %get3A_382 = tpu.vector_load %arg16[%get3A_379, %get3A_380, %get3A_381] {strides = array<i32>} : memref<2x80x128xf32, #tpu.memory_space<vmem>>, vector<16xf32>,
        %mul3A_383 = vector.broadcast %squeeze3A_377 : f32 to vector<16xf32>
        %mul3A_384 = arith.mulf %get3A_382, %mul3A_383 : vector<16xf32>
        %swap3A = arith.constant 1 : i32
        %swap3A_385 = arith.index_cast %swap3A : i32 to index
        %swap3A_386 = arith.index_cast %scan3A_369 : i32 to index
        %swap3A_387 = arith.constant 0 : index
        %swap3A_388 = tpu.vector_load %arg16[%swap3A_385, %swap3A_386, %swap3A_387] {strides = array<i32>} : memref<2x80x128xf32, #tpu.memory_space<vmem>>, vector<16xf32>,
        tpu.vector_store %arg16[%swap3A_385, %swap3A_386, %swap3A_387], %mul3A_384 {strides = array<i32>} : memref<2x80x128xf32, #tpu.memory_space<vmem>>, vector<16xf32>,
        %get3A_389 = arith.constant 1 : i32
        %get3A_390 = arith.index_cast %get3A_389 : i32 to index
        %get3A_391 = arith.index_cast %scan3A_369 : i32 to index
        %get3A_392 = arith.constant 16 : index
        %get3A_393 = tpu.vector_load %arg16[%get3A_390, %get3A_391, %get3A_392] {strides = array<i32>} : memref<2x80x128xf32, #tpu.memory_space<vmem>>, vector<16xf32>,
        %mul3A_394 = vector.broadcast %squeeze3A_377 : f32 to vector<16xf32>
        %mul3A_395 = arith.mulf %get3A_393, %mul3A_394 : vector<16xf32>
        %swap3A_396 = arith.constant 1 : i32
        %swap3A_397 = arith.index_cast %swap3A_396 : i32 to index
        %swap3A_398 = arith.index_cast %scan3A_369 : i32 to index
        %swap3A_399 = arith.constant 16 : index
        %swap3A_400 = tpu.vector_load %arg16[%swap3A_397, %swap3A_398, %swap3A_399] {strides = array<i32>} : memref<2x80x128xf32, #tpu.memory_space<vmem>>, vector<16xf32>,
        tpu.vector_store %arg16[%swap3A_397, %swap3A_398, %swap3A_399], %mul3A_395 {strides = array<i32>} : memref<2x80x128xf32, #tpu.memory_space<vmem>>, vector<16xf32>,
        %slice3A_401 = vector.extract_strided_slice %get3A_375 {offsets = [1], sizes = [1], strides = [1]} : vector<16xf32> to vector<1xf32>
        %squeeze3A_402 = vector.extract %slice3A_401[0] : f32 from vector<1xf32>
        %get3A_403 = arith.constant 1 : i32
        %get3A_404 = arith.index_cast %get3A_403 : i32 to index
        %get3A_405 = arith.index_cast %scan3A_369 : i32 to index
        %get3A_406 = arith.constant 32 : index
        %get3A_407 = tpu.vector_load %arg16[%get3A_404, %get3A_405, %get3A_406] {strides = array<i32>} : memref<2x80x128xf32, #tpu.memory_space<vmem>>, vector<16xf32>,
        %mul3A_408 = vector.broadcast %squeeze3A_402 : f32 to vector<16xf32>
        %mul3A_409 = arith.mulf %get3A_407, %mul3A_408 : vector<16xf32>
        %swap3A_410 = arith.constant 1 : i32
        %swap3A_411 = arith.index_cast %swap3A_410 : i32 to index
        %swap3A_412 = arith.index_cast %scan3A_369 : i32 to index
        %swap3A_413 = arith.constant 32 : index
        %swap3A_414 = tpu.vector_load %arg16[%swap3A_411, %swap3A_412, %swap3A_413] {strides = array<i32>} : memref<2x80x128xf32, #tpu.memory_space<vmem>>, vector<16xf32>,
        tpu.vector_store %arg16[%swap3A_411, %swap3A_412, %swap3A_413], %mul3A_409 {strides = array<i32>} : memref<2x80x128xf32, #tpu.memory_space<vmem>>, vector<16xf32>,
        %get3A_415 = arith.constant 1 : i32
        %get3A_416 = arith.index_cast %get3A_415 : i32 to index
        %get3A_417 = arith.index_cast %scan3A_369 : i32 to index
        %get3A_418 = arith.constant 48 : index
        %get3A_419 = tpu.vector_load %arg16[%get3A_416, %get3A_417, %get3A_418] {strides = array<i32>} : memref<2x80x128xf32, #tpu.memory_space<vmem>>, vector<16xf32>,
        %mul3A_420 = vector.broadcast %squeeze3A_402 : f32 to vector<16xf32>
        %mul3A_421 = arith.mulf %get3A_419, %mul3A_420 : vector<16xf32>
        %swap3A_422 = arith.constant 1 : i32
        %swap3A_423 = arith.index_cast %swap3A_422 : i32 to index
        %swap3A_424 = arith.index_cast %scan3A_369 : i32 to index
        %swap3A_425 = arith.constant 48 : index
        %swap3A_426 = tpu.vector_load %arg16[%swap3A_423, %swap3A_424, %swap3A_425] {strides = array<i32>} : memref<2x80x128xf32, #tpu.memory_space<vmem>>, vector<16xf32>,
        tpu.vector_store %arg16[%swap3A_423, %swap3A_424, %swap3A_425], %mul3A_421 {strides = array<i32>} : memref<2x80x128xf32, #tpu.memory_space<vmem>>, vector<16xf32>,
        %slice3A_427 = vector.extract_strided_slice %get3A_375 {offsets = [2], sizes = [1], strides = [1]} : vector<16xf32> to vector<1xf32>
        %squeeze3A_428 = vector.extract %slice3A_427[0] : f32 from vector<1xf32>
        %get3A_429 = arith.constant 1 : i32
        %get3A_430 = arith.index_cast %get3A_429 : i32 to index
        %get3A_431 = arith.index_cast %scan3A_369 : i32 to index
        %get3A_432 = arith.constant 64 : index
        %get3A_433 = tpu.vector_load %arg16[%get3A_430, %get3A_431, %get3A_432] {strides = array<i32>} : memref<2x80x128xf32, #tpu.memory_space<vmem>>, vector<16xf32>,
        %mul3A_434 = vector.broadcast %squeeze3A_428 : f32 to vector<16xf32>
        %mul3A_435 = arith.mulf %get3A_433, %mul3A_434 : vector<16xf32>
        %swap3A_436 = arith.constant 1 : i32
        %swap3A_437 = arith.index_cast %swap3A_436 : i32 to index
        %swap3A_438 = arith.index_cast %scan3A_369 : i32 to index
        %swap3A_439 = arith.constant 64 : index
        %swap3A_440 = tpu.vector_load %arg16[%swap3A_437, %swap3A_438, %swap3A_439] {strides = array<i32>} : memref<2x80x128xf32, #tpu.memory_space<vmem>>, vector<16xf32>,
        tpu.vector_store %arg16[%swap3A_437, %swap3A_438, %swap3A_439], %mul3A_435 {strides = array<i32>} : memref<2x80x128xf32, #tpu.memory_space<vmem>>, vector<16xf32>,
        %get3A_441 = arith.constant 1 : i32
        %get3A_442 = arith.index_cast %get3A_441 : i32 to index
        %get3A_443 = arith.index_cast %scan3A_369 : i32 to index
        %get3A_444 = arith.constant 80 : index
        %get3A_445 = tpu.vector_load %arg16[%get3A_442, %get3A_443, %get3A_444] {strides = array<i32>} : memref<2x80x128xf32, #tpu.memory_space<vmem>>, vector<16xf32>,
        %mul3A_446 = vector.broadcast %squeeze3A_428 : f32 to vector<16xf32>
        %mul3A_447 = arith.mulf %get3A_445, %mul3A_446 : vector<16xf32>
        %swap3A_448 = arith.constant 1 : i32
        %swap3A_449 = arith.index_cast %swap3A_448 : i32 to index
        %swap3A_450 = arith.index_cast %scan3A_369 : i32 to index
        %swap3A_451 = arith.constant 80 : index
        %swap3A_452 = tpu.vector_load %arg16[%swap3A_449, %swap3A_450, %swap3A_451] {strides = array<i32>} : memref<2x80x128xf32, #tpu.memory_space<vmem>>, vector<16xf32>,
        tpu.vector_store %arg16[%swap3A_449, %swap3A_450, %swap3A_451], %mul3A_447 {strides = array<i32>} : memref<2x80x128xf32, #tpu.memory_space<vmem>>, vector<16xf32>,
        %slice3A_453 = vector.extract_strided_slice %get3A_375 {offsets = [3], sizes = [1], strides = [1]} : vector<16xf32> to vector<1xf32>
        %squeeze3A_454 = vector.extract %slice3A_453[0] : f32 from vector<1xf32>
        %get3A_455 = arith.constant 1 : i32
        %get3A_456 = arith.index_cast %get3A_455 : i32 to index
        %get3A_457 = arith.index_cast %scan3A_369 : i32 to index
        %get3A_458 = arith.constant 96 : index
        %get3A_459 = tpu.vector_load %arg16[%get3A_456, %get3A_457, %get3A_458] {strides = array<i32>} : memref<2x80x128xf32, #tpu.memory_space<vmem>>, vector<16xf32>,
        %mul3A_460 = vector.broadcast %squeeze3A_454 : f32 to vector<16xf32>
        %mul3A_461 = arith.mulf %get3A_459, %mul3A_460 : vector<16xf32>
        %swap3A_462 = arith.constant 1 : i32
        %swap3A_463 = arith.index_cast %swap3A_462 : i32 to index
        %swap3A_464 = arith.index_cast %scan3A_369 : i32 to index
        %swap3A_465 = arith.constant 96 : index
        %swap3A_466 = tpu.vector_load %arg16[%swap3A_463, %swap3A_464, %swap3A_465] {strides = array<i32>} : memref<2x80x128xf32, #tpu.memory_space<vmem>>, vector<16xf32>,
        tpu.vector_store %arg16[%swap3A_463, %swap3A_464, %swap3A_465], %mul3A_461 {strides = array<i32>} : memref<2x80x128xf32, #tpu.memory_space<vmem>>, vector<16xf32>,
        %get3A_467 = arith.constant 1 : i32
        %get3A_468 = arith.index_cast %get3A_467 : i32 to index
        %get3A_469 = arith.index_cast %scan3A_369 : i32 to index
        %get3A_470 = arith.constant 112 : index
        %get3A_471 = tpu.vector_load %arg16[%get3A_468, %get3A_469, %get3A_470] {strides = array<i32>} : memref<2x80x128xf32, #tpu.memory_space<vmem>>, vector<16xf32>,
        %mul3A_472 = vector.broadcast %squeeze3A_454 : f32 to vector<16xf32>
        %mul3A_473 = arith.mulf %get3A_471, %mul3A_472 : vector<16xf32>
        %swap3A_474 = arith.constant 1 : i32
        %swap3A_475 = arith.index_cast %swap3A_474 : i32 to index
        %swap3A_476 = arith.index_cast %scan3A_369 : i32 to index
        %swap3A_477 = arith.constant 112 : index
        %swap3A_478 = tpu.vector_load %arg16[%swap3A_475, %swap3A_476, %swap3A_477] {strides = array<i32>} : memref<2x80x128xf32, #tpu.memory_space<vmem>>, vector<16xf32>,
        tpu.vector_store %arg16[%swap3A_475, %swap3A_476, %swap3A_477], %mul3A_473 {strides = array<i32>} : memref<2x80x128xf32, #tpu.memory_space<vmem>>, vector<16xf32>,
        %scan3A_479 = arith.constant 0 : i32
        scf.yield %scan3A_479 : i32
      }
      %scan3A_343 = arith.constant 80 : i32
      %dma_start3A_344 = arith.constant 1 : i32
      %dma_start3A_345 = arith.constant 1 : i32
      %dma_start3A_346 = arith.constant 0 : i32
      %dma_start3A_347 = arith.constant 0 : i32
      %dma_start3A_348 = tpu.memref_slice %arg16[%dma_start3A_344, %dma_start3A_346, %dma_start3A_347] : memref<2x80x128xf32, #tpu.memory_space<vmem>> -> memref<1x80x128xf32, #tpu.memory_space<vmem>>
      %dma_start3A_349 = tpu.memref_squeeze %dma_start3A_348 : memref<1x80x128xf32, #tpu.memory_space<vmem>> -> memref<80x128xf32, #tpu.memory_space<vmem>>
      %dma_start3A_350 = arith.constant 0 : i32
      %dma_start3A_351 = tpu.memref_slice %arg15[%dma_start3A_345, %dma_start3A_350] : memref<2x80xi32, #tpu.memory_space<vmem>> -> memref<1x80xi32, #tpu.memory_space<vmem>>
      %dma_start3A_352 = tpu.memref_squeeze %dma_start3A_351 : memref<1x80xi32, #tpu.memory_space<vmem>> -> memref<80xi32, #tpu.memory_space<vmem>>
      %dma_start3A_353 = arith.constant 0 : i32
      %dma_start3A_354 = arith.constant 0 : i32
      %dma_start3A_355 = tpu.memref_slice %arg18[%dma_start3A_353, %dma_start3A_354] : memref<10000x128xf32, #tpu.memory_space<vmem_shared>> -> memref<10000x128xf32, #tpu.memory_space<vmem_shared>>
      tpu.enqueue_indirect_dma source(%dma_start3A_349 : memref<80x128xf32, #tpu.memory_space<vmem>>) target(%dma_start3A_355 : memref<10000x128xf32, #tpu.memory_space<vmem_shared>>) offsets(%dma_start3A_352 : memref<80xi32, #tpu.memory_space<vmem>>) semaphore(%arg23 : memref<!tpu.dma_semaphore, #tpu.memory_space<semaphore_mem>>) {add = true}
      %dma_start3A_356 = arith.constant 1 : i32
      %dma_start3A_357 = arith.constant 1 : i32
      %dma_start3A_358 = arith.constant 0 : i32
      %dma_start3A_359 = arith.constant 0 : i32
      %dma_start3A_360 = tpu.memref_slice %arg17[%dma_start3A_356, %dma_start3A_358, %dma_start3A_359] : memref<2x80x16xf32, #tpu.memory_space<vmem>> -> memref<1x80x16xf32, #tpu.memory_space<vmem>>
      %dma_start3A_361 = tpu.memref_squeeze %dma_start3A_360 : memref<1x80x16xf32, #tpu.memory_space<vmem>> -> memref<80x16xf32, #tpu.memory_space<vmem>>
      %dma_start3A_362 = arith.constant 0 : i32
      %dma_start3A_363 = tpu.memref_slice %arg15[%dma_start3A_357, %dma_start3A_362] : memref<2x80xi32, #tpu.memory_space<vmem>> -> memref<1x80xi32, #tpu.memory_space<vmem>>
      %dma_start3A_364 = tpu.memref_squeeze %dma_start3A_363 : memref<1x80xi32, #tpu.memory_space<vmem>> -> memref<80xi32, #tpu.memory_space<vmem>>
      %dma_start3A_365 = arith.constant 0 : i32
      %dma_start3A_366 = arith.constant 0 : i32
      %dma_start3A_367 = tpu.memref_slice %arg19[%dma_start3A_365, %dma_start3A_366] : memref<10000x16xf32, #tpu.memory_space<vmem_shared>> -> memref<10000x16xf32, #tpu.memory_space<vmem_shared>>
      tpu.enqueue_indirect_dma source(%dma_start3A_361 : memref<80x16xf32, #tpu.memory_space<vmem>>) target(%dma_start3A_367 : memref<10000x16xf32, #tpu.memory_space<vmem_shared>>) offsets(%dma_start3A_364 : memref<80xi32, #tpu.memory_space<vmem>>) semaphore(%arg23 : memref<!tpu.dma_semaphore, #tpu.memory_space<semaphore_mem>>) {add = true}
      %scan3A_368 = arith.constant 0 : i32
      scf.yield %scan3A_368 : i32
    }
    %scan3A_70 = arith.constant 62 : i32
    %dma_wait3A = arith.constant 0 : i32
    %dma_wait3A_71 = arith.constant 0 : i32
    %dma_wait3A_72 = arith.constant 0 : i32
    %dma_wait3A_73 = arith.constant 0 : i32
    %dma_wait3A_74 = tpu.memref_slice %arg16[%dma_wait3A_71, %dma_wait3A_72, %dma_wait3A_73] : memref<2x80x128xf32, #tpu.memory_space<vmem>> -> memref<1x80x128xf32, #tpu.memory_space<vmem>>
    %dma_wait3A_75 = tpu.memref_squeeze %dma_wait3A_74 : memref<1x80x128xf32, #tpu.memory_space<vmem>> -> memref<80x128xf32, #tpu.memory_space<vmem>>
    %dma_wait3A_76 = arith.constant 0 : i32
    %dma_wait3A_77 = tpu.memref_slice %arg14[%dma_wait3A, %dma_wait3A_76] : memref<2x80xi32, #tpu.memory_space<vmem>> -> memref<1x80xi32, #tpu.memory_space<vmem>>
    %dma_wait3A_78 = tpu.memref_squeeze %dma_wait3A_77 : memref<1x80xi32, #tpu.memory_space<vmem>> -> memref<80xi32, #tpu.memory_space<vmem>>
    %dma_wait3A_79 = arith.constant 0 : i32
    %dma_wait3A_80 = arith.constant 0 : i32
    %dma_wait3A_81 = tpu.memref_slice %arg4[%dma_wait3A_79, %dma_wait3A_80] : memref<10000x128xf32, #tpu.memory_space<hbm>> -> memref<10000x128xf32, #tpu.memory_space<hbm>>
    tpu.wait_indirect_dma semaphore(%arg20 : memref<!tpu.dma_semaphore, #tpu.memory_space<semaphore_mem>>) src(%dma_wait3A_81 : memref<10000x128xf32, #tpu.memory_space<hbm>>) dst(%dma_wait3A_75 : memref<80x128xf32, #tpu.memory_space<vmem>>)
    %dma_wait3A_82 = arith.constant 0 : i32
    %dma_wait3A_83 = arith.constant 0 : i32
    %dma_wait3A_84 = arith.constant 0 : i32
    %dma_wait3A_85 = arith.constant 0 : i32
    %dma_wait3A_86 = tpu.memref_slice %arg11[%dma_wait3A_83, %dma_wait3A_84, %dma_wait3A_85] : memref<2x80x16xf32, #tpu.memory_space<vmem>> -> memref<1x80x16xf32, #tpu.memory_space<vmem>>
    %dma_wait3A_87 = tpu.memref_squeeze %dma_wait3A_86 : memref<1x80x16xf32, #tpu.memory_space<vmem>> -> memref<80x16xf32, #tpu.memory_space<vmem>>
    %dma_wait3A_88 = arith.constant 0 : i32
    %dma_wait3A_89 = tpu.memref_slice %arg14[%dma_wait3A_82, %dma_wait3A_88] : memref<2x80xi32, #tpu.memory_space<vmem>> -> memref<1x80xi32, #tpu.memory_space<vmem>>
    %dma_wait3A_90 = tpu.memref_squeeze %dma_wait3A_89 : memref<1x80xi32, #tpu.memory_space<vmem>> -> memref<80xi32, #tpu.memory_space<vmem>>
    %dma_wait3A_91 = arith.constant 0 : i32
    %dma_wait3A_92 = arith.constant 0 : i32
    %dma_wait3A_93 = tpu.memref_slice %arg5[%dma_wait3A_91, %dma_wait3A_92] : memref<10000x16xf32, #tpu.memory_space<hbm>> -> memref<10000x16xf32, #tpu.memory_space<hbm>>
    tpu.wait_indirect_dma semaphore(%arg20 : memref<!tpu.dma_semaphore, #tpu.memory_space<semaphore_mem>>) src(%dma_wait3A_93 : memref<10000x16xf32, #tpu.memory_space<hbm>>) dst(%dma_wait3A_87 : memref<80x16xf32, #tpu.memory_space<vmem>>)
    %dma_wait3A_94 = arith.constant 0 : i32
    %dma_wait3A_95 = arith.constant 0 : i32
    %dma_wait3A_96 = arith.constant 0 : i32
    %dma_wait3A_97 = arith.constant 0 : i32
    %dma_wait3A_98 = tpu.memref_slice %arg12[%dma_wait3A_95, %dma_wait3A_96, %dma_wait3A_97] : memref<2x80x16xf32, #tpu.memory_space<vmem>> -> memref<1x80x16xf32, #tpu.memory_space<vmem>>
    %dma_wait3A_99 = tpu.memref_squeeze %dma_wait3A_98 : memref<1x80x16xf32, #tpu.memory_space<vmem>> -> memref<80x16xf32, #tpu.memory_space<vmem>>
    %dma_wait3A_100 = arith.constant 0 : i32
    %dma_wait3A_101 = tpu.memref_slice %arg15[%dma_wait3A_94, %dma_wait3A_100] : memref<2x80xi32, #tpu.memory_space<vmem>> -> memref<1x80xi32, #tpu.memory_space<vmem>>
    %dma_wait3A_102 = tpu.memref_squeeze %dma_wait3A_101 : memref<1x80xi32, #tpu.memory_space<vmem>> -> memref<80xi32, #tpu.memory_space<vmem>>
    %dma_wait3A_103 = arith.constant 0 : i32
    %dma_wait3A_104 = arith.constant 0 : i32
    %dma_wait3A_105 = tpu.memref_slice %arg5[%dma_wait3A_103, %dma_wait3A_104] : memref<10000x16xf32, #tpu.memory_space<hbm>> -> memref<10000x16xf32, #tpu.memory_space<hbm>>
    tpu.wait_indirect_dma semaphore(%arg20 : memref<!tpu.dma_semaphore, #tpu.memory_space<semaphore_mem>>) src(%dma_wait3A_105 : memref<10000x16xf32, #tpu.memory_space<hbm>>) dst(%dma_wait3A_99 : memref<80x16xf32, #tpu.memory_space<vmem>>)
    %scan3A_106 = arith.constant 0 : i32
    %scan3A_107 = arith.constant 0 : i32
    %scan3A_108 = arith.constant 5 : i32
    %scan3A_109 = arith.addi %scan3A_107, %scan3A_108 : i32
    %scan3A_110 = arith.constant 1 : i32
    %scan3A_111 = scf.for %scan3A_201 = %scan3A_107 to %scan3A_109 step %scan3A_110 iter_args(%scan3A_202 = %scan3A_106) -> (i32)  : i32 {
      %mul3A_203 = arith.constant 16 : i32
      %mul3A_204 = arith.muli %scan3A_201, %mul3A_203 : i32
      %add3A_205 = vector.broadcast %mul3A_204 : i32 to vector<16xi32>
      %add3A_206 = arith.addi %add3A_205, %iota3A : vector<16xi32>
      %broadcast_in_dim3A = arith.constant 0 : i32
      %broadcast_in_dim3A_207 = vector.broadcast %broadcast_in_dim3A : i32 to vector<16xi32>
      %gather3A = arith.constant 0 : i32
      %gather3A_208 = arith.constant 0 : i32
      %gather3A_209 = arith.constant 0 : i32
      %gather3A_210 = tpu.memref_slice %arg11[%gather3A, %gather3A_208, %gather3A_209] : memref<2x80x16xf32, #tpu.memory_space<vmem>> -> memref<1x80x16xf32, #tpu.memory_space<vmem>>
      %gather3A_211 = tpu.memref_squeeze %gather3A_210 : memref<1x80x16xf32, #tpu.memory_space<vmem>> -> memref<80x16xf32, #tpu.memory_space<vmem>>
      %gather3A_212 = tpu.vector_load_idx %gather3A_211[%add3A_206, %broadcast_in_dim3A_207] : memref<80x16xf32, #tpu.memory_space<vmem>>[vector<16xi32>, vector<16xi32>], vector<16xf32>,
      %add3A_213 = arith.constant 4 : i32
      %add3A_214 = vector.broadcast %add3A_213 : i32 to vector<16xi32>
      %add3A_215 = arith.addi %broadcast_in_dim3A_207, %add3A_214 : vector<16xi32>
      %gather3A_216 = arith.constant 0 : i32
      %gather3A_217 = arith.constant 0 : i32
      %gather3A_218 = arith.constant 0 : i32
      %gather3A_219 = tpu.memref_slice %arg12[%gather3A_216, %gather3A_217, %gather3A_218] : memref<2x80x16xf32, #tpu.memory_space<vmem>> -> memref<1x80x16xf32, #tpu.memory_space<vmem>>
      %gather3A_220 = tpu.memref_squeeze %gather3A_219 : memref<1x80x16xf32, #tpu.memory_space<vmem>> -> memref<80x16xf32, #tpu.memory_space<vmem>>
      %gather3A_221 = tpu.vector_load_idx %gather3A_220[%add3A_206, %add3A_215] : memref<80x16xf32, #tpu.memory_space<vmem>>[vector<16xi32>, vector<16xi32>], vector<16xf32>,
      %add3A_222 = arith.addf %gather3A_212, %gather3A_221 : vector<16xf32>
      %ge3A = arith.constant 0.000000e+00 : f32
      %ge3A_223 = vector.broadcast %ge3A : f32 to vector<16xf32>
      %ge3A_224 = arith.cmpf oge, %add3A_222, %ge3A_223 : vector<16xf32>
      %mul3A_225 = arith.constant 2.000000e-01 : f32
      %mul3A_226 = vector.broadcast %mul3A_225 : f32 to vector<16xf32>
      %mul3A_227 = arith.mulf %mul3A_226, %add3A_222 : vector<16xf32>
      %select_n3A = arith.select %ge3A_224, %add3A_222, %mul3A_227 : vector<16xi1>, vector<16xf32>
      %sub3A = vector.broadcast %squeeze3A : f32 to vector<16xf32>
      %sub3A_228 = arith.subf %select_n3A, %sub3A : vector<16xf32>
      %exp3A = math.exp %sub3A_228 : vector<16xf32>
      %scatter3A = arith.constant 0 : i32
      %scatter3A_229 = arith.constant 0 : i32
      %scatter3A_230 = arith.constant 0 : i32
      %scatter3A_231 = tpu.memref_slice %arg17[%scatter3A, %scatter3A_229, %scatter3A_230] : memref<2x80x16xf32, #tpu.memory_space<vmem>> -> memref<1x80x16xf32, #tpu.memory_space<vmem>>
      %scatter3A_232 = tpu.memref_squeeze %scatter3A_231 : memref<1x80x16xf32, #tpu.memory_space<vmem>> -> memref<80x16xf32, #tpu.memory_space<vmem>>
      tpu.vector_store_idx %scatter3A_232[%add3A_206, %broadcast_in_dim3A_207], %exp3A : memref<80x16xf32, #tpu.memory_space<vmem>>[vector<16xi32>, vector<16xi32>], vector<16xf32>,
      %broadcast_in_dim3A_233 = arith.constant 1 : i32
      %broadcast_in_dim3A_234 = vector.broadcast %broadcast_in_dim3A_233 : i32 to vector<16xi32>
      %gather3A_235 = arith.constant 0 : i32
      %gather3A_236 = arith.constant 0 : i32
      %gather3A_237 = arith.constant 0 : i32
      %gather3A_238 = tpu.memref_slice %arg11[%gather3A_235, %gather3A_236, %gather3A_237] : memref<2x80x16xf32, #tpu.memory_space<vmem>> -> memref<1x80x16xf32, #tpu.memory_space<vmem>>
      %gather3A_239 = tpu.memref_squeeze %gather3A_238 : memref<1x80x16xf32, #tpu.memory_space<vmem>> -> memref<80x16xf32, #tpu.memory_space<vmem>>
      %gather3A_240 = tpu.vector_load_idx %gather3A_239[%add3A_206, %broadcast_in_dim3A_234] : memref<80x16xf32, #tpu.memory_space<vmem>>[vector<16xi32>, vector<16xi32>], vector<16xf32>,
      %add3A_241 = arith.constant 4 : i32
      %add3A_242 = vector.broadcast %add3A_241 : i32 to vector<16xi32>
      %add3A_243 = arith.addi %broadcast_in_dim3A_234, %add3A_242 : vector<16xi32>
      %gather3A_244 = arith.constant 0 : i32
      %gather3A_245 = arith.constant 0 : i32
      %gather3A_246 = arith.constant 0 : i32
      %gather3A_247 = tpu.memref_slice %arg12[%gather3A_244, %gather3A_245, %gather3A_246] : memref<2x80x16xf32, #tpu.memory_space<vmem>> -> memref<1x80x16xf32, #tpu.memory_space<vmem>>
      %gather3A_248 = tpu.memref_squeeze %gather3A_247 : memref<1x80x16xf32, #tpu.memory_space<vmem>> -> memref<80x16xf32, #tpu.memory_space<vmem>>
      %gather3A_249 = tpu.vector_load_idx %gather3A_248[%add3A_206, %add3A_243] : memref<80x16xf32, #tpu.memory_space<vmem>>[vector<16xi32>, vector<16xi32>], vector<16xf32>,
      %add3A_250 = arith.addf %gather3A_240, %gather3A_249 : vector<16xf32>
      %ge3A_251 = arith.constant 0.000000e+00 : f32
      %ge3A_252 = vector.broadcast %ge3A_251 : f32 to vector<16xf32>
      %ge3A_253 = arith.cmpf oge, %add3A_250, %ge3A_252 : vector<16xf32>
      %mul3A_254 = arith.constant 2.000000e-01 : f32
      %mul3A_255 = vector.broadcast %mul3A_254 : f32 to vector<16xf32>
      %mul3A_256 = arith.mulf %mul3A_255, %add3A_250 : vector<16xf32>
      %select_n3A_257 = arith.select %ge3A_253, %add3A_250, %mul3A_256 : vector<16xi1>, vector<16xf32>
      %sub3A_258 = vector.broadcast %squeeze3A_21 : f32 to vector<16xf32>
      %sub3A_259 = arith.subf %select_n3A_257, %sub3A_258 : vector<16xf32>
      %exp3A_260 = math.exp %sub3A_259 : vector<16xf32>
      %scatter3A_261 = arith.constant 0 : i32
      %scatter3A_262 = arith.constant 0 : i32
      %scatter3A_263 = arith.constant 0 : i32
      %scatter3A_264 = tpu.memref_slice %arg17[%scatter3A_261, %scatter3A_262, %scatter3A_263] : memref<2x80x16xf32, #tpu.memory_space<vmem>> -> memref<1x80x16xf32, #tpu.memory_space<vmem>>
      %scatter3A_265 = tpu.memref_squeeze %scatter3A_264 : memref<1x80x16xf32, #tpu.memory_space<vmem>> -> memref<80x16xf32, #tpu.memory_space<vmem>>
      tpu.vector_store_idx %scatter3A_265[%add3A_206, %broadcast_in_dim3A_234], %exp3A_260 : memref<80x16xf32, #tpu.memory_space<vmem>>[vector<16xi32>, vector<16xi32>], vector<16xf32>,
      %broadcast_in_dim3A_266 = arith.constant 2 : i32
      %broadcast_in_dim3A_267 = vector.broadcast %broadcast_in_dim3A_266 : i32 to vector<16xi32>
      %gather3A_268 = arith.constant 0 : i32
      %gather3A_269 = arith.constant 0 : i32
      %gather3A_270 = arith.constant 0 : i32
      %gather3A_271 = tpu.memref_slice %arg11[%gather3A_268, %gather3A_269, %gather3A_270] : memref<2x80x16xf32, #tpu.memory_space<vmem>> -> memref<1x80x16xf32, #tpu.memory_space<vmem>>
      %gather3A_272 = tpu.memref_squeeze %gather3A_271 : memref<1x80x16xf32, #tpu.memory_space<vmem>> -> memref<80x16xf32, #tpu.memory_space<vmem>>
      %gather3A_273 = tpu.vector_load_idx %gather3A_272[%add3A_206, %broadcast_in_dim3A_267] : memref<80x16xf32, #tpu.memory_space<vmem>>[vector<16xi32>, vector<16xi32>], vector<16xf32>,
      %add3A_274 = arith.constant 4 : i32
      %add3A_275 = vector.broadcast %add3A_274 : i32 to vector<16xi32>
      %add3A_276 = arith.addi %broadcast_in_dim3A_267, %add3A_275 : vector<16xi32>
      %gather3A_277 = arith.constant 0 : i32
      %gather3A_278 = arith.constant 0 : i32
      %gather3A_279 = arith.constant 0 : i32
      %gather3A_280 = tpu.memref_slice %arg12[%gather3A_277, %gather3A_278, %gather3A_279] : memref<2x80x16xf32, #tpu.memory_space<vmem>> -> memref<1x80x16xf32, #tpu.memory_space<vmem>>
      %gather3A_281 = tpu.memref_squeeze %gather3A_280 : memref<1x80x16xf32, #tpu.memory_space<vmem>> -> memref<80x16xf32, #tpu.memory_space<vmem>>
      %gather3A_282 = tpu.vector_load_idx %gather3A_281[%add3A_206, %add3A_276] : memref<80x16xf32, #tpu.memory_space<vmem>>[vector<16xi32>, vector<16xi32>], vector<16xf32>,
      %add3A_283 = arith.addf %gather3A_273, %gather3A_282 : vector<16xf32>
      %ge3A_284 = arith.constant 0.000000e+00 : f32
      %ge3A_285 = vector.broadcast %ge3A_284 : f32 to vector<16xf32>
      %ge3A_286 = arith.cmpf oge, %add3A_283, %ge3A_285 : vector<16xf32>
      %mul3A_287 = arith.constant 2.000000e-01 : f32
      %mul3A_288 = vector.broadcast %mul3A_287 : f32 to vector<16xf32>
      %mul3A_289 = arith.mulf %mul3A_288, %add3A_283 : vector<16xf32>
      %select_n3A_290 = arith.select %ge3A_286, %add3A_283, %mul3A_289 : vector<16xi1>, vector<16xf32>
      %sub3A_291 = vector.broadcast %squeeze3A_23 : f32 to vector<16xf32>
      %sub3A_292 = arith.subf %select_n3A_290, %sub3A_291 : vector<16xf32>
      %exp3A_293 = math.exp %sub3A_292 : vector<16xf32>
      %scatter3A_294 = arith.constant 0 : i32
      %scatter3A_295 = arith.constant 0 : i32
      %scatter3A_296 = arith.constant 0 : i32
      %scatter3A_297 = tpu.memref_slice %arg17[%scatter3A_294, %scatter3A_295, %scatter3A_296] : memref<2x80x16xf32, #tpu.memory_space<vmem>> -> memref<1x80x16xf32, #tpu.memory_space<vmem>>
      %scatter3A_298 = tpu.memref_squeeze %scatter3A_297 : memref<1x80x16xf32, #tpu.memory_space<vmem>> -> memref<80x16xf32, #tpu.memory_space<vmem>>
      tpu.vector_store_idx %scatter3A_298[%add3A_206, %broadcast_in_dim3A_267], %exp3A_293 : memref<80x16xf32, #tpu.memory_space<vmem>>[vector<16xi32>, vector<16xi32>], vector<16xf32>,
      %broadcast_in_dim3A_299 = arith.constant 3 : i32
      %broadcast_in_dim3A_300 = vector.broadcast %broadcast_in_dim3A_299 : i32 to vector<16xi32>
      %gather3A_301 = arith.constant 0 : i32
      %gather3A_302 = arith.constant 0 : i32
      %gather3A_303 = arith.constant 0 : i32
      %gather3A_304 = tpu.memref_slice %arg11[%gather3A_301, %gather3A_302, %gather3A_303] : memref<2x80x16xf32, #tpu.memory_space<vmem>> -> memref<1x80x16xf32, #tpu.memory_space<vmem>>
      %gather3A_305 = tpu.memref_squeeze %gather3A_304 : memref<1x80x16xf32, #tpu.memory_space<vmem>> -> memref<80x16xf32, #tpu.memory_space<vmem>>
      %gather3A_306 = tpu.vector_load_idx %gather3A_305[%add3A_206, %broadcast_in_dim3A_300] : memref<80x16xf32, #tpu.memory_space<vmem>>[vector<16xi32>, vector<16xi32>], vector<16xf32>,
      %add3A_307 = arith.constant 4 : i32
      %add3A_308 = vector.broadcast %add3A_307 : i32 to vector<16xi32>
      %add3A_309 = arith.addi %broadcast_in_dim3A_300, %add3A_308 : vector<16xi32>
      %gather3A_310 = arith.constant 0 : i32
      %gather3A_311 = arith.constant 0 : i32
      %gather3A_312 = arith.constant 0 : i32
      %gather3A_313 = tpu.memref_slice %arg12[%gather3A_310, %gather3A_311, %gather3A_312] : memref<2x80x16xf32, #tpu.memory_space<vmem>> -> memref<1x80x16xf32, #tpu.memory_space<vmem>>
      %gather3A_314 = tpu.memref_squeeze %gather3A_313 : memref<1x80x16xf32, #tpu.memory_space<vmem>> -> memref<80x16xf32, #tpu.memory_space<vmem>>
      %gather3A_315 = tpu.vector_load_idx %gather3A_314[%add3A_206, %add3A_309] : memref<80x16xf32, #tpu.memory_space<vmem>>[vector<16xi32>, vector<16xi32>], vector<16xf32>,
      %add3A_316 = arith.addf %gather3A_306, %gather3A_315 : vector<16xf32>
      %ge3A_317 = arith.constant 0.000000e+00 : f32
      %ge3A_318 = vector.broadcast %ge3A_317 : f32 to vector<16xf32>
      %ge3A_319 = arith.cmpf oge, %add3A_316, %ge3A_318 : vector<16xf32>
      %mul3A_320 = arith.constant 2.000000e-01 : f32
      %mul3A_321 = vector.broadcast %mul3A_320 : f32 to vector<16xf32>
      %mul3A_322 = arith.mulf %mul3A_321, %add3A_316 : vector<16xf32>
      %select_n3A_323 = arith.select %ge3A_319, %add3A_316, %mul3A_322 : vector<16xi1>, vector<16xf32>
      %sub3A_324 = vector.broadcast %squeeze3A_25 : f32 to vector<16xf32>
      %sub3A_325 = arith.subf %select_n3A_323, %sub3A_324 : vector<16xf32>
      %exp3A_326 = math.exp %sub3A_325 : vector<16xf32>
      %scatter3A_327 = arith.constant 0 : i32
      %scatter3A_328 = arith.constant 0 : i32
      %scatter3A_329 = arith.constant 0 : i32
      %scatter3A_330 = tpu.memref_slice %arg17[%scatter3A_327, %scatter3A_328, %scatter3A_329] : memref<2x80x16xf32, #tpu.memory_space<vmem>> -> memref<1x80x16xf32, #tpu.memory_space<vmem>>
      %scatter3A_331 = tpu.memref_squeeze %scatter3A_330 : memref<1x80x16xf32, #tpu.memory_space<vmem>> -> memref<80x16xf32, #tpu.memory_space<vmem>>
      tpu.vector_store_idx %scatter3A_331[%add3A_206, %broadcast_in_dim3A_300], %exp3A_326 : memref<80x16xf32, #tpu.memory_space<vmem>>[vector<16xi32>, vector<16xi32>], vector<16xf32>,
      %scan3A_332 = arith.constant 0 : i32
      scf.yield %scan3A_332 : i32
    }
    %scan3A_112 = arith.constant 5 : i32
    %scan3A_113 = arith.constant 0 : i32
    %scan3A_114 = arith.constant 0 : i32
    %scan3A_115 = arith.constant 80 : i32
    %scan3A_116 = arith.addi %scan3A_114, %scan3A_115 : i32
    %scan3A_117 = arith.constant 1 : i32
    %scan3A_118 = scf.for %scan3A_201 = %scan3A_114 to %scan3A_116 step %scan3A_117 iter_args(%scan3A_202 = %scan3A_113) -> (i32)  : i32 {
      %get3A_203 = arith.constant 0 : i32
      %get3A_204 = arith.index_cast %get3A_203 : i32 to index
      %get3A_205 = arith.index_cast %scan3A_201 : i32 to index
      %get3A_206 = arith.constant 0 : index
      %get3A_207 = tpu.vector_load %arg17[%get3A_204, %get3A_205, %get3A_206] {strides = array<i32>} : memref<2x80x16xf32, #tpu.memory_space<vmem>>, vector<16xf32>,
      %slice3A_208 = vector.extract_strided_slice %get3A_207 {offsets = [0], sizes = [1], strides = [1]} : vector<16xf32> to vector<1xf32>
      %squeeze3A_209 = vector.extract %slice3A_208[0] : f32 from vector<1xf32>
      %get3A_210 = arith.constant 0 : i32
      %get3A_211 = arith.index_cast %get3A_210 : i32 to index
      %get3A_212 = arith.index_cast %scan3A_201 : i32 to index
      %get3A_213 = arith.constant 0 : index
      %get3A_214 = tpu.vector_load %arg16[%get3A_211, %get3A_212, %get3A_213] {strides = array<i32>} : memref<2x80x128xf32, #tpu.memory_space<vmem>>, vector<16xf32>,
      %mul3A_215 = vector.broadcast %squeeze3A_209 : f32 to vector<16xf32>
      %mul3A_216 = arith.mulf %get3A_214, %mul3A_215 : vector<16xf32>
      %swap3A = arith.constant 0 : i32
      %swap3A_217 = arith.index_cast %swap3A : i32 to index
      %swap3A_218 = arith.index_cast %scan3A_201 : i32 to index
      %swap3A_219 = arith.constant 0 : index
      %swap3A_220 = tpu.vector_load %arg16[%swap3A_217, %swap3A_218, %swap3A_219] {strides = array<i32>} : memref<2x80x128xf32, #tpu.memory_space<vmem>>, vector<16xf32>,
      tpu.vector_store %arg16[%swap3A_217, %swap3A_218, %swap3A_219], %mul3A_216 {strides = array<i32>} : memref<2x80x128xf32, #tpu.memory_space<vmem>>, vector<16xf32>,
      %get3A_221 = arith.constant 0 : i32
      %get3A_222 = arith.index_cast %get3A_221 : i32 to index
      %get3A_223 = arith.index_cast %scan3A_201 : i32 to index
      %get3A_224 = arith.constant 16 : index
      %get3A_225 = tpu.vector_load %arg16[%get3A_222, %get3A_223, %get3A_224] {strides = array<i32>} : memref<2x80x128xf32, #tpu.memory_space<vmem>>, vector<16xf32>,
      %mul3A_226 = vector.broadcast %squeeze3A_209 : f32 to vector<16xf32>
      %mul3A_227 = arith.mulf %get3A_225, %mul3A_226 : vector<16xf32>
      %swap3A_228 = arith.constant 0 : i32
      %swap3A_229 = arith.index_cast %swap3A_228 : i32 to index
      %swap3A_230 = arith.index_cast %scan3A_201 : i32 to index
      %swap3A_231 = arith.constant 16 : index
      %swap3A_232 = tpu.vector_load %arg16[%swap3A_229, %swap3A_230, %swap3A_231] {strides = array<i32>} : memref<2x80x128xf32, #tpu.memory_space<vmem>>, vector<16xf32>,
      tpu.vector_store %arg16[%swap3A_229, %swap3A_230, %swap3A_231], %mul3A_227 {strides = array<i32>} : memref<2x80x128xf32, #tpu.memory_space<vmem>>, vector<16xf32>,
      %slice3A_233 = vector.extract_strided_slice %get3A_207 {offsets = [1], sizes = [1], strides = [1]} : vector<16xf32> to vector<1xf32>
      %squeeze3A_234 = vector.extract %slice3A_233[0] : f32 from vector<1xf32>
      %get3A_235 = arith.constant 0 : i32
      %get3A_236 = arith.index_cast %get3A_235 : i32 to index
      %get3A_237 = arith.index_cast %scan3A_201 : i32 to index
      %get3A_238 = arith.constant 32 : index
      %get3A_239 = tpu.vector_load %arg16[%get3A_236, %get3A_237, %get3A_238] {strides = array<i32>} : memref<2x80x128xf32, #tpu.memory_space<vmem>>, vector<16xf32>,
      %mul3A_240 = vector.broadcast %squeeze3A_234 : f32 to vector<16xf32>
      %mul3A_241 = arith.mulf %get3A_239, %mul3A_240 : vector<16xf32>
      %swap3A_242 = arith.constant 0 : i32
      %swap3A_243 = arith.index_cast %swap3A_242 : i32 to index
      %swap3A_244 = arith.index_cast %scan3A_201 : i32 to index
      %swap3A_245 = arith.constant 32 : index
      %swap3A_246 = tpu.vector_load %arg16[%swap3A_243, %swap3A_244, %swap3A_245] {strides = array<i32>} : memref<2x80x128xf32, #tpu.memory_space<vmem>>, vector<16xf32>,
      tpu.vector_store %arg16[%swap3A_243, %swap3A_244, %swap3A_245], %mul3A_241 {strides = array<i32>} : memref<2x80x128xf32, #tpu.memory_space<vmem>>, vector<16xf32>,
      %get3A_247 = arith.constant 0 : i32
      %get3A_248 = arith.index_cast %get3A_247 : i32 to index
      %get3A_249 = arith.index_cast %scan3A_201 : i32 to index
      %get3A_250 = arith.constant 48 : index
      %get3A_251 = tpu.vector_load %arg16[%get3A_248, %get3A_249, %get3A_250] {strides = array<i32>} : memref<2x80x128xf32, #tpu.memory_space<vmem>>, vector<16xf32>,
      %mul3A_252 = vector.broadcast %squeeze3A_234 : f32 to vector<16xf32>
      %mul3A_253 = arith.mulf %get3A_251, %mul3A_252 : vector<16xf32>
      %swap3A_254 = arith.constant 0 : i32
      %swap3A_255 = arith.index_cast %swap3A_254 : i32 to index
      %swap3A_256 = arith.index_cast %scan3A_201 : i32 to index
      %swap3A_257 = arith.constant 48 : index
      %swap3A_258 = tpu.vector_load %arg16[%swap3A_255, %swap3A_256, %swap3A_257] {strides = array<i32>} : memref<2x80x128xf32, #tpu.memory_space<vmem>>, vector<16xf32>,
      tpu.vector_store %arg16[%swap3A_255, %swap3A_256, %swap3A_257], %mul3A_253 {strides = array<i32>} : memref<2x80x128xf32, #tpu.memory_space<vmem>>, vector<16xf32>,
      %slice3A_259 = vector.extract_strided_slice %get3A_207 {offsets = [2], sizes = [1], strides = [1]} : vector<16xf32> to vector<1xf32>
      %squeeze3A_260 = vector.extract %slice3A_259[0] : f32 from vector<1xf32>
      %get3A_261 = arith.constant 0 : i32
      %get3A_262 = arith.index_cast %get3A_261 : i32 to index
      %get3A_263 = arith.index_cast %scan3A_201 : i32 to index
      %get3A_264 = arith.constant 64 : index
      %get3A_265 = tpu.vector_load %arg16[%get3A_262, %get3A_263, %get3A_264] {strides = array<i32>} : memref<2x80x128xf32, #tpu.memory_space<vmem>>, vector<16xf32>,
      %mul3A_266 = vector.broadcast %squeeze3A_260 : f32 to vector<16xf32>
      %mul3A_267 = arith.mulf %get3A_265, %mul3A_266 : vector<16xf32>
      %swap3A_268 = arith.constant 0 : i32
      %swap3A_269 = arith.index_cast %swap3A_268 : i32 to index
      %swap3A_270 = arith.index_cast %scan3A_201 : i32 to index
      %swap3A_271 = arith.constant 64 : index
      %swap3A_272 = tpu.vector_load %arg16[%swap3A_269, %swap3A_270, %swap3A_271] {strides = array<i32>} : memref<2x80x128xf32, #tpu.memory_space<vmem>>, vector<16xf32>,
      tpu.vector_store %arg16[%swap3A_269, %swap3A_270, %swap3A_271], %mul3A_267 {strides = array<i32>} : memref<2x80x128xf32, #tpu.memory_space<vmem>>, vector<16xf32>,
      %get3A_273 = arith.constant 0 : i32
      %get3A_274 = arith.index_cast %get3A_273 : i32 to index
      %get3A_275 = arith.index_cast %scan3A_201 : i32 to index
      %get3A_276 = arith.constant 80 : index
      %get3A_277 = tpu.vector_load %arg16[%get3A_274, %get3A_275, %get3A_276] {strides = array<i32>} : memref<2x80x128xf32, #tpu.memory_space<vmem>>, vector<16xf32>,
      %mul3A_278 = vector.broadcast %squeeze3A_260 : f32 to vector<16xf32>
      %mul3A_279 = arith.mulf %get3A_277, %mul3A_278 : vector<16xf32>
      %swap3A_280 = arith.constant 0 : i32
      %swap3A_281 = arith.index_cast %swap3A_280 : i32 to index
      %swap3A_282 = arith.index_cast %scan3A_201 : i32 to index
      %swap3A_283 = arith.constant 80 : index
      %swap3A_284 = tpu.vector_load %arg16[%swap3A_281, %swap3A_282, %swap3A_283] {strides = array<i32>} : memref<2x80x128xf32, #tpu.memory_space<vmem>>, vector<16xf32>,
      tpu.vector_store %arg16[%swap3A_281, %swap3A_282, %swap3A_283], %mul3A_279 {strides = array<i32>} : memref<2x80x128xf32, #tpu.memory_space<vmem>>, vector<16xf32>,
      %slice3A_285 = vector.extract_strided_slice %get3A_207 {offsets = [3], sizes = [1], strides = [1]} : vector<16xf32> to vector<1xf32>
      %squeeze3A_286 = vector.extract %slice3A_285[0] : f32 from vector<1xf32>
      %get3A_287 = arith.constant 0 : i32
      %get3A_288 = arith.index_cast %get3A_287 : i32 to index
      %get3A_289 = arith.index_cast %scan3A_201 : i32 to index
      %get3A_290 = arith.constant 96 : index
      %get3A_291 = tpu.vector_load %arg16[%get3A_288, %get3A_289, %get3A_290] {strides = array<i32>} : memref<2x80x128xf32, #tpu.memory_space<vmem>>, vector<16xf32>,
      %mul3A_292 = vector.broadcast %squeeze3A_286 : f32 to vector<16xf32>
      %mul3A_293 = arith.mulf %get3A_291, %mul3A_292 : vector<16xf32>
      %swap3A_294 = arith.constant 0 : i32
      %swap3A_295 = arith.index_cast %swap3A_294 : i32 to index
      %swap3A_296 = arith.index_cast %scan3A_201 : i32 to index
      %swap3A_297 = arith.constant 96 : index
      %swap3A_298 = tpu.vector_load %arg16[%swap3A_295, %swap3A_296, %swap3A_297] {strides = array<i32>} : memref<2x80x128xf32, #tpu.memory_space<vmem>>, vector<16xf32>,
      tpu.vector_store %arg16[%swap3A_295, %swap3A_296, %swap3A_297], %mul3A_293 {strides = array<i32>} : memref<2x80x128xf32, #tpu.memory_space<vmem>>, vector<16xf32>,
      %get3A_299 = arith.constant 0 : i32
      %get3A_300 = arith.index_cast %get3A_299 : i32 to index
      %get3A_301 = arith.index_cast %scan3A_201 : i32 to index
      %get3A_302 = arith.constant 112 : index
      %get3A_303 = tpu.vector_load %arg16[%get3A_300, %get3A_301, %get3A_302] {strides = array<i32>} : memref<2x80x128xf32, #tpu.memory_space<vmem>>, vector<16xf32>,
      %mul3A_304 = vector.broadcast %squeeze3A_286 : f32 to vector<16xf32>
      %mul3A_305 = arith.mulf %get3A_303, %mul3A_304 : vector<16xf32>
      %swap3A_306 = arith.constant 0 : i32
      %swap3A_307 = arith.index_cast %swap3A_306 : i32 to index
      %swap3A_308 = arith.index_cast %scan3A_201 : i32 to index
      %swap3A_309 = arith.constant 112 : index
      %swap3A_310 = tpu.vector_load %arg16[%swap3A_307, %swap3A_308, %swap3A_309] {strides = array<i32>} : memref<2x80x128xf32, #tpu.memory_space<vmem>>, vector<16xf32>,
      tpu.vector_store %arg16[%swap3A_307, %swap3A_308, %swap3A_309], %mul3A_305 {strides = array<i32>} : memref<2x80x128xf32, #tpu.memory_space<vmem>>, vector<16xf32>,
      %scan3A_311 = arith.constant 0 : i32
      scf.yield %scan3A_311 : i32
    }
    %scan3A_119 = arith.constant 80 : i32
    %dma_start3A_120 = arith.constant 0 : i32
    %dma_start3A_121 = arith.constant 0 : i32
    %dma_start3A_122 = arith.constant 0 : i32
    %dma_start3A_123 = arith.constant 0 : i32
    %dma_start3A_124 = tpu.memref_slice %arg16[%dma_start3A_120, %dma_start3A_122, %dma_start3A_123] : memref<2x80x128xf32, #tpu.memory_space<vmem>> -> memref<1x80x128xf32, #tpu.memory_space<vmem>>
    %dma_start3A_125 = tpu.memref_squeeze %dma_start3A_124 : memref<1x80x128xf32, #tpu.memory_space<vmem>> -> memref<80x128xf32, #tpu.memory_space<vmem>>
    %dma_start3A_126 = arith.constant 0 : i32
    %dma_start3A_127 = tpu.memref_slice %arg15[%dma_start3A_121, %dma_start3A_126] : memref<2x80xi32, #tpu.memory_space<vmem>> -> memref<1x80xi32, #tpu.memory_space<vmem>>
    %dma_start3A_128 = tpu.memref_squeeze %dma_start3A_127 : memref<1x80xi32, #tpu.memory_space<vmem>> -> memref<80xi32, #tpu.memory_space<vmem>>
    %dma_start3A_129 = arith.constant 0 : i32
    %dma_start3A_130 = arith.constant 0 : i32
    %dma_start3A_131 = tpu.memref_slice %arg18[%dma_start3A_129, %dma_start3A_130] : memref<10000x128xf32, #tpu.memory_space<vmem_shared>> -> memref<10000x128xf32, #tpu.memory_space<vmem_shared>>
    tpu.enqueue_indirect_dma source(%dma_start3A_125 : memref<80x128xf32, #tpu.memory_space<vmem>>) target(%dma_start3A_131 : memref<10000x128xf32, #tpu.memory_space<vmem_shared>>) offsets(%dma_start3A_128 : memref<80xi32, #tpu.memory_space<vmem>>) semaphore(%arg22 : memref<!tpu.dma_semaphore, #tpu.memory_space<semaphore_mem>>) {add = true}
    %dma_start3A_132 = arith.constant 0 : i32
    %dma_start3A_133 = arith.constant 0 : i32
    %dma_start3A_134 = arith.constant 0 : i32
    %dma_start3A_135 = arith.constant 0 : i32
    %dma_start3A_136 = tpu.memref_slice %arg17[%dma_start3A_132, %dma_start3A_134, %dma_start3A_135] : memref<2x80x16xf32, #tpu.memory_space<vmem>> -> memref<1x80x16xf32, #tpu.memory_space<vmem>>
    %dma_start3A_137 = tpu.memref_squeeze %dma_start3A_136 : memref<1x80x16xf32, #tpu.memory_space<vmem>> -> memref<80x16xf32, #tpu.memory_space<vmem>>
    %dma_start3A_138 = arith.constant 0 : i32
    %dma_start3A_139 = tpu.memref_slice %arg15[%dma_start3A_133, %dma_start3A_138] : memref<2x80xi32, #tpu.memory_space<vmem>> -> memref<1x80xi32, #tpu.memory_space<vmem>>
    %dma_start3A_140 = tpu.memref_squeeze %dma_start3A_139 : memref<1x80xi32, #tpu.memory_space<vmem>> -> memref<80xi32, #tpu.memory_space<vmem>>
    %dma_start3A_141 = arith.constant 0 : i32
    %dma_start3A_142 = arith.constant 0 : i32
    %dma_start3A_143 = tpu.memref_slice %arg19[%dma_start3A_141, %dma_start3A_142] : memref<10000x16xf32, #tpu.memory_space<vmem_shared>> -> memref<10000x16xf32, #tpu.memory_space<vmem_shared>>
    tpu.enqueue_indirect_dma source(%dma_start3A_137 : memref<80x16xf32, #tpu.memory_space<vmem>>) target(%dma_start3A_143 : memref<10000x16xf32, #tpu.memory_space<vmem_shared>>) offsets(%dma_start3A_140 : memref<80xi32, #tpu.memory_space<vmem>>) semaphore(%arg22 : memref<!tpu.dma_semaphore, #tpu.memory_space<semaphore_mem>>) {add = true}
    %dma_wait3A_144 = arith.constant 1 : i32
    %dma_wait3A_145 = arith.constant 1 : i32
    %dma_wait3A_146 = arith.constant 0 : i32
    %dma_wait3A_147 = arith.constant 0 : i32
    %dma_wait3A_148 = tpu.memref_slice %arg16[%dma_wait3A_144, %dma_wait3A_146, %dma_wait3A_147] : memref<2x80x128xf32, #tpu.memory_space<vmem>> -> memref<1x80x128xf32, #tpu.memory_space<vmem>>
    %dma_wait3A_149 = tpu.memref_squeeze %dma_wait3A_148 : memref<1x80x128xf32, #tpu.memory_space<vmem>> -> memref<80x128xf32, #tpu.memory_space<vmem>>
    %dma_wait3A_150 = arith.constant 0 : i32
    %dma_wait3A_151 = tpu.memref_slice %arg15[%dma_wait3A_145, %dma_wait3A_150] : memref<2x80xi32, #tpu.memory_space<vmem>> -> memref<1x80xi32, #tpu.memory_space<vmem>>
    %dma_wait3A_152 = tpu.memref_squeeze %dma_wait3A_151 : memref<1x80xi32, #tpu.memory_space<vmem>> -> memref<80xi32, #tpu.memory_space<vmem>>
    %dma_wait3A_153 = arith.constant 0 : i32
    %dma_wait3A_154 = arith.constant 0 : i32
    %dma_wait3A_155 = tpu.memref_slice %arg18[%dma_wait3A_153, %dma_wait3A_154] : memref<10000x128xf32, #tpu.memory_space<vmem_shared>> -> memref<10000x128xf32, #tpu.memory_space<vmem_shared>>
    tpu.wait_indirect_dma semaphore(%arg23 : memref<!tpu.dma_semaphore, #tpu.memory_space<semaphore_mem>>) src(%dma_wait3A_149 : memref<80x128xf32, #tpu.memory_space<vmem>>) dst(%dma_wait3A_155 : memref<10000x128xf32, #tpu.memory_space<vmem_shared>>)
    %dma_wait3A_156 = arith.constant 1 : i32
    %dma_wait3A_157 = arith.constant 1 : i32
    %dma_wait3A_158 = arith.constant 0 : i32
    %dma_wait3A_159 = arith.constant 0 : i32
    %dma_wait3A_160 = tpu.memref_slice %arg17[%dma_wait3A_156, %dma_wait3A_158, %dma_wait3A_159] : memref<2x80x16xf32, #tpu.memory_space<vmem>> -> memref<1x80x16xf32, #tpu.memory_space<vmem>>
    %dma_wait3A_161 = tpu.memref_squeeze %dma_wait3A_160 : memref<1x80x16xf32, #tpu.memory_space<vmem>> -> memref<80x16xf32, #tpu.memory_space<vmem>>
    %dma_wait3A_162 = arith.constant 0 : i32
    %dma_wait3A_163 = tpu.memref_slice %arg15[%dma_wait3A_157, %dma_wait3A_162] : memref<2x80xi32, #tpu.memory_space<vmem>> -> memref<1x80xi32, #tpu.memory_space<vmem>>
    %dma_wait3A_164 = tpu.memref_squeeze %dma_wait3A_163 : memref<1x80xi32, #tpu.memory_space<vmem>> -> memref<80xi32, #tpu.memory_space<vmem>>
    %dma_wait3A_165 = arith.constant 0 : i32
    %dma_wait3A_166 = arith.constant 0 : i32
    %dma_wait3A_167 = tpu.memref_slice %arg19[%dma_wait3A_165, %dma_wait3A_166] : memref<10000x16xf32, #tpu.memory_space<vmem_shared>> -> memref<10000x16xf32, #tpu.memory_space<vmem_shared>>
    tpu.wait_indirect_dma semaphore(%arg23 : memref<!tpu.dma_semaphore, #tpu.memory_space<semaphore_mem>>) src(%dma_wait3A_161 : memref<80x16xf32, #tpu.memory_space<vmem>>) dst(%dma_wait3A_167 : memref<10000x16xf32, #tpu.memory_space<vmem_shared>>)
    %dma_wait3A_168 = arith.constant 0 : i32
    %dma_wait3A_169 = arith.constant 0 : i32
    %dma_wait3A_170 = arith.constant 0 : i32
    %dma_wait3A_171 = arith.constant 0 : i32
    %dma_wait3A_172 = tpu.memref_slice %arg16[%dma_wait3A_168, %dma_wait3A_170, %dma_wait3A_171] : memref<2x80x128xf32, #tpu.memory_space<vmem>> -> memref<1x80x128xf32, #tpu.memory_space<vmem>>
    %dma_wait3A_173 = tpu.memref_squeeze %dma_wait3A_172 : memref<1x80x128xf32, #tpu.memory_space<vmem>> -> memref<80x128xf32, #tpu.memory_space<vmem>>
    %dma_wait3A_174 = arith.constant 0 : i32
    %dma_wait3A_175 = tpu.memref_slice %arg15[%dma_wait3A_169, %dma_wait3A_174] : memref<2x80xi32, #tpu.memory_space<vmem>> -> memref<1x80xi32, #tpu.memory_space<vmem>>
    %dma_wait3A_176 = tpu.memref_squeeze %dma_wait3A_175 : memref<1x80xi32, #tpu.memory_space<vmem>> -> memref<80xi32, #tpu.memory_space<vmem>>
    %dma_wait3A_177 = arith.constant 0 : i32
    %dma_wait3A_178 = arith.constant 0 : i32
    %dma_wait3A_179 = tpu.memref_slice %arg18[%dma_wait3A_177, %dma_wait3A_178] : memref<10000x128xf32, #tpu.memory_space<vmem_shared>> -> memref<10000x128xf32, #tpu.memory_space<vmem_shared>>
    tpu.wait_indirect_dma semaphore(%arg22 : memref<!tpu.dma_semaphore, #tpu.memory_space<semaphore_mem>>) src(%dma_wait3A_173 : memref<80x128xf32, #tpu.memory_space<vmem>>) dst(%dma_wait3A_179 : memref<10000x128xf32, #tpu.memory_space<vmem_shared>>)
    %dma_wait3A_180 = arith.constant 0 : i32
    %dma_wait3A_181 = arith.constant 0 : i32
    %dma_wait3A_182 = arith.constant 0 : i32
    %dma_wait3A_183 = arith.constant 0 : i32
    %dma_wait3A_184 = tpu.memref_slice %arg17[%dma_wait3A_180, %dma_wait3A_182, %dma_wait3A_183] : memref<2x80x16xf32, #tpu.memory_space<vmem>> -> memref<1x80x16xf32, #tpu.memory_space<vmem>>
    %dma_wait3A_185 = tpu.memref_squeeze %dma_wait3A_184 : memref<1x80x16xf32, #tpu.memory_space<vmem>> -> memref<80x16xf32, #tpu.memory_space<vmem>>
    %dma_wait3A_186 = arith.constant 0 : i32
    %dma_wait3A_187 = tpu.memref_slice %arg15[%dma_wait3A_181, %dma_wait3A_186] : memref<2x80xi32, #tpu.memory_space<vmem>> -> memref<1x80xi32, #tpu.memory_space<vmem>>
    %dma_wait3A_188 = tpu.memref_squeeze %dma_wait3A_187 : memref<1x80xi32, #tpu.memory_space<vmem>> -> memref<80xi32, #tpu.memory_space<vmem>>
    %dma_wait3A_189 = arith.constant 0 : i32
    %dma_wait3A_190 = arith.constant 0 : i32
    %dma_wait3A_191 = tpu.memref_slice %arg19[%dma_wait3A_189, %dma_wait3A_190] : memref<10000x16xf32, #tpu.memory_space<vmem_shared>> -> memref<10000x16xf32, #tpu.memory_space<vmem_shared>>
    tpu.wait_indirect_dma semaphore(%arg22 : memref<!tpu.dma_semaphore, #tpu.memory_space<semaphore_mem>>) src(%dma_wait3A_185 : memref<80x16xf32, #tpu.memory_space<vmem>>) dst(%dma_wait3A_191 : memref<10000x16xf32, #tpu.memory_space<vmem_shared>>)
    %barrier3A_192 = arith.constant 0 : index
    tpu.barrier barrier_id(%barrier3A_192)
    %mul3A_193 = arith.constant 625 : i32
    %mul3A_194 = arith.muli %arg1, %mul3A_193 : i32
    %mul3A_195 = arith.constant 625 : i32
    %mul3A_196 = arith.muli %arg1, %mul3A_195 : i32
    "tpu.region"() ({
      %run_scoped3A_201 = tpu.sem_alloc : memref<!tpu.dma_semaphore, #tpu.memory_space<semaphore_mem>>
      %dma_start3A_202 = arith.constant 0 : i32
      %dma_start3A_203 = tpu.memref_slice %arg9[%arg0, %mul3A_196, %dma_start3A_202] : memref<2x10000x128xf32, #tpu.memory_space<hbm>> -> memref<1x625x128xf32, #tpu.memory_space<hbm>>
      %dma_start3A_204 = tpu.memref_squeeze %dma_start3A_203 : memref<1x625x128xf32, #tpu.memory_space<hbm>> -> memref<625x128xf32, #tpu.memory_space<hbm>>
      %dma_start3A_205 = arith.constant 0 : i32
      %dma_start3A_206 = tpu.memref_slice %arg18[%mul3A_194, %dma_start3A_205] : memref<10000x128xf32, #tpu.memory_space<vmem_shared>> -> memref<625x128xf32, #tpu.memory_space<vmem_shared>>
      tpu.enqueue_dma source(%dma_start3A_206 : memref<625x128xf32, #tpu.memory_space<vmem_shared>>) target(%dma_start3A_204 : memref<625x128xf32, #tpu.memory_space<hbm>>) target_semaphore(%run_scoped3A_201 : memref<!tpu.dma_semaphore, #tpu.memory_space<semaphore_mem>>)
      %dma_wait3A_207 = arith.constant 0 : i32
      %dma_wait3A_208 = tpu.memref_slice %arg9[%arg0, %mul3A_196, %dma_wait3A_207] : memref<2x10000x128xf32, #tpu.memory_space<hbm>> -> memref<1x625x128xf32, #tpu.memory_space<hbm>>
      %dma_wait3A_209 = tpu.memref_squeeze %dma_wait3A_208 : memref<1x625x128xf32, #tpu.memory_space<hbm>> -> memref<625x128xf32, #tpu.memory_space<hbm>>
      %dma_wait3A_210 = arith.constant 0 : i32
      %dma_wait3A_211 = tpu.memref_slice %arg18[%mul3A_194, %dma_wait3A_210] : memref<10000x128xf32, #tpu.memory_space<vmem_shared>> -> memref<625x128xf32, #tpu.memory_space<vmem_shared>>
      tpu.wait_dma2 semaphore(%run_scoped3A_201 : memref<!tpu.dma_semaphore, #tpu.memory_space<semaphore_mem>>) src(%dma_wait3A_211 : memref<625x128xf32, #tpu.memory_space<vmem_shared>>) dst(%dma_wait3A_209 : memref<625x128xf32, #tpu.memory_space<hbm>>)
      tpu.yield
    }) : () -> ()
    %mul3A_197 = arith.constant 625 : i32
    %mul3A_198 = arith.muli %arg1, %mul3A_197 : i32
    %mul3A_199 = arith.constant 625 : i32
    %mul3A_200 = arith.muli %arg1, %mul3A_199 : i32
    "tpu.region"() ({
      %run_scoped3A_201 = tpu.sem_alloc : memref<!tpu.dma_semaphore, #tpu.memory_space<semaphore_mem>>
      %dma_start3A_202 = arith.constant 0 : i32
      %dma_start3A_203 = tpu.memref_slice %arg10[%arg0, %mul3A_200, %dma_start3A_202] : memref<2x10000x16xf32, #tpu.memory_space<hbm>> -> memref<1x625x16xf32, #tpu.memory_space<hbm>>
      %dma_start3A_204 = tpu.memref_squeeze %dma_start3A_203 : memref<1x625x16xf32, #tpu.memory_space<hbm>> -> memref<625x16xf32, #tpu.memory_space<hbm>>
      %dma_start3A_205 = arith.constant 0 : i32
      %dma_start3A_206 = tpu.memref_slice %arg19[%mul3A_198, %dma_start3A_205] : memref<10000x16xf32, #tpu.memory_space<vmem_shared>> -> memref<625x16xf32, #tpu.memory_space<vmem_shared>>
      tpu.enqueue_dma source(%dma_start3A_206 : memref<625x16xf32, #tpu.memory_space<vmem_shared>>) target(%dma_start3A_204 : memref<625x16xf32, #tpu.memory_space<hbm>>) target_semaphore(%run_scoped3A_201 : memref<!tpu.dma_semaphore, #tpu.memory_space<semaphore_mem>>)
      %dma_wait3A_207 = arith.constant 0 : i32
      %dma_wait3A_208 = tpu.memref_slice %arg10[%arg0, %mul3A_200, %dma_wait3A_207] : memref<2x10000x16xf32, #tpu.memory_space<hbm>> -> memref<1x625x16xf32, #tpu.memory_space<hbm>>
      %dma_wait3A_209 = tpu.memref_squeeze %dma_wait3A_208 : memref<1x625x16xf32, #tpu.memory_space<hbm>> -> memref<625x16xf32, #tpu.memory_space<hbm>>
      %dma_wait3A_210 = arith.constant 0 : i32
      %dma_wait3A_211 = tpu.memref_slice %arg19[%mul3A_198, %dma_wait3A_210] : memref<10000x16xf32, #tpu.memory_space<vmem_shared>> -> memref<625x16xf32, #tpu.memory_space<vmem_shared>>
      tpu.wait_dma2 semaphore(%run_scoped3A_201 : memref<!tpu.dma_semaphore, #tpu.memory_space<semaphore_mem>>) src(%dma_wait3A_211 : memref<625x16xf32, #tpu.memory_space<vmem_shared>>) dst(%dma_wait3A_209 : memref<625x16xf32, #tpu.memory_space<hbm>>)
      tpu.yield
    }) : () -> ()
    return
  }
}

#map = affine_map<(d0, d1) -> (0)>
#map1 = affine_map<(d0, d1) -> (0, 0)>
#map2 = affine_map<(d0, d1) -> (0, 0, 0)>
module attributes {stable_mosaic.version = 14 : i64} {
  func.func @_edge_body(%arg0: i32, %arg1: i32, %arg2: memref<320000xi32, #tpu.memory_space<hbm>>, %arg3: memref<320000xi32, #tpu.memory_space<hbm>>, %arg4: memref<10000x128xf32, #tpu.memory_space<hbm>>, %arg5: memref<10000x16xf32, #tpu.memory_space<hbm>>, %arg6: memref<1x16xf32, #tpu.memory_space<hbm>>, %arg7: memref<10000x128xf32, #tpu.memory_space<hbm>>, %arg8: memref<10000x16xf32, #tpu.memory_space<hbm>>, %arg9: memref<2x10000x128xf32, #tpu.memory_space<hbm>>, %arg10: memref<2x10000x16xf32, #tpu.memory_space<hbm>>, %arg11: memref<2x80x16xf32, #tpu.memory_space<vmem>>, %arg12: memref<2x80x16xf32, #tpu.memory_space<vmem>>, %arg13: memref<1x16xf32, #tpu.memory_space<vmem>>, %arg14: memref<2x80xi32, #tpu.memory_space<vmem>>, %arg15: memref<2x80xi32, #tpu.memory_space<vmem>>, %arg16: memref<2x80x128xf32, #tpu.memory_space<vmem>>, %arg17: memref<2x80x16xf32, #tpu.memory_space<vmem>>, %arg18: memref<10000x128xf32, #tpu.memory_space<vmem_shared>>, %arg19: memref<10000x16xf32, #tpu.memory_space<vmem_shared>>, %arg20: memref<!tpu.dma_semaphore, #tpu.memory_space<semaphore_mem>>, %arg21: memref<!tpu.dma_semaphore, #tpu.memory_space<semaphore_mem>>, %arg22: memref<!tpu.dma_semaphore, #tpu.memory_space<semaphore_mem>>, %arg23: memref<!tpu.dma_semaphore, #tpu.memory_space<semaphore_mem>>) attributes {dimension_semantics = [#tpu.dimension_semantics<core_parallel>, #tpu.dimension_semantics<subcore_parallel>], iteration_bounds = array<i64: 2, 16>, scalar_prefetch = 0 : i64, scratch_operands = 13 : i64, tpu.core_type = #tpu.core_type<sc_vector_subcore>, window_params = [{transform_indices = #map}, {transform_indices = #map}, {transform_indices = #map1}, {transform_indices = #map1}, {transform_indices = #map1}, {transform_indices = #map1}, {transform_indices = #map1}, {transform_indices = #map2}, {transform_indices = #map2}]} {
    %mul3A = arith.constant 16 : i32
    %mul3A_0 = arith.muli %arg0, %mul3A : i32
    %add3A = arith.addi %mul3A_0, %arg1 : i32
    %mul3A_1 = arith.constant 10000 : i32
    %mul3A_2 = arith.muli %add3A, %mul3A_1 : i32
    %iota3A = tpu.iota {dimensions = array<i32: 0>} : vector<16xi32>
    "tpu.region"() ({
      %run_scoped3A_201 = tpu.sem_alloc : memref<!tpu.dma_semaphore, #tpu.memory_space<semaphore_mem>>
      tpu.enqueue_dma source(%arg6 : memref<1x16xf32, #tpu.memory_space<hbm>>) target(%arg13 : memref<1x16xf32, #tpu.memory_space<vmem>>) target_semaphore(%run_scoped3A_201 : memref<!tpu.dma_semaphore, #tpu.memory_space<semaphore_mem>>)
      tpu.wait_dma2 semaphore(%run_scoped3A_201 : memref<!tpu.dma_semaphore, #tpu.memory_space<semaphore_mem>>) src(%arg6 : memref<1x16xf32, #tpu.memory_space<hbm>>) dst(%arg13 : memref<1x16xf32, #tpu.memory_space<vmem>>)
      tpu.yield
    }) : () -> ()
    %mul3A_3 = arith.constant 625 : i32
    %mul3A_4 = arith.muli %arg1, %mul3A_3 : i32
    %mul3A_5 = arith.constant 625 : i32
    %mul3A_6 = arith.muli %arg1, %mul3A_5 : i32
    "tpu.region"() ({
      %run_scoped3A_201 = tpu.sem_alloc : memref<!tpu.dma_semaphore, #tpu.memory_space<semaphore_mem>>
      %dma_start3A_202 = arith.constant 0 : i32
      %dma_start3A_203 = tpu.memref_slice %arg18[%mul3A_6, %dma_start3A_202] : memref<10000x128xf32, #tpu.memory_space<vmem_shared>> -> memref<625x128xf32, #tpu.memory_space<vmem_shared>>
      %dma_start3A_204 = arith.constant 0 : i32
      %dma_start3A_205 = tpu.memref_slice %arg7[%mul3A_4, %dma_start3A_204] : memref<10000x128xf32, #tpu.memory_space<hbm>> -> memref<625x128xf32, #tpu.memory_space<hbm>>
      tpu.enqueue_dma source(%dma_start3A_205 : memref<625x128xf32, #tpu.memory_space<hbm>>) target(%dma_start3A_203 : memref<625x128xf32, #tpu.memory_space<vmem_shared>>) target_semaphore(%run_scoped3A_201 : memref<!tpu.dma_semaphore, #tpu.memory_space<semaphore_mem>>)
      %dma_wait3A_206 = arith.constant 0 : i32
      %dma_wait3A_207 = tpu.memref_slice %arg18[%mul3A_6, %dma_wait3A_206] : memref<10000x128xf32, #tpu.memory_space<vmem_shared>> -> memref<625x128xf32, #tpu.memory_space<vmem_shared>>
      %dma_wait3A_208 = arith.constant 0 : i32
      %dma_wait3A_209 = tpu.memref_slice %arg7[%mul3A_4, %dma_wait3A_208] : memref<10000x128xf32, #tpu.memory_space<hbm>> -> memref<625x128xf32, #tpu.memory_space<hbm>>
      tpu.wait_dma2 semaphore(%run_scoped3A_201 : memref<!tpu.dma_semaphore, #tpu.memory_space<semaphore_mem>>) src(%dma_wait3A_209 : memref<625x128xf32, #tpu.memory_space<hbm>>) dst(%dma_wait3A_207 : memref<625x128xf32, #tpu.memory_space<vmem_shared>>)
      tpu.yield
    }) : () -> ()
    %mul3A_7 = arith.constant 625 : i32
    %mul3A_8 = arith.muli %arg1, %mul3A_7 : i32
    %mul3A_9 = arith.constant 625 : i32
    %mul3A_10 = arith.muli %arg1, %mul3A_9 : i32
    "tpu.region"() ({
      %run_scoped3A_201 = tpu.sem_alloc : memref<!tpu.dma_semaphore, #tpu.memory_space<semaphore_mem>>
      %dma_start3A_202 = arith.constant 0 : i32
      %dma_start3A_203 = tpu.memref_slice %arg19[%mul3A_10, %dma_start3A_202] : memref<10000x16xf32, #tpu.memory_space<vmem_shared>> -> memref<625x16xf32, #tpu.memory_space<vmem_shared>>
      %dma_start3A_204 = arith.constant 0 : i32
      %dma_start3A_205 = tpu.memref_slice %arg8[%mul3A_8, %dma_start3A_204] : memref<10000x16xf32, #tpu.memory_space<hbm>> -> memref<625x16xf32, #tpu.memory_space<hbm>>
      tpu.enqueue_dma source(%dma_start3A_205 : memref<625x16xf32, #tpu.memory_space<hbm>>) target(%dma_start3A_203 : memref<625x16xf32, #tpu.memory_space<vmem_shared>>) target_semaphore(%run_scoped3A_201 : memref<!tpu.dma_semaphore, #tpu.memory_space<semaphore_mem>>)
      %dma_wait3A_206 = arith.constant 0 : i32
      %dma_wait3A_207 = tpu.memref_slice %arg19[%mul3A_10, %dma_wait3A_206] : memref<10000x16xf32, #tpu.memory_space<vmem_shared>> -> memref<625x16xf32, #tpu.memory_space<vmem_shared>>
      %dma_wait3A_208 = arith.constant 0 : i32
      %dma_wait3A_209 = tpu.memref_slice %arg8[%mul3A_8, %dma_wait3A_208] : memref<10000x16xf32, #tpu.memory_space<hbm>> -> memref<625x16xf32, #tpu.memory_space<hbm>>
      tpu.wait_dma2 semaphore(%run_scoped3A_201 : memref<!tpu.dma_semaphore, #tpu.memory_space<semaphore_mem>>) src(%dma_wait3A_209 : memref<625x16xf32, #tpu.memory_space<hbm>>) dst(%dma_wait3A_207 : memref<625x16xf32, #tpu.memory_space<vmem_shared>>)
      tpu.yield
    }) : () -> ()
    %scan3A = arith.constant 0 : i32
    %scan3A_11 = arith.constant 0 : i32
    %scan3A_12 = arith.constant 80 : i32
    %scan3A_13 = arith.addi %scan3A_11, %scan3A_12 : i32
    %scan3A_14 = arith.constant 1 : i32
    %scan3A_15 = scf.for %scan3A_201 = %scan3A_11 to %scan3A_13 step %scan3A_14 iter_args(%scan3A_202 = %scan3A) -> (i32)  : i32 {
      %broadcast_in_dim3A = arith.constant 0.000000e+00 : f32
      %broadcast_in_dim3A_203 = vector.broadcast %broadcast_in_dim3A : f32 to vector<16xf32>
      %swap3A = arith.constant 0 : i32
      %swap3A_204 = arith.index_cast %swap3A : i32 to index
      %swap3A_205 = arith.index_cast %scan3A_201 : i32 to index
      %swap3A_206 = arith.constant 0 : index
      %swap3A_207 = tpu.vector_load %arg17[%swap3A_204, %swap3A_205, %swap3A_206] {strides = array<i32>} : memref<2x80x16xf32, #tpu.memory_space<vmem>>, vector<16xf32>,
      tpu.vector_store %arg17[%swap3A_204, %swap3A_205, %swap3A_206], %broadcast_in_dim3A_203 {strides = array<i32>} : memref<2x80x16xf32, #tpu.memory_space<vmem>>, vector<16xf32>,
      %broadcast_in_dim3A_208 = arith.constant 0.000000e+00 : f32
      %broadcast_in_dim3A_209 = vector.broadcast %broadcast_in_dim3A_208 : f32 to vector<16xf32>
      %swap3A_210 = arith.constant 1 : i32
      %swap3A_211 = arith.index_cast %swap3A_210 : i32 to index
      %swap3A_212 = arith.index_cast %scan3A_201 : i32 to index
      %swap3A_213 = arith.constant 0 : index
      %swap3A_214 = tpu.vector_load %arg17[%swap3A_211, %swap3A_212, %swap3A_213] {strides = array<i32>} : memref<2x80x16xf32, #tpu.memory_space<vmem>>, vector<16xf32>,
      tpu.vector_store %arg17[%swap3A_211, %swap3A_212, %swap3A_213], %broadcast_in_dim3A_209 {strides = array<i32>} : memref<2x80x16xf32, #tpu.memory_space<vmem>>, vector<16xf32>,
      %scan3A_215 = arith.constant 0 : i32
      scf.yield %scan3A_215 : i32
    }
    %scan3A_16 = arith.constant 80 : i32
    %get3A = arith.constant 0 : i32
    %get3A_17 = arith.index_cast %get3A : i32 to index
    %get3A_18 = arith.constant 0 : index
    %get3A_19 = tpu.vector_load %arg13[%get3A_17, %get3A_18] {strides = array<i32>} : memref<1x16xf32, #tpu.memory_space<vmem>>, vector<16xf32>,
    %slice3A = vector.extract_strided_slice %get3A_19 {offsets = [0], sizes = [1], strides = [1]} : vector<16xf32> to vector<1xf32>
    %squeeze3A = vector.extract %slice3A[0] : f32 from vector<1xf32>
    %slice3A_20 = vector.extract_strided_slice %get3A_19 {offsets = [1], sizes = [1], strides = [1]} : vector<16xf32> to vector<1xf32>
    %squeeze3A_21 = vector.extract %slice3A_20[0] : f32 from vector<1xf32>
    %slice3A_22 = vector.extract_strided_slice %get3A_19 {offsets = [2], sizes = [1], strides = [1]} : vector<16xf32> to vector<1xf32>
    %squeeze3A_23 = vector.extract %slice3A_22[0] : f32 from vector<1xf32>
    %slice3A_24 = vector.extract_strided_slice %get3A_19 {offsets = [3], sizes = [1], strides = [1]} : vector<16xf32> to vector<1xf32>
    %squeeze3A_25 = vector.extract %slice3A_24[0] : f32 from vector<1xf32>
    %barrier3A = arith.constant 0 : index
    tpu.barrier barrier_id(%barrier3A)
    %add3A_26 = arith.constant 0 : i32
    %add3A_27 = arith.addi %mul3A_2, %add3A_26 : i32
    %multiple_of3A = tpu.assume_multiple %add3A_27, 8 : i32
    %run_scoped3A = arith.constant 0 : i32
    "tpu.region"() ({
      %run_scoped3A_201 = tpu.sem_alloc : memref<!tpu.dma_semaphore, #tpu.memory_space<semaphore_mem>>
      %dma_start3A_202 = arith.constant 0 : i32
      %dma_start3A_203 = tpu.memref_slice %arg14[%run_scoped3A, %dma_start3A_202] : memref<2x80xi32, #tpu.memory_space<vmem>> -> memref<1x80xi32, #tpu.memory_space<vmem>>
      %dma_start3A_204 = tpu.memref_squeeze %dma_start3A_203 : memref<1x80xi32, #tpu.memory_space<vmem>> -> memref<80xi32, #tpu.memory_space<vmem>>
      %dma_start3A_205 = tpu.memref_slice %arg2[%multiple_of3A] : memref<320000xi32, #tpu.memory_space<hbm>> -> memref<80xi32, #tpu.memory_space<hbm>>
      %dma_start3A_206 = arith.constant 0 : i32
      %dma_start3A_207 = tpu.memref_slice %arg14[%run_scoped3A, %dma_start3A_206] : memref<2x80xi32, #tpu.memory_space<vmem>> -> memref<1x80xi32, #tpu.memory_space<vmem>>
      %dma_start3A_208 = tpu.memref_squeeze %dma_start3A_207 : memref<1x80xi32, #tpu.memory_space<vmem>> -> memref<80xi32, #tpu.memory_space<vmem>>
      %dma_start3A_209 = tpu.memref_slice %arg2[%multiple_of3A] : memref<320000xi32, #tpu.memory_space<hbm>> -> memref<80xi32, #tpu.memory_space<hbm>>
      tpu.enqueue_dma source(%dma_start3A_209 : memref<80xi32, #tpu.memory_space<hbm>>) target(%dma_start3A_208 : memref<80xi32, #tpu.memory_space<vmem>>) target_semaphore(%run_scoped3A_201 : memref<!tpu.dma_semaphore, #tpu.memory_space<semaphore_mem>>)
      %dma_wait3A_210 = arith.constant 0 : i32
      %dma_wait3A_211 = tpu.memref_slice %arg14[%run_scoped3A, %dma_wait3A_210] : memref<2x80xi32, #tpu.memory_space<vmem>> -> memref<1x80xi32, #tpu.memory_space<vmem>>
      %dma_wait3A_212 = tpu.memref_squeeze %dma_wait3A_211 : memref<1x80xi32, #tpu.memory_space<vmem>> -> memref<80xi32, #tpu.memory_space<vmem>>
      %dma_wait3A_213 = tpu.memref_slice %arg2[%multiple_of3A] : memref<320000xi32, #tpu.memory_space<hbm>> -> memref<80xi32, #tpu.memory_space<hbm>>
      %dma_wait3A_214 = arith.constant 0 : i32
      %dma_wait3A_215 = tpu.memref_slice %arg14[%run_scoped3A, %dma_wait3A_214] : memref<2x80xi32, #tpu.memory_space<vmem>> -> memref<1x80xi32, #tpu.memory_space<vmem>>
      %dma_wait3A_216 = tpu.memref_squeeze %dma_wait3A_215 : memref<1x80xi32, #tpu.memory_space<vmem>> -> memref<80xi32, #tpu.memory_space<vmem>>
      %dma_wait3A_217 = tpu.memref_slice %arg2[%multiple_of3A] : memref<320000xi32, #tpu.memory_space<hbm>> -> memref<80xi32, #tpu.memory_space<hbm>>
      tpu.wait_dma2 semaphore(%run_scoped3A_201 : memref<!tpu.dma_semaphore, #tpu.memory_space<semaphore_mem>>) src(%dma_wait3A_217 : memref<80xi32, #tpu.memory_space<hbm>>) dst(%dma_wait3A_216 : memref<80xi32, #tpu.memory_space<vmem>>)
      tpu.yield
    }) : () -> ()
    %run_scoped3A_28 = arith.constant 0 : i32
    "tpu.region"() ({
      %run_scoped3A_201 = tpu.sem_alloc : memref<!tpu.dma_semaphore, #tpu.memory_space<semaphore_mem>>
      %dma_start3A_202 = arith.constant 0 : i32
      %dma_start3A_203 = tpu.memref_slice %arg15[%run_scoped3A_28, %dma_start3A_202] : memref<2x80xi32, #tpu.memory_space<vmem>> -> memref<1x80xi32, #tpu.memory_space<vmem>>
      %dma_start3A_204 = tpu.memref_squeeze %dma_start3A_203 : memref<1x80xi32, #tpu.memory_space<vmem>> -> memref<80xi32, #tpu.memory_space<vmem>>
      %dma_start3A_205 = tpu.memref_slice %arg3[%multiple_of3A] : memref<320000xi32, #tpu.memory_space<hbm>> -> memref<80xi32, #tpu.memory_space<hbm>>
      %dma_start3A_206 = arith.constant 0 : i32
      %dma_start3A_207 = tpu.memref_slice %arg15[%run_scoped3A_28, %dma_start3A_206] : memref<2x80xi32, #tpu.memory_space<vmem>> -> memref<1x80xi32, #tpu.memory_space<vmem>>
      %dma_start3A_208 = tpu.memref_squeeze %dma_start3A_207 : memref<1x80xi32, #tpu.memory_space<vmem>> -> memref<80xi32, #tpu.memory_space<vmem>>
      %dma_start3A_209 = tpu.memref_slice %arg3[%multiple_of3A] : memref<320000xi32, #tpu.memory_space<hbm>> -> memref<80xi32, #tpu.memory_space<hbm>>
      tpu.enqueue_dma source(%dma_start3A_209 : memref<80xi32, #tpu.memory_space<hbm>>) target(%dma_start3A_208 : memref<80xi32, #tpu.memory_space<vmem>>) target_semaphore(%run_scoped3A_201 : memref<!tpu.dma_semaphore, #tpu.memory_space<semaphore_mem>>)
      %dma_wait3A_210 = arith.constant 0 : i32
      %dma_wait3A_211 = tpu.memref_slice %arg15[%run_scoped3A_28, %dma_wait3A_210] : memref<2x80xi32, #tpu.memory_space<vmem>> -> memref<1x80xi32, #tpu.memory_space<vmem>>
      %dma_wait3A_212 = tpu.memref_squeeze %dma_wait3A_211 : memref<1x80xi32, #tpu.memory_space<vmem>> -> memref<80xi32, #tpu.memory_space<vmem>>
      %dma_wait3A_213 = tpu.memref_slice %arg3[%multiple_of3A] : memref<320000xi32, #tpu.memory_space<hbm>> -> memref<80xi32, #tpu.memory_space<hbm>>
      %dma_wait3A_214 = arith.constant 0 : i32
      %dma_wait3A_215 = tpu.memref_slice %arg15[%run_scoped3A_28, %dma_wait3A_214] : memref<2x80xi32, #tpu.memory_space<vmem>> -> memref<1x80xi32, #tpu.memory_space<vmem>>
      %dma_wait3A_216 = tpu.memref_squeeze %dma_wait3A_215 : memref<1x80xi32, #tpu.memory_space<vmem>> -> memref<80xi32, #tpu.memory_space<vmem>>
      %dma_wait3A_217 = tpu.memref_slice %arg3[%multiple_of3A] : memref<320000xi32, #tpu.memory_space<hbm>> -> memref<80xi32, #tpu.memory_space<hbm>>
      tpu.wait_dma2 semaphore(%run_scoped3A_201 : memref<!tpu.dma_semaphore, #tpu.memory_space<semaphore_mem>>) src(%dma_wait3A_217 : memref<80xi32, #tpu.memory_space<hbm>>) dst(%dma_wait3A_216 : memref<80xi32, #tpu.memory_space<vmem>>)
      tpu.yield
    }) : () -> ()
    %dma_start3A = arith.constant 0 : i32
    %dma_start3A_29 = arith.constant 0 : i32
    %dma_start3A_30 = arith.constant 0 : i32
    %dma_start3A_31 = arith.constant 0 : i32
    %dma_start3A_32 = tpu.memref_slice %arg16[%dma_start3A_29, %dma_start3A_30, %dma_start3A_31] : memref<2x80x128xf32, #tpu.memory_space<vmem>> -> memref<1x80x128xf32, #tpu.memory_space<vmem>>
    %dma_start3A_33 = tpu.memref_squeeze %dma_start3A_32 : memref<1x80x128xf32, #tpu.memory_space<vmem>> -> memref<80x128xf32, #tpu.memory_space<vmem>>
    %dma_start3A_34 = arith.constant 0 : i32
    %dma_start3A_35 = tpu.memref_slice %arg14[%dma_start3A, %dma_start3A_34] : memref<2x80xi32, #tpu.memory_space<vmem>> -> memref<1x80xi32, #tpu.memory_space<vmem>>
    %dma_start3A_36 = tpu.memref_squeeze %dma_start3A_35 : memref<1x80xi32, #tpu.memory_space<vmem>> -> memref<80xi32, #tpu.memory_space<vmem>>
    %dma_start3A_37 = arith.constant 0 : i32
    %dma_start3A_38 = arith.constant 0 : i32
    %dma_start3A_39 = tpu.memref_slice %arg4[%dma_start3A_37, %dma_start3A_38] : memref<10000x128xf32, #tpu.memory_space<hbm>> -> memref<10000x128xf32, #tpu.memory_space<hbm>>
    tpu.enqueue_indirect_dma source(%dma_start3A_39 : memref<10000x128xf32, #tpu.memory_space<hbm>>) target(%dma_start3A_33 : memref<80x128xf32, #tpu.memory_space<vmem>>) offsets(%dma_start3A_36 : memref<80xi32, #tpu.memory_space<vmem>>) semaphore(%arg20 : memref<!tpu.dma_semaphore, #tpu.memory_space<semaphore_mem>>)
    %dma_start3A_40 = arith.constant 0 : i32
    %dma_start3A_41 = arith.constant 0 : i32
    %dma_start3A_42 = arith.constant 0 : i32
    %dma_start3A_43 = arith.constant 0 : i32
    %dma_start3A_44 = tpu.memref_slice %arg11[%dma_start3A_41, %dma_start3A_42, %dma_start3A_43] : memref<2x80x16xf32, #tpu.memory_space<vmem>> -> memref<1x80x16xf32, #tpu.memory_space<vmem>>
    %dma_start3A_45 = tpu.memref_squeeze %dma_start3A_44 : memref<1x80x16xf32, #tpu.memory_space<vmem>> -> memref<80x16xf32, #tpu.memory_space<vmem>>
    %dma_start3A_46 = arith.constant 0 : i32
    %dma_start3A_47 = tpu.memref_slice %arg14[%dma_start3A_40, %dma_start3A_46] : memref<2x80xi32, #tpu.memory_space<vmem>> -> memref<1x80xi32, #tpu.memory_space<vmem>>
    %dma_start3A_48 = tpu.memref_squeeze %dma_start3A_47 : memref<1x80xi32, #tpu.memory_space<vmem>> -> memref<80xi32, #tpu.memory_space<vmem>>
    %dma_start3A_49 = arith.constant 0 : i32
    %dma_start3A_50 = arith.constant 0 : i32
    %dma_start3A_51 = tpu.memref_slice %arg5[%dma_start3A_49, %dma_start3A_50] : memref<10000x16xf32, #tpu.memory_space<hbm>> -> memref<10000x16xf32, #tpu.memory_space<hbm>>
    tpu.enqueue_indirect_dma source(%dma_start3A_51 : memref<10000x16xf32, #tpu.memory_space<hbm>>) target(%dma_start3A_45 : memref<80x16xf32, #tpu.memory_space<vmem>>) offsets(%dma_start3A_48 : memref<80xi32, #tpu.memory_space<vmem>>) semaphore(%arg20 : memref<!tpu.dma_semaphore, #tpu.memory_space<semaphore_mem>>)
    %dma_start3A_52 = arith.constant 0 : i32
    %dma_start3A_53 = arith.constant 0 : i32
    %dma_start3A_54 = arith.constant 0 : i32
    %dma_start3A_55 = arith.constant 0 : i32
    %dma_start3A_56 = tpu.memref_slice %arg12[%dma_start3A_53, %dma_start3A_54, %dma_start3A_55] : memref<2x80x16xf32, #tpu.memory_space<vmem>> -> memref<1x80x16xf32, #tpu.memory_space<vmem>>
    %dma_start3A_57 = tpu.memref_squeeze %dma_start3A_56 : memref<1x80x16xf32, #tpu.memory_space<vmem>> -> memref<80x16xf32, #tpu.memory_space<vmem>>
    %dma_start3A_58 = arith.constant 0 : i32
    %dma_start3A_59 = tpu.memref_slice %arg15[%dma_start3A_52, %dma_start3A_58] : memref<2x80xi32, #tpu.memory_space<vmem>> -> memref<1x80xi32, #tpu.memory_space<vmem>>
    %dma_start3A_60 = tpu.memref_squeeze %dma_start3A_59 : memref<1x80xi32, #tpu.memory_space<vmem>> -> memref<80xi32, #tpu.memory_space<vmem>>
    %dma_start3A_61 = arith.constant 0 : i32
    %dma_start3A_62 = arith.constant 0 : i32
    %dma_start3A_63 = tpu.memref_slice %arg5[%dma_start3A_61, %dma_start3A_62] : memref<10000x16xf32, #tpu.memory_space<hbm>> -> memref<10000x16xf32, #tpu.memory_space<hbm>>
    tpu.enqueue_indirect_dma source(%dma_start3A_63 : memref<10000x16xf32, #tpu.memory_space<hbm>>) target(%dma_start3A_57 : memref<80x16xf32, #tpu.memory_space<vmem>>) offsets(%dma_start3A_60 : memref<80xi32, #tpu.memory_space<vmem>>) semaphore(%arg20 : memref<!tpu.dma_semaphore, #tpu.memory_space<semaphore_mem>>)
    %scan3A_64 = arith.constant 0 : i32
    %scan3A_65 = arith.constant 0 : i32
    %scan3A_66 = arith.constant 62 : i32
    %scan3A_67 = arith.addi %scan3A_65, %scan3A_66 : i32
    %scan3A_68 = arith.constant 1 : i32
    %scan3A_69 = scf.for %scan3A_201 = %scan3A_65 to %scan3A_67 step %scan3A_68 iter_args(%scan3A_202 = %scan3A_64) -> (i32)  : i32 {
      %mul3A_203 = arith.constant 2 : i32
      %mul3A_204 = arith.muli %mul3A_203, %scan3A_201 : i32
      %add3A_205 = arith.constant 1 : i32
      %add3A_206 = arith.addi %mul3A_204, %add3A_205 : i32
      %lt3A = arith.constant 125 : i32
      %lt3A_207 = arith.cmpi slt, %add3A_206, %lt3A : i32
      %convert_element_type3A = arith.extui %lt3A_207 : i1 to i32
      %cond3A = arith.constant 0 : i32
      %cond3A_208 = arith.cmpi ne, %convert_element_type3A, %cond3A : i32
      scf.if %cond3A_208 {
        %ge3A = arith.constant 1 : i32
        %ge3A_369 = arith.cmpi sge, %mul3A_204, %ge3A : i32
        %convert_element_type3A_370 = arith.extui %ge3A_369 : i1 to i32
        %cond3A_371 = arith.constant 0 : i32
        %cond3A_372 = arith.cmpi ne, %convert_element_type3A_370, %cond3A_371 : i32
        scf.if %cond3A_372 {
          %dma_wait3A_417 = arith.constant 1 : i32
          %dma_wait3A_418 = arith.constant 1 : i32
          %dma_wait3A_419 = arith.constant 0 : i32
          %dma_wait3A_420 = arith.constant 0 : i32
          %dma_wait3A_421 = tpu.memref_slice %arg16[%dma_wait3A_417, %dma_wait3A_419, %dma_wait3A_420] : memref<2x80x128xf32, #tpu.memory_space<vmem>> -> memref<1x80x128xf32, #tpu.memory_space<vmem>>
          %dma_wait3A_422 = tpu.memref_squeeze %dma_wait3A_421 : memref<1x80x128xf32, #tpu.memory_space<vmem>> -> memref<80x128xf32, #tpu.memory_space<vmem>>
          %dma_wait3A_423 = arith.constant 0 : i32
          %dma_wait3A_424 = tpu.memref_slice %arg15[%dma_wait3A_418, %dma_wait3A_423] : memref<2x80xi32, #tpu.memory_space<vmem>> -> memref<1x80xi32, #tpu.memory_space<vmem>>
          %dma_wait3A_425 = tpu.memref_squeeze %dma_wait3A_424 : memref<1x80xi32, #tpu.memory_space<vmem>> -> memref<80xi32, #tpu.memory_space<vmem>>
          %dma_wait3A_426 = arith.constant 0 : i32
          %dma_wait3A_427 = arith.constant 0 : i32
          %dma_wait3A_428 = tpu.memref_slice %arg18[%dma_wait3A_426, %dma_wait3A_427] : memref<10000x128xf32, #tpu.memory_space<vmem_shared>> -> memref<10000x128xf32, #tpu.memory_space<vmem_shared>>
          tpu.wait_indirect_dma semaphore(%arg23 : memref<!tpu.dma_semaphore, #tpu.memory_space<semaphore_mem>>) src(%dma_wait3A_422 : memref<80x128xf32, #tpu.memory_space<vmem>>) dst(%dma_wait3A_428 : memref<10000x128xf32, #tpu.memory_space<vmem_shared>>)
          %dma_wait3A_429 = arith.constant 1 : i32
          %dma_wait3A_430 = arith.constant 1 : i32
          %dma_wait3A_431 = arith.constant 0 : i32
          %dma_wait3A_432 = arith.constant 0 : i32
          %dma_wait3A_433 = tpu.memref_slice %arg17[%dma_wait3A_429, %dma_wait3A_431, %dma_wait3A_432] : memref<2x80x16xf32, #tpu.memory_space<vmem>> -> memref<1x80x16xf32, #tpu.memory_space<vmem>>
          %dma_wait3A_434 = tpu.memref_squeeze %dma_wait3A_433 : memref<1x80x16xf32, #tpu.memory_space<vmem>> -> memref<80x16xf32, #tpu.memory_space<vmem>>
          %dma_wait3A_435 = arith.constant 0 : i32
          %dma_wait3A_436 = tpu.memref_slice %arg15[%dma_wait3A_430, %dma_wait3A_435] : memref<2x80xi32, #tpu.memory_space<vmem>> -> memref<1x80xi32, #tpu.memory_space<vmem>>
          %dma_wait3A_437 = tpu.memref_squeeze %dma_wait3A_436 : memref<1x80xi32, #tpu.memory_space<vmem>> -> memref<80xi32, #tpu.memory_space<vmem>>
          %dma_wait3A_438 = arith.constant 0 : i32
          %dma_wait3A_439 = arith.constant 0 : i32
          %dma_wait3A_440 = tpu.memref_slice %arg19[%dma_wait3A_438, %dma_wait3A_439] : memref<10000x16xf32, #tpu.memory_space<vmem_shared>> -> memref<10000x16xf32, #tpu.memory_space<vmem_shared>>
          tpu.wait_indirect_dma semaphore(%arg23 : memref<!tpu.dma_semaphore, #tpu.memory_space<semaphore_mem>>) src(%dma_wait3A_434 : memref<80x16xf32, #tpu.memory_space<vmem>>) dst(%dma_wait3A_440 : memref<10000x16xf32, #tpu.memory_space<vmem_shared>>)
        } else {
        }
        %add3A_373 = arith.constant 1 : i32
        %add3A_374 = arith.addi %mul3A_204, %add3A_373 : i32
        %mul3A_375 = arith.constant 80 : i32
        %mul3A_376 = arith.muli %add3A_374, %mul3A_375 : i32
        %add3A_377 = arith.addi %mul3A_2, %mul3A_376 : i32
        %multiple_of3A_378 = tpu.assume_multiple %add3A_377, 8 : i32
        %run_scoped3A_379 = arith.constant 1 : i32
        "tpu.region"() ({
          %run_scoped3A_417 = tpu.sem_alloc : memref<!tpu.dma_semaphore, #tpu.memory_space<semaphore_mem>>
          %dma_start3A_418 = arith.constant 0 : i32
          %dma_start3A_419 = tpu.memref_slice %arg14[%run_scoped3A_379, %dma_start3A_418] : memref<2x80xi32, #tpu.memory_space<vmem>> -> memref<1x80xi32, #tpu.memory_space<vmem>>
          %dma_start3A_420 = tpu.memref_squeeze %dma_start3A_419 : memref<1x80xi32, #tpu.memory_space<vmem>> -> memref<80xi32, #tpu.memory_space<vmem>>
          %dma_start3A_421 = tpu.memref_slice %arg2[%multiple_of3A_378] : memref<320000xi32, #tpu.memory_space<hbm>> -> memref<80xi32, #tpu.memory_space<hbm>>
          %dma_start3A_422 = arith.constant 0 : i32
          %dma_start3A_423 = tpu.memref_slice %arg14[%run_scoped3A_379, %dma_start3A_422] : memref<2x80xi32, #tpu.memory_space<vmem>> -> memref<1x80xi32, #tpu.memory_space<vmem>>
          %dma_start3A_424 = tpu.memref_squeeze %dma_start3A_423 : memref<1x80xi32, #tpu.memory_space<vmem>> -> memref<80xi32, #tpu.memory_space<vmem>>
          %dma_start3A_425 = tpu.memref_slice %arg2[%multiple_of3A_378] : memref<320000xi32, #tpu.memory_space<hbm>> -> memref<80xi32, #tpu.memory_space<hbm>>
          tpu.enqueue_dma source(%dma_start3A_425 : memref<80xi32, #tpu.memory_space<hbm>>) target(%dma_start3A_424 : memref<80xi32, #tpu.memory_space<vmem>>) target_semaphore(%run_scoped3A_417 : memref<!tpu.dma_semaphore, #tpu.memory_space<semaphore_mem>>)
          %dma_wait3A_426 = arith.constant 0 : i32
          %dma_wait3A_427 = tpu.memref_slice %arg14[%run_scoped3A_379, %dma_wait3A_426] : memref<2x80xi32, #tpu.memory_space<vmem>> -> memref<1x80xi32, #tpu.memory_space<vmem>>
          %dma_wait3A_428 = tpu.memref_squeeze %dma_wait3A_427 : memref<1x80xi32, #tpu.memory_space<vmem>> -> memref<80xi32, #tpu.memory_space<vmem>>
          %dma_wait3A_429 = tpu.memref_slice %arg2[%multiple_of3A_378] : memref<320000xi32, #tpu.memory_space<hbm>> -> memref<80xi32, #tpu.memory_space<hbm>>
          %dma_wait3A_430 = arith.constant 0 : i32
          %dma_wait3A_431 = tpu.memref_slice %arg14[%run_scoped3A_379, %dma_wait3A_430] : memref<2x80xi32, #tpu.memory_space<vmem>> -> memref<1x80xi32, #tpu.memory_space<vmem>>
          %dma_wait3A_432 = tpu.memref_squeeze %dma_wait3A_431 : memref<1x80xi32, #tpu.memory_space<vmem>> -> memref<80xi32, #tpu.memory_space<vmem>>
          %dma_wait3A_433 = tpu.memref_slice %arg2[%multiple_of3A_378] : memref<320000xi32, #tpu.memory_space<hbm>> -> memref<80xi32, #tpu.memory_space<hbm>>
          tpu.wait_dma2 semaphore(%run_scoped3A_417 : memref<!tpu.dma_semaphore, #tpu.memory_space<semaphore_mem>>) src(%dma_wait3A_433 : memref<80xi32, #tpu.memory_space<hbm>>) dst(%dma_wait3A_432 : memref<80xi32, #tpu.memory_space<vmem>>)
          tpu.yield
        }) : () -> ()
        %run_scoped3A_380 = arith.constant 1 : i32
        "tpu.region"() ({
          %run_scoped3A_417 = tpu.sem_alloc : memref<!tpu.dma_semaphore, #tpu.memory_space<semaphore_mem>>
          %dma_start3A_418 = arith.constant 0 : i32
          %dma_start3A_419 = tpu.memref_slice %arg15[%run_scoped3A_380, %dma_start3A_418] : memref<2x80xi32, #tpu.memory_space<vmem>> -> memref<1x80xi32, #tpu.memory_space<vmem>>
          %dma_start3A_420 = tpu.memref_squeeze %dma_start3A_419 : memref<1x80xi32, #tpu.memory_space<vmem>> -> memref<80xi32, #tpu.memory_space<vmem>>
          %dma_start3A_421 = tpu.memref_slice %arg3[%multiple_of3A_378] : memref<320000xi32, #tpu.memory_space<hbm>> -> memref<80xi32, #tpu.memory_space<hbm>>
          %dma_start3A_422 = arith.constant 0 : i32
          %dma_start3A_423 = tpu.memref_slice %arg15[%run_scoped3A_380, %dma_start3A_422] : memref<2x80xi32, #tpu.memory_space<vmem>> -> memref<1x80xi32, #tpu.memory_space<vmem>>
          %dma_start3A_424 = tpu.memref_squeeze %dma_start3A_423 : memref<1x80xi32, #tpu.memory_space<vmem>> -> memref<80xi32, #tpu.memory_space<vmem>>
          %dma_start3A_425 = tpu.memref_slice %arg3[%multiple_of3A_378] : memref<320000xi32, #tpu.memory_space<hbm>> -> memref<80xi32, #tpu.memory_space<hbm>>
          tpu.enqueue_dma source(%dma_start3A_425 : memref<80xi32, #tpu.memory_space<hbm>>) target(%dma_start3A_424 : memref<80xi32, #tpu.memory_space<vmem>>) target_semaphore(%run_scoped3A_417 : memref<!tpu.dma_semaphore, #tpu.memory_space<semaphore_mem>>)
          %dma_wait3A_426 = arith.constant 0 : i32
          %dma_wait3A_427 = tpu.memref_slice %arg15[%run_scoped3A_380, %dma_wait3A_426] : memref<2x80xi32, #tpu.memory_space<vmem>> -> memref<1x80xi32, #tpu.memory_space<vmem>>
          %dma_wait3A_428 = tpu.memref_squeeze %dma_wait3A_427 : memref<1x80xi32, #tpu.memory_space<vmem>> -> memref<80xi32, #tpu.memory_space<vmem>>
          %dma_wait3A_429 = tpu.memref_slice %arg3[%multiple_of3A_378] : memref<320000xi32, #tpu.memory_space<hbm>> -> memref<80xi32, #tpu.memory_space<hbm>>
          %dma_wait3A_430 = arith.constant 0 : i32
          %dma_wait3A_431 = tpu.memref_slice %arg15[%run_scoped3A_380, %dma_wait3A_430] : memref<2x80xi32, #tpu.memory_space<vmem>> -> memref<1x80xi32, #tpu.memory_space<vmem>>
          %dma_wait3A_432 = tpu.memref_squeeze %dma_wait3A_431 : memref<1x80xi32, #tpu.memory_space<vmem>> -> memref<80xi32, #tpu.memory_space<vmem>>
          %dma_wait3A_433 = tpu.memref_slice %arg3[%multiple_of3A_378] : memref<320000xi32, #tpu.memory_space<hbm>> -> memref<80xi32, #tpu.memory_space<hbm>>
          tpu.wait_dma2 semaphore(%run_scoped3A_417 : memref<!tpu.dma_semaphore, #tpu.memory_space<semaphore_mem>>) src(%dma_wait3A_433 : memref<80xi32, #tpu.memory_space<hbm>>) dst(%dma_wait3A_432 : memref<80xi32, #tpu.memory_space<vmem>>)
          tpu.yield
        }) : () -> ()
        %dma_start3A_381 = arith.constant 1 : i32
        %dma_start3A_382 = arith.constant 1 : i32
        %dma_start3A_383 = arith.constant 0 : i32
        %dma_start3A_384 = arith.constant 0 : i32
        %dma_start3A_385 = tpu.memref_slice %arg16[%dma_start3A_382, %dma_start3A_383, %dma_start3A_384] : memref<2x80x128xf32, #tpu.memory_space<vmem>> -> memref<1x80x128xf32, #tpu.memory_space<vmem>>
        %dma_start3A_386 = tpu.memref_squeeze %dma_start3A_385 : memref<1x80x128xf32, #tpu.memory_space<vmem>> -> memref<80x128xf32, #tpu.memory_space<vmem>>
        %dma_start3A_387 = arith.constant 0 : i32
        %dma_start3A_388 = tpu.memref_slice %arg14[%dma_start3A_381, %dma_start3A_387] : memref<2x80xi32, #tpu.memory_space<vmem>> -> memref<1x80xi32, #tpu.memory_space<vmem>>
        %dma_start3A_389 = tpu.memref_squeeze %dma_start3A_388 : memref<1x80xi32, #tpu.memory_space<vmem>> -> memref<80xi32, #tpu.memory_space<vmem>>
        %dma_start3A_390 = arith.constant 0 : i32
        %dma_start3A_391 = arith.constant 0 : i32
        %dma_start3A_392 = tpu.memref_slice %arg4[%dma_start3A_390, %dma_start3A_391] : memref<10000x128xf32, #tpu.memory_space<hbm>> -> memref<10000x128xf32, #tpu.memory_space<hbm>>
        tpu.enqueue_indirect_dma source(%dma_start3A_392 : memref<10000x128xf32, #tpu.memory_space<hbm>>) target(%dma_start3A_386 : memref<80x128xf32, #tpu.memory_space<vmem>>) offsets(%dma_start3A_389 : memref<80xi32, #tpu.memory_space<vmem>>) semaphore(%arg21 : memref<!tpu.dma_semaphore, #tpu.memory_space<semaphore_mem>>)
        %dma_start3A_393 = arith.constant 1 : i32
        %dma_start3A_394 = arith.constant 1 : i32
        %dma_start3A_395 = arith.constant 0 : i32
        %dma_start3A_396 = arith.constant 0 : i32
        %dma_start3A_397 = tpu.memref_slice %arg11[%dma_start3A_394, %dma_start3A_395, %dma_start3A_396] : memref<2x80x16xf32, #tpu.memory_space<vmem>> -> memref<1x80x16xf32, #tpu.memory_space<vmem>>
        %dma_start3A_398 = tpu.memref_squeeze %dma_start3A_397 : memref<1x80x16xf32, #tpu.memory_space<vmem>> -> memref<80x16xf32, #tpu.memory_space<vmem>>
        %dma_start3A_399 = arith.constant 0 : i32
        %dma_start3A_400 = tpu.memref_slice %arg14[%dma_start3A_393, %dma_start3A_399] : memref<2x80xi32, #tpu.memory_space<vmem>> -> memref<1x80xi32, #tpu.memory_space<vmem>>
        %dma_start3A_401 = tpu.memref_squeeze %dma_start3A_400 : memref<1x80xi32, #tpu.memory_space<vmem>> -> memref<80xi32, #tpu.memory_space<vmem>>
        %dma_start3A_402 = arith.constant 0 : i32
        %dma_start3A_403 = arith.constant 0 : i32
        %dma_start3A_404 = tpu.memref_slice %arg5[%dma_start3A_402, %dma_start3A_403] : memref<10000x16xf32, #tpu.memory_space<hbm>> -> memref<10000x16xf32, #tpu.memory_space<hbm>>
        tpu.enqueue_indirect_dma source(%dma_start3A_404 : memref<10000x16xf32, #tpu.memory_space<hbm>>) target(%dma_start3A_398 : memref<80x16xf32, #tpu.memory_space<vmem>>) offsets(%dma_start3A_401 : memref<80xi32, #tpu.memory_space<vmem>>) semaphore(%arg21 : memref<!tpu.dma_semaphore, #tpu.memory_space<semaphore_mem>>)
        %dma_start3A_405 = arith.constant 1 : i32
        %dma_start3A_406 = arith.constant 1 : i32
        %dma_start3A_407 = arith.constant 0 : i32
        %dma_start3A_408 = arith.constant 0 : i32
        %dma_start3A_409 = tpu.memref_slice %arg12[%dma_start3A_406, %dma_start3A_407, %dma_start3A_408] : memref<2x80x16xf32, #tpu.memory_space<vmem>> -> memref<1x80x16xf32, #tpu.memory_space<vmem>>
        %dma_start3A_410 = tpu.memref_squeeze %dma_start3A_409 : memref<1x80x16xf32, #tpu.memory_space<vmem>> -> memref<80x16xf32, #tpu.memory_space<vmem>>
        %dma_start3A_411 = arith.constant 0 : i32
        %dma_start3A_412 = tpu.memref_slice %arg15[%dma_start3A_405, %dma_start3A_411] : memref<2x80xi32, #tpu.memory_space<vmem>> -> memref<1x80xi32, #tpu.memory_space<vmem>>
        %dma_start3A_413 = tpu.memref_squeeze %dma_start3A_412 : memref<1x80xi32, #tpu.memory_space<vmem>> -> memref<80xi32, #tpu.memory_space<vmem>>
        %dma_start3A_414 = arith.constant 0 : i32
        %dma_start3A_415 = arith.constant 0 : i32
        %dma_start3A_416 = tpu.memref_slice %arg5[%dma_start3A_414, %dma_start3A_415] : memref<10000x16xf32, #tpu.memory_space<hbm>> -> memref<10000x16xf32, #tpu.memory_space<hbm>>
        tpu.enqueue_indirect_dma source(%dma_start3A_416 : memref<10000x16xf32, #tpu.memory_space<hbm>>) target(%dma_start3A_410 : memref<80x16xf32, #tpu.memory_space<vmem>>) offsets(%dma_start3A_413 : memref<80xi32, #tpu.memory_space<vmem>>) semaphore(%arg21 : memref<!tpu.dma_semaphore, #tpu.memory_space<semaphore_mem>>)
      } else {
      }
      %dma_wait3A_209 = arith.constant 0 : i32
      %dma_wait3A_210 = arith.constant 0 : i32
      %dma_wait3A_211 = arith.constant 0 : i32
      %dma_wait3A_212 = arith.constant 0 : i32
      %dma_wait3A_213 = tpu.memref_slice %arg16[%dma_wait3A_210, %dma_wait3A_211, %dma_wait3A_212] : memref<2x80x128xf32, #tpu.memory_space<vmem>> -> memref<1x80x128xf32, #tpu.memory_space<vmem>>
      %dma_wait3A_214 = tpu.memref_squeeze %dma_wait3A_213 : memref<1x80x128xf32, #tpu.memory_space<vmem>> -> memref<80x128xf32, #tpu.memory_space<vmem>>
      %dma_wait3A_215 = arith.constant 0 : i32
      %dma_wait3A_216 = tpu.memref_slice %arg14[%dma_wait3A_209, %dma_wait3A_215] : memref<2x80xi32, #tpu.memory_space<vmem>> -> memref<1x80xi32, #tpu.memory_space<vmem>>
      %dma_wait3A_217 = tpu.memref_squeeze %dma_wait3A_216 : memref<1x80xi32, #tpu.memory_space<vmem>> -> memref<80xi32, #tpu.memory_space<vmem>>
      %dma_wait3A_218 = arith.constant 0 : i32
      %dma_wait3A_219 = arith.constant 0 : i32
      %dma_wait3A_220 = tpu.memref_slice %arg4[%dma_wait3A_218, %dma_wait3A_219] : memref<10000x128xf32, #tpu.memory_space<hbm>> -> memref<10000x128xf32, #tpu.memory_space<hbm>>
      tpu.wait_indirect_dma semaphore(%arg20 : memref<!tpu.dma_semaphore, #tpu.memory_space<semaphore_mem>>) src(%dma_wait3A_220 : memref<10000x128xf32, #tpu.memory_space<hbm>>) dst(%dma_wait3A_214 : memref<80x128xf32, #tpu.memory_space<vmem>>)
      %dma_wait3A_221 = arith.constant 0 : i32
      %dma_wait3A_222 = arith.constant 0 : i32
      %dma_wait3A_223 = arith.constant 0 : i32
      %dma_wait3A_224 = arith.constant 0 : i32
      %dma_wait3A_225 = tpu.memref_slice %arg11[%dma_wait3A_222, %dma_wait3A_223, %dma_wait3A_224] : memref<2x80x16xf32, #tpu.memory_space<vmem>> -> memref<1x80x16xf32, #tpu.memory_space<vmem>>
      %dma_wait3A_226 = tpu.memref_squeeze %dma_wait3A_225 : memref<1x80x16xf32, #tpu.memory_space<vmem>> -> memref<80x16xf32, #tpu.memory_space<vmem>>
      %dma_wait3A_227 = arith.constant 0 : i32
      %dma_wait3A_228 = tpu.memref_slice %arg14[%dma_wait3A_221, %dma_wait3A_227] : memref<2x80xi32, #tpu.memory_space<vmem>> -> memref<1x80xi32, #tpu.memory_space<vmem>>
      %dma_wait3A_229 = tpu.memref_squeeze %dma_wait3A_228 : memref<1x80xi32, #tpu.memory_space<vmem>> -> memref<80xi32, #tpu.memory_space<vmem>>
      %dma_wait3A_230 = arith.constant 0 : i32
      %dma_wait3A_231 = arith.constant 0 : i32
      %dma_wait3A_232 = tpu.memref_slice %arg5[%dma_wait3A_230, %dma_wait3A_231] : memref<10000x16xf32, #tpu.memory_space<hbm>> -> memref<10000x16xf32, #tpu.memory_space<hbm>>
      tpu.wait_indirect_dma semaphore(%arg20 : memref<!tpu.dma_semaphore, #tpu.memory_space<semaphore_mem>>) src(%dma_wait3A_232 : memref<10000x16xf32, #tpu.memory_space<hbm>>) dst(%dma_wait3A_226 : memref<80x16xf32, #tpu.memory_space<vmem>>)
      %dma_wait3A_233 = arith.constant 0 : i32
      %dma_wait3A_234 = arith.constant 0 : i32
      %dma_wait3A_235 = arith.constant 0 : i32
      %dma_wait3A_236 = arith.constant 0 : i32
      %dma_wait3A_237 = tpu.memref_slice %arg12[%dma_wait3A_234, %dma_wait3A_235, %dma_wait3A_236] : memref<2x80x16xf32, #tpu.memory_space<vmem>> -> memref<1x80x16xf32, #tpu.memory_space<vmem>>
      %dma_wait3A_238 = tpu.memref_squeeze %dma_wait3A_237 : memref<1x80x16xf32, #tpu.memory_space<vmem>> -> memref<80x16xf32, #tpu.memory_space<vmem>>
      %dma_wait3A_239 = arith.constant 0 : i32
      %dma_wait3A_240 = tpu.memref_slice %arg15[%dma_wait3A_233, %dma_wait3A_239] : memref<2x80xi32, #tpu.memory_space<vmem>> -> memref<1x80xi32, #tpu.memory_space<vmem>>
      %dma_wait3A_241 = tpu.memref_squeeze %dma_wait3A_240 : memref<1x80xi32, #tpu.memory_space<vmem>> -> memref<80xi32, #tpu.memory_space<vmem>>
      %dma_wait3A_242 = arith.constant 0 : i32
      %dma_wait3A_243 = arith.constant 0 : i32
      %dma_wait3A_244 = tpu.memref_slice %arg5[%dma_wait3A_242, %dma_wait3A_243] : memref<10000x16xf32, #tpu.memory_space<hbm>> -> memref<10000x16xf32, #tpu.memory_space<hbm>>
      tpu.wait_indirect_dma semaphore(%arg20 : memref<!tpu.dma_semaphore, #tpu.memory_space<semaphore_mem>>) src(%dma_wait3A_244 : memref<10000x16xf32, #tpu.memory_space<hbm>>) dst(%dma_wait3A_238 : memref<80x16xf32, #tpu.memory_space<vmem>>)
      %scan3A_245 = arith.constant 0 : i32
      %scan3A_246 = arith.constant 0 : i32
      %scan3A_247 = arith.constant 5 : i32
      %scan3A_248 = arith.addi %scan3A_246, %scan3A_247 : i32
      %scan3A_249 = arith.constant 1 : i32
      %scan3A_250 = scf.for %scan3A_369 = %scan3A_246 to %scan3A_248 step %scan3A_249 iter_args(%scan3A_370 = %scan3A_245) -> (i32)  : i32 {
        %mul3A_371 = arith.constant 16 : i32
        %mul3A_372 = arith.muli %scan3A_369, %mul3A_371 : i32
        %add3A_373 = vector.broadcast %mul3A_372 : i32 to vector<16xi32>
        %add3A_374 = arith.addi %add3A_373, %iota3A : vector<16xi32>
        %broadcast_in_dim3A = arith.constant 0 : i32
        %broadcast_in_dim3A_375 = vector.broadcast %broadcast_in_dim3A : i32 to vector<16xi32>
        %gather3A = arith.constant 0 : i32
        %gather3A_376 = arith.constant 0 : i32
        %gather3A_377 = arith.constant 0 : i32
        %gather3A_378 = tpu.memref_slice %arg11[%gather3A, %gather3A_376, %gather3A_377] : memref<2x80x16xf32, #tpu.memory_space<vmem>> -> memref<1x80x16xf32, #tpu.memory_space<vmem>>
        %gather3A_379 = tpu.memref_squeeze %gather3A_378 : memref<1x80x16xf32, #tpu.memory_space<vmem>> -> memref<80x16xf32, #tpu.memory_space<vmem>>
        %gather3A_380 = tpu.vector_load_idx %gather3A_379[%add3A_374, %broadcast_in_dim3A_375] : memref<80x16xf32, #tpu.memory_space<vmem>>[vector<16xi32>, vector<16xi32>], vector<16xf32>,
        %add3A_381 = arith.constant 4 : i32
        %add3A_382 = vector.broadcast %add3A_381 : i32 to vector<16xi32>
        %add3A_383 = arith.addi %broadcast_in_dim3A_375, %add3A_382 : vector<16xi32>
        %gather3A_384 = arith.constant 0 : i32
        %gather3A_385 = arith.constant 0 : i32
        %gather3A_386 = arith.constant 0 : i32
        %gather3A_387 = tpu.memref_slice %arg12[%gather3A_384, %gather3A_385, %gather3A_386] : memref<2x80x16xf32, #tpu.memory_space<vmem>> -> memref<1x80x16xf32, #tpu.memory_space<vmem>>
        %gather3A_388 = tpu.memref_squeeze %gather3A_387 : memref<1x80x16xf32, #tpu.memory_space<vmem>> -> memref<80x16xf32, #tpu.memory_space<vmem>>
        %gather3A_389 = tpu.vector_load_idx %gather3A_388[%add3A_374, %add3A_383] : memref<80x16xf32, #tpu.memory_space<vmem>>[vector<16xi32>, vector<16xi32>], vector<16xf32>,
        %add3A_390 = arith.addf %gather3A_380, %gather3A_389 : vector<16xf32>
        %ge3A = arith.constant 0.000000e+00 : f32
        %ge3A_391 = vector.broadcast %ge3A : f32 to vector<16xf32>
        %ge3A_392 = arith.cmpf oge, %add3A_390, %ge3A_391 : vector<16xf32>
        %mul3A_393 = arith.constant 2.000000e-01 : f32
        %mul3A_394 = vector.broadcast %mul3A_393 : f32 to vector<16xf32>
        %mul3A_395 = arith.mulf %mul3A_394, %add3A_390 : vector<16xf32>
        %select_n3A = arith.select %ge3A_392, %add3A_390, %mul3A_395 : vector<16xi1>, vector<16xf32>
        %sub3A = vector.broadcast %squeeze3A : f32 to vector<16xf32>
        %sub3A_396 = arith.subf %select_n3A, %sub3A : vector<16xf32>
        %exp3A = math.exp %sub3A_396 : vector<16xf32>
        %scatter3A = arith.constant 0 : i32
        %scatter3A_397 = arith.constant 0 : i32
        %scatter3A_398 = arith.constant 0 : i32
        %scatter3A_399 = tpu.memref_slice %arg17[%scatter3A, %scatter3A_397, %scatter3A_398] : memref<2x80x16xf32, #tpu.memory_space<vmem>> -> memref<1x80x16xf32, #tpu.memory_space<vmem>>
        %scatter3A_400 = tpu.memref_squeeze %scatter3A_399 : memref<1x80x16xf32, #tpu.memory_space<vmem>> -> memref<80x16xf32, #tpu.memory_space<vmem>>
        tpu.vector_store_idx %scatter3A_400[%add3A_374, %broadcast_in_dim3A_375], %exp3A : memref<80x16xf32, #tpu.memory_space<vmem>>[vector<16xi32>, vector<16xi32>], vector<16xf32>,
        %broadcast_in_dim3A_401 = arith.constant 1 : i32
        %broadcast_in_dim3A_402 = vector.broadcast %broadcast_in_dim3A_401 : i32 to vector<16xi32>
        %gather3A_403 = arith.constant 0 : i32
        %gather3A_404 = arith.constant 0 : i32
        %gather3A_405 = arith.constant 0 : i32
        %gather3A_406 = tpu.memref_slice %arg11[%gather3A_403, %gather3A_404, %gather3A_405] : memref<2x80x16xf32, #tpu.memory_space<vmem>> -> memref<1x80x16xf32, #tpu.memory_space<vmem>>
        %gather3A_407 = tpu.memref_squeeze %gather3A_406 : memref<1x80x16xf32, #tpu.memory_space<vmem>> -> memref<80x16xf32, #tpu.memory_space<vmem>>
        %gather3A_408 = tpu.vector_load_idx %gather3A_407[%add3A_374, %broadcast_in_dim3A_402] : memref<80x16xf32, #tpu.memory_space<vmem>>[vector<16xi32>, vector<16xi32>], vector<16xf32>,
        %add3A_409 = arith.constant 4 : i32
        %add3A_410 = vector.broadcast %add3A_409 : i32 to vector<16xi32>
        %add3A_411 = arith.addi %broadcast_in_dim3A_402, %add3A_410 : vector<16xi32>
        %gather3A_412 = arith.constant 0 : i32
        %gather3A_413 = arith.constant 0 : i32
        %gather3A_414 = arith.constant 0 : i32
        %gather3A_415 = tpu.memref_slice %arg12[%gather3A_412, %gather3A_413, %gather3A_414] : memref<2x80x16xf32, #tpu.memory_space<vmem>> -> memref<1x80x16xf32, #tpu.memory_space<vmem>>
        %gather3A_416 = tpu.memref_squeeze %gather3A_415 : memref<1x80x16xf32, #tpu.memory_space<vmem>> -> memref<80x16xf32, #tpu.memory_space<vmem>>
        %gather3A_417 = tpu.vector_load_idx %gather3A_416[%add3A_374, %add3A_411] : memref<80x16xf32, #tpu.memory_space<vmem>>[vector<16xi32>, vector<16xi32>], vector<16xf32>,
        %add3A_418 = arith.addf %gather3A_408, %gather3A_417 : vector<16xf32>
        %ge3A_419 = arith.constant 0.000000e+00 : f32
        %ge3A_420 = vector.broadcast %ge3A_419 : f32 to vector<16xf32>
        %ge3A_421 = arith.cmpf oge, %add3A_418, %ge3A_420 : vector<16xf32>
        %mul3A_422 = arith.constant 2.000000e-01 : f32
        %mul3A_423 = vector.broadcast %mul3A_422 : f32 to vector<16xf32>
        %mul3A_424 = arith.mulf %mul3A_423, %add3A_418 : vector<16xf32>
        %select_n3A_425 = arith.select %ge3A_421, %add3A_418, %mul3A_424 : vector<16xi1>, vector<16xf32>
        %sub3A_426 = vector.broadcast %squeeze3A_21 : f32 to vector<16xf32>
        %sub3A_427 = arith.subf %select_n3A_425, %sub3A_426 : vector<16xf32>
        %exp3A_428 = math.exp %sub3A_427 : vector<16xf32>
        %scatter3A_429 = arith.constant 0 : i32
        %scatter3A_430 = arith.constant 0 : i32
        %scatter3A_431 = arith.constant 0 : i32
        %scatter3A_432 = tpu.memref_slice %arg17[%scatter3A_429, %scatter3A_430, %scatter3A_431] : memref<2x80x16xf32, #tpu.memory_space<vmem>> -> memref<1x80x16xf32, #tpu.memory_space<vmem>>
        %scatter3A_433 = tpu.memref_squeeze %scatter3A_432 : memref<1x80x16xf32, #tpu.memory_space<vmem>> -> memref<80x16xf32, #tpu.memory_space<vmem>>
        tpu.vector_store_idx %scatter3A_433[%add3A_374, %broadcast_in_dim3A_402], %exp3A_428 : memref<80x16xf32, #tpu.memory_space<vmem>>[vector<16xi32>, vector<16xi32>], vector<16xf32>,
        %broadcast_in_dim3A_434 = arith.constant 2 : i32
        %broadcast_in_dim3A_435 = vector.broadcast %broadcast_in_dim3A_434 : i32 to vector<16xi32>
        %gather3A_436 = arith.constant 0 : i32
        %gather3A_437 = arith.constant 0 : i32
        %gather3A_438 = arith.constant 0 : i32
        %gather3A_439 = tpu.memref_slice %arg11[%gather3A_436, %gather3A_437, %gather3A_438] : memref<2x80x16xf32, #tpu.memory_space<vmem>> -> memref<1x80x16xf32, #tpu.memory_space<vmem>>
        %gather3A_440 = tpu.memref_squeeze %gather3A_439 : memref<1x80x16xf32, #tpu.memory_space<vmem>> -> memref<80x16xf32, #tpu.memory_space<vmem>>
        %gather3A_441 = tpu.vector_load_idx %gather3A_440[%add3A_374, %broadcast_in_dim3A_435] : memref<80x16xf32, #tpu.memory_space<vmem>>[vector<16xi32>, vector<16xi32>], vector<16xf32>,
        %add3A_442 = arith.constant 4 : i32
        %add3A_443 = vector.broadcast %add3A_442 : i32 to vector<16xi32>
        %add3A_444 = arith.addi %broadcast_in_dim3A_435, %add3A_443 : vector<16xi32>
        %gather3A_445 = arith.constant 0 : i32
        %gather3A_446 = arith.constant 0 : i32
        %gather3A_447 = arith.constant 0 : i32
        %gather3A_448 = tpu.memref_slice %arg12[%gather3A_445, %gather3A_446, %gather3A_447] : memref<2x80x16xf32, #tpu.memory_space<vmem>> -> memref<1x80x16xf32, #tpu.memory_space<vmem>>
        %gather3A_449 = tpu.memref_squeeze %gather3A_448 : memref<1x80x16xf32, #tpu.memory_space<vmem>> -> memref<80x16xf32, #tpu.memory_space<vmem>>
        %gather3A_450 = tpu.vector_load_idx %gather3A_449[%add3A_374, %add3A_444] : memref<80x16xf32, #tpu.memory_space<vmem>>[vector<16xi32>, vector<16xi32>], vector<16xf32>,
        %add3A_451 = arith.addf %gather3A_441, %gather3A_450 : vector<16xf32>
        %ge3A_452 = arith.constant 0.000000e+00 : f32
        %ge3A_453 = vector.broadcast %ge3A_452 : f32 to vector<16xf32>
        %ge3A_454 = arith.cmpf oge, %add3A_451, %ge3A_453 : vector<16xf32>
        %mul3A_455 = arith.constant 2.000000e-01 : f32
        %mul3A_456 = vector.broadcast %mul3A_455 : f32 to vector<16xf32>
        %mul3A_457 = arith.mulf %mul3A_456, %add3A_451 : vector<16xf32>
        %select_n3A_458 = arith.select %ge3A_454, %add3A_451, %mul3A_457 : vector<16xi1>, vector<16xf32>
        %sub3A_459 = vector.broadcast %squeeze3A_23 : f32 to vector<16xf32>
        %sub3A_460 = arith.subf %select_n3A_458, %sub3A_459 : vector<16xf32>
        %exp3A_461 = math.exp %sub3A_460 : vector<16xf32>
        %scatter3A_462 = arith.constant 0 : i32
        %scatter3A_463 = arith.constant 0 : i32
        %scatter3A_464 = arith.constant 0 : i32
        %scatter3A_465 = tpu.memref_slice %arg17[%scatter3A_462, %scatter3A_463, %scatter3A_464] : memref<2x80x16xf32, #tpu.memory_space<vmem>> -> memref<1x80x16xf32, #tpu.memory_space<vmem>>
        %scatter3A_466 = tpu.memref_squeeze %scatter3A_465 : memref<1x80x16xf32, #tpu.memory_space<vmem>> -> memref<80x16xf32, #tpu.memory_space<vmem>>
        tpu.vector_store_idx %scatter3A_466[%add3A_374, %broadcast_in_dim3A_435], %exp3A_461 : memref<80x16xf32, #tpu.memory_space<vmem>>[vector<16xi32>, vector<16xi32>], vector<16xf32>,
        %broadcast_in_dim3A_467 = arith.constant 3 : i32
        %broadcast_in_dim3A_468 = vector.broadcast %broadcast_in_dim3A_467 : i32 to vector<16xi32>
        %gather3A_469 = arith.constant 0 : i32
        %gather3A_470 = arith.constant 0 : i32
        %gather3A_471 = arith.constant 0 : i32
        %gather3A_472 = tpu.memref_slice %arg11[%gather3A_469, %gather3A_470, %gather3A_471] : memref<2x80x16xf32, #tpu.memory_space<vmem>> -> memref<1x80x16xf32, #tpu.memory_space<vmem>>
        %gather3A_473 = tpu.memref_squeeze %gather3A_472 : memref<1x80x16xf32, #tpu.memory_space<vmem>> -> memref<80x16xf32, #tpu.memory_space<vmem>>
        %gather3A_474 = tpu.vector_load_idx %gather3A_473[%add3A_374, %broadcast_in_dim3A_468] : memref<80x16xf32, #tpu.memory_space<vmem>>[vector<16xi32>, vector<16xi32>], vector<16xf32>,
        %add3A_475 = arith.constant 4 : i32
        %add3A_476 = vector.broadcast %add3A_475 : i32 to vector<16xi32>
        %add3A_477 = arith.addi %broadcast_in_dim3A_468, %add3A_476 : vector<16xi32>
        %gather3A_478 = arith.constant 0 : i32
        %gather3A_479 = arith.constant 0 : i32
        %gather3A_480 = arith.constant 0 : i32
        %gather3A_481 = tpu.memref_slice %arg12[%gather3A_478, %gather3A_479, %gather3A_480] : memref<2x80x16xf32, #tpu.memory_space<vmem>> -> memref<1x80x16xf32, #tpu.memory_space<vmem>>
        %gather3A_482 = tpu.memref_squeeze %gather3A_481 : memref<1x80x16xf32, #tpu.memory_space<vmem>> -> memref<80x16xf32, #tpu.memory_space<vmem>>
        %gather3A_483 = tpu.vector_load_idx %gather3A_482[%add3A_374, %add3A_477] : memref<80x16xf32, #tpu.memory_space<vmem>>[vector<16xi32>, vector<16xi32>], vector<16xf32>,
        %add3A_484 = arith.addf %gather3A_474, %gather3A_483 : vector<16xf32>
        %ge3A_485 = arith.constant 0.000000e+00 : f32
        %ge3A_486 = vector.broadcast %ge3A_485 : f32 to vector<16xf32>
        %ge3A_487 = arith.cmpf oge, %add3A_484, %ge3A_486 : vector<16xf32>
        %mul3A_488 = arith.constant 2.000000e-01 : f32
        %mul3A_489 = vector.broadcast %mul3A_488 : f32 to vector<16xf32>
        %mul3A_490 = arith.mulf %mul3A_489, %add3A_484 : vector<16xf32>
        %select_n3A_491 = arith.select %ge3A_487, %add3A_484, %mul3A_490 : vector<16xi1>, vector<16xf32>
        %sub3A_492 = vector.broadcast %squeeze3A_25 : f32 to vector<16xf32>
        %sub3A_493 = arith.subf %select_n3A_491, %sub3A_492 : vector<16xf32>
        %exp3A_494 = math.exp %sub3A_493 : vector<16xf32>
        %scatter3A_495 = arith.constant 0 : i32
        %scatter3A_496 = arith.constant 0 : i32
        %scatter3A_497 = arith.constant 0 : i32
        %scatter3A_498 = tpu.memref_slice %arg17[%scatter3A_495, %scatter3A_496, %scatter3A_497] : memref<2x80x16xf32, #tpu.memory_space<vmem>> -> memref<1x80x16xf32, #tpu.memory_space<vmem>>
        %scatter3A_499 = tpu.memref_squeeze %scatter3A_498 : memref<1x80x16xf32, #tpu.memory_space<vmem>> -> memref<80x16xf32, #tpu.memory_space<vmem>>
        tpu.vector_store_idx %scatter3A_499[%add3A_374, %broadcast_in_dim3A_468], %exp3A_494 : memref<80x16xf32, #tpu.memory_space<vmem>>[vector<16xi32>, vector<16xi32>], vector<16xf32>,
        %scan3A_500 = arith.constant 0 : i32
        scf.yield %scan3A_500 : i32
      }
      %scan3A_251 = arith.constant 5 : i32
      %scan3A_252 = arith.constant 0 : i32
      %scan3A_253 = arith.constant 0 : i32
      %scan3A_254 = arith.constant 80 : i32
      %scan3A_255 = arith.addi %scan3A_253, %scan3A_254 : i32
      %scan3A_256 = arith.constant 1 : i32
      %scan3A_257 = scf.for %scan3A_369 = %scan3A_253 to %scan3A_255 step %scan3A_256 iter_args(%scan3A_370 = %scan3A_252) -> (i32)  : i32 {
        %get3A_371 = arith.constant 0 : i32
        %get3A_372 = arith.index_cast %get3A_371 : i32 to index
        %get3A_373 = arith.index_cast %scan3A_369 : i32 to index
        %get3A_374 = arith.constant 0 : index
        %get3A_375 = tpu.vector_load %arg17[%get3A_372, %get3A_373, %get3A_374] {strides = array<i32>} : memref<2x80x16xf32, #tpu.memory_space<vmem>>, vector<16xf32>,
        %slice3A_376 = vector.extract_strided_slice %get3A_375 {offsets = [0], sizes = [1], strides = [1]} : vector<16xf32> to vector<1xf32>
        %squeeze3A_377 = vector.extract %slice3A_376[0] : f32 from vector<1xf32>
        %get3A_378 = arith.constant 0 : i32
        %get3A_379 = arith.index_cast %get3A_378 : i32 to index
        %get3A_380 = arith.index_cast %scan3A_369 : i32 to index
        %get3A_381 = arith.constant 0 : index
        %get3A_382 = tpu.vector_load %arg16[%get3A_379, %get3A_380, %get3A_381] {strides = array<i32>} : memref<2x80x128xf32, #tpu.memory_space<vmem>>, vector<16xf32>,
        %mul3A_383 = vector.broadcast %squeeze3A_377 : f32 to vector<16xf32>
        %mul3A_384 = arith.mulf %get3A_382, %mul3A_383 : vector<16xf32>
        %swap3A = arith.constant 0 : i32
        %swap3A_385 = arith.index_cast %swap3A : i32 to index
        %swap3A_386 = arith.index_cast %scan3A_369 : i32 to index
        %swap3A_387 = arith.constant 0 : index
        %swap3A_388 = tpu.vector_load %arg16[%swap3A_385, %swap3A_386, %swap3A_387] {strides = array<i32>} : memref<2x80x128xf32, #tpu.memory_space<vmem>>, vector<16xf32>,
        tpu.vector_store %arg16[%swap3A_385, %swap3A_386, %swap3A_387], %mul3A_384 {strides = array<i32>} : memref<2x80x128xf32, #tpu.memory_space<vmem>>, vector<16xf32>,
        %get3A_389 = arith.constant 0 : i32
        %get3A_390 = arith.index_cast %get3A_389 : i32 to index
        %get3A_391 = arith.index_cast %scan3A_369 : i32 to index
        %get3A_392 = arith.constant 16 : index
        %get3A_393 = tpu.vector_load %arg16[%get3A_390, %get3A_391, %get3A_392] {strides = array<i32>} : memref<2x80x128xf32, #tpu.memory_space<vmem>>, vector<16xf32>,
        %mul3A_394 = vector.broadcast %squeeze3A_377 : f32 to vector<16xf32>
        %mul3A_395 = arith.mulf %get3A_393, %mul3A_394 : vector<16xf32>
        %swap3A_396 = arith.constant 0 : i32
        %swap3A_397 = arith.index_cast %swap3A_396 : i32 to index
        %swap3A_398 = arith.index_cast %scan3A_369 : i32 to index
        %swap3A_399 = arith.constant 16 : index
        %swap3A_400 = tpu.vector_load %arg16[%swap3A_397, %swap3A_398, %swap3A_399] {strides = array<i32>} : memref<2x80x128xf32, #tpu.memory_space<vmem>>, vector<16xf32>,
        tpu.vector_store %arg16[%swap3A_397, %swap3A_398, %swap3A_399], %mul3A_395 {strides = array<i32>} : memref<2x80x128xf32, #tpu.memory_space<vmem>>, vector<16xf32>,
        %slice3A_401 = vector.extract_strided_slice %get3A_375 {offsets = [1], sizes = [1], strides = [1]} : vector<16xf32> to vector<1xf32>
        %squeeze3A_402 = vector.extract %slice3A_401[0] : f32 from vector<1xf32>
        %get3A_403 = arith.constant 0 : i32
        %get3A_404 = arith.index_cast %get3A_403 : i32 to index
        %get3A_405 = arith.index_cast %scan3A_369 : i32 to index
        %get3A_406 = arith.constant 32 : index
        %get3A_407 = tpu.vector_load %arg16[%get3A_404, %get3A_405, %get3A_406] {strides = array<i32>} : memref<2x80x128xf32, #tpu.memory_space<vmem>>, vector<16xf32>,
        %mul3A_408 = vector.broadcast %squeeze3A_402 : f32 to vector<16xf32>
        %mul3A_409 = arith.mulf %get3A_407, %mul3A_408 : vector<16xf32>
        %swap3A_410 = arith.constant 0 : i32
        %swap3A_411 = arith.index_cast %swap3A_410 : i32 to index
        %swap3A_412 = arith.index_cast %scan3A_369 : i32 to index
        %swap3A_413 = arith.constant 32 : index
        %swap3A_414 = tpu.vector_load %arg16[%swap3A_411, %swap3A_412, %swap3A_413] {strides = array<i32>} : memref<2x80x128xf32, #tpu.memory_space<vmem>>, vector<16xf32>,
        tpu.vector_store %arg16[%swap3A_411, %swap3A_412, %swap3A_413], %mul3A_409 {strides = array<i32>} : memref<2x80x128xf32, #tpu.memory_space<vmem>>, vector<16xf32>,
        %get3A_415 = arith.constant 0 : i32
        %get3A_416 = arith.index_cast %get3A_415 : i32 to index
        %get3A_417 = arith.index_cast %scan3A_369 : i32 to index
        %get3A_418 = arith.constant 48 : index
        %get3A_419 = tpu.vector_load %arg16[%get3A_416, %get3A_417, %get3A_418] {strides = array<i32>} : memref<2x80x128xf32, #tpu.memory_space<vmem>>, vector<16xf32>,
        %mul3A_420 = vector.broadcast %squeeze3A_402 : f32 to vector<16xf32>
        %mul3A_421 = arith.mulf %get3A_419, %mul3A_420 : vector<16xf32>
        %swap3A_422 = arith.constant 0 : i32
        %swap3A_423 = arith.index_cast %swap3A_422 : i32 to index
        %swap3A_424 = arith.index_cast %scan3A_369 : i32 to index
        %swap3A_425 = arith.constant 48 : index
        %swap3A_426 = tpu.vector_load %arg16[%swap3A_423, %swap3A_424, %swap3A_425] {strides = array<i32>} : memref<2x80x128xf32, #tpu.memory_space<vmem>>, vector<16xf32>,
        tpu.vector_store %arg16[%swap3A_423, %swap3A_424, %swap3A_425], %mul3A_421 {strides = array<i32>} : memref<2x80x128xf32, #tpu.memory_space<vmem>>, vector<16xf32>,
        %slice3A_427 = vector.extract_strided_slice %get3A_375 {offsets = [2], sizes = [1], strides = [1]} : vector<16xf32> to vector<1xf32>
        %squeeze3A_428 = vector.extract %slice3A_427[0] : f32 from vector<1xf32>
        %get3A_429 = arith.constant 0 : i32
        %get3A_430 = arith.index_cast %get3A_429 : i32 to index
        %get3A_431 = arith.index_cast %scan3A_369 : i32 to index
        %get3A_432 = arith.constant 64 : index
        %get3A_433 = tpu.vector_load %arg16[%get3A_430, %get3A_431, %get3A_432] {strides = array<i32>} : memref<2x80x128xf32, #tpu.memory_space<vmem>>, vector<16xf32>,
        %mul3A_434 = vector.broadcast %squeeze3A_428 : f32 to vector<16xf32>
        %mul3A_435 = arith.mulf %get3A_433, %mul3A_434 : vector<16xf32>
        %swap3A_436 = arith.constant 0 : i32
        %swap3A_437 = arith.index_cast %swap3A_436 : i32 to index
        %swap3A_438 = arith.index_cast %scan3A_369 : i32 to index
        %swap3A_439 = arith.constant 64 : index
        %swap3A_440 = tpu.vector_load %arg16[%swap3A_437, %swap3A_438, %swap3A_439] {strides = array<i32>} : memref<2x80x128xf32, #tpu.memory_space<vmem>>, vector<16xf32>,
        tpu.vector_store %arg16[%swap3A_437, %swap3A_438, %swap3A_439], %mul3A_435 {strides = array<i32>} : memref<2x80x128xf32, #tpu.memory_space<vmem>>, vector<16xf32>,
        %get3A_441 = arith.constant 0 : i32
        %get3A_442 = arith.index_cast %get3A_441 : i32 to index
        %get3A_443 = arith.index_cast %scan3A_369 : i32 to index
        %get3A_444 = arith.constant 80 : index
        %get3A_445 = tpu.vector_load %arg16[%get3A_442, %get3A_443, %get3A_444] {strides = array<i32>} : memref<2x80x128xf32, #tpu.memory_space<vmem>>, vector<16xf32>,
        %mul3A_446 = vector.broadcast %squeeze3A_428 : f32 to vector<16xf32>
        %mul3A_447 = arith.mulf %get3A_445, %mul3A_446 : vector<16xf32>
        %swap3A_448 = arith.constant 0 : i32
        %swap3A_449 = arith.index_cast %swap3A_448 : i32 to index
        %swap3A_450 = arith.index_cast %scan3A_369 : i32 to index
        %swap3A_451 = arith.constant 80 : index
        %swap3A_452 = tpu.vector_load %arg16[%swap3A_449, %swap3A_450, %swap3A_451] {strides = array<i32>} : memref<2x80x128xf32, #tpu.memory_space<vmem>>, vector<16xf32>,
        tpu.vector_store %arg16[%swap3A_449, %swap3A_450, %swap3A_451], %mul3A_447 {strides = array<i32>} : memref<2x80x128xf32, #tpu.memory_space<vmem>>, vector<16xf32>,
        %slice3A_453 = vector.extract_strided_slice %get3A_375 {offsets = [3], sizes = [1], strides = [1]} : vector<16xf32> to vector<1xf32>
        %squeeze3A_454 = vector.extract %slice3A_453[0] : f32 from vector<1xf32>
        %get3A_455 = arith.constant 0 : i32
        %get3A_456 = arith.index_cast %get3A_455 : i32 to index
        %get3A_457 = arith.index_cast %scan3A_369 : i32 to index
        %get3A_458 = arith.constant 96 : index
        %get3A_459 = tpu.vector_load %arg16[%get3A_456, %get3A_457, %get3A_458] {strides = array<i32>} : memref<2x80x128xf32, #tpu.memory_space<vmem>>, vector<16xf32>,
        %mul3A_460 = vector.broadcast %squeeze3A_454 : f32 to vector<16xf32>
        %mul3A_461 = arith.mulf %get3A_459, %mul3A_460 : vector<16xf32>
        %swap3A_462 = arith.constant 0 : i32
        %swap3A_463 = arith.index_cast %swap3A_462 : i32 to index
        %swap3A_464 = arith.index_cast %scan3A_369 : i32 to index
        %swap3A_465 = arith.constant 96 : index
        %swap3A_466 = tpu.vector_load %arg16[%swap3A_463, %swap3A_464, %swap3A_465] {strides = array<i32>} : memref<2x80x128xf32, #tpu.memory_space<vmem>>, vector<16xf32>,
        tpu.vector_store %arg16[%swap3A_463, %swap3A_464, %swap3A_465], %mul3A_461 {strides = array<i32>} : memref<2x80x128xf32, #tpu.memory_space<vmem>>, vector<16xf32>,
        %get3A_467 = arith.constant 0 : i32
        %get3A_468 = arith.index_cast %get3A_467 : i32 to index
        %get3A_469 = arith.index_cast %scan3A_369 : i32 to index
        %get3A_470 = arith.constant 112 : index
        %get3A_471 = tpu.vector_load %arg16[%get3A_468, %get3A_469, %get3A_470] {strides = array<i32>} : memref<2x80x128xf32, #tpu.memory_space<vmem>>, vector<16xf32>,
        %mul3A_472 = vector.broadcast %squeeze3A_454 : f32 to vector<16xf32>
        %mul3A_473 = arith.mulf %get3A_471, %mul3A_472 : vector<16xf32>
        %swap3A_474 = arith.constant 0 : i32
        %swap3A_475 = arith.index_cast %swap3A_474 : i32 to index
        %swap3A_476 = arith.index_cast %scan3A_369 : i32 to index
        %swap3A_477 = arith.constant 112 : index
        %swap3A_478 = tpu.vector_load %arg16[%swap3A_475, %swap3A_476, %swap3A_477] {strides = array<i32>} : memref<2x80x128xf32, #tpu.memory_space<vmem>>, vector<16xf32>,
        tpu.vector_store %arg16[%swap3A_475, %swap3A_476, %swap3A_477], %mul3A_473 {strides = array<i32>} : memref<2x80x128xf32, #tpu.memory_space<vmem>>, vector<16xf32>,
        %scan3A_479 = arith.constant 0 : i32
        scf.yield %scan3A_479 : i32
      }
      %scan3A_258 = arith.constant 80 : i32
      %dma_start3A_259 = arith.constant 0 : i32
      %dma_start3A_260 = arith.constant 0 : i32
      %dma_start3A_261 = arith.constant 0 : i32
      %dma_start3A_262 = arith.constant 0 : i32
      %dma_start3A_263 = tpu.memref_slice %arg16[%dma_start3A_259, %dma_start3A_261, %dma_start3A_262] : memref<2x80x128xf32, #tpu.memory_space<vmem>> -> memref<1x80x128xf32, #tpu.memory_space<vmem>>
      %dma_start3A_264 = tpu.memref_squeeze %dma_start3A_263 : memref<1x80x128xf32, #tpu.memory_space<vmem>> -> memref<80x128xf32, #tpu.memory_space<vmem>>
      %dma_start3A_265 = arith.constant 0 : i32
      %dma_start3A_266 = tpu.memref_slice %arg15[%dma_start3A_260, %dma_start3A_265] : memref<2x80xi32, #tpu.memory_space<vmem>> -> memref<1x80xi32, #tpu.memory_space<vmem>>
      %dma_start3A_267 = tpu.memref_squeeze %dma_start3A_266 : memref<1x80xi32, #tpu.memory_space<vmem>> -> memref<80xi32, #tpu.memory_space<vmem>>
      %dma_start3A_268 = arith.constant 0 : i32
      %dma_start3A_269 = arith.constant 0 : i32
      %dma_start3A_270 = tpu.memref_slice %arg18[%dma_start3A_268, %dma_start3A_269] : memref<10000x128xf32, #tpu.memory_space<vmem_shared>> -> memref<10000x128xf32, #tpu.memory_space<vmem_shared>>
      tpu.enqueue_indirect_dma source(%dma_start3A_264 : memref<80x128xf32, #tpu.memory_space<vmem>>) target(%dma_start3A_270 : memref<10000x128xf32, #tpu.memory_space<vmem_shared>>) offsets(%dma_start3A_267 : memref<80xi32, #tpu.memory_space<vmem>>) semaphore(%arg22 : memref<!tpu.dma_semaphore, #tpu.memory_space<semaphore_mem>>) {add = true}
      %dma_start3A_271 = arith.constant 0 : i32
      %dma_start3A_272 = arith.constant 0 : i32
      %dma_start3A_273 = arith.constant 0 : i32
      %dma_start3A_274 = arith.constant 0 : i32
      %dma_start3A_275 = tpu.memref_slice %arg17[%dma_start3A_271, %dma_start3A_273, %dma_start3A_274] : memref<2x80x16xf32, #tpu.memory_space<vmem>> -> memref<1x80x16xf32, #tpu.memory_space<vmem>>
      %dma_start3A_276 = tpu.memref_squeeze %dma_start3A_275 : memref<1x80x16xf32, #tpu.memory_space<vmem>> -> memref<80x16xf32, #tpu.memory_space<vmem>>
      %dma_start3A_277 = arith.constant 0 : i32
      %dma_start3A_278 = tpu.memref_slice %arg15[%dma_start3A_272, %dma_start3A_277] : memref<2x80xi32, #tpu.memory_space<vmem>> -> memref<1x80xi32, #tpu.memory_space<vmem>>
      %dma_start3A_279 = tpu.memref_squeeze %dma_start3A_278 : memref<1x80xi32, #tpu.memory_space<vmem>> -> memref<80xi32, #tpu.memory_space<vmem>>
      %dma_start3A_280 = arith.constant 0 : i32
      %dma_start3A_281 = arith.constant 0 : i32
      %dma_start3A_282 = tpu.memref_slice %arg19[%dma_start3A_280, %dma_start3A_281] : memref<10000x16xf32, #tpu.memory_space<vmem_shared>> -> memref<10000x16xf32, #tpu.memory_space<vmem_shared>>
      tpu.enqueue_indirect_dma source(%dma_start3A_276 : memref<80x16xf32, #tpu.memory_space<vmem>>) target(%dma_start3A_282 : memref<10000x16xf32, #tpu.memory_space<vmem_shared>>) offsets(%dma_start3A_279 : memref<80xi32, #tpu.memory_space<vmem>>) semaphore(%arg22 : memref<!tpu.dma_semaphore, #tpu.memory_space<semaphore_mem>>) {add = true}
      %mul3A_283 = arith.constant 2 : i32
      %mul3A_284 = arith.muli %mul3A_283, %scan3A_201 : i32
      %add3A_285 = arith.constant 1 : i32
      %add3A_286 = arith.addi %mul3A_284, %add3A_285 : i32
      %add3A_287 = arith.constant 1 : i32
      %add3A_288 = arith.addi %add3A_286, %add3A_287 : i32
      %lt3A_289 = arith.constant 125 : i32
      %lt3A_290 = arith.cmpi slt, %add3A_288, %lt3A_289 : i32
      %convert_element_type3A_291 = arith.extui %lt3A_290 : i1 to i32
      %cond3A_292 = arith.constant 0 : i32
      %cond3A_293 = arith.cmpi ne, %convert_element_type3A_291, %cond3A_292 : i32
      scf.if %cond3A_293 {
        %ge3A = arith.constant 1 : i32
        %ge3A_369 = arith.cmpi sge, %add3A_286, %ge3A : i32
        %convert_element_type3A_370 = arith.extui %ge3A_369 : i1 to i32
        %cond3A_371 = arith.constant 0 : i32
        %cond3A_372 = arith.cmpi ne, %convert_element_type3A_370, %cond3A_371 : i32
        scf.if %cond3A_372 {
          %dma_wait3A_417 = arith.constant 0 : i32
          %dma_wait3A_418 = arith.constant 0 : i32
          %dma_wait3A_419 = arith.constant 0 : i32
          %dma_wait3A_420 = arith.constant 0 : i32
          %dma_wait3A_421 = tpu.memref_slice %arg16[%dma_wait3A_417, %dma_wait3A_419, %dma_wait3A_420] : memref<2x80x128xf32, #tpu.memory_space<vmem>> -> memref<1x80x128xf32, #tpu.memory_space<vmem>>
          %dma_wait3A_422 = tpu.memref_squeeze %dma_wait3A_421 : memref<1x80x128xf32, #tpu.memory_space<vmem>> -> memref<80x128xf32, #tpu.memory_space<vmem>>
          %dma_wait3A_423 = arith.constant 0 : i32
          %dma_wait3A_424 = tpu.memref_slice %arg15[%dma_wait3A_418, %dma_wait3A_423] : memref<2x80xi32, #tpu.memory_space<vmem>> -> memref<1x80xi32, #tpu.memory_space<vmem>>
          %dma_wait3A_425 = tpu.memref_squeeze %dma_wait3A_424 : memref<1x80xi32, #tpu.memory_space<vmem>> -> memref<80xi32, #tpu.memory_space<vmem>>
          %dma_wait3A_426 = arith.constant 0 : i32
          %dma_wait3A_427 = arith.constant 0 : i32
          %dma_wait3A_428 = tpu.memref_slice %arg18[%dma_wait3A_426, %dma_wait3A_427] : memref<10000x128xf32, #tpu.memory_space<vmem_shared>> -> memref<10000x128xf32, #tpu.memory_space<vmem_shared>>
          tpu.wait_indirect_dma semaphore(%arg22 : memref<!tpu.dma_semaphore, #tpu.memory_space<semaphore_mem>>) src(%dma_wait3A_422 : memref<80x128xf32, #tpu.memory_space<vmem>>) dst(%dma_wait3A_428 : memref<10000x128xf32, #tpu.memory_space<vmem_shared>>)
          %dma_wait3A_429 = arith.constant 0 : i32
          %dma_wait3A_430 = arith.constant 0 : i32
          %dma_wait3A_431 = arith.constant 0 : i32
          %dma_wait3A_432 = arith.constant 0 : i32
          %dma_wait3A_433 = tpu.memref_slice %arg17[%dma_wait3A_429, %dma_wait3A_431, %dma_wait3A_432] : memref<2x80x16xf32, #tpu.memory_space<vmem>> -> memref<1x80x16xf32, #tpu.memory_space<vmem>>
          %dma_wait3A_434 = tpu.memref_squeeze %dma_wait3A_433 : memref<1x80x16xf32, #tpu.memory_space<vmem>> -> memref<80x16xf32, #tpu.memory_space<vmem>>
          %dma_wait3A_435 = arith.constant 0 : i32
          %dma_wait3A_436 = tpu.memref_slice %arg15[%dma_wait3A_430, %dma_wait3A_435] : memref<2x80xi32, #tpu.memory_space<vmem>> -> memref<1x80xi32, #tpu.memory_space<vmem>>
          %dma_wait3A_437 = tpu.memref_squeeze %dma_wait3A_436 : memref<1x80xi32, #tpu.memory_space<vmem>> -> memref<80xi32, #tpu.memory_space<vmem>>
          %dma_wait3A_438 = arith.constant 0 : i32
          %dma_wait3A_439 = arith.constant 0 : i32
          %dma_wait3A_440 = tpu.memref_slice %arg19[%dma_wait3A_438, %dma_wait3A_439] : memref<10000x16xf32, #tpu.memory_space<vmem_shared>> -> memref<10000x16xf32, #tpu.memory_space<vmem_shared>>
          tpu.wait_indirect_dma semaphore(%arg22 : memref<!tpu.dma_semaphore, #tpu.memory_space<semaphore_mem>>) src(%dma_wait3A_434 : memref<80x16xf32, #tpu.memory_space<vmem>>) dst(%dma_wait3A_440 : memref<10000x16xf32, #tpu.memory_space<vmem_shared>>)
        } else {
        }
        %add3A_373 = arith.constant 1 : i32
        %add3A_374 = arith.addi %add3A_286, %add3A_373 : i32
        %mul3A_375 = arith.constant 80 : i32
        %mul3A_376 = arith.muli %add3A_374, %mul3A_375 : i32
        %add3A_377 = arith.addi %mul3A_2, %mul3A_376 : i32
        %multiple_of3A_378 = tpu.assume_multiple %add3A_377, 8 : i32
        %run_scoped3A_379 = arith.constant 0 : i32
        "tpu.region"() ({
          %run_scoped3A_417 = tpu.sem_alloc : memref<!tpu.dma_semaphore, #tpu.memory_space<semaphore_mem>>
          %dma_start3A_418 = arith.constant 0 : i32
          %dma_start3A_419 = tpu.memref_slice %arg14[%run_scoped3A_379, %dma_start3A_418] : memref<2x80xi32, #tpu.memory_space<vmem>> -> memref<1x80xi32, #tpu.memory_space<vmem>>
          %dma_start3A_420 = tpu.memref_squeeze %dma_start3A_419 : memref<1x80xi32, #tpu.memory_space<vmem>> -> memref<80xi32, #tpu.memory_space<vmem>>
          %dma_start3A_421 = tpu.memref_slice %arg2[%multiple_of3A_378] : memref<320000xi32, #tpu.memory_space<hbm>> -> memref<80xi32, #tpu.memory_space<hbm>>
          %dma_start3A_422 = arith.constant 0 : i32
          %dma_start3A_423 = tpu.memref_slice %arg14[%run_scoped3A_379, %dma_start3A_422] : memref<2x80xi32, #tpu.memory_space<vmem>> -> memref<1x80xi32, #tpu.memory_space<vmem>>
          %dma_start3A_424 = tpu.memref_squeeze %dma_start3A_423 : memref<1x80xi32, #tpu.memory_space<vmem>> -> memref<80xi32, #tpu.memory_space<vmem>>
          %dma_start3A_425 = tpu.memref_slice %arg2[%multiple_of3A_378] : memref<320000xi32, #tpu.memory_space<hbm>> -> memref<80xi32, #tpu.memory_space<hbm>>
          tpu.enqueue_dma source(%dma_start3A_425 : memref<80xi32, #tpu.memory_space<hbm>>) target(%dma_start3A_424 : memref<80xi32, #tpu.memory_space<vmem>>) target_semaphore(%run_scoped3A_417 : memref<!tpu.dma_semaphore, #tpu.memory_space<semaphore_mem>>)
          %dma_wait3A_426 = arith.constant 0 : i32
          %dma_wait3A_427 = tpu.memref_slice %arg14[%run_scoped3A_379, %dma_wait3A_426] : memref<2x80xi32, #tpu.memory_space<vmem>> -> memref<1x80xi32, #tpu.memory_space<vmem>>
          %dma_wait3A_428 = tpu.memref_squeeze %dma_wait3A_427 : memref<1x80xi32, #tpu.memory_space<vmem>> -> memref<80xi32, #tpu.memory_space<vmem>>
          %dma_wait3A_429 = tpu.memref_slice %arg2[%multiple_of3A_378] : memref<320000xi32, #tpu.memory_space<hbm>> -> memref<80xi32, #tpu.memory_space<hbm>>
          %dma_wait3A_430 = arith.constant 0 : i32
          %dma_wait3A_431 = tpu.memref_slice %arg14[%run_scoped3A_379, %dma_wait3A_430] : memref<2x80xi32, #tpu.memory_space<vmem>> -> memref<1x80xi32, #tpu.memory_space<vmem>>
          %dma_wait3A_432 = tpu.memref_squeeze %dma_wait3A_431 : memref<1x80xi32, #tpu.memory_space<vmem>> -> memref<80xi32, #tpu.memory_space<vmem>>
          %dma_wait3A_433 = tpu.memref_slice %arg2[%multiple_of3A_378] : memref<320000xi32, #tpu.memory_space<hbm>> -> memref<80xi32, #tpu.memory_space<hbm>>
          tpu.wait_dma2 semaphore(%run_scoped3A_417 : memref<!tpu.dma_semaphore, #tpu.memory_space<semaphore_mem>>) src(%dma_wait3A_433 : memref<80xi32, #tpu.memory_space<hbm>>) dst(%dma_wait3A_432 : memref<80xi32, #tpu.memory_space<vmem>>)
          tpu.yield
        }) : () -> ()
        %run_scoped3A_380 = arith.constant 0 : i32
        "tpu.region"() ({
          %run_scoped3A_417 = tpu.sem_alloc : memref<!tpu.dma_semaphore, #tpu.memory_space<semaphore_mem>>
          %dma_start3A_418 = arith.constant 0 : i32
          %dma_start3A_419 = tpu.memref_slice %arg15[%run_scoped3A_380, %dma_start3A_418] : memref<2x80xi32, #tpu.memory_space<vmem>> -> memref<1x80xi32, #tpu.memory_space<vmem>>
          %dma_start3A_420 = tpu.memref_squeeze %dma_start3A_419 : memref<1x80xi32, #tpu.memory_space<vmem>> -> memref<80xi32, #tpu.memory_space<vmem>>
          %dma_start3A_421 = tpu.memref_slice %arg3[%multiple_of3A_378] : memref<320000xi32, #tpu.memory_space<hbm>> -> memref<80xi32, #tpu.memory_space<hbm>>
          %dma_start3A_422 = arith.constant 0 : i32
          %dma_start3A_423 = tpu.memref_slice %arg15[%run_scoped3A_380, %dma_start3A_422] : memref<2x80xi32, #tpu.memory_space<vmem>> -> memref<1x80xi32, #tpu.memory_space<vmem>>
          %dma_start3A_424 = tpu.memref_squeeze %dma_start3A_423 : memref<1x80xi32, #tpu.memory_space<vmem>> -> memref<80xi32, #tpu.memory_space<vmem>>
          %dma_start3A_425 = tpu.memref_slice %arg3[%multiple_of3A_378] : memref<320000xi32, #tpu.memory_space<hbm>> -> memref<80xi32, #tpu.memory_space<hbm>>
          tpu.enqueue_dma source(%dma_start3A_425 : memref<80xi32, #tpu.memory_space<hbm>>) target(%dma_start3A_424 : memref<80xi32, #tpu.memory_space<vmem>>) target_semaphore(%run_scoped3A_417 : memref<!tpu.dma_semaphore, #tpu.memory_space<semaphore_mem>>)
          %dma_wait3A_426 = arith.constant 0 : i32
          %dma_wait3A_427 = tpu.memref_slice %arg15[%run_scoped3A_380, %dma_wait3A_426] : memref<2x80xi32, #tpu.memory_space<vmem>> -> memref<1x80xi32, #tpu.memory_space<vmem>>
          %dma_wait3A_428 = tpu.memref_squeeze %dma_wait3A_427 : memref<1x80xi32, #tpu.memory_space<vmem>> -> memref<80xi32, #tpu.memory_space<vmem>>
          %dma_wait3A_429 = tpu.memref_slice %arg3[%multiple_of3A_378] : memref<320000xi32, #tpu.memory_space<hbm>> -> memref<80xi32, #tpu.memory_space<hbm>>
          %dma_wait3A_430 = arith.constant 0 : i32
          %dma_wait3A_431 = tpu.memref_slice %arg15[%run_scoped3A_380, %dma_wait3A_430] : memref<2x80xi32, #tpu.memory_space<vmem>> -> memref<1x80xi32, #tpu.memory_space<vmem>>
          %dma_wait3A_432 = tpu.memref_squeeze %dma_wait3A_431 : memref<1x80xi32, #tpu.memory_space<vmem>> -> memref<80xi32, #tpu.memory_space<vmem>>
          %dma_wait3A_433 = tpu.memref_slice %arg3[%multiple_of3A_378] : memref<320000xi32, #tpu.memory_space<hbm>> -> memref<80xi32, #tpu.memory_space<hbm>>
          tpu.wait_dma2 semaphore(%run_scoped3A_417 : memref<!tpu.dma_semaphore, #tpu.memory_space<semaphore_mem>>) src(%dma_wait3A_433 : memref<80xi32, #tpu.memory_space<hbm>>) dst(%dma_wait3A_432 : memref<80xi32, #tpu.memory_space<vmem>>)
          tpu.yield
        }) : () -> ()
        %dma_start3A_381 = arith.constant 0 : i32
        %dma_start3A_382 = arith.constant 0 : i32
        %dma_start3A_383 = arith.constant 0 : i32
        %dma_start3A_384 = arith.constant 0 : i32
        %dma_start3A_385 = tpu.memref_slice %arg16[%dma_start3A_382, %dma_start3A_383, %dma_start3A_384] : memref<2x80x128xf32, #tpu.memory_space<vmem>> -> memref<1x80x128xf32, #tpu.memory_space<vmem>>
        %dma_start3A_386 = tpu.memref_squeeze %dma_start3A_385 : memref<1x80x128xf32, #tpu.memory_space<vmem>> -> memref<80x128xf32, #tpu.memory_space<vmem>>
        %dma_start3A_387 = arith.constant 0 : i32
        %dma_start3A_388 = tpu.memref_slice %arg14[%dma_start3A_381, %dma_start3A_387] : memref<2x80xi32, #tpu.memory_space<vmem>> -> memref<1x80xi32, #tpu.memory_space<vmem>>
        %dma_start3A_389 = tpu.memref_squeeze %dma_start3A_388 : memref<1x80xi32, #tpu.memory_space<vmem>> -> memref<80xi32, #tpu.memory_space<vmem>>
        %dma_start3A_390 = arith.constant 0 : i32
        %dma_start3A_391 = arith.constant 0 : i32
        %dma_start3A_392 = tpu.memref_slice %arg4[%dma_start3A_390, %dma_start3A_391] : memref<10000x128xf32, #tpu.memory_space<hbm>> -> memref<10000x128xf32, #tpu.memory_space<hbm>>
        tpu.enqueue_indirect_dma source(%dma_start3A_392 : memref<10000x128xf32, #tpu.memory_space<hbm>>) target(%dma_start3A_386 : memref<80x128xf32, #tpu.memory_space<vmem>>) offsets(%dma_start3A_389 : memref<80xi32, #tpu.memory_space<vmem>>) semaphore(%arg20 : memref<!tpu.dma_semaphore, #tpu.memory_space<semaphore_mem>>)
        %dma_start3A_393 = arith.constant 0 : i32
        %dma_start3A_394 = arith.constant 0 : i32
        %dma_start3A_395 = arith.constant 0 : i32
        %dma_start3A_396 = arith.constant 0 : i32
        %dma_start3A_397 = tpu.memref_slice %arg11[%dma_start3A_394, %dma_start3A_395, %dma_start3A_396] : memref<2x80x16xf32, #tpu.memory_space<vmem>> -> memref<1x80x16xf32, #tpu.memory_space<vmem>>
        %dma_start3A_398 = tpu.memref_squeeze %dma_start3A_397 : memref<1x80x16xf32, #tpu.memory_space<vmem>> -> memref<80x16xf32, #tpu.memory_space<vmem>>
        %dma_start3A_399 = arith.constant 0 : i32
        %dma_start3A_400 = tpu.memref_slice %arg14[%dma_start3A_393, %dma_start3A_399] : memref<2x80xi32, #tpu.memory_space<vmem>> -> memref<1x80xi32, #tpu.memory_space<vmem>>
        %dma_start3A_401 = tpu.memref_squeeze %dma_start3A_400 : memref<1x80xi32, #tpu.memory_space<vmem>> -> memref<80xi32, #tpu.memory_space<vmem>>
        %dma_start3A_402 = arith.constant 0 : i32
        %dma_start3A_403 = arith.constant 0 : i32
        %dma_start3A_404 = tpu.memref_slice %arg5[%dma_start3A_402, %dma_start3A_403] : memref<10000x16xf32, #tpu.memory_space<hbm>> -> memref<10000x16xf32, #tpu.memory_space<hbm>>
        tpu.enqueue_indirect_dma source(%dma_start3A_404 : memref<10000x16xf32, #tpu.memory_space<hbm>>) target(%dma_start3A_398 : memref<80x16xf32, #tpu.memory_space<vmem>>) offsets(%dma_start3A_401 : memref<80xi32, #tpu.memory_space<vmem>>) semaphore(%arg20 : memref<!tpu.dma_semaphore, #tpu.memory_space<semaphore_mem>>)
        %dma_start3A_405 = arith.constant 0 : i32
        %dma_start3A_406 = arith.constant 0 : i32
        %dma_start3A_407 = arith.constant 0 : i32
        %dma_start3A_408 = arith.constant 0 : i32
        %dma_start3A_409 = tpu.memref_slice %arg12[%dma_start3A_406, %dma_start3A_407, %dma_start3A_408] : memref<2x80x16xf32, #tpu.memory_space<vmem>> -> memref<1x80x16xf32, #tpu.memory_space<vmem>>
        %dma_start3A_410 = tpu.memref_squeeze %dma_start3A_409 : memref<1x80x16xf32, #tpu.memory_space<vmem>> -> memref<80x16xf32, #tpu.memory_space<vmem>>
        %dma_start3A_411 = arith.constant 0 : i32
        %dma_start3A_412 = tpu.memref_slice %arg15[%dma_start3A_405, %dma_start3A_411] : memref<2x80xi32, #tpu.memory_space<vmem>> -> memref<1x80xi32, #tpu.memory_space<vmem>>
        %dma_start3A_413 = tpu.memref_squeeze %dma_start3A_412 : memref<1x80xi32, #tpu.memory_space<vmem>> -> memref<80xi32, #tpu.memory_space<vmem>>
        %dma_start3A_414 = arith.constant 0 : i32
        %dma_start3A_415 = arith.constant 0 : i32
        %dma_start3A_416 = tpu.memref_slice %arg5[%dma_start3A_414, %dma_start3A_415] : memref<10000x16xf32, #tpu.memory_space<hbm>> -> memref<10000x16xf32, #tpu.memory_space<hbm>>
        tpu.enqueue_indirect_dma source(%dma_start3A_416 : memref<10000x16xf32, #tpu.memory_space<hbm>>) target(%dma_start3A_410 : memref<80x16xf32, #tpu.memory_space<vmem>>) offsets(%dma_start3A_413 : memref<80xi32, #tpu.memory_space<vmem>>) semaphore(%arg20 : memref<!tpu.dma_semaphore, #tpu.memory_space<semaphore_mem>>)
      } else {
      }
      %dma_wait3A_294 = arith.constant 1 : i32
      %dma_wait3A_295 = arith.constant 1 : i32
      %dma_wait3A_296 = arith.constant 0 : i32
      %dma_wait3A_297 = arith.constant 0 : i32
      %dma_wait3A_298 = tpu.memref_slice %arg16[%dma_wait3A_295, %dma_wait3A_296, %dma_wait3A_297] : memref<2x80x128xf32, #tpu.memory_space<vmem>> -> memref<1x80x128xf32, #tpu.memory_space<vmem>>
      %dma_wait3A_299 = tpu.memref_squeeze %dma_wait3A_298 : memref<1x80x128xf32, #tpu.memory_space<vmem>> -> memref<80x128xf32, #tpu.memory_space<vmem>>
      %dma_wait3A_300 = arith.constant 0 : i32
      %dma_wait3A_301 = tpu.memref_slice %arg14[%dma_wait3A_294, %dma_wait3A_300] : memref<2x80xi32, #tpu.memory_space<vmem>> -> memref<1x80xi32, #tpu.memory_space<vmem>>
      %dma_wait3A_302 = tpu.memref_squeeze %dma_wait3A_301 : memref<1x80xi32, #tpu.memory_space<vmem>> -> memref<80xi32, #tpu.memory_space<vmem>>
      %dma_wait3A_303 = arith.constant 0 : i32
      %dma_wait3A_304 = arith.constant 0 : i32
      %dma_wait3A_305 = tpu.memref_slice %arg4[%dma_wait3A_303, %dma_wait3A_304] : memref<10000x128xf32, #tpu.memory_space<hbm>> -> memref<10000x128xf32, #tpu.memory_space<hbm>>
      tpu.wait_indirect_dma semaphore(%arg21 : memref<!tpu.dma_semaphore, #tpu.memory_space<semaphore_mem>>) src(%dma_wait3A_305 : memref<10000x128xf32, #tpu.memory_space<hbm>>) dst(%dma_wait3A_299 : memref<80x128xf32, #tpu.memory_space<vmem>>)
      %dma_wait3A_306 = arith.constant 1 : i32
      %dma_wait3A_307 = arith.constant 1 : i32
      %dma_wait3A_308 = arith.constant 0 : i32
      %dma_wait3A_309 = arith.constant 0 : i32
      %dma_wait3A_310 = tpu.memref_slice %arg11[%dma_wait3A_307, %dma_wait3A_308, %dma_wait3A_309] : memref<2x80x16xf32, #tpu.memory_space<vmem>> -> memref<1x80x16xf32, #tpu.memory_space<vmem>>
      %dma_wait3A_311 = tpu.memref_squeeze %dma_wait3A_310 : memref<1x80x16xf32, #tpu.memory_space<vmem>> -> memref<80x16xf32, #tpu.memory_space<vmem>>
      %dma_wait3A_312 = arith.constant 0 : i32
      %dma_wait3A_313 = tpu.memref_slice %arg14[%dma_wait3A_306, %dma_wait3A_312] : memref<2x80xi32, #tpu.memory_space<vmem>> -> memref<1x80xi32, #tpu.memory_space<vmem>>
      %dma_wait3A_314 = tpu.memref_squeeze %dma_wait3A_313 : memref<1x80xi32, #tpu.memory_space<vmem>> -> memref<80xi32, #tpu.memory_space<vmem>>
      %dma_wait3A_315 = arith.constant 0 : i32
      %dma_wait3A_316 = arith.constant 0 : i32
      %dma_wait3A_317 = tpu.memref_slice %arg5[%dma_wait3A_315, %dma_wait3A_316] : memref<10000x16xf32, #tpu.memory_space<hbm>> -> memref<10000x16xf32, #tpu.memory_space<hbm>>
      tpu.wait_indirect_dma semaphore(%arg21 : memref<!tpu.dma_semaphore, #tpu.memory_space<semaphore_mem>>) src(%dma_wait3A_317 : memref<10000x16xf32, #tpu.memory_space<hbm>>) dst(%dma_wait3A_311 : memref<80x16xf32, #tpu.memory_space<vmem>>)
      %dma_wait3A_318 = arith.constant 1 : i32
      %dma_wait3A_319 = arith.constant 1 : i32
      %dma_wait3A_320 = arith.constant 0 : i32
      %dma_wait3A_321 = arith.constant 0 : i32
      %dma_wait3A_322 = tpu.memref_slice %arg12[%dma_wait3A_319, %dma_wait3A_320, %dma_wait3A_321] : memref<2x80x16xf32, #tpu.memory_space<vmem>> -> memref<1x80x16xf32, #tpu.memory_space<vmem>>
      %dma_wait3A_323 = tpu.memref_squeeze %dma_wait3A_322 : memref<1x80x16xf32, #tpu.memory_space<vmem>> -> memref<80x16xf32, #tpu.memory_space<vmem>>
      %dma_wait3A_324 = arith.constant 0 : i32
      %dma_wait3A_325 = tpu.memref_slice %arg15[%dma_wait3A_318, %dma_wait3A_324] : memref<2x80xi32, #tpu.memory_space<vmem>> -> memref<1x80xi32, #tpu.memory_space<vmem>>
      %dma_wait3A_326 = tpu.memref_squeeze %dma_wait3A_325 : memref<1x80xi32, #tpu.memory_space<vmem>> -> memref<80xi32, #tpu.memory_space<vmem>>
      %dma_wait3A_327 = arith.constant 0 : i32
      %dma_wait3A_328 = arith.constant 0 : i32
      %dma_wait3A_329 = tpu.memref_slice %arg5[%dma_wait3A_327, %dma_wait3A_328] : memref<10000x16xf32, #tpu.memory_space<hbm>> -> memref<10000x16xf32, #tpu.memory_space<hbm>>
      tpu.wait_indirect_dma semaphore(%arg21 : memref<!tpu.dma_semaphore, #tpu.memory_space<semaphore_mem>>) src(%dma_wait3A_329 : memref<10000x16xf32, #tpu.memory_space<hbm>>) dst(%dma_wait3A_323 : memref<80x16xf32, #tpu.memory_space<vmem>>)
      %scan3A_330 = arith.constant 0 : i32
      %scan3A_331 = arith.constant 0 : i32
      %scan3A_332 = arith.constant 5 : i32
      %scan3A_333 = arith.addi %scan3A_331, %scan3A_332 : i32
      %scan3A_334 = arith.constant 1 : i32
      %scan3A_335 = scf.for %scan3A_369 = %scan3A_331 to %scan3A_333 step %scan3A_334 iter_args(%scan3A_370 = %scan3A_330) -> (i32)  : i32 {
        %mul3A_371 = arith.constant 16 : i32
        %mul3A_372 = arith.muli %scan3A_369, %mul3A_371 : i32
        %add3A_373 = vector.broadcast %mul3A_372 : i32 to vector<16xi32>
        %add3A_374 = arith.addi %add3A_373, %iota3A : vector<16xi32>
        %broadcast_in_dim3A = arith.constant 0 : i32
        %broadcast_in_dim3A_375 = vector.broadcast %broadcast_in_dim3A : i32 to vector<16xi32>
        %gather3A = arith.constant 1 : i32
        %gather3A_376 = arith.constant 0 : i32
        %gather3A_377 = arith.constant 0 : i32
        %gather3A_378 = tpu.memref_slice %arg11[%gather3A, %gather3A_376, %gather3A_377] : memref<2x80x16xf32, #tpu.memory_space<vmem>> -> memref<1x80x16xf32, #tpu.memory_space<vmem>>
        %gather3A_379 = tpu.memref_squeeze %gather3A_378 : memref<1x80x16xf32, #tpu.memory_space<vmem>> -> memref<80x16xf32, #tpu.memory_space<vmem>>
        %gather3A_380 = tpu.vector_load_idx %gather3A_379[%add3A_374, %broadcast_in_dim3A_375] : memref<80x16xf32, #tpu.memory_space<vmem>>[vector<16xi32>, vector<16xi32>], vector<16xf32>,
        %add3A_381 = arith.constant 4 : i32
        %add3A_382 = vector.broadcast %add3A_381 : i32 to vector<16xi32>
        %add3A_383 = arith.addi %broadcast_in_dim3A_375, %add3A_382 : vector<16xi32>
        %gather3A_384 = arith.constant 1 : i32
        %gather3A_385 = arith.constant 0 : i32
        %gather3A_386 = arith.constant 0 : i32
        %gather3A_387 = tpu.memref_slice %arg12[%gather3A_384, %gather3A_385, %gather3A_386] : memref<2x80x16xf32, #tpu.memory_space<vmem>> -> memref<1x80x16xf32, #tpu.memory_space<vmem>>
        %gather3A_388 = tpu.memref_squeeze %gather3A_387 : memref<1x80x16xf32, #tpu.memory_space<vmem>> -> memref<80x16xf32, #tpu.memory_space<vmem>>
        %gather3A_389 = tpu.vector_load_idx %gather3A_388[%add3A_374, %add3A_383] : memref<80x16xf32, #tpu.memory_space<vmem>>[vector<16xi32>, vector<16xi32>], vector<16xf32>,
        %add3A_390 = arith.addf %gather3A_380, %gather3A_389 : vector<16xf32>
        %ge3A = arith.constant 0.000000e+00 : f32
        %ge3A_391 = vector.broadcast %ge3A : f32 to vector<16xf32>
        %ge3A_392 = arith.cmpf oge, %add3A_390, %ge3A_391 : vector<16xf32>
        %mul3A_393 = arith.constant 2.000000e-01 : f32
        %mul3A_394 = vector.broadcast %mul3A_393 : f32 to vector<16xf32>
        %mul3A_395 = arith.mulf %mul3A_394, %add3A_390 : vector<16xf32>
        %select_n3A = arith.select %ge3A_392, %add3A_390, %mul3A_395 : vector<16xi1>, vector<16xf32>
        %sub3A = vector.broadcast %squeeze3A : f32 to vector<16xf32>
        %sub3A_396 = arith.subf %select_n3A, %sub3A : vector<16xf32>
        %exp3A = math.exp %sub3A_396 : vector<16xf32>
        %scatter3A = arith.constant 1 : i32
        %scatter3A_397 = arith.constant 0 : i32
        %scatter3A_398 = arith.constant 0 : i32
        %scatter3A_399 = tpu.memref_slice %arg17[%scatter3A, %scatter3A_397, %scatter3A_398] : memref<2x80x16xf32, #tpu.memory_space<vmem>> -> memref<1x80x16xf32, #tpu.memory_space<vmem>>
        %scatter3A_400 = tpu.memref_squeeze %scatter3A_399 : memref<1x80x16xf32, #tpu.memory_space<vmem>> -> memref<80x16xf32, #tpu.memory_space<vmem>>
        tpu.vector_store_idx %scatter3A_400[%add3A_374, %broadcast_in_dim3A_375], %exp3A : memref<80x16xf32, #tpu.memory_space<vmem>>[vector<16xi32>, vector<16xi32>], vector<16xf32>,
        %broadcast_in_dim3A_401 = arith.constant 1 : i32
        %broadcast_in_dim3A_402 = vector.broadcast %broadcast_in_dim3A_401 : i32 to vector<16xi32>
        %gather3A_403 = arith.constant 1 : i32
        %gather3A_404 = arith.constant 0 : i32
        %gather3A_405 = arith.constant 0 : i32
        %gather3A_406 = tpu.memref_slice %arg11[%gather3A_403, %gather3A_404, %gather3A_405] : memref<2x80x16xf32, #tpu.memory_space<vmem>> -> memref<1x80x16xf32, #tpu.memory_space<vmem>>
        %gather3A_407 = tpu.memref_squeeze %gather3A_406 : memref<1x80x16xf32, #tpu.memory_space<vmem>> -> memref<80x16xf32, #tpu.memory_space<vmem>>
        %gather3A_408 = tpu.vector_load_idx %gather3A_407[%add3A_374, %broadcast_in_dim3A_402] : memref<80x16xf32, #tpu.memory_space<vmem>>[vector<16xi32>, vector<16xi32>], vector<16xf32>,
        %add3A_409 = arith.constant 4 : i32
        %add3A_410 = vector.broadcast %add3A_409 : i32 to vector<16xi32>
        %add3A_411 = arith.addi %broadcast_in_dim3A_402, %add3A_410 : vector<16xi32>
        %gather3A_412 = arith.constant 1 : i32
        %gather3A_413 = arith.constant 0 : i32
        %gather3A_414 = arith.constant 0 : i32
        %gather3A_415 = tpu.memref_slice %arg12[%gather3A_412, %gather3A_413, %gather3A_414] : memref<2x80x16xf32, #tpu.memory_space<vmem>> -> memref<1x80x16xf32, #tpu.memory_space<vmem>>
        %gather3A_416 = tpu.memref_squeeze %gather3A_415 : memref<1x80x16xf32, #tpu.memory_space<vmem>> -> memref<80x16xf32, #tpu.memory_space<vmem>>
        %gather3A_417 = tpu.vector_load_idx %gather3A_416[%add3A_374, %add3A_411] : memref<80x16xf32, #tpu.memory_space<vmem>>[vector<16xi32>, vector<16xi32>], vector<16xf32>,
        %add3A_418 = arith.addf %gather3A_408, %gather3A_417 : vector<16xf32>
        %ge3A_419 = arith.constant 0.000000e+00 : f32
        %ge3A_420 = vector.broadcast %ge3A_419 : f32 to vector<16xf32>
        %ge3A_421 = arith.cmpf oge, %add3A_418, %ge3A_420 : vector<16xf32>
        %mul3A_422 = arith.constant 2.000000e-01 : f32
        %mul3A_423 = vector.broadcast %mul3A_422 : f32 to vector<16xf32>
        %mul3A_424 = arith.mulf %mul3A_423, %add3A_418 : vector<16xf32>
        %select_n3A_425 = arith.select %ge3A_421, %add3A_418, %mul3A_424 : vector<16xi1>, vector<16xf32>
        %sub3A_426 = vector.broadcast %squeeze3A_21 : f32 to vector<16xf32>
        %sub3A_427 = arith.subf %select_n3A_425, %sub3A_426 : vector<16xf32>
        %exp3A_428 = math.exp %sub3A_427 : vector<16xf32>
        %scatter3A_429 = arith.constant 1 : i32
        %scatter3A_430 = arith.constant 0 : i32
        %scatter3A_431 = arith.constant 0 : i32
        %scatter3A_432 = tpu.memref_slice %arg17[%scatter3A_429, %scatter3A_430, %scatter3A_431] : memref<2x80x16xf32, #tpu.memory_space<vmem>> -> memref<1x80x16xf32, #tpu.memory_space<vmem>>
        %scatter3A_433 = tpu.memref_squeeze %scatter3A_432 : memref<1x80x16xf32, #tpu.memory_space<vmem>> -> memref<80x16xf32, #tpu.memory_space<vmem>>
        tpu.vector_store_idx %scatter3A_433[%add3A_374, %broadcast_in_dim3A_402], %exp3A_428 : memref<80x16xf32, #tpu.memory_space<vmem>>[vector<16xi32>, vector<16xi32>], vector<16xf32>,
        %broadcast_in_dim3A_434 = arith.constant 2 : i32
        %broadcast_in_dim3A_435 = vector.broadcast %broadcast_in_dim3A_434 : i32 to vector<16xi32>
        %gather3A_436 = arith.constant 1 : i32
        %gather3A_437 = arith.constant 0 : i32
        %gather3A_438 = arith.constant 0 : i32
        %gather3A_439 = tpu.memref_slice %arg11[%gather3A_436, %gather3A_437, %gather3A_438] : memref<2x80x16xf32, #tpu.memory_space<vmem>> -> memref<1x80x16xf32, #tpu.memory_space<vmem>>
        %gather3A_440 = tpu.memref_squeeze %gather3A_439 : memref<1x80x16xf32, #tpu.memory_space<vmem>> -> memref<80x16xf32, #tpu.memory_space<vmem>>
        %gather3A_441 = tpu.vector_load_idx %gather3A_440[%add3A_374, %broadcast_in_dim3A_435] : memref<80x16xf32, #tpu.memory_space<vmem>>[vector<16xi32>, vector<16xi32>], vector<16xf32>,
        %add3A_442 = arith.constant 4 : i32
        %add3A_443 = vector.broadcast %add3A_442 : i32 to vector<16xi32>
        %add3A_444 = arith.addi %broadcast_in_dim3A_435, %add3A_443 : vector<16xi32>
        %gather3A_445 = arith.constant 1 : i32
        %gather3A_446 = arith.constant 0 : i32
        %gather3A_447 = arith.constant 0 : i32
        %gather3A_448 = tpu.memref_slice %arg12[%gather3A_445, %gather3A_446, %gather3A_447] : memref<2x80x16xf32, #tpu.memory_space<vmem>> -> memref<1x80x16xf32, #tpu.memory_space<vmem>>
        %gather3A_449 = tpu.memref_squeeze %gather3A_448 : memref<1x80x16xf32, #tpu.memory_space<vmem>> -> memref<80x16xf32, #tpu.memory_space<vmem>>
        %gather3A_450 = tpu.vector_load_idx %gather3A_449[%add3A_374, %add3A_444] : memref<80x16xf32, #tpu.memory_space<vmem>>[vector<16xi32>, vector<16xi32>], vector<16xf32>,
        %add3A_451 = arith.addf %gather3A_441, %gather3A_450 : vector<16xf32>
        %ge3A_452 = arith.constant 0.000000e+00 : f32
        %ge3A_453 = vector.broadcast %ge3A_452 : f32 to vector<16xf32>
        %ge3A_454 = arith.cmpf oge, %add3A_451, %ge3A_453 : vector<16xf32>
        %mul3A_455 = arith.constant 2.000000e-01 : f32
        %mul3A_456 = vector.broadcast %mul3A_455 : f32 to vector<16xf32>
        %mul3A_457 = arith.mulf %mul3A_456, %add3A_451 : vector<16xf32>
        %select_n3A_458 = arith.select %ge3A_454, %add3A_451, %mul3A_457 : vector<16xi1>, vector<16xf32>
        %sub3A_459 = vector.broadcast %squeeze3A_23 : f32 to vector<16xf32>
        %sub3A_460 = arith.subf %select_n3A_458, %sub3A_459 : vector<16xf32>
        %exp3A_461 = math.exp %sub3A_460 : vector<16xf32>
        %scatter3A_462 = arith.constant 1 : i32
        %scatter3A_463 = arith.constant 0 : i32
        %scatter3A_464 = arith.constant 0 : i32
        %scatter3A_465 = tpu.memref_slice %arg17[%scatter3A_462, %scatter3A_463, %scatter3A_464] : memref<2x80x16xf32, #tpu.memory_space<vmem>> -> memref<1x80x16xf32, #tpu.memory_space<vmem>>
        %scatter3A_466 = tpu.memref_squeeze %scatter3A_465 : memref<1x80x16xf32, #tpu.memory_space<vmem>> -> memref<80x16xf32, #tpu.memory_space<vmem>>
        tpu.vector_store_idx %scatter3A_466[%add3A_374, %broadcast_in_dim3A_435], %exp3A_461 : memref<80x16xf32, #tpu.memory_space<vmem>>[vector<16xi32>, vector<16xi32>], vector<16xf32>,
        %broadcast_in_dim3A_467 = arith.constant 3 : i32
        %broadcast_in_dim3A_468 = vector.broadcast %broadcast_in_dim3A_467 : i32 to vector<16xi32>
        %gather3A_469 = arith.constant 1 : i32
        %gather3A_470 = arith.constant 0 : i32
        %gather3A_471 = arith.constant 0 : i32
        %gather3A_472 = tpu.memref_slice %arg11[%gather3A_469, %gather3A_470, %gather3A_471] : memref<2x80x16xf32, #tpu.memory_space<vmem>> -> memref<1x80x16xf32, #tpu.memory_space<vmem>>
        %gather3A_473 = tpu.memref_squeeze %gather3A_472 : memref<1x80x16xf32, #tpu.memory_space<vmem>> -> memref<80x16xf32, #tpu.memory_space<vmem>>
        %gather3A_474 = tpu.vector_load_idx %gather3A_473[%add3A_374, %broadcast_in_dim3A_468] : memref<80x16xf32, #tpu.memory_space<vmem>>[vector<16xi32>, vector<16xi32>], vector<16xf32>,
        %add3A_475 = arith.constant 4 : i32
        %add3A_476 = vector.broadcast %add3A_475 : i32 to vector<16xi32>
        %add3A_477 = arith.addi %broadcast_in_dim3A_468, %add3A_476 : vector<16xi32>
        %gather3A_478 = arith.constant 1 : i32
        %gather3A_479 = arith.constant 0 : i32
        %gather3A_480 = arith.constant 0 : i32
        %gather3A_481 = tpu.memref_slice %arg12[%gather3A_478, %gather3A_479, %gather3A_480] : memref<2x80x16xf32, #tpu.memory_space<vmem>> -> memref<1x80x16xf32, #tpu.memory_space<vmem>>
        %gather3A_482 = tpu.memref_squeeze %gather3A_481 : memref<1x80x16xf32, #tpu.memory_space<vmem>> -> memref<80x16xf32, #tpu.memory_space<vmem>>
        %gather3A_483 = tpu.vector_load_idx %gather3A_482[%add3A_374, %add3A_477] : memref<80x16xf32, #tpu.memory_space<vmem>>[vector<16xi32>, vector<16xi32>], vector<16xf32>,
        %add3A_484 = arith.addf %gather3A_474, %gather3A_483 : vector<16xf32>
        %ge3A_485 = arith.constant 0.000000e+00 : f32
        %ge3A_486 = vector.broadcast %ge3A_485 : f32 to vector<16xf32>
        %ge3A_487 = arith.cmpf oge, %add3A_484, %ge3A_486 : vector<16xf32>
        %mul3A_488 = arith.constant 2.000000e-01 : f32
        %mul3A_489 = vector.broadcast %mul3A_488 : f32 to vector<16xf32>
        %mul3A_490 = arith.mulf %mul3A_489, %add3A_484 : vector<16xf32>
        %select_n3A_491 = arith.select %ge3A_487, %add3A_484, %mul3A_490 : vector<16xi1>, vector<16xf32>
        %sub3A_492 = vector.broadcast %squeeze3A_25 : f32 to vector<16xf32>
        %sub3A_493 = arith.subf %select_n3A_491, %sub3A_492 : vector<16xf32>
        %exp3A_494 = math.exp %sub3A_493 : vector<16xf32>
        %scatter3A_495 = arith.constant 1 : i32
        %scatter3A_496 = arith.constant 0 : i32
        %scatter3A_497 = arith.constant 0 : i32
        %scatter3A_498 = tpu.memref_slice %arg17[%scatter3A_495, %scatter3A_496, %scatter3A_497] : memref<2x80x16xf32, #tpu.memory_space<vmem>> -> memref<1x80x16xf32, #tpu.memory_space<vmem>>
        %scatter3A_499 = tpu.memref_squeeze %scatter3A_498 : memref<1x80x16xf32, #tpu.memory_space<vmem>> -> memref<80x16xf32, #tpu.memory_space<vmem>>
        tpu.vector_store_idx %scatter3A_499[%add3A_374, %broadcast_in_dim3A_468], %exp3A_494 : memref<80x16xf32, #tpu.memory_space<vmem>>[vector<16xi32>, vector<16xi32>], vector<16xf32>,
        %scan3A_500 = arith.constant 0 : i32
        scf.yield %scan3A_500 : i32
      }
      %scan3A_336 = arith.constant 5 : i32
      %scan3A_337 = arith.constant 0 : i32
      %scan3A_338 = arith.constant 0 : i32
      %scan3A_339 = arith.constant 80 : i32
      %scan3A_340 = arith.addi %scan3A_338, %scan3A_339 : i32
      %scan3A_341 = arith.constant 1 : i32
      %scan3A_342 = scf.for %scan3A_369 = %scan3A_338 to %scan3A_340 step %scan3A_341 iter_args(%scan3A_370 = %scan3A_337) -> (i32)  : i32 {
        %get3A_371 = arith.constant 1 : i32
        %get3A_372 = arith.index_cast %get3A_371 : i32 to index
        %get3A_373 = arith.index_cast %scan3A_369 : i32 to index
        %get3A_374 = arith.constant 0 : index
        %get3A_375 = tpu.vector_load %arg17[%get3A_372, %get3A_373, %get3A_374] {strides = array<i32>} : memref<2x80x16xf32, #tpu.memory_space<vmem>>, vector<16xf32>,
        %slice3A_376 = vector.extract_strided_slice %get3A_375 {offsets = [0], sizes = [1], strides = [1]} : vector<16xf32> to vector<1xf32>
        %squeeze3A_377 = vector.extract %slice3A_376[0] : f32 from vector<1xf32>
        %get3A_378 = arith.constant 1 : i32
        %get3A_379 = arith.index_cast %get3A_378 : i32 to index
        %get3A_380 = arith.index_cast %scan3A_369 : i32 to index
        %get3A_381 = arith.constant 0 : index
        %get3A_382 = tpu.vector_load %arg16[%get3A_379, %get3A_380, %get3A_381] {strides = array<i32>} : memref<2x80x128xf32, #tpu.memory_space<vmem>>, vector<16xf32>,
        %mul3A_383 = vector.broadcast %squeeze3A_377 : f32 to vector<16xf32>
        %mul3A_384 = arith.mulf %get3A_382, %mul3A_383 : vector<16xf32>
        %swap3A = arith.constant 1 : i32
        %swap3A_385 = arith.index_cast %swap3A : i32 to index
        %swap3A_386 = arith.index_cast %scan3A_369 : i32 to index
        %swap3A_387 = arith.constant 0 : index
        %swap3A_388 = tpu.vector_load %arg16[%swap3A_385, %swap3A_386, %swap3A_387] {strides = array<i32>} : memref<2x80x128xf32, #tpu.memory_space<vmem>>, vector<16xf32>,
        tpu.vector_store %arg16[%swap3A_385, %swap3A_386, %swap3A_387], %mul3A_384 {strides = array<i32>} : memref<2x80x128xf32, #tpu.memory_space<vmem>>, vector<16xf32>,
        %get3A_389 = arith.constant 1 : i32
        %get3A_390 = arith.index_cast %get3A_389 : i32 to index
        %get3A_391 = arith.index_cast %scan3A_369 : i32 to index
        %get3A_392 = arith.constant 16 : index
        %get3A_393 = tpu.vector_load %arg16[%get3A_390, %get3A_391, %get3A_392] {strides = array<i32>} : memref<2x80x128xf32, #tpu.memory_space<vmem>>, vector<16xf32>,
        %mul3A_394 = vector.broadcast %squeeze3A_377 : f32 to vector<16xf32>
        %mul3A_395 = arith.mulf %get3A_393, %mul3A_394 : vector<16xf32>
        %swap3A_396 = arith.constant 1 : i32
        %swap3A_397 = arith.index_cast %swap3A_396 : i32 to index
        %swap3A_398 = arith.index_cast %scan3A_369 : i32 to index
        %swap3A_399 = arith.constant 16 : index
        %swap3A_400 = tpu.vector_load %arg16[%swap3A_397, %swap3A_398, %swap3A_399] {strides = array<i32>} : memref<2x80x128xf32, #tpu.memory_space<vmem>>, vector<16xf32>,
        tpu.vector_store %arg16[%swap3A_397, %swap3A_398, %swap3A_399], %mul3A_395 {strides = array<i32>} : memref<2x80x128xf32, #tpu.memory_space<vmem>>, vector<16xf32>,
        %slice3A_401 = vector.extract_strided_slice %get3A_375 {offsets = [1], sizes = [1], strides = [1]} : vector<16xf32> to vector<1xf32>
        %squeeze3A_402 = vector.extract %slice3A_401[0] : f32 from vector<1xf32>
        %get3A_403 = arith.constant 1 : i32
        %get3A_404 = arith.index_cast %get3A_403 : i32 to index
        %get3A_405 = arith.index_cast %scan3A_369 : i32 to index
        %get3A_406 = arith.constant 32 : index
        %get3A_407 = tpu.vector_load %arg16[%get3A_404, %get3A_405, %get3A_406] {strides = array<i32>} : memref<2x80x128xf32, #tpu.memory_space<vmem>>, vector<16xf32>,
        %mul3A_408 = vector.broadcast %squeeze3A_402 : f32 to vector<16xf32>
        %mul3A_409 = arith.mulf %get3A_407, %mul3A_408 : vector<16xf32>
        %swap3A_410 = arith.constant 1 : i32
        %swap3A_411 = arith.index_cast %swap3A_410 : i32 to index
        %swap3A_412 = arith.index_cast %scan3A_369 : i32 to index
        %swap3A_413 = arith.constant 32 : index
        %swap3A_414 = tpu.vector_load %arg16[%swap3A_411, %swap3A_412, %swap3A_413] {strides = array<i32>} : memref<2x80x128xf32, #tpu.memory_space<vmem>>, vector<16xf32>,
        tpu.vector_store %arg16[%swap3A_411, %swap3A_412, %swap3A_413], %mul3A_409 {strides = array<i32>} : memref<2x80x128xf32, #tpu.memory_space<vmem>>, vector<16xf32>,
        %get3A_415 = arith.constant 1 : i32
        %get3A_416 = arith.index_cast %get3A_415 : i32 to index
        %get3A_417 = arith.index_cast %scan3A_369 : i32 to index
        %get3A_418 = arith.constant 48 : index
        %get3A_419 = tpu.vector_load %arg16[%get3A_416, %get3A_417, %get3A_418] {strides = array<i32>} : memref<2x80x128xf32, #tpu.memory_space<vmem>>, vector<16xf32>,
        %mul3A_420 = vector.broadcast %squeeze3A_402 : f32 to vector<16xf32>
        %mul3A_421 = arith.mulf %get3A_419, %mul3A_420 : vector<16xf32>
        %swap3A_422 = arith.constant 1 : i32
        %swap3A_423 = arith.index_cast %swap3A_422 : i32 to index
        %swap3A_424 = arith.index_cast %scan3A_369 : i32 to index
        %swap3A_425 = arith.constant 48 : index
        %swap3A_426 = tpu.vector_load %arg16[%swap3A_423, %swap3A_424, %swap3A_425] {strides = array<i32>} : memref<2x80x128xf32, #tpu.memory_space<vmem>>, vector<16xf32>,
        tpu.vector_store %arg16[%swap3A_423, %swap3A_424, %swap3A_425], %mul3A_421 {strides = array<i32>} : memref<2x80x128xf32, #tpu.memory_space<vmem>>, vector<16xf32>,
        %slice3A_427 = vector.extract_strided_slice %get3A_375 {offsets = [2], sizes = [1], strides = [1]} : vector<16xf32> to vector<1xf32>
        %squeeze3A_428 = vector.extract %slice3A_427[0] : f32 from vector<1xf32>
        %get3A_429 = arith.constant 1 : i32
        %get3A_430 = arith.index_cast %get3A_429 : i32 to index
        %get3A_431 = arith.index_cast %scan3A_369 : i32 to index
        %get3A_432 = arith.constant 64 : index
        %get3A_433 = tpu.vector_load %arg16[%get3A_430, %get3A_431, %get3A_432] {strides = array<i32>} : memref<2x80x128xf32, #tpu.memory_space<vmem>>, vector<16xf32>,
        %mul3A_434 = vector.broadcast %squeeze3A_428 : f32 to vector<16xf32>
        %mul3A_435 = arith.mulf %get3A_433, %mul3A_434 : vector<16xf32>
        %swap3A_436 = arith.constant 1 : i32
        %swap3A_437 = arith.index_cast %swap3A_436 : i32 to index
        %swap3A_438 = arith.index_cast %scan3A_369 : i32 to index
        %swap3A_439 = arith.constant 64 : index
        %swap3A_440 = tpu.vector_load %arg16[%swap3A_437, %swap3A_438, %swap3A_439] {strides = array<i32>} : memref<2x80x128xf32, #tpu.memory_space<vmem>>, vector<16xf32>,
        tpu.vector_store %arg16[%swap3A_437, %swap3A_438, %swap3A_439], %mul3A_435 {strides = array<i32>} : memref<2x80x128xf32, #tpu.memory_space<vmem>>, vector<16xf32>,
        %get3A_441 = arith.constant 1 : i32
        %get3A_442 = arith.index_cast %get3A_441 : i32 to index
        %get3A_443 = arith.index_cast %scan3A_369 : i32 to index
        %get3A_444 = arith.constant 80 : index
        %get3A_445 = tpu.vector_load %arg16[%get3A_442, %get3A_443, %get3A_444] {strides = array<i32>} : memref<2x80x128xf32, #tpu.memory_space<vmem>>, vector<16xf32>,
        %mul3A_446 = vector.broadcast %squeeze3A_428 : f32 to vector<16xf32>
        %mul3A_447 = arith.mulf %get3A_445, %mul3A_446 : vector<16xf32>
        %swap3A_448 = arith.constant 1 : i32
        %swap3A_449 = arith.index_cast %swap3A_448 : i32 to index
        %swap3A_450 = arith.index_cast %scan3A_369 : i32 to index
        %swap3A_451 = arith.constant 80 : index
        %swap3A_452 = tpu.vector_load %arg16[%swap3A_449, %swap3A_450, %swap3A_451] {strides = array<i32>} : memref<2x80x128xf32, #tpu.memory_space<vmem>>, vector<16xf32>,
        tpu.vector_store %arg16[%swap3A_449, %swap3A_450, %swap3A_451], %mul3A_447 {strides = array<i32>} : memref<2x80x128xf32, #tpu.memory_space<vmem>>, vector<16xf32>,
        %slice3A_453 = vector.extract_strided_slice %get3A_375 {offsets = [3], sizes = [1], strides = [1]} : vector<16xf32> to vector<1xf32>
        %squeeze3A_454 = vector.extract %slice3A_453[0] : f32 from vector<1xf32>
        %get3A_455 = arith.constant 1 : i32
        %get3A_456 = arith.index_cast %get3A_455 : i32 to index
        %get3A_457 = arith.index_cast %scan3A_369 : i32 to index
        %get3A_458 = arith.constant 96 : index
        %get3A_459 = tpu.vector_load %arg16[%get3A_456, %get3A_457, %get3A_458] {strides = array<i32>} : memref<2x80x128xf32, #tpu.memory_space<vmem>>, vector<16xf32>,
        %mul3A_460 = vector.broadcast %squeeze3A_454 : f32 to vector<16xf32>
        %mul3A_461 = arith.mulf %get3A_459, %mul3A_460 : vector<16xf32>
        %swap3A_462 = arith.constant 1 : i32
        %swap3A_463 = arith.index_cast %swap3A_462 : i32 to index
        %swap3A_464 = arith.index_cast %scan3A_369 : i32 to index
        %swap3A_465 = arith.constant 96 : index
        %swap3A_466 = tpu.vector_load %arg16[%swap3A_463, %swap3A_464, %swap3A_465] {strides = array<i32>} : memref<2x80x128xf32, #tpu.memory_space<vmem>>, vector<16xf32>,
        tpu.vector_store %arg16[%swap3A_463, %swap3A_464, %swap3A_465], %mul3A_461 {strides = array<i32>} : memref<2x80x128xf32, #tpu.memory_space<vmem>>, vector<16xf32>,
        %get3A_467 = arith.constant 1 : i32
        %get3A_468 = arith.index_cast %get3A_467 : i32 to index
        %get3A_469 = arith.index_cast %scan3A_369 : i32 to index
        %get3A_470 = arith.constant 112 : index
        %get3A_471 = tpu.vector_load %arg16[%get3A_468, %get3A_469, %get3A_470] {strides = array<i32>} : memref<2x80x128xf32, #tpu.memory_space<vmem>>, vector<16xf32>,
        %mul3A_472 = vector.broadcast %squeeze3A_454 : f32 to vector<16xf32>
        %mul3A_473 = arith.mulf %get3A_471, %mul3A_472 : vector<16xf32>
        %swap3A_474 = arith.constant 1 : i32
        %swap3A_475 = arith.index_cast %swap3A_474 : i32 to index
        %swap3A_476 = arith.index_cast %scan3A_369 : i32 to index
        %swap3A_477 = arith.constant 112 : index
        %swap3A_478 = tpu.vector_load %arg16[%swap3A_475, %swap3A_476, %swap3A_477] {strides = array<i32>} : memref<2x80x128xf32, #tpu.memory_space<vmem>>, vector<16xf32>,
        tpu.vector_store %arg16[%swap3A_475, %swap3A_476, %swap3A_477], %mul3A_473 {strides = array<i32>} : memref<2x80x128xf32, #tpu.memory_space<vmem>>, vector<16xf32>,
        %scan3A_479 = arith.constant 0 : i32
        scf.yield %scan3A_479 : i32
      }
      %scan3A_343 = arith.constant 80 : i32
      %dma_start3A_344 = arith.constant 1 : i32
      %dma_start3A_345 = arith.constant 1 : i32
      %dma_start3A_346 = arith.constant 0 : i32
      %dma_start3A_347 = arith.constant 0 : i32
      %dma_start3A_348 = tpu.memref_slice %arg16[%dma_start3A_344, %dma_start3A_346, %dma_start3A_347] : memref<2x80x128xf32, #tpu.memory_space<vmem>> -> memref<1x80x128xf32, #tpu.memory_space<vmem>>
      %dma_start3A_349 = tpu.memref_squeeze %dma_start3A_348 : memref<1x80x128xf32, #tpu.memory_space<vmem>> -> memref<80x128xf32, #tpu.memory_space<vmem>>
      %dma_start3A_350 = arith.constant 0 : i32
      %dma_start3A_351 = tpu.memref_slice %arg15[%dma_start3A_345, %dma_start3A_350] : memref<2x80xi32, #tpu.memory_space<vmem>> -> memref<1x80xi32, #tpu.memory_space<vmem>>
      %dma_start3A_352 = tpu.memref_squeeze %dma_start3A_351 : memref<1x80xi32, #tpu.memory_space<vmem>> -> memref<80xi32, #tpu.memory_space<vmem>>
      %dma_start3A_353 = arith.constant 0 : i32
      %dma_start3A_354 = arith.constant 0 : i32
      %dma_start3A_355 = tpu.memref_slice %arg18[%dma_start3A_353, %dma_start3A_354] : memref<10000x128xf32, #tpu.memory_space<vmem_shared>> -> memref<10000x128xf32, #tpu.memory_space<vmem_shared>>
      tpu.enqueue_indirect_dma source(%dma_start3A_349 : memref<80x128xf32, #tpu.memory_space<vmem>>) target(%dma_start3A_355 : memref<10000x128xf32, #tpu.memory_space<vmem_shared>>) offsets(%dma_start3A_352 : memref<80xi32, #tpu.memory_space<vmem>>) semaphore(%arg23 : memref<!tpu.dma_semaphore, #tpu.memory_space<semaphore_mem>>) {add = true}
      %dma_start3A_356 = arith.constant 1 : i32
      %dma_start3A_357 = arith.constant 1 : i32
      %dma_start3A_358 = arith.constant 0 : i32
      %dma_start3A_359 = arith.constant 0 : i32
      %dma_start3A_360 = tpu.memref_slice %arg17[%dma_start3A_356, %dma_start3A_358, %dma_start3A_359] : memref<2x80x16xf32, #tpu.memory_space<vmem>> -> memref<1x80x16xf32, #tpu.memory_space<vmem>>
      %dma_start3A_361 = tpu.memref_squeeze %dma_start3A_360 : memref<1x80x16xf32, #tpu.memory_space<vmem>> -> memref<80x16xf32, #tpu.memory_space<vmem>>
      %dma_start3A_362 = arith.constant 0 : i32
      %dma_start3A_363 = tpu.memref_slice %arg15[%dma_start3A_357, %dma_start3A_362] : memref<2x80xi32, #tpu.memory_space<vmem>> -> memref<1x80xi32, #tpu.memory_space<vmem>>
      %dma_start3A_364 = tpu.memref_squeeze %dma_start3A_363 : memref<1x80xi32, #tpu.memory_space<vmem>> -> memref<80xi32, #tpu.memory_space<vmem>>
      %dma_start3A_365 = arith.constant 0 : i32
      %dma_start3A_366 = arith.constant 0 : i32
      %dma_start3A_367 = tpu.memref_slice %arg19[%dma_start3A_365, %dma_start3A_366] : memref<10000x16xf32, #tpu.memory_space<vmem_shared>> -> memref<10000x16xf32, #tpu.memory_space<vmem_shared>>
      tpu.enqueue_indirect_dma source(%dma_start3A_361 : memref<80x16xf32, #tpu.memory_space<vmem>>) target(%dma_start3A_367 : memref<10000x16xf32, #tpu.memory_space<vmem_shared>>) offsets(%dma_start3A_364 : memref<80xi32, #tpu.memory_space<vmem>>) semaphore(%arg23 : memref<!tpu.dma_semaphore, #tpu.memory_space<semaphore_mem>>) {add = true}
      %scan3A_368 = arith.constant 0 : i32
      scf.yield %scan3A_368 : i32
    }
    %scan3A_70 = arith.constant 62 : i32
    %dma_wait3A = arith.constant 0 : i32
    %dma_wait3A_71 = arith.constant 0 : i32
    %dma_wait3A_72 = arith.constant 0 : i32
    %dma_wait3A_73 = arith.constant 0 : i32
    %dma_wait3A_74 = tpu.memref_slice %arg16[%dma_wait3A_71, %dma_wait3A_72, %dma_wait3A_73] : memref<2x80x128xf32, #tpu.memory_space<vmem>> -> memref<1x80x128xf32, #tpu.memory_space<vmem>>
    %dma_wait3A_75 = tpu.memref_squeeze %dma_wait3A_74 : memref<1x80x128xf32, #tpu.memory_space<vmem>> -> memref<80x128xf32, #tpu.memory_space<vmem>>
    %dma_wait3A_76 = arith.constant 0 : i32
    %dma_wait3A_77 = tpu.memref_slice %arg14[%dma_wait3A, %dma_wait3A_76] : memref<2x80xi32, #tpu.memory_space<vmem>> -> memref<1x80xi32, #tpu.memory_space<vmem>>
    %dma_wait3A_78 = tpu.memref_squeeze %dma_wait3A_77 : memref<1x80xi32, #tpu.memory_space<vmem>> -> memref<80xi32, #tpu.memory_space<vmem>>
    %dma_wait3A_79 = arith.constant 0 : i32
    %dma_wait3A_80 = arith.constant 0 : i32
    %dma_wait3A_81 = tpu.memref_slice %arg4[%dma_wait3A_79, %dma_wait3A_80] : memref<10000x128xf32, #tpu.memory_space<hbm>> -> memref<10000x128xf32, #tpu.memory_space<hbm>>
    tpu.wait_indirect_dma semaphore(%arg20 : memref<!tpu.dma_semaphore, #tpu.memory_space<semaphore_mem>>) src(%dma_wait3A_81 : memref<10000x128xf32, #tpu.memory_space<hbm>>) dst(%dma_wait3A_75 : memref<80x128xf32, #tpu.memory_space<vmem>>)
    %dma_wait3A_82 = arith.constant 0 : i32
    %dma_wait3A_83 = arith.constant 0 : i32
    %dma_wait3A_84 = arith.constant 0 : i32
    %dma_wait3A_85 = arith.constant 0 : i32
    %dma_wait3A_86 = tpu.memref_slice %arg11[%dma_wait3A_83, %dma_wait3A_84, %dma_wait3A_85] : memref<2x80x16xf32, #tpu.memory_space<vmem>> -> memref<1x80x16xf32, #tpu.memory_space<vmem>>
    %dma_wait3A_87 = tpu.memref_squeeze %dma_wait3A_86 : memref<1x80x16xf32, #tpu.memory_space<vmem>> -> memref<80x16xf32, #tpu.memory_space<vmem>>
    %dma_wait3A_88 = arith.constant 0 : i32
    %dma_wait3A_89 = tpu.memref_slice %arg14[%dma_wait3A_82, %dma_wait3A_88] : memref<2x80xi32, #tpu.memory_space<vmem>> -> memref<1x80xi32, #tpu.memory_space<vmem>>
    %dma_wait3A_90 = tpu.memref_squeeze %dma_wait3A_89 : memref<1x80xi32, #tpu.memory_space<vmem>> -> memref<80xi32, #tpu.memory_space<vmem>>
    %dma_wait3A_91 = arith.constant 0 : i32
    %dma_wait3A_92 = arith.constant 0 : i32
    %dma_wait3A_93 = tpu.memref_slice %arg5[%dma_wait3A_91, %dma_wait3A_92] : memref<10000x16xf32, #tpu.memory_space<hbm>> -> memref<10000x16xf32, #tpu.memory_space<hbm>>
    tpu.wait_indirect_dma semaphore(%arg20 : memref<!tpu.dma_semaphore, #tpu.memory_space<semaphore_mem>>) src(%dma_wait3A_93 : memref<10000x16xf32, #tpu.memory_space<hbm>>) dst(%dma_wait3A_87 : memref<80x16xf32, #tpu.memory_space<vmem>>)
    %dma_wait3A_94 = arith.constant 0 : i32
    %dma_wait3A_95 = arith.constant 0 : i32
    %dma_wait3A_96 = arith.constant 0 : i32
    %dma_wait3A_97 = arith.constant 0 : i32
    %dma_wait3A_98 = tpu.memref_slice %arg12[%dma_wait3A_95, %dma_wait3A_96, %dma_wait3A_97] : memref<2x80x16xf32, #tpu.memory_space<vmem>> -> memref<1x80x16xf32, #tpu.memory_space<vmem>>
    %dma_wait3A_99 = tpu.memref_squeeze %dma_wait3A_98 : memref<1x80x16xf32, #tpu.memory_space<vmem>> -> memref<80x16xf32, #tpu.memory_space<vmem>>
    %dma_wait3A_100 = arith.constant 0 : i32
    %dma_wait3A_101 = tpu.memref_slice %arg15[%dma_wait3A_94, %dma_wait3A_100] : memref<2x80xi32, #tpu.memory_space<vmem>> -> memref<1x80xi32, #tpu.memory_space<vmem>>
    %dma_wait3A_102 = tpu.memref_squeeze %dma_wait3A_101 : memref<1x80xi32, #tpu.memory_space<vmem>> -> memref<80xi32, #tpu.memory_space<vmem>>
    %dma_wait3A_103 = arith.constant 0 : i32
    %dma_wait3A_104 = arith.constant 0 : i32
    %dma_wait3A_105 = tpu.memref_slice %arg5[%dma_wait3A_103, %dma_wait3A_104] : memref<10000x16xf32, #tpu.memory_space<hbm>> -> memref<10000x16xf32, #tpu.memory_space<hbm>>
    tpu.wait_indirect_dma semaphore(%arg20 : memref<!tpu.dma_semaphore, #tpu.memory_space<semaphore_mem>>) src(%dma_wait3A_105 : memref<10000x16xf32, #tpu.memory_space<hbm>>) dst(%dma_wait3A_99 : memref<80x16xf32, #tpu.memory_space<vmem>>)
    %scan3A_106 = arith.constant 0 : i32
    %scan3A_107 = arith.constant 0 : i32
    %scan3A_108 = arith.constant 5 : i32
    %scan3A_109 = arith.addi %scan3A_107, %scan3A_108 : i32
    %scan3A_110 = arith.constant 1 : i32
    %scan3A_111 = scf.for %scan3A_201 = %scan3A_107 to %scan3A_109 step %scan3A_110 iter_args(%scan3A_202 = %scan3A_106) -> (i32)  : i32 {
      %mul3A_203 = arith.constant 16 : i32
      %mul3A_204 = arith.muli %scan3A_201, %mul3A_203 : i32
      %add3A_205 = vector.broadcast %mul3A_204 : i32 to vector<16xi32>
      %add3A_206 = arith.addi %add3A_205, %iota3A : vector<16xi32>
      %broadcast_in_dim3A = arith.constant 0 : i32
      %broadcast_in_dim3A_207 = vector.broadcast %broadcast_in_dim3A : i32 to vector<16xi32>
      %gather3A = arith.constant 0 : i32
      %gather3A_208 = arith.constant 0 : i32
      %gather3A_209 = arith.constant 0 : i32
      %gather3A_210 = tpu.memref_slice %arg11[%gather3A, %gather3A_208, %gather3A_209] : memref<2x80x16xf32, #tpu.memory_space<vmem>> -> memref<1x80x16xf32, #tpu.memory_space<vmem>>
      %gather3A_211 = tpu.memref_squeeze %gather3A_210 : memref<1x80x16xf32, #tpu.memory_space<vmem>> -> memref<80x16xf32, #tpu.memory_space<vmem>>
      %gather3A_212 = tpu.vector_load_idx %gather3A_211[%add3A_206, %broadcast_in_dim3A_207] : memref<80x16xf32, #tpu.memory_space<vmem>>[vector<16xi32>, vector<16xi32>], vector<16xf32>,
      %add3A_213 = arith.constant 4 : i32
      %add3A_214 = vector.broadcast %add3A_213 : i32 to vector<16xi32>
      %add3A_215 = arith.addi %broadcast_in_dim3A_207, %add3A_214 : vector<16xi32>
      %gather3A_216 = arith.constant 0 : i32
      %gather3A_217 = arith.constant 0 : i32
      %gather3A_218 = arith.constant 0 : i32
      %gather3A_219 = tpu.memref_slice %arg12[%gather3A_216, %gather3A_217, %gather3A_218] : memref<2x80x16xf32, #tpu.memory_space<vmem>> -> memref<1x80x16xf32, #tpu.memory_space<vmem>>
      %gather3A_220 = tpu.memref_squeeze %gather3A_219 : memref<1x80x16xf32, #tpu.memory_space<vmem>> -> memref<80x16xf32, #tpu.memory_space<vmem>>
      %gather3A_221 = tpu.vector_load_idx %gather3A_220[%add3A_206, %add3A_215] : memref<80x16xf32, #tpu.memory_space<vmem>>[vector<16xi32>, vector<16xi32>], vector<16xf32>,
      %add3A_222 = arith.addf %gather3A_212, %gather3A_221 : vector<16xf32>
      %ge3A = arith.constant 0.000000e+00 : f32
      %ge3A_223 = vector.broadcast %ge3A : f32 to vector<16xf32>
      %ge3A_224 = arith.cmpf oge, %add3A_222, %ge3A_223 : vector<16xf32>
      %mul3A_225 = arith.constant 2.000000e-01 : f32
      %mul3A_226 = vector.broadcast %mul3A_225 : f32 to vector<16xf32>
      %mul3A_227 = arith.mulf %mul3A_226, %add3A_222 : vector<16xf32>
      %select_n3A = arith.select %ge3A_224, %add3A_222, %mul3A_227 : vector<16xi1>, vector<16xf32>
      %sub3A = vector.broadcast %squeeze3A : f32 to vector<16xf32>
      %sub3A_228 = arith.subf %select_n3A, %sub3A : vector<16xf32>
      %exp3A = math.exp %sub3A_228 : vector<16xf32>
      %scatter3A = arith.constant 0 : i32
      %scatter3A_229 = arith.constant 0 : i32
      %scatter3A_230 = arith.constant 0 : i32
      %scatter3A_231 = tpu.memref_slice %arg17[%scatter3A, %scatter3A_229, %scatter3A_230] : memref<2x80x16xf32, #tpu.memory_space<vmem>> -> memref<1x80x16xf32, #tpu.memory_space<vmem>>
      %scatter3A_232 = tpu.memref_squeeze %scatter3A_231 : memref<1x80x16xf32, #tpu.memory_space<vmem>> -> memref<80x16xf32, #tpu.memory_space<vmem>>
      tpu.vector_store_idx %scatter3A_232[%add3A_206, %broadcast_in_dim3A_207], %exp3A : memref<80x16xf32, #tpu.memory_space<vmem>>[vector<16xi32>, vector<16xi32>], vector<16xf32>,
      %broadcast_in_dim3A_233 = arith.constant 1 : i32
      %broadcast_in_dim3A_234 = vector.broadcast %broadcast_in_dim3A_233 : i32 to vector<16xi32>
      %gather3A_235 = arith.constant 0 : i32
      %gather3A_236 = arith.constant 0 : i32
      %gather3A_237 = arith.constant 0 : i32
      %gather3A_238 = tpu.memref_slice %arg11[%gather3A_235, %gather3A_236, %gather3A_237] : memref<2x80x16xf32, #tpu.memory_space<vmem>> -> memref<1x80x16xf32, #tpu.memory_space<vmem>>
      %gather3A_239 = tpu.memref_squeeze %gather3A_238 : memref<1x80x16xf32, #tpu.memory_space<vmem>> -> memref<80x16xf32, #tpu.memory_space<vmem>>
      %gather3A_240 = tpu.vector_load_idx %gather3A_239[%add3A_206, %broadcast_in_dim3A_234] : memref<80x16xf32, #tpu.memory_space<vmem>>[vector<16xi32>, vector<16xi32>], vector<16xf32>,
      %add3A_241 = arith.constant 4 : i32
      %add3A_242 = vector.broadcast %add3A_241 : i32 to vector<16xi32>
      %add3A_243 = arith.addi %broadcast_in_dim3A_234, %add3A_242 : vector<16xi32>
      %gather3A_244 = arith.constant 0 : i32
      %gather3A_245 = arith.constant 0 : i32
      %gather3A_246 = arith.constant 0 : i32
      %gather3A_247 = tpu.memref_slice %arg12[%gather3A_244, %gather3A_245, %gather3A_246] : memref<2x80x16xf32, #tpu.memory_space<vmem>> -> memref<1x80x16xf32, #tpu.memory_space<vmem>>
      %gather3A_248 = tpu.memref_squeeze %gather3A_247 : memref<1x80x16xf32, #tpu.memory_space<vmem>> -> memref<80x16xf32, #tpu.memory_space<vmem>>
      %gather3A_249 = tpu.vector_load_idx %gather3A_248[%add3A_206, %add3A_243] : memref<80x16xf32, #tpu.memory_space<vmem>>[vector<16xi32>, vector<16xi32>], vector<16xf32>,
      %add3A_250 = arith.addf %gather3A_240, %gather3A_249 : vector<16xf32>
      %ge3A_251 = arith.constant 0.000000e+00 : f32
      %ge3A_252 = vector.broadcast %ge3A_251 : f32 to vector<16xf32>
      %ge3A_253 = arith.cmpf oge, %add3A_250, %ge3A_252 : vector<16xf32>
      %mul3A_254 = arith.constant 2.000000e-01 : f32
      %mul3A_255 = vector.broadcast %mul3A_254 : f32 to vector<16xf32>
      %mul3A_256 = arith.mulf %mul3A_255, %add3A_250 : vector<16xf32>
      %select_n3A_257 = arith.select %ge3A_253, %add3A_250, %mul3A_256 : vector<16xi1>, vector<16xf32>
      %sub3A_258 = vector.broadcast %squeeze3A_21 : f32 to vector<16xf32>
      %sub3A_259 = arith.subf %select_n3A_257, %sub3A_258 : vector<16xf32>
      %exp3A_260 = math.exp %sub3A_259 : vector<16xf32>
      %scatter3A_261 = arith.constant 0 : i32
      %scatter3A_262 = arith.constant 0 : i32
      %scatter3A_263 = arith.constant 0 : i32
      %scatter3A_264 = tpu.memref_slice %arg17[%scatter3A_261, %scatter3A_262, %scatter3A_263] : memref<2x80x16xf32, #tpu.memory_space<vmem>> -> memref<1x80x16xf32, #tpu.memory_space<vmem>>
      %scatter3A_265 = tpu.memref_squeeze %scatter3A_264 : memref<1x80x16xf32, #tpu.memory_space<vmem>> -> memref<80x16xf32, #tpu.memory_space<vmem>>
      tpu.vector_store_idx %scatter3A_265[%add3A_206, %broadcast_in_dim3A_234], %exp3A_260 : memref<80x16xf32, #tpu.memory_space<vmem>>[vector<16xi32>, vector<16xi32>], vector<16xf32>,
      %broadcast_in_dim3A_266 = arith.constant 2 : i32
      %broadcast_in_dim3A_267 = vector.broadcast %broadcast_in_dim3A_266 : i32 to vector<16xi32>
      %gather3A_268 = arith.constant 0 : i32
      %gather3A_269 = arith.constant 0 : i32
      %gather3A_270 = arith.constant 0 : i32
      %gather3A_271 = tpu.memref_slice %arg11[%gather3A_268, %gather3A_269, %gather3A_270] : memref<2x80x16xf32, #tpu.memory_space<vmem>> -> memref<1x80x16xf32, #tpu.memory_space<vmem>>
      %gather3A_272 = tpu.memref_squeeze %gather3A_271 : memref<1x80x16xf32, #tpu.memory_space<vmem>> -> memref<80x16xf32, #tpu.memory_space<vmem>>
      %gather3A_273 = tpu.vector_load_idx %gather3A_272[%add3A_206, %broadcast_in_dim3A_267] : memref<80x16xf32, #tpu.memory_space<vmem>>[vector<16xi32>, vector<16xi32>], vector<16xf32>,
      %add3A_274 = arith.constant 4 : i32
      %add3A_275 = vector.broadcast %add3A_274 : i32 to vector<16xi32>
      %add3A_276 = arith.addi %broadcast_in_dim3A_267, %add3A_275 : vector<16xi32>
      %gather3A_277 = arith.constant 0 : i32
      %gather3A_278 = arith.constant 0 : i32
      %gather3A_279 = arith.constant 0 : i32
      %gather3A_280 = tpu.memref_slice %arg12[%gather3A_277, %gather3A_278, %gather3A_279] : memref<2x80x16xf32, #tpu.memory_space<vmem>> -> memref<1x80x16xf32, #tpu.memory_space<vmem>>
      %gather3A_281 = tpu.memref_squeeze %gather3A_280 : memref<1x80x16xf32, #tpu.memory_space<vmem>> -> memref<80x16xf32, #tpu.memory_space<vmem>>
      %gather3A_282 = tpu.vector_load_idx %gather3A_281[%add3A_206, %add3A_276] : memref<80x16xf32, #tpu.memory_space<vmem>>[vector<16xi32>, vector<16xi32>], vector<16xf32>,
      %add3A_283 = arith.addf %gather3A_273, %gather3A_282 : vector<16xf32>
      %ge3A_284 = arith.constant 0.000000e+00 : f32
      %ge3A_285 = vector.broadcast %ge3A_284 : f32 to vector<16xf32>
      %ge3A_286 = arith.cmpf oge, %add3A_283, %ge3A_285 : vector<16xf32>
      %mul3A_287 = arith.constant 2.000000e-01 : f32
      %mul3A_288 = vector.broadcast %mul3A_287 : f32 to vector<16xf32>
      %mul3A_289 = arith.mulf %mul3A_288, %add3A_283 : vector<16xf32>
      %select_n3A_290 = arith.select %ge3A_286, %add3A_283, %mul3A_289 : vector<16xi1>, vector<16xf32>
      %sub3A_291 = vector.broadcast %squeeze3A_23 : f32 to vector<16xf32>
      %sub3A_292 = arith.subf %select_n3A_290, %sub3A_291 : vector<16xf32>
      %exp3A_293 = math.exp %sub3A_292 : vector<16xf32>
      %scatter3A_294 = arith.constant 0 : i32
      %scatter3A_295 = arith.constant 0 : i32
      %scatter3A_296 = arith.constant 0 : i32
      %scatter3A_297 = tpu.memref_slice %arg17[%scatter3A_294, %scatter3A_295, %scatter3A_296] : memref<2x80x16xf32, #tpu.memory_space<vmem>> -> memref<1x80x16xf32, #tpu.memory_space<vmem>>
      %scatter3A_298 = tpu.memref_squeeze %scatter3A_297 : memref<1x80x16xf32, #tpu.memory_space<vmem>> -> memref<80x16xf32, #tpu.memory_space<vmem>>
      tpu.vector_store_idx %scatter3A_298[%add3A_206, %broadcast_in_dim3A_267], %exp3A_293 : memref<80x16xf32, #tpu.memory_space<vmem>>[vector<16xi32>, vector<16xi32>], vector<16xf32>,
      %broadcast_in_dim3A_299 = arith.constant 3 : i32
      %broadcast_in_dim3A_300 = vector.broadcast %broadcast_in_dim3A_299 : i32 to vector<16xi32>
      %gather3A_301 = arith.constant 0 : i32
      %gather3A_302 = arith.constant 0 : i32
      %gather3A_303 = arith.constant 0 : i32
      %gather3A_304 = tpu.memref_slice %arg11[%gather3A_301, %gather3A_302, %gather3A_303] : memref<2x80x16xf32, #tpu.memory_space<vmem>> -> memref<1x80x16xf32, #tpu.memory_space<vmem>>
      %gather3A_305 = tpu.memref_squeeze %gather3A_304 : memref<1x80x16xf32, #tpu.memory_space<vmem>> -> memref<80x16xf32, #tpu.memory_space<vmem>>
      %gather3A_306 = tpu.vector_load_idx %gather3A_305[%add3A_206, %broadcast_in_dim3A_300] : memref<80x16xf32, #tpu.memory_space<vmem>>[vector<16xi32>, vector<16xi32>], vector<16xf32>,
      %add3A_307 = arith.constant 4 : i32
      %add3A_308 = vector.broadcast %add3A_307 : i32 to vector<16xi32>
      %add3A_309 = arith.addi %broadcast_in_dim3A_300, %add3A_308 : vector<16xi32>
      %gather3A_310 = arith.constant 0 : i32
      %gather3A_311 = arith.constant 0 : i32
      %gather3A_312 = arith.constant 0 : i32
      %gather3A_313 = tpu.memref_slice %arg12[%gather3A_310, %gather3A_311, %gather3A_312] : memref<2x80x16xf32, #tpu.memory_space<vmem>> -> memref<1x80x16xf32, #tpu.memory_space<vmem>>
      %gather3A_314 = tpu.memref_squeeze %gather3A_313 : memref<1x80x16xf32, #tpu.memory_space<vmem>> -> memref<80x16xf32, #tpu.memory_space<vmem>>
      %gather3A_315 = tpu.vector_load_idx %gather3A_314[%add3A_206, %add3A_309] : memref<80x16xf32, #tpu.memory_space<vmem>>[vector<16xi32>, vector<16xi32>], vector<16xf32>,
      %add3A_316 = arith.addf %gather3A_306, %gather3A_315 : vector<16xf32>
      %ge3A_317 = arith.constant 0.000000e+00 : f32
      %ge3A_318 = vector.broadcast %ge3A_317 : f32 to vector<16xf32>
      %ge3A_319 = arith.cmpf oge, %add3A_316, %ge3A_318 : vector<16xf32>
      %mul3A_320 = arith.constant 2.000000e-01 : f32
      %mul3A_321 = vector.broadcast %mul3A_320 : f32 to vector<16xf32>
      %mul3A_322 = arith.mulf %mul3A_321, %add3A_316 : vector<16xf32>
      %select_n3A_323 = arith.select %ge3A_319, %add3A_316, %mul3A_322 : vector<16xi1>, vector<16xf32>
      %sub3A_324 = vector.broadcast %squeeze3A_25 : f32 to vector<16xf32>
      %sub3A_325 = arith.subf %select_n3A_323, %sub3A_324 : vector<16xf32>
      %exp3A_326 = math.exp %sub3A_325 : vector<16xf32>
      %scatter3A_327 = arith.constant 0 : i32
      %scatter3A_328 = arith.constant 0 : i32
      %scatter3A_329 = arith.constant 0 : i32
      %scatter3A_330 = tpu.memref_slice %arg17[%scatter3A_327, %scatter3A_328, %scatter3A_329] : memref<2x80x16xf32, #tpu.memory_space<vmem>> -> memref<1x80x16xf32, #tpu.memory_space<vmem>>
      %scatter3A_331 = tpu.memref_squeeze %scatter3A_330 : memref<1x80x16xf32, #tpu.memory_space<vmem>> -> memref<80x16xf32, #tpu.memory_space<vmem>>
      tpu.vector_store_idx %scatter3A_331[%add3A_206, %broadcast_in_dim3A_300], %exp3A_326 : memref<80x16xf32, #tpu.memory_space<vmem>>[vector<16xi32>, vector<16xi32>], vector<16xf32>,
      %scan3A_332 = arith.constant 0 : i32
      scf.yield %scan3A_332 : i32
    }
    %scan3A_112 = arith.constant 5 : i32
    %scan3A_113 = arith.constant 0 : i32
    %scan3A_114 = arith.constant 0 : i32
    %scan3A_115 = arith.constant 80 : i32
    %scan3A_116 = arith.addi %scan3A_114, %scan3A_115 : i32
    %scan3A_117 = arith.constant 1 : i32
    %scan3A_118 = scf.for %scan3A_201 = %scan3A_114 to %scan3A_116 step %scan3A_117 iter_args(%scan3A_202 = %scan3A_113) -> (i32)  : i32 {
      %get3A_203 = arith.constant 0 : i32
      %get3A_204 = arith.index_cast %get3A_203 : i32 to index
      %get3A_205 = arith.index_cast %scan3A_201 : i32 to index
      %get3A_206 = arith.constant 0 : index
      %get3A_207 = tpu.vector_load %arg17[%get3A_204, %get3A_205, %get3A_206] {strides = array<i32>} : memref<2x80x16xf32, #tpu.memory_space<vmem>>, vector<16xf32>,
      %slice3A_208 = vector.extract_strided_slice %get3A_207 {offsets = [0], sizes = [1], strides = [1]} : vector<16xf32> to vector<1xf32>
      %squeeze3A_209 = vector.extract %slice3A_208[0] : f32 from vector<1xf32>
      %get3A_210 = arith.constant 0 : i32
      %get3A_211 = arith.index_cast %get3A_210 : i32 to index
      %get3A_212 = arith.index_cast %scan3A_201 : i32 to index
      %get3A_213 = arith.constant 0 : index
      %get3A_214 = tpu.vector_load %arg16[%get3A_211, %get3A_212, %get3A_213] {strides = array<i32>} : memref<2x80x128xf32, #tpu.memory_space<vmem>>, vector<16xf32>,
      %mul3A_215 = vector.broadcast %squeeze3A_209 : f32 to vector<16xf32>
      %mul3A_216 = arith.mulf %get3A_214, %mul3A_215 : vector<16xf32>
      %swap3A = arith.constant 0 : i32
      %swap3A_217 = arith.index_cast %swap3A : i32 to index
      %swap3A_218 = arith.index_cast %scan3A_201 : i32 to index
      %swap3A_219 = arith.constant 0 : index
      %swap3A_220 = tpu.vector_load %arg16[%swap3A_217, %swap3A_218, %swap3A_219] {strides = array<i32>} : memref<2x80x128xf32, #tpu.memory_space<vmem>>, vector<16xf32>,
      tpu.vector_store %arg16[%swap3A_217, %swap3A_218, %swap3A_219], %mul3A_216 {strides = array<i32>} : memref<2x80x128xf32, #tpu.memory_space<vmem>>, vector<16xf32>,
      %get3A_221 = arith.constant 0 : i32
      %get3A_222 = arith.index_cast %get3A_221 : i32 to index
      %get3A_223 = arith.index_cast %scan3A_201 : i32 to index
      %get3A_224 = arith.constant 16 : index
      %get3A_225 = tpu.vector_load %arg16[%get3A_222, %get3A_223, %get3A_224] {strides = array<i32>} : memref<2x80x128xf32, #tpu.memory_space<vmem>>, vector<16xf32>,
      %mul3A_226 = vector.broadcast %squeeze3A_209 : f32 to vector<16xf32>
      %mul3A_227 = arith.mulf %get3A_225, %mul3A_226 : vector<16xf32>
      %swap3A_228 = arith.constant 0 : i32
      %swap3A_229 = arith.index_cast %swap3A_228 : i32 to index
      %swap3A_230 = arith.index_cast %scan3A_201 : i32 to index
      %swap3A_231 = arith.constant 16 : index
      %swap3A_232 = tpu.vector_load %arg16[%swap3A_229, %swap3A_230, %swap3A_231] {strides = array<i32>} : memref<2x80x128xf32, #tpu.memory_space<vmem>>, vector<16xf32>,
      tpu.vector_store %arg16[%swap3A_229, %swap3A_230, %swap3A_231], %mul3A_227 {strides = array<i32>} : memref<2x80x128xf32, #tpu.memory_space<vmem>>, vector<16xf32>,
      %slice3A_233 = vector.extract_strided_slice %get3A_207 {offsets = [1], sizes = [1], strides = [1]} : vector<16xf32> to vector<1xf32>
      %squeeze3A_234 = vector.extract %slice3A_233[0] : f32 from vector<1xf32>
      %get3A_235 = arith.constant 0 : i32
      %get3A_236 = arith.index_cast %get3A_235 : i32 to index
      %get3A_237 = arith.index_cast %scan3A_201 : i32 to index
      %get3A_238 = arith.constant 32 : index
      %get3A_239 = tpu.vector_load %arg16[%get3A_236, %get3A_237, %get3A_238] {strides = array<i32>} : memref<2x80x128xf32, #tpu.memory_space<vmem>>, vector<16xf32>,
      %mul3A_240 = vector.broadcast %squeeze3A_234 : f32 to vector<16xf32>
      %mul3A_241 = arith.mulf %get3A_239, %mul3A_240 : vector<16xf32>
      %swap3A_242 = arith.constant 0 : i32
      %swap3A_243 = arith.index_cast %swap3A_242 : i32 to index
      %swap3A_244 = arith.index_cast %scan3A_201 : i32 to index
      %swap3A_245 = arith.constant 32 : index
      %swap3A_246 = tpu.vector_load %arg16[%swap3A_243, %swap3A_244, %swap3A_245] {strides = array<i32>} : memref<2x80x128xf32, #tpu.memory_space<vmem>>, vector<16xf32>,
      tpu.vector_store %arg16[%swap3A_243, %swap3A_244, %swap3A_245], %mul3A_241 {strides = array<i32>} : memref<2x80x128xf32, #tpu.memory_space<vmem>>, vector<16xf32>,
      %get3A_247 = arith.constant 0 : i32
      %get3A_248 = arith.index_cast %get3A_247 : i32 to index
      %get3A_249 = arith.index_cast %scan3A_201 : i32 to index
      %get3A_250 = arith.constant 48 : index
      %get3A_251 = tpu.vector_load %arg16[%get3A_248, %get3A_249, %get3A_250] {strides = array<i32>} : memref<2x80x128xf32, #tpu.memory_space<vmem>>, vector<16xf32>,
      %mul3A_252 = vector.broadcast %squeeze3A_234 : f32 to vector<16xf32>
      %mul3A_253 = arith.mulf %get3A_251, %mul3A_252 : vector<16xf32>
      %swap3A_254 = arith.constant 0 : i32
      %swap3A_255 = arith.index_cast %swap3A_254 : i32 to index
      %swap3A_256 = arith.index_cast %scan3A_201 : i32 to index
      %swap3A_257 = arith.constant 48 : index
      %swap3A_258 = tpu.vector_load %arg16[%swap3A_255, %swap3A_256, %swap3A_257] {strides = array<i32>} : memref<2x80x128xf32, #tpu.memory_space<vmem>>, vector<16xf32>,
      tpu.vector_store %arg16[%swap3A_255, %swap3A_256, %swap3A_257], %mul3A_253 {strides = array<i32>} : memref<2x80x128xf32, #tpu.memory_space<vmem>>, vector<16xf32>,
      %slice3A_259 = vector.extract_strided_slice %get3A_207 {offsets = [2], sizes = [1], strides = [1]} : vector<16xf32> to vector<1xf32>
      %squeeze3A_260 = vector.extract %slice3A_259[0] : f32 from vector<1xf32>
      %get3A_261 = arith.constant 0 : i32
      %get3A_262 = arith.index_cast %get3A_261 : i32 to index
      %get3A_263 = arith.index_cast %scan3A_201 : i32 to index
      %get3A_264 = arith.constant 64 : index
      %get3A_265 = tpu.vector_load %arg16[%get3A_262, %get3A_263, %get3A_264] {strides = array<i32>} : memref<2x80x128xf32, #tpu.memory_space<vmem>>, vector<16xf32>,
      %mul3A_266 = vector.broadcast %squeeze3A_260 : f32 to vector<16xf32>
      %mul3A_267 = arith.mulf %get3A_265, %mul3A_266 : vector<16xf32>
      %swap3A_268 = arith.constant 0 : i32
      %swap3A_269 = arith.index_cast %swap3A_268 : i32 to index
      %swap3A_270 = arith.index_cast %scan3A_201 : i32 to index
      %swap3A_271 = arith.constant 64 : index
      %swap3A_272 = tpu.vector_load %arg16[%swap3A_269, %swap3A_270, %swap3A_271] {strides = array<i32>} : memref<2x80x128xf32, #tpu.memory_space<vmem>>, vector<16xf32>,
      tpu.vector_store %arg16[%swap3A_269, %swap3A_270, %swap3A_271], %mul3A_267 {strides = array<i32>} : memref<2x80x128xf32, #tpu.memory_space<vmem>>, vector<16xf32>,
      %get3A_273 = arith.constant 0 : i32
      %get3A_274 = arith.index_cast %get3A_273 : i32 to index
      %get3A_275 = arith.index_cast %scan3A_201 : i32 to index
      %get3A_276 = arith.constant 80 : index
      %get3A_277 = tpu.vector_load %arg16[%get3A_274, %get3A_275, %get3A_276] {strides = array<i32>} : memref<2x80x128xf32, #tpu.memory_space<vmem>>, vector<16xf32>,
      %mul3A_278 = vector.broadcast %squeeze3A_260 : f32 to vector<16xf32>
      %mul3A_279 = arith.mulf %get3A_277, %mul3A_278 : vector<16xf32>
      %swap3A_280 = arith.constant 0 : i32
      %swap3A_281 = arith.index_cast %swap3A_280 : i32 to index
      %swap3A_282 = arith.index_cast %scan3A_201 : i32 to index
      %swap3A_283 = arith.constant 80 : index
      %swap3A_284 = tpu.vector_load %arg16[%swap3A_281, %swap3A_282, %swap3A_283] {strides = array<i32>} : memref<2x80x128xf32, #tpu.memory_space<vmem>>, vector<16xf32>,
      tpu.vector_store %arg16[%swap3A_281, %swap3A_282, %swap3A_283], %mul3A_279 {strides = array<i32>} : memref<2x80x128xf32, #tpu.memory_space<vmem>>, vector<16xf32>,
      %slice3A_285 = vector.extract_strided_slice %get3A_207 {offsets = [3], sizes = [1], strides = [1]} : vector<16xf32> to vector<1xf32>
      %squeeze3A_286 = vector.extract %slice3A_285[0] : f32 from vector<1xf32>
      %get3A_287 = arith.constant 0 : i32
      %get3A_288 = arith.index_cast %get3A_287 : i32 to index
      %get3A_289 = arith.index_cast %scan3A_201 : i32 to index
      %get3A_290 = arith.constant 96 : index
      %get3A_291 = tpu.vector_load %arg16[%get3A_288, %get3A_289, %get3A_290] {strides = array<i32>} : memref<2x80x128xf32, #tpu.memory_space<vmem>>, vector<16xf32>,
      %mul3A_292 = vector.broadcast %squeeze3A_286 : f32 to vector<16xf32>
      %mul3A_293 = arith.mulf %get3A_291, %mul3A_292 : vector<16xf32>
      %swap3A_294 = arith.constant 0 : i32
      %swap3A_295 = arith.index_cast %swap3A_294 : i32 to index
      %swap3A_296 = arith.index_cast %scan3A_201 : i32 to index
      %swap3A_297 = arith.constant 96 : index
      %swap3A_298 = tpu.vector_load %arg16[%swap3A_295, %swap3A_296, %swap3A_297] {strides = array<i32>} : memref<2x80x128xf32, #tpu.memory_space<vmem>>, vector<16xf32>,
      tpu.vector_store %arg16[%swap3A_295, %swap3A_296, %swap3A_297], %mul3A_293 {strides = array<i32>} : memref<2x80x128xf32, #tpu.memory_space<vmem>>, vector<16xf32>,
      %get3A_299 = arith.constant 0 : i32
      %get3A_300 = arith.index_cast %get3A_299 : i32 to index
      %get3A_301 = arith.index_cast %scan3A_201 : i32 to index
      %get3A_302 = arith.constant 112 : index
      %get3A_303 = tpu.vector_load %arg16[%get3A_300, %get3A_301, %get3A_302] {strides = array<i32>} : memref<2x80x128xf32, #tpu.memory_space<vmem>>, vector<16xf32>,
      %mul3A_304 = vector.broadcast %squeeze3A_286 : f32 to vector<16xf32>
      %mul3A_305 = arith.mulf %get3A_303, %mul3A_304 : vector<16xf32>
      %swap3A_306 = arith.constant 0 : i32
      %swap3A_307 = arith.index_cast %swap3A_306 : i32 to index
      %swap3A_308 = arith.index_cast %scan3A_201 : i32 to index
      %swap3A_309 = arith.constant 112 : index
      %swap3A_310 = tpu.vector_load %arg16[%swap3A_307, %swap3A_308, %swap3A_309] {strides = array<i32>} : memref<2x80x128xf32, #tpu.memory_space<vmem>>, vector<16xf32>,
      tpu.vector_store %arg16[%swap3A_307, %swap3A_308, %swap3A_309], %mul3A_305 {strides = array<i32>} : memref<2x80x128xf32, #tpu.memory_space<vmem>>, vector<16xf32>,
      %scan3A_311 = arith.constant 0 : i32
      scf.yield %scan3A_311 : i32
    }
    %scan3A_119 = arith.constant 80 : i32
    %dma_start3A_120 = arith.constant 0 : i32
    %dma_start3A_121 = arith.constant 0 : i32
    %dma_start3A_122 = arith.constant 0 : i32
    %dma_start3A_123 = arith.constant 0 : i32
    %dma_start3A_124 = tpu.memref_slice %arg16[%dma_start3A_120, %dma_start3A_122, %dma_start3A_123] : memref<2x80x128xf32, #tpu.memory_space<vmem>> -> memref<1x80x128xf32, #tpu.memory_space<vmem>>
    %dma_start3A_125 = tpu.memref_squeeze %dma_start3A_124 : memref<1x80x128xf32, #tpu.memory_space<vmem>> -> memref<80x128xf32, #tpu.memory_space<vmem>>
    %dma_start3A_126 = arith.constant 0 : i32
    %dma_start3A_127 = tpu.memref_slice %arg15[%dma_start3A_121, %dma_start3A_126] : memref<2x80xi32, #tpu.memory_space<vmem>> -> memref<1x80xi32, #tpu.memory_space<vmem>>
    %dma_start3A_128 = tpu.memref_squeeze %dma_start3A_127 : memref<1x80xi32, #tpu.memory_space<vmem>> -> memref<80xi32, #tpu.memory_space<vmem>>
    %dma_start3A_129 = arith.constant 0 : i32
    %dma_start3A_130 = arith.constant 0 : i32
    %dma_start3A_131 = tpu.memref_slice %arg18[%dma_start3A_129, %dma_start3A_130] : memref<10000x128xf32, #tpu.memory_space<vmem_shared>> -> memref<10000x128xf32, #tpu.memory_space<vmem_shared>>
    tpu.enqueue_indirect_dma source(%dma_start3A_125 : memref<80x128xf32, #tpu.memory_space<vmem>>) target(%dma_start3A_131 : memref<10000x128xf32, #tpu.memory_space<vmem_shared>>) offsets(%dma_start3A_128 : memref<80xi32, #tpu.memory_space<vmem>>) semaphore(%arg22 : memref<!tpu.dma_semaphore, #tpu.memory_space<semaphore_mem>>) {add = true}
    %dma_start3A_132 = arith.constant 0 : i32
    %dma_start3A_133 = arith.constant 0 : i32
    %dma_start3A_134 = arith.constant 0 : i32
    %dma_start3A_135 = arith.constant 0 : i32
    %dma_start3A_136 = tpu.memref_slice %arg17[%dma_start3A_132, %dma_start3A_134, %dma_start3A_135] : memref<2x80x16xf32, #tpu.memory_space<vmem>> -> memref<1x80x16xf32, #tpu.memory_space<vmem>>
    %dma_start3A_137 = tpu.memref_squeeze %dma_start3A_136 : memref<1x80x16xf32, #tpu.memory_space<vmem>> -> memref<80x16xf32, #tpu.memory_space<vmem>>
    %dma_start3A_138 = arith.constant 0 : i32
    %dma_start3A_139 = tpu.memref_slice %arg15[%dma_start3A_133, %dma_start3A_138] : memref<2x80xi32, #tpu.memory_space<vmem>> -> memref<1x80xi32, #tpu.memory_space<vmem>>
    %dma_start3A_140 = tpu.memref_squeeze %dma_start3A_139 : memref<1x80xi32, #tpu.memory_space<vmem>> -> memref<80xi32, #tpu.memory_space<vmem>>
    %dma_start3A_141 = arith.constant 0 : i32
    %dma_start3A_142 = arith.constant 0 : i32
    %dma_start3A_143 = tpu.memref_slice %arg19[%dma_start3A_141, %dma_start3A_142] : memref<10000x16xf32, #tpu.memory_space<vmem_shared>> -> memref<10000x16xf32, #tpu.memory_space<vmem_shared>>
    tpu.enqueue_indirect_dma source(%dma_start3A_137 : memref<80x16xf32, #tpu.memory_space<vmem>>) target(%dma_start3A_143 : memref<10000x16xf32, #tpu.memory_space<vmem_shared>>) offsets(%dma_start3A_140 : memref<80xi32, #tpu.memory_space<vmem>>) semaphore(%arg22 : memref<!tpu.dma_semaphore, #tpu.memory_space<semaphore_mem>>) {add = true}
    %dma_wait3A_144 = arith.constant 1 : i32
    %dma_wait3A_145 = arith.constant 1 : i32
    %dma_wait3A_146 = arith.constant 0 : i32
    %dma_wait3A_147 = arith.constant 0 : i32
    %dma_wait3A_148 = tpu.memref_slice %arg16[%dma_wait3A_144, %dma_wait3A_146, %dma_wait3A_147] : memref<2x80x128xf32, #tpu.memory_space<vmem>> -> memref<1x80x128xf32, #tpu.memory_space<vmem>>
    %dma_wait3A_149 = tpu.memref_squeeze %dma_wait3A_148 : memref<1x80x128xf32, #tpu.memory_space<vmem>> -> memref<80x128xf32, #tpu.memory_space<vmem>>
    %dma_wait3A_150 = arith.constant 0 : i32
    %dma_wait3A_151 = tpu.memref_slice %arg15[%dma_wait3A_145, %dma_wait3A_150] : memref<2x80xi32, #tpu.memory_space<vmem>> -> memref<1x80xi32, #tpu.memory_space<vmem>>
    %dma_wait3A_152 = tpu.memref_squeeze %dma_wait3A_151 : memref<1x80xi32, #tpu.memory_space<vmem>> -> memref<80xi32, #tpu.memory_space<vmem>>
    %dma_wait3A_153 = arith.constant 0 : i32
    %dma_wait3A_154 = arith.constant 0 : i32
    %dma_wait3A_155 = tpu.memref_slice %arg18[%dma_wait3A_153, %dma_wait3A_154] : memref<10000x128xf32, #tpu.memory_space<vmem_shared>> -> memref<10000x128xf32, #tpu.memory_space<vmem_shared>>
    tpu.wait_indirect_dma semaphore(%arg23 : memref<!tpu.dma_semaphore, #tpu.memory_space<semaphore_mem>>) src(%dma_wait3A_149 : memref<80x128xf32, #tpu.memory_space<vmem>>) dst(%dma_wait3A_155 : memref<10000x128xf32, #tpu.memory_space<vmem_shared>>)
    %dma_wait3A_156 = arith.constant 1 : i32
    %dma_wait3A_157 = arith.constant 1 : i32
    %dma_wait3A_158 = arith.constant 0 : i32
    %dma_wait3A_159 = arith.constant 0 : i32
    %dma_wait3A_160 = tpu.memref_slice %arg17[%dma_wait3A_156, %dma_wait3A_158, %dma_wait3A_159] : memref<2x80x16xf32, #tpu.memory_space<vmem>> -> memref<1x80x16xf32, #tpu.memory_space<vmem>>
    %dma_wait3A_161 = tpu.memref_squeeze %dma_wait3A_160 : memref<1x80x16xf32, #tpu.memory_space<vmem>> -> memref<80x16xf32, #tpu.memory_space<vmem>>
    %dma_wait3A_162 = arith.constant 0 : i32
    %dma_wait3A_163 = tpu.memref_slice %arg15[%dma_wait3A_157, %dma_wait3A_162] : memref<2x80xi32, #tpu.memory_space<vmem>> -> memref<1x80xi32, #tpu.memory_space<vmem>>
    %dma_wait3A_164 = tpu.memref_squeeze %dma_wait3A_163 : memref<1x80xi32, #tpu.memory_space<vmem>> -> memref<80xi32, #tpu.memory_space<vmem>>
    %dma_wait3A_165 = arith.constant 0 : i32
    %dma_wait3A_166 = arith.constant 0 : i32
    %dma_wait3A_167 = tpu.memref_slice %arg19[%dma_wait3A_165, %dma_wait3A_166] : memref<10000x16xf32, #tpu.memory_space<vmem_shared>> -> memref<10000x16xf32, #tpu.memory_space<vmem_shared>>
    tpu.wait_indirect_dma semaphore(%arg23 : memref<!tpu.dma_semaphore, #tpu.memory_space<semaphore_mem>>) src(%dma_wait3A_161 : memref<80x16xf32, #tpu.memory_space<vmem>>) dst(%dma_wait3A_167 : memref<10000x16xf32, #tpu.memory_space<vmem_shared>>)
    %dma_wait3A_168 = arith.constant 0 : i32
    %dma_wait3A_169 = arith.constant 0 : i32
    %dma_wait3A_170 = arith.constant 0 : i32
    %dma_wait3A_171 = arith.constant 0 : i32
    %dma_wait3A_172 = tpu.memref_slice %arg16[%dma_wait3A_168, %dma_wait3A_170, %dma_wait3A_171] : memref<2x80x128xf32, #tpu.memory_space<vmem>> -> memref<1x80x128xf32, #tpu.memory_space<vmem>>
    %dma_wait3A_173 = tpu.memref_squeeze %dma_wait3A_172 : memref<1x80x128xf32, #tpu.memory_space<vmem>> -> memref<80x128xf32, #tpu.memory_space<vmem>>
    %dma_wait3A_174 = arith.constant 0 : i32
    %dma_wait3A_175 = tpu.memref_slice %arg15[%dma_wait3A_169, %dma_wait3A_174] : memref<2x80xi32, #tpu.memory_space<vmem>> -> memref<1x80xi32, #tpu.memory_space<vmem>>
    %dma_wait3A_176 = tpu.memref_squeeze %dma_wait3A_175 : memref<1x80xi32, #tpu.memory_space<vmem>> -> memref<80xi32, #tpu.memory_space<vmem>>
    %dma_wait3A_177 = arith.constant 0 : i32
    %dma_wait3A_178 = arith.constant 0 : i32
    %dma_wait3A_179 = tpu.memref_slice %arg18[%dma_wait3A_177, %dma_wait3A_178] : memref<10000x128xf32, #tpu.memory_space<vmem_shared>> -> memref<10000x128xf32, #tpu.memory_space<vmem_shared>>
    tpu.wait_indirect_dma semaphore(%arg22 : memref<!tpu.dma_semaphore, #tpu.memory_space<semaphore_mem>>) src(%dma_wait3A_173 : memref<80x128xf32, #tpu.memory_space<vmem>>) dst(%dma_wait3A_179 : memref<10000x128xf32, #tpu.memory_space<vmem_shared>>)
    %dma_wait3A_180 = arith.constant 0 : i32
    %dma_wait3A_181 = arith.constant 0 : i32
    %dma_wait3A_182 = arith.constant 0 : i32
    %dma_wait3A_183 = arith.constant 0 : i32
    %dma_wait3A_184 = tpu.memref_slice %arg17[%dma_wait3A_180, %dma_wait3A_182, %dma_wait3A_183] : memref<2x80x16xf32, #tpu.memory_space<vmem>> -> memref<1x80x16xf32, #tpu.memory_space<vmem>>
    %dma_wait3A_185 = tpu.memref_squeeze %dma_wait3A_184 : memref<1x80x16xf32, #tpu.memory_space<vmem>> -> memref<80x16xf32, #tpu.memory_space<vmem>>
    %dma_wait3A_186 = arith.constant 0 : i32
    %dma_wait3A_187 = tpu.memref_slice %arg15[%dma_wait3A_181, %dma_wait3A_186] : memref<2x80xi32, #tpu.memory_space<vmem>> -> memref<1x80xi32, #tpu.memory_space<vmem>>
    %dma_wait3A_188 = tpu.memref_squeeze %dma_wait3A_187 : memref<1x80xi32, #tpu.memory_space<vmem>> -> memref<80xi32, #tpu.memory_space<vmem>>
    %dma_wait3A_189 = arith.constant 0 : i32
    %dma_wait3A_190 = arith.constant 0 : i32
    %dma_wait3A_191 = tpu.memref_slice %arg19[%dma_wait3A_189, %dma_wait3A_190] : memref<10000x16xf32, #tpu.memory_space<vmem_shared>> -> memref<10000x16xf32, #tpu.memory_space<vmem_shared>>
    tpu.wait_indirect_dma semaphore(%arg22 : memref<!tpu.dma_semaphore, #tpu.memory_space<semaphore_mem>>) src(%dma_wait3A_185 : memref<80x16xf32, #tpu.memory_space<vmem>>) dst(%dma_wait3A_191 : memref<10000x16xf32, #tpu.memory_space<vmem_shared>>)
    %barrier3A_192 = arith.constant 0 : index
    tpu.barrier barrier_id(%barrier3A_192)
    %mul3A_193 = arith.constant 625 : i32
    %mul3A_194 = arith.muli %arg1, %mul3A_193 : i32
    %mul3A_195 = arith.constant 625 : i32
    %mul3A_196 = arith.muli %arg1, %mul3A_195 : i32
    "tpu.region"() ({
      %run_scoped3A_201 = tpu.sem_alloc : memref<!tpu.dma_semaphore, #tpu.memory_space<semaphore_mem>>
      %dma_start3A_202 = arith.constant 0 : i32
      %dma_start3A_203 = tpu.memref_slice %arg9[%arg0, %mul3A_196, %dma_start3A_202] : memref<2x10000x128xf32, #tpu.memory_space<hbm>> -> memref<1x625x128xf32, #tpu.memory_space<hbm>>
      %dma_start3A_204 = tpu.memref_squeeze %dma_start3A_203 : memref<1x625x128xf32, #tpu.memory_space<hbm>> -> memref<625x128xf32, #tpu.memory_space<hbm>>
      %dma_start3A_205 = arith.constant 0 : i32
      %dma_start3A_206 = tpu.memref_slice %arg18[%mul3A_194, %dma_start3A_205] : memref<10000x128xf32, #tpu.memory_space<vmem_shared>> -> memref<625x128xf32, #tpu.memory_space<vmem_shared>>
      tpu.enqueue_dma source(%dma_start3A_206 : memref<625x128xf32, #tpu.memory_space<vmem_shared>>) target(%dma_start3A_204 : memref<625x128xf32, #tpu.memory_space<hbm>>) target_semaphore(%run_scoped3A_201 : memref<!tpu.dma_semaphore, #tpu.memory_space<semaphore_mem>>)
      %dma_wait3A_207 = arith.constant 0 : i32
      %dma_wait3A_208 = tpu.memref_slice %arg9[%arg0, %mul3A_196, %dma_wait3A_207] : memref<2x10000x128xf32, #tpu.memory_space<hbm>> -> memref<1x625x128xf32, #tpu.memory_space<hbm>>
      %dma_wait3A_209 = tpu.memref_squeeze %dma_wait3A_208 : memref<1x625x128xf32, #tpu.memory_space<hbm>> -> memref<625x128xf32, #tpu.memory_space<hbm>>
      %dma_wait3A_210 = arith.constant 0 : i32
      %dma_wait3A_211 = tpu.memref_slice %arg18[%mul3A_194, %dma_wait3A_210] : memref<10000x128xf32, #tpu.memory_space<vmem_shared>> -> memref<625x128xf32, #tpu.memory_space<vmem_shared>>
      tpu.wait_dma2 semaphore(%run_scoped3A_201 : memref<!tpu.dma_semaphore, #tpu.memory_space<semaphore_mem>>) src(%dma_wait3A_211 : memref<625x128xf32, #tpu.memory_space<vmem_shared>>) dst(%dma_wait3A_209 : memref<625x128xf32, #tpu.memory_space<hbm>>)
      tpu.yield
    }) : () -> ()
    %mul3A_197 = arith.constant 625 : i32
    %mul3A_198 = arith.muli %arg1, %mul3A_197 : i32
    %mul3A_199 = arith.constant 625 : i32
    %mul3A_200 = arith.muli %arg1, %mul3A_199 : i32
    "tpu.region"() ({
      %run_scoped3A_201 = tpu.sem_alloc : memref<!tpu.dma_semaphore, #tpu.memory_space<semaphore_mem>>
      %dma_start3A_202 = arith.constant 0 : i32
      %dma_start3A_203 = tpu.memref_slice %arg10[%arg0, %mul3A_200, %dma_start3A_202] : memref<2x10000x16xf32, #tpu.memory_space<hbm>> -> memref<1x625x16xf32, #tpu.memory_space<hbm>>
      %dma_start3A_204 = tpu.memref_squeeze %dma_start3A_203 : memref<1x625x16xf32, #tpu.memory_space<hbm>> -> memref<625x16xf32, #tpu.memory_space<hbm>>
      %dma_start3A_205 = arith.constant 0 : i32
      %dma_start3A_206 = tpu.memref_slice %arg19[%mul3A_198, %dma_start3A_205] : memref<10000x16xf32, #tpu.memory_space<vmem_shared>> -> memref<625x16xf32, #tpu.memory_space<vmem_shared>>
      tpu.enqueue_dma source(%dma_start3A_206 : memref<625x16xf32, #tpu.memory_space<vmem_shared>>) target(%dma_start3A_204 : memref<625x16xf32, #tpu.memory_space<hbm>>) target_semaphore(%run_scoped3A_201 : memref<!tpu.dma_semaphore, #tpu.memory_space<semaphore_mem>>)
      %dma_wait3A_207 = arith.constant 0 : i32
      %dma_wait3A_208 = tpu.memref_slice %arg10[%arg0, %mul3A_200, %dma_wait3A_207] : memref<2x10000x16xf32, #tpu.memory_space<hbm>> -> memref<1x625x16xf32, #tpu.memory_space<hbm>>
      %dma_wait3A_209 = tpu.memref_squeeze %dma_wait3A_208 : memref<1x625x16xf32, #tpu.memory_space<hbm>> -> memref<625x16xf32, #tpu.memory_space<hbm>>
      %dma_wait3A_210 = arith.constant 0 : i32
      %dma_wait3A_211 = tpu.memref_slice %arg19[%mul3A_198, %dma_wait3A_210] : memref<10000x16xf32, #tpu.memory_space<vmem_shared>> -> memref<625x16xf32, #tpu.memory_space<vmem_shared>>
      tpu.wait_dma2 semaphore(%run_scoped3A_201 : memref<!tpu.dma_semaphore, #tpu.memory_space<semaphore_mem>>) src(%dma_wait3A_211 : memref<625x16xf32, #tpu.memory_space<vmem_shared>>) dst(%dma_wait3A_209 : memref<625x16xf32, #tpu.memory_space<hbm>>)
      tpu.yield
    }) : () -> ()
    return
  }
}

module attributes {stable_mosaic.version = 14 : i64} {
  func.func @_project_body(%arg0: memref<10000x128xf32, #tpu.memory_space<vmem>>, %arg1: memref<128x128xf32, #tpu.memory_space<vmem>>, %arg2: memref<128x16xf32, #tpu.memory_space<vmem>>, %arg3: memref<10000x128xf32, #tpu.memory_space<vmem>>, %arg4: memref<10000x16xf32, #tpu.memory_space<vmem>>, %arg5: memref<1x16xf32, #tpu.memory_space<vmem>>) attributes {dimension_semantics = [], scalar_prefetch = 0 : i64, scratch_operands = 0 : i64, tpu.core_type = #tpu.core_type<tc>} {
    %get3A = arith.constant 0 : index
    %get3A_0 = arith.constant 0 : index
    %get3A_1 = vector.load %arg0[%get3A, %get3A_0] : memref<10000x128xf32, #tpu.memory_space<vmem>>, vector<10000x128xf32>
    %get3A_2 = arith.constant 0 : index
    %get3A_3 = arith.constant 0 : index
    %get3A_4 = vector.load %arg1[%get3A_2, %get3A_3] : memref<128x128xf32, #tpu.memory_space<vmem>>, vector<128x128xf32>
    %dot_general3A = arith.constant dense<0.000000e+00> : vector<10000x128xf32>
    %dot_general3A_5 = tpu.matmul %get3A_1, %get3A_4, %dot_general3A {dimension_numbers = #tpu.dot_dimension_numbers<[1], [0], [0], [1], [0, 0, 1, 1], [], []>, transpose_lhs_hint = false} : vector<10000x128xf32>, vector<128x128xf32>, vector<10000x128xf32> -> vector<10000x128xf32>
    %swap3A = arith.constant 0 : index
    %swap3A_6 = arith.constant 0 : index
    %swap3A_7 = vector.load %arg3[%swap3A, %swap3A_6] : memref<10000x128xf32, #tpu.memory_space<vmem>>, vector<10000x128xf32>
    tpu.vector_store %arg3[%swap3A, %swap3A_6], %dot_general3A_5 {strides = array<i32>} : memref<10000x128xf32, #tpu.memory_space<vmem>>, vector<10000x128xf32>,
    %get3A_8 = arith.constant 0 : index
    %get3A_9 = arith.constant 0 : index
    %get3A_10 = vector.load %arg2[%get3A_8, %get3A_9] : memref<128x16xf32, #tpu.memory_space<vmem>>, vector<128x16xf32>
    %dot_general3A_11 = arith.constant dense<0.000000e+00> : vector<10000x16xf32>
    %dot_general3A_12 = tpu.matmul %get3A_1, %get3A_10, %dot_general3A_11 {dimension_numbers = #tpu.dot_dimension_numbers<[1], [0], [0], [1], [0, 0, 1, 1], [], []>, transpose_lhs_hint = false} : vector<10000x128xf32>, vector<128x16xf32>, vector<10000x16xf32> -> vector<10000x16xf32>
    %swap3A_13 = arith.constant 0 : index
    %swap3A_14 = arith.constant 0 : index
    %swap3A_15 = vector.load %arg4[%swap3A_13, %swap3A_14] : memref<10000x16xf32, #tpu.memory_space<vmem>>, vector<10000x16xf32>
    tpu.vector_store %arg4[%swap3A_13, %swap3A_14], %dot_general3A_12 {strides = array<i32>} : memref<10000x16xf32, #tpu.memory_space<vmem>>, vector<10000x16xf32>,
    %reduce_max3A = arith.constant dense<0xFF800000> : vector<16xf32>
    %reduce_max3A_16 = vector.multi_reduction <maximumf>, %dot_general3A_12, %reduce_max3A [0] : vector<10000x16xf32> to vector<16xf32>
    %broadcast_in_dim3A = vector.shape_cast %reduce_max3A_16 : vector<16xf32> to vector<1x16xf32>
    %slice3A = vector.extract_strided_slice %broadcast_in_dim3A {offsets = [0, 0], sizes = [1, 4], strides = [1, 1]} : vector<1x16xf32> to vector<1x4xf32>
    %slice3A_17 = vector.extract_strided_slice %broadcast_in_dim3A {offsets = [0, 4], sizes = [1, 4], strides = [1, 1]} : vector<1x16xf32> to vector<1x4xf32>
    %add3A = arith.addf %slice3A, %slice3A_17 : vector<1x4xf32>
    %ge3A = arith.constant 0.000000e+00 : f32
    %ge3A_18 = vector.broadcast %ge3A : f32 to vector<1x4xf32>
    %ge3A_19 = arith.cmpf oge, %add3A, %ge3A_18 : vector<1x4xf32>
    %mul3A = arith.constant 2.000000e-01 : f32
    %mul3A_20 = vector.broadcast %mul3A : f32 to vector<1x4xf32>
    %mul3A_21 = arith.mulf %mul3A_20, %add3A : vector<1x4xf32>
    %select_n3A = arith.select %ge3A_19, %add3A, %mul3A_21 : vector<1x4xi1>, vector<1x4xf32>
    %broadcast_in_dim3A_22 = arith.constant 0.000000e+00 : f32
    %broadcast_in_dim3A_23 = vector.broadcast %broadcast_in_dim3A_22 : f32 to vector<1x12xf32>
    %concatenate3A = tpu.concatenate %select_n3A, %broadcast_in_dim3A_23 in 1 : vector<1x4xf32>, vector<1x12xf32> -> vector<1x16xf32>
    %swap3A_24 = arith.constant 0 : index
    %swap3A_25 = arith.constant 0 : index
    %swap3A_26 = vector.load %arg5[%swap3A_24, %swap3A_25] : memref<1x16xf32, #tpu.memory_space<vmem>>, vector<1x16xf32>
    tpu.vector_store %arg5[%swap3A_24, %swap3A_25], %concatenate3A {strides = array<i32>} : memref<1x16xf32, #tpu.memory_space<vmem>>, vector<1x16xf32>,
    return
  }
}

module attributes {stable_mosaic.version = 14 : i64} {
  func.func @_combine_body(%arg0: memref<2x10000x128xf32, #tpu.memory_space<vmem>>, %arg1: memref<2x10000x16xf32, #tpu.memory_space<vmem>>, %arg2: memref<16x128xf32, #tpu.memory_space<vmem>>, %arg3: memref<10000x128xf32, #tpu.memory_space<vmem>>) attributes {dimension_semantics = [], scalar_prefetch = 0 : i64, scratch_operands = 0 : i64, tpu.core_type = #tpu.core_type<tc>} {
    %get3A = arith.constant 0 : index
    %get3A_0 = arith.constant 0 : index
    %get3A_1 = arith.constant 0 : index
    %get3A_2 = vector.load %arg0[%get3A, %get3A_0, %get3A_1] : memref<2x10000x128xf32, #tpu.memory_space<vmem>>, vector<1x10000x128xf32>
    %get3A_3 = vector.shape_cast %get3A_2 : vector<1x10000x128xf32> to vector<10000x128xf32>
    %get3A_4 = arith.constant 1 : index
    %get3A_5 = arith.constant 0 : index
    %get3A_6 = arith.constant 0 : index
    %get3A_7 = vector.load %arg0[%get3A_4, %get3A_5, %get3A_6] : memref<2x10000x128xf32, #tpu.memory_space<vmem>>, vector<1x10000x128xf32>
    %get3A_8 = vector.shape_cast %get3A_7 : vector<1x10000x128xf32> to vector<10000x128xf32>
    %add3A = arith.addf %get3A_3, %get3A_8 : vector<10000x128xf32>
    %get3A_9 = arith.constant 0 : index
    %get3A_10 = arith.constant 0 : index
    %get3A_11 = arith.constant 0 : index
    %get3A_12 = vector.load %arg1[%get3A_9, %get3A_10, %get3A_11] : memref<2x10000x16xf32, #tpu.memory_space<vmem>>, vector<1x10000x16xf32>
    %get3A_13 = vector.shape_cast %get3A_12 : vector<1x10000x16xf32> to vector<10000x16xf32>
    %get3A_14 = arith.constant 1 : index
    %get3A_15 = arith.constant 0 : index
    %get3A_16 = arith.constant 0 : index
    %get3A_17 = vector.load %arg1[%get3A_14, %get3A_15, %get3A_16] : memref<2x10000x16xf32, #tpu.memory_space<vmem>>, vector<1x10000x16xf32>
    %get3A_18 = vector.shape_cast %get3A_17 : vector<1x10000x16xf32> to vector<10000x16xf32>
    %add3A_19 = arith.addf %get3A_13, %get3A_18 : vector<10000x16xf32>
    %get3A_20 = arith.constant 0 : index
    %get3A_21 = arith.constant 0 : index
    %get3A_22 = vector.load %arg2[%get3A_20, %get3A_21] : memref<16x128xf32, #tpu.memory_space<vmem>>, vector<16x128xf32>
    %dot_general3A = arith.constant dense<0.000000e+00> : vector<10000x128xf32>
    %dot_general3A_23 = tpu.matmul %add3A_19, %get3A_22, %dot_general3A {dimension_numbers = #tpu.dot_dimension_numbers<[1], [0], [0], [1], [0, 0, 1, 1], [], []>, transpose_lhs_hint = false} : vector<10000x16xf32>, vector<16x128xf32>, vector<10000x128xf32> -> vector<10000x128xf32>
    %add3A_24 = arith.constant 1.000000e-16 : f32
    %add3A_25 = vector.broadcast %add3A_24 : f32 to vector<10000x128xf32>
    %add3A_26 = arith.addf %dot_general3A_23, %add3A_25 : vector<10000x128xf32>
    %div3A = arith.divf %add3A, %add3A_26 : vector<10000x128xf32>
    %max3A = arith.constant 0.000000e+00 : f32
    %max3A_27 = vector.broadcast %max3A : f32 to vector<10000x128xf32>
    %max3A_28 = arith.maximumf %div3A, %max3A_27 : vector<10000x128xf32>
    %swap3A = arith.constant 0 : index
    %swap3A_29 = arith.constant 0 : index
    %swap3A_30 = vector.load %arg3[%swap3A, %swap3A_29] : memref<10000x128xf32, #tpu.memory_space<vmem>>, vector<10000x128xf32>
    tpu.vector_store %arg3[%swap3A, %swap3A_29], %max3A_28 {strides = array<i32>} : memref<10000x128xf32, #tpu.memory_space<vmem>>, vector<10000x128xf32>,
    return
  }
}

module attributes {stable_mosaic.version = 14 : i64} {
  func.func @_combine_body(%arg0: memref<2x10000x128xf32, #tpu.memory_space<vmem>>, %arg1: memref<2x10000x16xf32, #tpu.memory_space<vmem>>, %arg2: memref<16x128xf32, #tpu.memory_space<vmem>>, %arg3: memref<10000x128xf32, #tpu.memory_space<vmem>>) attributes {dimension_semantics = [], scalar_prefetch = 0 : i64, scratch_operands = 0 : i64, tpu.core_type = #tpu.core_type<tc>} {
    %get3A = arith.constant 0 : index
    %get3A_0 = arith.constant 0 : index
    %get3A_1 = arith.constant 0 : index
    %get3A_2 = vector.load %arg0[%get3A, %get3A_0, %get3A_1] : memref<2x10000x128xf32, #tpu.memory_space<vmem>>, vector<1x10000x128xf32>
    %get3A_3 = vector.shape_cast %get3A_2 : vector<1x10000x128xf32> to vector<10000x128xf32>
    %get3A_4 = arith.constant 1 : index
    %get3A_5 = arith.constant 0 : index
    %get3A_6 = arith.constant 0 : index
    %get3A_7 = vector.load %arg0[%get3A_4, %get3A_5, %get3A_6] : memref<2x10000x128xf32, #tpu.memory_space<vmem>>, vector<1x10000x128xf32>
    %get3A_8 = vector.shape_cast %get3A_7 : vector<1x10000x128xf32> to vector<10000x128xf32>
    %add3A = arith.addf %get3A_3, %get3A_8 : vector<10000x128xf32>
    %get3A_9 = arith.constant 0 : index
    %get3A_10 = arith.constant 0 : index
    %get3A_11 = arith.constant 0 : index
    %get3A_12 = vector.load %arg1[%get3A_9, %get3A_10, %get3A_11] : memref<2x10000x16xf32, #tpu.memory_space<vmem>>, vector<1x10000x16xf32>
    %get3A_13 = vector.shape_cast %get3A_12 : vector<1x10000x16xf32> to vector<10000x16xf32>
    %get3A_14 = arith.constant 1 : index
    %get3A_15 = arith.constant 0 : index
    %get3A_16 = arith.constant 0 : index
    %get3A_17 = vector.load %arg1[%get3A_14, %get3A_15, %get3A_16] : memref<2x10000x16xf32, #tpu.memory_space<vmem>>, vector<1x10000x16xf32>
    %get3A_18 = vector.shape_cast %get3A_17 : vector<1x10000x16xf32> to vector<10000x16xf32>
    %add3A_19 = arith.addf %get3A_13, %get3A_18 : vector<10000x16xf32>
    %get3A_20 = arith.constant 0 : index
    %get3A_21 = arith.constant 0 : index
    %get3A_22 = vector.load %arg2[%get3A_20, %get3A_21] : memref<16x128xf32, #tpu.memory_space<vmem>>, vector<16x128xf32>
    %dot_general3A = arith.constant dense<0.000000e+00> : vector<10000x128xf32>
    %dot_general3A_23 = tpu.matmul %add3A_19, %get3A_22, %dot_general3A {dimension_numbers = #tpu.dot_dimension_numbers<[1], [0], [0], [1], [0, 0, 1, 1], [], []>, transpose_lhs_hint = false} : vector<10000x16xf32>, vector<16x128xf32>, vector<10000x128xf32> -> vector<10000x128xf32>
    %add3A_24 = arith.constant 1.000000e-16 : f32
    %add3A_25 = vector.broadcast %add3A_24 : f32 to vector<10000x128xf32>
    %add3A_26 = arith.addf %dot_general3A_23, %add3A_25 : vector<10000x128xf32>
    %div3A = arith.divf %add3A, %add3A_26 : vector<10000x128xf32>
    %max3A = arith.constant 0.000000e+00 : f32
    %max3A_27 = vector.broadcast %max3A : f32 to vector<10000x128xf32>
    %max3A_28 = arith.maximumf %div3A, %max3A_27 : vector<10000x128xf32>
    %swap3A = arith.constant 0 : index
    %swap3A_29 = arith.constant 0 : index
    %swap3A_30 = vector.load %arg3[%swap3A, %swap3A_29] : memref<10000x128xf32, #tpu.memory_space<vmem>>, vector<10000x128xf32>
    tpu.vector_store %arg3[%swap3A, %swap3A_29], %max3A_28 {strides = array<i32>} : memref<10000x128xf32, #tpu.memory_space<vmem>>, vector<10000x128xf32>,
    return
  }
}

</mosaic_0001>

<sc_bundles>
// kernel: kernel.11.cloned.1.call-start
scs
__scs_entry_jumppad:
0x0: {  	(pc) =	sbr.rel $0x88, $3  }
0x1: {  	(tag) =	ssettag $0x0;
	lr =	simm.s32 $0x1  }
0x2: {  	[smem:$0x3F99] =	sst lr;
	_ =	strace $0xD0000000  }
0x3: {  	_ = 	snop  }
0x4: {  	_ = 	snop  }
0x5: {  	_ = 	snop  }
0x6: {  	_ = 	snop  }
0x7: {  	_ = 	snop  }
__scs_overlays_trampoline_lowered:
0x8: {  	[smem:$0x3FA8] =	sst s0  }
0x9: {  	[smem:$0x3FA9] =	sst s1  }
0xa: {  	[smem:$0x3FAA] =	sst s2  }
0xb: {  	[smem:$0x3FAB] =	sst s3  }
0xc: {  	[smem:$0x3FAC] =	sst s4  }
0xd: {  	[smem:$0x3FAD] =	sst s5  }
0xe: {  	[smem:$0x3FAE] =	sst s6  }
0xf: {  	[smem:$0x3FAF] =	sst s7  }
0x10: {  	[smem:$0x3FB0] =	sst s8  }
0x11: {  	[smem:$0x3FB1] =	sst s9;
	s0 =	simm.s32 @!p0 $0x0  }
0x12: {  	s1 =	sld [smem:$0x3F97];
	s0 =	simm.s32 @p0 $0x1  }
0x13: {  	[smem:$0x3FB2] =	sst s0;
	s0 =	simm.s32 @!p1 $0x0  }
0x14: {  	s2 =	sld [smem:$0x3F96];
	s0 =	simm.s32 @p1 $0x1  }
0x15: {  	[smem:$0x3FB3] =	sst s0;
	s0 =	simm.s32 @!p2 $0x0  }
0x16: {  	s3 =	sld [smem:$0x3FDB];
	s0 =	simm.s32 @p2 $0x1  }
0x17: {  	s4 =	simm.s32 $0x1BF5;
	[smem:$0x3FB5] =	sst s0  }
0x18: {  	s0 =	sld [smem:$0x3F98];
	_ =	swait.ge [sflag:s4], $0x0  }
0x19: {  	s7 =	sld [smem:$0x3F99]  }
0x1a: {  	s8 =	sadd.s32 $0xFFFFE003, lr  }
0x1b: {  	s9 =	sadd.s32 $0xFFFFFEF7, lr;
	s5 =	simm.s32 $0xFFFFFFFF;
	p2 =	slt.u32 s8, $0xFFFFF086  }
0x1c: {  	p1 =	slt.u32 s9, $0xF7A;
	s5 =	simm.s32 @!p2 $0x0  }
0x1d: {  	s5 =	simm.s32 @p1 $0x1;
	p0 =	seq.s32 s7, s2  }
0x1e: {  	s7 =	smul.u32 @!p0 $0xF7A, s2;
	p2 =	seq.s32 @!p0 s5, $0x0  }
0x1f: {  	s9 =	smul.u32 $0xF7A, s1;
	s8 =	simm.s32 @!p0 $0x1BF5;
	p2 =	por !p2, p0  }
0x20: {  	[sflag:s8] =	ssyncset.s32 @!p0 $0xFFFFF086;
	s6 =	sadd.s32 @!p0 s3, s7;
	s7 =	simm.s32 @!p0 $0x108  }
0x21: {  	s3 =	sadd.s32 s3, s9;
	s6 =	sadd.s32 @!p0 $0x88, s6;
	s7 =	simm.s32 @p2 $0x1082  }
0x22: {  	[simem:s7], [sflag:s8] =	dma.local @!p0 [hbm:s6], $0xF7A  }
0x23: {  	s9 =	sor.u32 $0xD0000000, s2;
	s6 =	simm.s32 $0x108;
	_ =	swait.ge @!p0 [sflag:s8], $0x0  }
0x24: {  	s3 =	sadd.s32 $0x88, s3;
	s6 =	simm.s32 @!p1 $0x1082;
	[sflag:s4] =	ssyncset.s32 $0xFFFFF086  }
0x25: {  	[simem:s6], [sflag:s4] =	dma.local [hbm:s3], $0xF7A  }
0x26: {  	[smem:$0x3F99] =	sst s1;
	(tag) =	ssettag s2;
	_ =	strace s9  }
0x27: {  	s1 =	sld [smem:$0x3FA9]  }
0x28: {  	s2 =	sld [smem:$0x3FAA]  }
0x29: {  	s4 =	sld [smem:$0x3FAC]  }
0x2a: {  	p0 =	seq.s32 s5, $0x0;
	s5 =	sld [smem:$0x3FAD]  }
0x2b: {  	s6 =	sld [smem:$0x3FAE]  }
0x2c: {  	s7 =	sld [smem:$0x3FAF]  }
0x2d: {  	s3 =	simm.s32 $0x108;
	s8 =	sld [smem:$0x3FB0]  }
0x2e: {  	s3 =	simm.s32 @!p0 $0x1082;
	s9 =	sld [smem:$0x3FB1]  }
0x2f: {  	lr =	sadd.s32 s0, s3;
	s0 =	sld [smem:$0x3FA8]  }
0x30: {  	s3 =	sld [smem:$0x3FAB]  }
0x31: {  	[smem:$0x3FB4] =	sst s10  }
0x32: {  	s10 =	sld [smem:$0x3FB2];
	_ =	sdelay $0x3  }
0x33: {  	p0 =	seq.s32 s10, $0x1;
	s10 =	sld [smem:$0x3FB4];
	_ =	sdelay $0x3  }
0x34: {  	[smem:$0x3FB4] =	sst s10  }
0x35: {  	s10 =	sld [smem:$0x3FB3];
	_ =	sdelay $0x3  }
0x36: {  	p1 =	seq.s32 s10, $0x1;
	s10 =	sld [smem:$0x3FB4];
	_ =	sdelay $0x3  }
0x37: {  	[smem:$0x3FB4] =	sst s10  }
0x38: {  	s10 =	sld [smem:$0x3FB5]  }
0x39: {  	_ = 	snop;
	(pc) =	sbr.ind lr, $3  }
0x3a: {  	_ = 	snop  }
0x3b: {  	_ = 	snop  }
0x3c: {  	p2 =	seq.s32 s10, $0x1;
	s10 =	sld [smem:$0x3FB4]  }
0x3d: {  	_ =	shalt  }
0x3e: {  	_ =	shalt  }
0x3f: {  	_ =	shalt  }
0x40: {  	_ =	shalt  }
0x41: {  	_ =	shalt  }
0x42: {  	_ =	shalt  }
0x43: {  	_ =	shalt  }
0x44: {  	_ =	shalt  }
0x45: {  	_ =	shalt  }
0x46: {  	_ =	shalt  }
0x47: {  	_ =	shalt  }
0x48: {  	_ =	shalt  }
0x49: {  	_ =	shalt  }
0x4a: {  	_ =	shalt  }
0x4b: {  	_ =	shalt  }
0x4c: {  	_ =	shalt  }
0x4d: {  	_ =	shalt  }
0x4e: {  	_ =	shalt  }
0x4f: {  	_ =	shalt  }
0x50: {  	_ =	shalt  }
0x51: {  	_ =	shalt  }
0x52: {  	_ =	shalt  }
0x53: {  	_ =	shalt  }
0x54: {  	_ =	shalt  }
0x55: {  	_ =	shalt  }
0x56: {  	_ =	shalt  }
0x57: {  	_ =	shalt  }
0x58: {  	_ =	shalt  }
0x59: {  	_ =	shalt  }
0x5a: {  	_ =	shalt  }
0x5b: {  	_ =	shalt  }
0x5c: {  	_ =	shalt  }
0x5d: {  	_ =	shalt  }
0x5e: {  	_ =	shalt  }
0x5f: {  	_ =	shalt  }
0x60: {  	_ =	shalt  }
0x61: {  	_ =	shalt  }
0x62: {  	_ =	shalt  }
0x63: {  	_ =	shalt  }
0x64: {  	_ =	shalt  }
0x65: {  	_ =	shalt  }
0x66: {  	_ =	shalt  }
0x67: {  	_ =	shalt  }
0x68: {  	_ =	shalt  }
0x69: {  	_ =	shalt  }
0x6a: {  	_ =	shalt  }
0x6b: {  	_ =	shalt  }
0x6c: {  	_ =	shalt  }
0x6d: {  	_ =	shalt  }
0x6e: {  	_ =	shalt  }
0x6f: {  	_ =	shalt  }
0x70: {  	_ =	shalt  }
0x71: {  	_ =	shalt  }
0x72: {  	_ =	shalt  }
0x73: {  	_ =	shalt  }
0x74: {  	_ =	shalt  }
0x75: {  	_ =	shalt  }
0x76: {  	_ =	shalt  }
0x77: {  	_ =	shalt  }
0x78: {  	_ =	shalt  }
0x79: {  	_ =	shalt  }
0x7a: {  	_ =	shalt  }
0x7b: {  	_ =	shalt  }
0x7c: {  	_ =	shalt  }
0x7d: {  	_ =	shalt  }
0x7e: {  	_ =	shalt  }
0x7f: {  	_ =	shalt  }
0x80: {  	_ =	shalt  }
0x81: {  	_ =	shalt  }
0x82: {  	_ =	shalt  }
0x83: {  	_ =	shalt  }
0x84: {  	_ =	shalt  }
0x85: {  	_ =	shalt  }
0x86: {  	_ =	shalt  }
0x87: {  	_ =	shalt  }
.Lfunc_end0:
.L_simem_size_0:
called_computation.1_lowered:
.L_overlay_start_0:
0x88: {  	s2 =	sld [smem:$0x3FD9]  }
0x89: {  	s3 =	sld [smem:$0x3FFE];
	_ =	sdelay $0x1  }
0x8a: {  	s1 =	srdreg.scid  }
0x8b: {  	s0 =	sand.u32 $0x1, s1  }
0x8c: {  	s17 =	sshll.u32 s0, $0xA;
	s2 =	sadd.s32 s3, s2  }
0x8d: {  	s2 =	sadd.s32 s2, s17  }
0x8e: {  	[smem:$0x3FC0] =	sst s2  }
0x8f: {  	_ = 	snop  }
0x90: {  	s2 =	sld [smem:$0x3FD0];
	(tm) =	ssettm $0x1  }
0x91: {  	s18 =	sld [smem:$0x3FFB];
	_ =	sdelay $0x3  }
0x92: {  	_ =	strace s18  }
0x93: {  	s3 =	sld [smem:$0x3FFC];
	_ =	sdelay $0x3  }
0x94: {  	_ =	strace s3  }
0x95: {  	s3 =	sld [smem:$0x3FFD];
	_ =	sdelay $0x3  }
0x96: {  	_ =	strace s3  }
0x97: {  	_ =	strace $0x8FFFFFFF  }
0x98: {  	s19 =	sld [smem:$0x3FDB];
	_ =	sdelay $0x1  }
0x99: {  	s4 =	simm.s32 $_scs_section_size  }
0x9a: {  	s5 =	simm.s32 $_size__tile_overlayer_lowered;
	s6 =	simm.s32 $_tile_overlayer_lowered  }
0x9b: {  	s22 =	simm.s32 $0x1BFF;
	s21 =	sshll.u32 s6, $0x1;
	s3 =	sadd.s32 s4, s19  }
0x9c: {  	s7 =	simm.s32 $0x0;
	s20 =	sshll.u32 s5, $0x1;
	s5 =	sadd.s32 s21, s3  }
0x9d: {  	[timem:s7], [sflag:s22] =	dma.local [hbm:s5], s20  }
0x9e: {  	_ =	swait.ge [sflag:s22], s20  }
0x9f: {  	s4 =	ssub.s32 $0x0, s20;
	[sflag:s22] =	ssyncset.done $0x0  }
0xa0: {  	[sflag:s22] =	ssyncadd.s32 s4;
	_ =	sdelay $0x1  }
0xa1: {  	s23 =	simm.s32 $0x1B8B  }
0xa2: {  	_ =	swait.ge [sflag:s23], $0x1  }
0xa3: {  	[sflag:s23] =	ssyncset.done $0x0  }
0xa4: {  	s25 =	simm.s32 $0x1B8E;
	s24 =	sld [smem:$0x3FFE];
	[sflag:s23] =	ssyncadd.s32 $0xFFFFFFFF  }
0xa5: {  	s26 =	simm.s32 $execute0_lowered;
	[smem:$0x3FD2] =	sst s25  }
0xa6: {  	s5 =	sshll.u32 s26, $0x1;
	_ =	strace $0x80000049;
	[dreg:$0x1] =	wrdreg $0xFFFFFFFF  }
0xa7: {  	s28 =	simm.s32 $_size_execute0_lowered;
	s3 =	sadd.s32 s3, s5;
	[dreg:$0x0] =	wrdreg $0x0  }
0xa8: {  	s5 =	sshll.u32 s28, $0x1;
	[dreg:$0x2] =	wrdreg s3  }
0xa9: {  	[dreg:$0x3] =	wrdreg s5  }
0xaa: {  	[dreg:$0x4] =	wrdreg $0xC0  }
0xab: {  	_ =	task [dreg:s7], $0x5FFFF  }
0xac: {  	[dreg:$0x1] =	wrdreg $0xFFFFFFFF  }
0xad: {  	[dreg:$0x0] =	wrdreg $0x60  }
0xae: {  	[dreg:$0x2] =	wrdreg s24  }
0xaf: {  	[dreg:$0x3] =	wrdreg s2  }
0xb0: {  	[dreg:$0x4] =	wrdreg $0x6F500  }
0xb1: {  	[dreg:$0x5] =	wrdreg $0x1A7D00  }
0xb2: {  	[dreg:$0x6] =	wrdreg $0x9  }
0xb3: {  	_ =	task.clear_ibuf [dreg:s7], $0x7FFFF;
	_ =	strace $0x90000049  }
0xb4: {  	s29 =	simm.s32 $0x9;
	_ =	strace $0x8000004B  }
0xb5: {  	_ =	swait.ge [sflag:s29], $0x1  }
0xb6: {  	[sflag:s29] =	ssyncadd.s32 $0xFFFFFFFF  }
0xb7: {  	_ =	strace $0x9000004B  }
0xb8: {  	_ =	sfence  }
0xb9: {  	s30 =	sld [smem:$0x0];
	_ =	sdelay $0x2  }
0xba: {  	s31 =	sshll.u32 s1, $0xD;
	s1 =	sshrl.u32 s1, $0x2  }
0xbb: {  	s3 =	sand.u32 $0x4000, s31;
	s1 =	sadd.s32 s1, s30  }
0xbc: {  	s0 =	sor.u32 s3, s0;
	s1 =	sshll.u32 s1, $0x11  }
0xbd: {  	s0 =	sor.u32 s1, s0  }
0xbe: {  	s0 =	sadd.s32 $0x8F2B, s0  }
0xbf: {  	[sflag:s0] =	ssyncadd.remote.s32 $0x1  }
0xc0: {  	_ =	sfence.sel $0xFFFF  }
0xc1: {  	[dreg:$0x0] =	wrdreg $0xFFFFFFFF;
	(pc) =	sbr.abs _section_cstart, $3  }
0xc2: {  	[dreg:$0x1] =	wrdreg $0xFFFFFFFF  }
0xc3: {  	_ =	task.clear_ibuf [dreg:s7], $0x2FFFF;
	_ =	strace $0x9FFFFFFF  }
0xc4: {  	(tm) =	ssettm $0x7FFFFFFF  }
0xc5: {  	_ =	shalt  }
tec
execute0_lowered:
.L_overlay_start_1:
0x0: {  	(tag) =	ssettag $0x1  }
0x1: {  	s0 =	rddreg [dreg:$0x0]  }
0x2: {  	s1 =	rddreg [dreg:$0x1]  }
0x3: {  	s2 =	rddreg [dreg:$0x2]  }
0x4: {  	s4 =	rddreg [dreg:$0x3];
	s3 =	simm.s32 $0x0  }
0x5: {  	s18 =	stileid.u32;
	s5 =	srdreg.scid;
	s28 =	simm.s32 $0x1550  }
0x6: {  	s29 =	simm.s32 $0xA00;
	s30 =	simm.s32 $0x1460;
	s31 =	simm.s32 $0x1500  }
0x7: {  	[smem:$0x7FF] =	sst s3;
	s17 =	smul.u32 $0x13880, s18;
	s6 =	sadd.s32 $0x11000, s0  }
0x8: {  	s9 =	smul.u32 $0x2710, s18;
	s5 =	sand.u32 $0x1, s5;
	s7 =	sadd.s32 $0x7200, s0  }
0x9: {  	s8 =	sadd.s32 $0x2200, s0;
	s12 =	sadd.s32 $0x2000, s0;
	s26 =	sshll.u32 s18, $0x6  }
0xa: {  	_ =	strace $0x8000004A;
	s11 =	smul.u32 $0x138800, s5;
	[dreg:$0x5] =	wrdreg s12  }
0xb: {  	s13 =	smul.u32 $0x27100, s5;
	s14 =	sshll.u32 s5, $0x4;
	s5 =	ssub.s32 $0x2, s5  }
0xc: {  	s10 =	sshrl.u32 s17, $0x3;
	s19 =	sshrl.u32 s9, $0x3;
	s14 =	sor.u32 s18, s14  }
0xd: {  	s15 =	sshrl.u32 s5, $0x1;
	s3 =	sadd.s32 s17, s2;
	s18 =	sor.u32 $0x1C05, s26  }
0xe: {  	s26 =	simm.s32 $0x50;
	s10 =	sadd.s32 s10, s0;
	s11 =	sadd.s32 s17, s11  }
0xf: {  	s12 =	sadd.s32 s19, s0;
	s13 =	sadd.s32 s9, s13;
	s14 =	smul.u32 $0x2710, s14  }
0x10: {  	s5 =	ssub.s32 s5, s15;
	[dreg:$0x6] =	wrdreg s3;
	s9 =	sadd.s32 s9, s4  }
0x11: {  	[dreg:$0xf] =	wrdreg s18;
	s19 =	simm.s32 $0x0;
	s11 =	sshrl.u32 s11, $0x3  }
0x12: {  	s13 =	sshrl.u32 s13, $0x3;
	s20 =	sadd.s32 $0x1AE00, s10;
	[dreg:$0x8] =	wrdreg s9  }
0x13: {  	s22 =	sadd.s32 $0x42000, s12;
	s25 =	smax.u32 s5, $0x1;
	s5 =	simm.s32 $0xF00  }
0x14: {  	s9 =	simm.s32 $0x6550;
	s10 =	simm.s32 $0x3;
	s12 =	simm.s32 $0x6A50  }
0x15: {  	s11 =	sadd.s32 s11, s0;
	s0 =	sadd.s32 s13, s0;
	[dreg:$0x7] =	wrdreg s20  }
0x16: {  	s21 =	sshrl.u32 s14, $0x3;
	[dreg:$0x9] =	wrdreg s22;
	s16 =	sadd.s32 $0x50, s14  }
0x17: {  	s17 =	sadd.s32 $0xA0, s14;
	[dreg:$0xe] =	wrdreg s25;
	s23 =	sadd.s32 s6, s21  }
0x18: {  	s22 =	simm.s32 $0x5;
	s3 =	sadd.s32 s7, s21;
	[dreg:$0xa] =	wrdreg s23  }
0x19: {  	s25 =	simm.s32 $0x14B0;
	s24 =	sadd.s32 $0x50E00, s11;
	[dreg:$0xb] =	wrdreg s3  }
0x1a: {  	s14 =	simm.s32 $0x0;
	s0 =	sadd.s32 $0x47000, s0;
	[dreg:$0xc] =	wrdreg s24  }
0x1b: {  	v1 =	vlaneseq.u32;
	s21 =	simm.s32 $0x1;
	s11 =	simm.s32 $0x2;
	[dreg:$0xd] =	wrdreg s0  }
0x1c: {  	v0 =	vimm.f32 $0.0e+00;
	v1 =	vmul.u32 $0x10, v1;
	s24 =	simm.s32 $0x1410;
	s0 =	simm.s32 $0x3D50;
	s3 =	simm.s32 $0x500  }
.LBB2_1:
0x1d: {  	[dreg:$0x10] =	wrdreg s14  }
0x1e: {  	s13 =	simm.s32 $0x0;
	s23 =	rddreg [dreg:$0x5];
	s15 =	simm.s32 $0x1400  }
0x1f: {  	[tilespmem:s15], [sflag:$0x5] =	stream.linear.gather [hbm4b:s23+s13], $0x10, $0x38;
	[tilespmem:$0x1CEE0] =	vst v63  }
0x20: {  	_ =	swait.ge [sflag:s22], $0x10  }
0x21: {  	s15 =	rddreg [dreg:$0x6]  }
0x22: {  	[sflag:s22] =	ssyncset.done $0x0;
	s23 =	rddreg [dreg:$0x7];
	s20 =	sshrl.u32 s15, $0x3  }
0x23: {  	[sflag:s22] =	ssyncadd.s32 $0xFFFFFFF0;
	[dreg:$0x11] =	wrdreg s20  }
0x24: {  	[spmem:s20], [sflag:s18] =	dma.local [hbm:s23], $0x2710  }
0x25: {  	_ =	swait.ge [sflag:s22], $0x2710  }
0x26: {  	s15 =	rddreg [dreg:$0x8]  }
0x27: {  	[sflag:s22] =	ssyncset.done $0x0;
	s23 =	rddreg [dreg:$0x9];
	s20 =	sshrl.u32 s15, $0x3  }
0x28: {  	[sflag:s22] =	ssyncadd.s32 $0xFFFFD8F0;
	[dreg:$0x12] =	wrdreg s20  }
0x29: {  	[spmem:s20], [sflag:s18] =	dma.local [hbm:s23], $0x4E2  }
0x2a: {  	_ =	swait.ge [sflag:s22], $0x4E2  }
0x2b: {  	[sflag:s22] =	ssyncset.done $0x0  }
0x2c: {  	s13 =	simm.s32 $0x40;
	s15 =	simm.s32 $0x0;
	[sflag:s22] =	ssyncadd.s32 $0xFFFFFB1E  }
.LBB2_2:
0x2d: {  	p0 =	sne.s32 s13, $0x13C0;
	[tilespmem:s15+$0x6550] =	vst v0;
	s18 =	smov.u32 s13;
	s13 =	sadd.s32 $0x40, s13  }
.Ltmp0:
0x2e: {  	[tilespmem:s15+$0x6A50] =	vst v0;
	(pc) =	sbr.rel @p0 .LBB2_2-.Ltmp0, $2  }
0x2f: {  	_ =	sdelay $0x2  }
0x30: {  	s15 =	sshra.s32 s18, $0x2  }
0x31: {  	[tilespmem:s15+$0x6550] =	vst v0  }
0x32: {  	[tilespmem:s15+$0x6A50] =	vst v0  }
0x33: {  	v2 =	vld [tilespmem:$0x1400];
	[bflag:$0x0] =	sbarrier.arrive $0xFFFF  }
0x34: {  	s13 =	rddreg [dreg:$0xa]  }
0x35: {  	[tilespmem:s24], [sflag:$0x5] =	stream.linear.gather [hbm4b:s13+s19], $0x50, $0x38;
	[tilespmem:$0x1CEE0] =	vst v63  }
0x36: {  	_ =	swait.ge [sflag:s22], $0x50  }
0x37: {  	[sflag:s22] =	ssyncset.done $0x0  }
0x38: {  	s23 =	rddreg [dreg:$0xb];
	[sflag:s22] =	ssyncadd.s32 $0xFFFFFFB0  }
0x39: {  	[tilespmem:s25], [sflag:$0x5] =	stream.linear.gather [hbm4b:s23+s19], $0x50, $0x38;
	[tilespmem:$0x1CEE0] =	vst v63  }
0x3a: {  	_ =	swait.ge [sflag:s22], $0x50  }
0x3b: {  	[sflag:s22] =	ssyncset.done $0x0  }
0x3c: {  	[sflag:s22] =	ssyncadd.s32 $0xFFFFFFB0  }
0x3d: {  	[tilespmem:s28], [sflag:$0x1] =	stream.indirect.gather [hbm4b:s1+s26], $0x80, s24, s26, $0xb8;
	[tilespmem:$0x1CEE0] =	vst v63  }
0x3e: {  	_ = 	snop  }
0x3f: {  	[tilespmem:s19], [sflag:$0x1] =	stream.indirect.gather [hbm4b:s8+s26], $0x10, s24, s26, $0xb8;
	[tilespmem:$0x1CEE0] =	vst v63  }
0x40: {  	s20 =	simm.s32 $0x0;
	v5 =	vbroadcast v2, $0x0;
	v4 =	vbroadcast v2, $0x1  }
0x41: {  	v3 =	vbroadcast v2, $0x2;
	v2 =	vbroadcast v2, $0x3;
	[tilespmem:s29], [sflag:$0x1] =	stream.indirect.gather [hbm4b:s8+s26], $0x10, s25, s26, $0xb8;
	[tilespmem:$0x1CEE0] =	vst v63  }
.LBB2_4:
0x42: {  	p0 =	seq.s32 s20, $0x0  }
0x43: {  	s15 =	simm.s32 @!p0 $0x4  }
0x44: {  	_ =	swait.ge @!p0 [sflag:s15], $0x2800  }
0x45: {  	s13 =	smul.u32 $0xA0, s20;
	[sflag:s15] =	ssyncset.done @!p0 $0x0  }
0x46: {  	[sflag:s15] =	ssyncadd.s32 @!p0 $0xFFFFD800  }
0x47: {  	s18 =	sadd.s32 s13, s16;
	_ =	swait.ge @!p0 [sflag:s15], $0x500  }
0x48: {  	s18 =	sshrl.u32 s18, $0x3;
	[sflag:s15] =	ssyncset.done @!p0 $0x0  }
0x49: {  	s14 =	sadd.s32 s6, s18;
	[sflag:s15] =	ssyncadd.s32 @!p0 $0xFFFFFB00  }
0x4a: {  	[tilespmem:s30], [sflag:$0x5] =	stream.linear.gather [hbm4b:s14+s19], $0x50, $0x38;
	[tilespmem:$0x1CEE0] =	vst v63  }
0x4b: {  	_ =	swait.ge [sflag:s22], $0x50  }
0x4c: {  	[sflag:s22] =	ssyncset.done $0x0  }
0x4d: {  	s18 =	sadd.s32 s7, s18;
	[sflag:s22] =	ssyncadd.s32 $0xFFFFFFB0  }
0x4e: {  	[tilespmem:s31], [sflag:$0x5] =	stream.linear.gather [hbm4b:s18+s19], $0x50, $0x38;
	[tilespmem:$0x1CEE0] =	vst v63  }
0x4f: {  	_ =	swait.ge [sflag:s22], $0x50  }
0x50: {  	[sflag:s22] =	ssyncset.done $0x0  }
0x51: {  	[sflag:s22] =	ssyncadd.s32 $0xFFFFFFB0  }
0x52: {  	[tilespmem:s0], [sflag:$0x2] =	stream.indirect.gather [hbm4b:s1+s26], $0x80, s30, s26, $0xb8;
	[tilespmem:$0x1CEE0] =	vst v63  }
0x53: {  	_ = 	snop  }
0x54: {  	[tilespmem:s3], [sflag:$0x2] =	stream.indirect.gather [hbm4b:s8+s26], $0x10, s30, s26, $0xb8;
	[tilespmem:$0x1CEE0] =	vst v63  }
0x55: {  	_ = 	snop  }
0x56: {  	[tilespmem:s5], [sflag:$0x2] =	stream.indirect.gather [hbm4b:s8+s26], $0x10, s31, s26, $0xb8;
	[tilespmem:$0x1CEE0] =	vst v63  }
0x57: {  	_ =	swait.ge [sflag:s21], $0x2800  }
0x58: {  	[sflag:s21] =	ssyncset.done $0x0  }
0x59: {  	v6 =	vmov s19;
	[sflag:s21] =	ssyncadd.s32 $0xFFFFD800  }
0x5a: {  	v6 =	vshll.u32 v6, $0x4;
	_ =	swait.ge [sflag:s21], $0x500  }
0x5b: {  	v6 =	vor.u32 v1, v6;
	[sflag:s21] =	ssyncset.done $0x0  }
0x5c: {  	v7 =	vor.u32 $0x4, v6;
	[sflag:s21] =	ssyncadd.s32 $0xFFFFFB00  }
0x5d: {  	_ =	swait.ge [sflag:s21], $0x500  }
0x5e: {  	[sflag:s21] =	ssyncset.done $0x0  }
0x5f: {  	[sflag:s21] =	ssyncadd.s32 $0xFFFFFB00  }
0x60: {  	v8 =	vld.idx.msk [tilespmem:v6+s19+$0x0], $0xffff  }
0x61: {  	v7 =	vld.idx.msk [tilespmem:v7+s29+$0x0], $0xffff;
	_ =	sdelay $0x4  }
0x62: {  	v7 =	vadd.f32 v7, v8;
	_ =	sdelay $0x1  }
0x63: {  	v8 =	vmul.f32 $2.000000030e-01, v7  }
0x64: {  	vm0 =	vge.f32 v7, $0.0e+00  }
0x65: {  	v7 =	vsel vm0, v7, v8  }
0x66: {  	v7 =	vsub.f32 v7, v5;
	_ =	sdelay $0x1  }
0x67: {  	v7 =	vmul.f32 $1.442695020e+00, v7;
	_ =	sdelay $0x1  }
0x68: {  	(erf) = vpow2.f32 v7;
	_ =	sdelay $0x5  }
0x69: {  	v7 =	vor.u32 $0x1, v6  }
0x6a: {  	v8 =	vor.u32 $0x5, v6;
	_ =	sdelay $0x1  }
0x6b: {  	v9 =	vpop (erf)  }
0x6c: {  	[tilespmem:v6+s9+$0x0] =	vst.idx.msk $0xffff, v9  }
0x6d: {  	v9 =	vld.idx.msk [tilespmem:v7+s19+$0x0], $0xffff  }
0x6e: {  	v8 =	vld.idx.msk [tilespmem:v8+s29+$0x0], $0xffff;
	_ =	sdelay $0x4  }
0x6f: {  	v8 =	vadd.f32 v8, v9;
	_ =	sdelay $0x1  }
0x70: {  	v9 =	vmul.f32 $2.000000030e-01, v8  }
0x71: {  	vm13 =	vge.f32 v8, $0.0e+00  }
0x72: {  	v8 =	vsel vm13, v8, v9  }
0x73: {  	v8 =	vsub.f32 v8, v4;
	_ =	sdelay $0x1  }
0x74: {  	v8 =	vmul.f32 $1.442695020e+00, v8;
	_ =	sdelay $0x1  }
0x75: {  	(erf) = vpow2.f32 v8;
	_ =	sdelay $0x5  }
0x76: {  	v8 =	vor.u32 $0x2, v6  }
0x77: {  	v62 =	vor.u32 $0x6, v6;
	_ =	sdelay $0x1  }
0x78: {  	v10 =	vpop (erf)  }
0x79: {  	[tilespmem:v7+s9+$0x0] =	vst.idx.msk $0xffff, v10  }
0x7a: {  	v7 =	vld.idx.msk [tilespmem:v8+s19+$0x0], $0xffff  }
0x7b: {  	v9 =	vld.idx.msk [tilespmem:v62+s29+$0x0], $0xffff;
	_ =	sdelay $0x4  }
0x7c: {  	v7 =	vadd.f32 v9, v7;
	_ =	sdelay $0x1  }
0x7d: {  	v9 =	vmul.f32 $2.000000030e-01, v7  }
0x7e: {  	vm14 =	vge.f32 v7, $0.0e+00  }
0x7f: {  	v7 =	vsel vm14, v7, v9  }
0x80: {  	v7 =	vsub.f32 v7, v3;
	_ =	sdelay $0x1  }
0x81: {  	v7 =	vmul.f32 $1.442695020e+00, v7;
	_ =	sdelay $0x1  }
0x82: {  	(erf) = vpow2.f32 v7;
	_ =	sdelay $0x5  }
0x83: {  	v7 =	vor.u32 $0x3, v6  }
0x84: {  	v6 =	vor.u32 $0x7, v6;
	_ =	sdelay $0x1  }
0x85: {  	v63 =	vpop (erf)  }
0x86: {  	[tilespmem:v8+s9+$0x0] =	vst.idx.msk $0xffff, v63  }
0x87: {  	v8 =	vld.idx.msk [tilespmem:v7+s19+$0x0], $0xffff  }
0x88: {  	v6 =	vld.idx.msk [tilespmem:v6+s29+$0x0], $0xffff;
	_ =	sdelay $0x4  }
0x89: {  	v6 =	vadd.f32 v6, v8;
	_ =	sdelay $0x1  }
0x8a: {  	v8 =	vmul.f32 $2.000000030e-01, v6  }
0x8b: {  	vm15 =	vge.f32 v6, $0.0e+00  }
0x8c: {  	v6 =	vsel vm15, v6, v8  }
0x8d: {  	v6 =	vsub.f32 v6, v2;
	_ =	sdelay $0x1  }
0x8e: {  	v6 =	vmul.f32 $1.442695020e+00, v6;
	_ =	sdelay $0x1  }
0x8f: {  	(erf) = vpow2.f32 v6;
	_ =	sdelay $0x2  }
0x90: {  	s23 =	simm.s32 $0x10  }
0x91: {  	v8 =	vmov s23  }
0x92: {  	v8 =	vshll.u32 v8, $0x4  }
0x93: {  	s18 =	simm.s32 $0x20;
	v6 =	vor.u32 v1, v8  }
.LBB2_5:
0x94: {  	p0 =	sne.s32 s18, $0x40;
	v8 =	vor.u32 $0x4, v6;
	s23 =	smov.u32 s18;
	s18 =	sadd.s32 $0x10, s18  }
0x95: {  	_ = 	snop  }
0x96: {  	v9 =	vpop (erf)  }
0x97: {  	s15 =	simm.s32 $0x0;
	[tilespmem:v7+s9+$0x0] =	vst.idx.msk $0xffff, v9  }
0x98: {  	v7 =	vld.idx.msk [tilespmem:v6+s15+$0x0], $0xffff  }
0x99: {  	v8 =	vld.idx.msk [tilespmem:v8+s29+$0x0], $0xffff;
	_ =	sdelay $0x5  }
0x9a: {  	v7 =	vadd.f32 v8, v7;
	_ =	sdelay $0x1  }
0x9b: {  	v8 =	vmul.f32 $2.000000030e-01, v7  }
0x9c: {  	vm0 =	vge.f32 v7, $0.0e+00  }
0x9d: {  	v7 =	vsel vm0, v7, v8  }
0x9e: {  	v7 =	vsub.f32 v7, v5;
	_ =	sdelay $0x1  }
0x9f: {  	v7 =	vmul.f32 $1.442695020e+00, v7;
	_ =	sdelay $0x1  }
0xa0: {  	(erf) = vpow2.f32 v7;
	_ =	sdelay $0x5  }
0xa1: {  	v8 =	vor.u32 $0x5, v6;
	v7 =	vor.u32 $0x1, v6;
	_ =	sdelay $0x2  }
0xa2: {  	v9 =	vpop (erf)  }
0xa3: {  	[tilespmem:v6+s9+$0x0] =	vst.idx.msk $0xffff, v9  }
0xa4: {  	v9 =	vld.idx.msk [tilespmem:v7+s15+$0x0], $0xffff  }
0xa5: {  	v8 =	vld.idx.msk [tilespmem:v8+s29+$0x0], $0xffff;
	_ =	sdelay $0x5  }
0xa6: {  	v8 =	vadd.f32 v8, v9;
	_ =	sdelay $0x1  }
0xa7: {  	vm0 =	vge.f32 v8, $0.0e+00;
	v9 =	vmul.f32 $2.000000030e-01, v8;
	_ =	sdelay $0x1  }
0xa8: {  	v8 =	vsel vm0, v8, v9  }
0xa9: {  	v8 =	vsub.f32 v8, v4;
	_ =	sdelay $0x1  }
0xaa: {  	v8 =	vmul.f32 $1.442695020e+00, v8;
	_ =	sdelay $0x1  }
0xab: {  	(erf) = vpow2.f32 v8;
	_ =	sdelay $0x5  }
0xac: {  	v9 =	vor.u32 $0x6, v6;
	v8 =	vor.u32 $0x2, v6;
	_ =	sdelay $0x2  }
0xad: {  	v10 =	vpop (erf)  }
0xae: {  	[tilespmem:v7+s9+$0x0] =	vst.idx.msk $0xffff, v10  }
0xaf: {  	v7 =	vld.idx.msk [tilespmem:v8+s15+$0x0], $0xffff  }
0xb0: {  	v9 =	vld.idx.msk [tilespmem:v9+s29+$0x0], $0xffff;
	_ =	sdelay $0x5  }
0xb1: {  	v7 =	vadd.f32 v9, v7;
	_ =	sdelay $0x1  }
0xb2: {  	vm0 =	vge.f32 v7, $0.0e+00;
	v9 =	vmul.f32 $2.000000030e-01, v7;
	_ =	sdelay $0x1  }
0xb3: {  	v7 =	vsel vm0, v7, v9  }
0xb4: {  	v7 =	vsub.f32 v7, v3;
	_ =	sdelay $0x1  }
0xb5: {  	v7 =	vmul.f32 $1.442695020e+00, v7;
	_ =	sdelay $0x1  }
0xb6: {  	(erf) = vpow2.f32 v7;
	_ =	sdelay $0x5  }
0xb7: {  	v7 =	vor.u32 $0x3, v6;
	v6 =	vor.u32 $0x7, v6;
	_ =	sdelay $0x2  }
0xb8: {  	v9 =	vpop (erf)  }
0xb9: {  	[tilespmem:v8+s9+$0x0] =	vst.idx.msk $0xffff, v9  }
0xba: {  	v8 =	vld.idx.msk [tilespmem:v7+s15+$0x0], $0xffff  }
0xbb: {  	v6 =	vld.idx.msk [tilespmem:v6+s29+$0x0], $0xffff;
	_ =	sdelay $0x5  }
0xbc: {  	v6 =	vadd.f32 v6, v8;
	_ =	sdelay $0x1  }
0xbd: {  	vm0 =	vge.f32 v6, $0.0e+00;
	v8 =	vmul.f32 $2.000000030e-01, v6;
	_ =	sdelay $0x1  }
0xbe: {  	v6 =	vsel vm0, v6, v8  }
0xbf: {  	v6 =	vsub.f32 v6, v2;
	_ =	sdelay $0x1  }
0xc0: {  	v6 =	vmul.f32 $1.442695020e+00, v6;
	_ =	sdelay $0x1  }
0xc1: {  	(erf) = vpow2.f32 v6;
	_ =	sdelay $0x1  }
.Ltmp1:
0xc2: {  	(pc) =	sbr.rel @p0 .LBB2_5-.Ltmp1, $4  }
0xc3: {  	_ = 	snop  }
0xc4: {  	v6 =	vmov s23  }
0xc5: {  	v6 =	vshll.u32 v6, $0x4  }
0xc6: {  	v6 =	vor.u32 v1, v6  }
0xc7: {  	_ = 	snop  }
0xc8: {  	v8 =	vor.u32 $0x4, v6;
	_ =	sdelay $0x1  }
0xc9: {  	v9 =	vpop (erf)  }
0xca: {  	[tilespmem:v7+s9+$0x0] =	vst.idx.msk $0xffff, v9  }
0xcb: {  	v7 =	vld.idx.msk [tilespmem:v6+s15+$0x0], $0xffff  }
0xcc: {  	v8 =	vld.idx.msk [tilespmem:v8+s29+$0x0], $0xffff;
	_ =	sdelay $0x4  }
0xcd: {  	v7 =	vadd.f32 v8, v7;
	_ =	sdelay $0x1  }
0xce: {  	v8 =	vmul.f32 $2.000000030e-01, v7  }
0xcf: {  	vm0 =	vge.f32 v7, $0.0e+00  }
0xd0: {  	v7 =	vsel vm0, v7, v8  }
0xd1: {  	v7 =	vsub.f32 v7, v5;
	_ =	sdelay $0x1  }
0xd2: {  	v7 =	vmul.f32 $1.442695020e+00, v7;
	_ =	sdelay $0x1  }
0xd3: {  	(erf) = vpow2.f32 v7;
	_ =	sdelay $0x5  }
0xd4: {  	v7 =	vor.u32 $0x1, v6  }
0xd5: {  	v8 =	vor.u32 $0x5, v6;
	_ =	sdelay $0x1  }
0xd6: {  	v9 =	vpop (erf)  }
0xd7: {  	[tilespmem:v6+s9+$0x0] =	vst.idx.msk $0xffff, v9  }
0xd8: {  	v9 =	vld.idx.msk [tilespmem:v7+s15+$0x0], $0xffff  }
0xd9: {  	v8 =	vld.idx.msk [tilespmem:v8+s29+$0x0], $0xffff;
	_ =	sdelay $0x4  }
0xda: {  	v8 =	vadd.f32 v8, v9;
	_ =	sdelay $0x1  }
0xdb: {  	v9 =	vmul.f32 $2.000000030e-01, v8  }
0xdc: {  	vm13 =	vge.f32 v8, $0.0e+00  }
0xdd: {  	v8 =	vsel vm13, v8, v9  }
0xde: {  	v8 =	vsub.f32 v8, v4;
	_ =	sdelay $0x1  }
0xdf: {  	v8 =	vmul.f32 $1.442695020e+00, v8;
	_ =	sdelay $0x1  }
0xe0: {  	(erf) = vpow2.f32 v8;
	_ =	sdelay $0x5  }
0xe1: {  	v8 =	vor.u32 $0x2, v6  }
0xe2: {  	v9 =	vor.u32 $0x6, v6;
	_ =	sdelay $0x1  }
0xe3: {  	v10 =	vpop (erf)  }
0xe4: {  	[tilespmem:v7+s9+$0x0] =	vst.idx.msk $0xffff, v10  }
0xe5: {  	v7 =	vld.idx.msk [tilespmem:v8+s15+$0x0], $0xffff  }
0xe6: {  	v9 =	vld.idx.msk [tilespmem:v9+s29+$0x0], $0xffff;
	_ =	sdelay $0x4  }
0xe7: {  	v7 =	vadd.f32 v9, v7;
	_ =	sdelay $0x1  }
0xe8: {  	v9 =	vmul.f32 $2.000000030e-01, v7  }
0xe9: {  	vm14 =	vge.f32 v7, $0.0e+00  }
0xea: {  	v7 =	vsel vm14, v7, v9  }
0xeb: {  	v7 =	vsub.f32 v7, v3;
	_ =	sdelay $0x1  }
0xec: {  	v7 =	vmul.f32 $1.442695020e+00, v7;
	_ =	sdelay $0x1  }
0xed: {  	(erf) = vpow2.f32 v7;
	_ =	sdelay $0x5  }
0xee: {  	v7 =	vor.u32 $0x3, v6  }
0xef: {  	v6 =	vor.u32 $0x7, v6;
	_ =	sdelay $0x1  }
0xf0: {  	v9 =	vpop (erf)  }
0xf1: {  	[tilespmem:v8+s9+$0x0] =	vst.idx.msk $0xffff, v9  }
0xf2: {  	v8 =	vld.idx.msk [tilespmem:v7+s15+$0x0], $0xffff  }
0xf3: {  	v6 =	vld.idx.msk [tilespmem:v6+s29+$0x0], $0xffff;
	_ =	sdelay $0x4  }
0xf4: {  	v6 =	vadd.f32 v6, v8;
	_ =	sdelay $0x1  }
0xf5: {  	v8 =	vmul.f32 $2.000000030e-01, v6  }
0xf6: {  	vm15 =	vge.f32 v6, $0.0e+00  }
0xf7: {  	v6 =	vsel vm15, v6, v8  }
0xf8: {  	v6 =	vsub.f32 v6, v2;
	_ =	sdelay $0x1  }
0xf9: {  	v6 =	vmul.f32 $1.442695020e+00, v6;
	_ =	sdelay $0x1  }
0xfa: {  	(erf) = vpow2.f32 v6;
	_ =	sdelay $0x8  }
0xfb: {  	v6 =	vpop (erf)  }
0xfc: {  	s15 =	simm.s32 $0x1590;
	[tilespmem:v7+s9+$0x0] =	vst.idx.msk $0xffff, v6  }
0xfd: {  	s18 =	simm.s32 $0x0;
	v13 =	vld [tilespmem:s15+$0xFFFFFFD0]  }
0xfe: {  	v8 =	vld [tilespmem:s18+$0x6550]  }
0xff: {  	v12 =	vld [tilespmem:s15+$0x20]  }
0x100: {  	v14 =	vld [tilespmem:s15+$0xFFFFFFC0]  }
0x101: {  	v17 =	vld [tilespmem:s15+$0xFFFFFFE0]  }
0x102: {  	p0 =	por $0x1, $0x1;
	v6 =	vld [tilespmem:s15+$0xFFFFFFF0]  }
.Ltmp2:
0x103: {  	v7 =	vld [tilespmem:s15+$0x30];
	v15 =	vbroadcast v8, $0x0;
	v11 =	vbroadcast v8, $0x3;
	(pc) =	sbr.rel @!p0 .LBB2_8-.Ltmp2, $4  }
0x104: {  	v10 =	vld [tilespmem:s15+$0x0];
	v9 =	vbroadcast v8, $0x1  }
0x105: {  	v16 =	vmul.f32 v15, v14;
	v14 =	vmul.f32 v12, v11;
	v12 =	vld [tilespmem:s15+$0x10]  }
0x106: {  	v8 =	vbroadcast v8, $0x2  }
0x107: {  	s23 =	simm.s32 $0x1590;
	s18 =	simm.s32 $0x40;
	v15 =	vmul.f32 v13, v15;
	v13 =	vmul.f32 v17, v9  }
.LBB2_7:
0x108: {  	p0 =	sne.s32 s18, $0x13C0  }
0x109: {  	[tilespmem:s15+$0xFFFFFFC0] =	vst v16;
	v10 =	vmul.f32 v10, v8;
	v7 =	vmul.f32 v7, v11;
	s23 =	sadd.s32 $0x80, s23;
	s14 =	smov.u32 s18;
	s18 =	sadd.s32 $0x40, s18  }
0x10a: {  	v9 =	vmul.f32 v6, v9;
	v8 =	vmul.f32 v12, v8;
	[tilespmem:s15+$0x20] =	vst v14  }
0x10b: {  	[tilespmem:s15+$0xFFFFFFD0] =	vst v15  }
0x10c: {  	[tilespmem:s15+$0xFFFFFFE0] =	vst v13  }
0x10d: {  	[tilespmem:s15+$0x30] =	vst v7  }
0x10e: {  	v6 =	vld [tilespmem:s23+$0xFFFFFFF0];
	[tilespmem:s15+$0x10] =	vst v8  }
0x10f: {  	v13 =	vld [tilespmem:s23+$0xFFFFFFD0];
	[tilespmem:s15+$0xFFFFFFF0] =	vst v9  }
0x110: {  	s14 =	sshra.s32 s14, $0x2;
	v14 =	vld [tilespmem:s23+$0x20];
	[tilespmem:s15+$0x0] =	vst v10;
	s15 =	smov.u32 s23  }
0x111: {  	v8 =	vld [tilespmem:s14+$0x6550]  }
0x112: {  	v7 =	vld [tilespmem:s23+$0x30]  }
0x113: {  	v15 =	vld [tilespmem:s23+$0xFFFFFFC0]  }
0x114: {  	v17 =	vld [tilespmem:s23+$0xFFFFFFE0]  }
.Ltmp3:
0x115: {  	v10 =	vld [tilespmem:s23+$0x0];
	(pc) =	sbr.rel @p0 .LBB2_7-.Ltmp3, $4  }
0x116: {  	v18 =	vbroadcast v8, $0x0;
	v12 =	vld [tilespmem:s23+$0x10];
	v11 =	vbroadcast v8, $0x3  }
0x117: {  	v9 =	vbroadcast v8, $0x1;
	v8 =	vbroadcast v8, $0x2  }
0x118: {  	v16 =	vmul.f32 v18, v15;
	v14 =	vmul.f32 v14, v11  }
0x119: {  	v15 =	vmul.f32 v13, v18;
	v13 =	vmul.f32 v17, v9  }
.LBB2_8:
0x11a: {  	[tilespmem:s15+$0xFFFFFFC0] =	vst v16  }
0x11b: {  	[tilespmem:s15+$0x20] =	vst v14  }
0x11c: {  	v7 =	vmul.f32 v7, v11;
	[tilespmem:s15+$0xFFFFFFD0] =	vst v15  }
0x11d: {  	v6 =	vmul.f32 v6, v9;
	[tilespmem:s15+$0xFFFFFFE0] =	vst v13  }
0x11e: {  	v59 =	vmul.f32 v12, v8;
	[tilespmem:s15+$0x30] =	vst v7  }
0x11f: {  	v7 =	vmul.f32 v10, v8;
	[tilespmem:s15+$0xFFFFFFF0] =	vst v6  }
0x120: {  	[tilespmem:s15+$0x10] =	vst v59  }
0x121: {  	[tilespmem:s15+$0x0] =	vst v7  }
0x122: {  	[spmem:s2] =	stream.indirect.scatter.add.f32 [tilespmem:s28], [sflag:$0x3], $0x80, s25, s26, $0xb8;
	[tilespmem:$0x1CEE0] =	vst v63  }
0x123: {  	_ = 	snop  }
0x124: {  	[spmem:s4] =	stream.indirect.scatter.add.f32 [tilespmem:s9], [sflag:$0x3], $0x10, s25, s26, $0xb8;
	[tilespmem:$0x1CEE0] =	vst v63  }
0x125: {  	_ =	swait.ge [sflag:s10], $0x2800  }
0x126: {  	[sflag:s10] =	ssyncset.done $0x0  }
0x127: {  	[sflag:s10] =	ssyncadd.s32 $0xFFFFD800  }
0x128: {  	s13 =	sadd.s32 s13, s17;
	_ =	swait.ge [sflag:s10], $0x500  }
0x129: {  	s13 =	sshrl.u32 s13, $0x3;
	[sflag:s10] =	ssyncset.done $0x0  }
0x12a: {  	s18 =	simm.s32 $0x0;
	s14 =	sadd.s32 s6, s13;
	[sflag:s10] =	ssyncadd.s32 $0xFFFFFB00  }
0x12b: {  	[tilespmem:s24], [sflag:$0x5] =	stream.linear.gather [hbm4b:s14+s18], $0x50, $0x38;
	[tilespmem:$0x1CEE0] =	vst v63  }
0x12c: {  	_ =	swait.ge [sflag:s22], $0x50  }
0x12d: {  	[sflag:s22] =	ssyncset.done $0x0  }
0x12e: {  	s13 =	sadd.s32 s7, s13;
	[sflag:s22] =	ssyncadd.s32 $0xFFFFFFB0  }
0x12f: {  	[tilespmem:s25], [sflag:$0x5] =	stream.linear.gather [hbm4b:s13+s18], $0x50, $0x38;
	[tilespmem:$0x1CEE0] =	vst v63  }
0x130: {  	_ =	swait.ge [sflag:s22], $0x50  }
0x131: {  	[sflag:s22] =	ssyncset.done $0x0  }
0x132: {  	[sflag:s22] =	ssyncadd.s32 $0xFFFFFFB0  }
0x133: {  	[tilespmem:s28], [sflag:$0x1] =	stream.indirect.gather [hbm4b:s1+s26], $0x80, s24, s26, $0xb8;
	[tilespmem:$0x1CEE0] =	vst v63  }
0x134: {  	_ = 	snop  }
0x135: {  	[tilespmem:s18], [sflag:$0x1] =	stream.indirect.gather [hbm4b:s8+s26], $0x10, s24, s26, $0xb8;
	[tilespmem:$0x1CEE0] =	vst v63  }
0x136: {  	_ = 	snop  }
0x137: {  	[tilespmem:s29], [sflag:$0x1] =	stream.indirect.gather [hbm4b:s8+s26], $0x10, s25, s26, $0xb8;
	[tilespmem:$0x1CEE0] =	vst v63  }
0x138: {  	_ =	swait.ge [sflag:s11], $0x2800  }
0x139: {  	[sflag:s11] =	ssyncset.done $0x0  }
0x13a: {  	v6 =	vmov s18;
	[sflag:s11] =	ssyncadd.s32 $0xFFFFD800  }
0x13b: {  	v6 =	vshll.u32 v6, $0x4;
	_ =	swait.ge [sflag:s11], $0x500  }
0x13c: {  	v6 =	vor.u32 v1, v6;
	[sflag:s11] =	ssyncset.done $0x0  }
0x13d: {  	v7 =	vor.u32 $0x4, v6;
	[sflag:s11] =	ssyncadd.s32 $0xFFFFFB00  }
0x13e: {  	_ =	swait.ge [sflag:s11], $0x500  }
0x13f: {  	[sflag:s11] =	ssyncset.done $0x0  }
0x140: {  	[sflag:s11] =	ssyncadd.s32 $0xFFFFFB00  }
0x141: {  	v8 =	vld.idx.msk [tilespmem:v6+s3+$0x0], $0xffff  }
0x142: {  	v7 =	vld.idx.msk [tilespmem:v7+s5+$0x0], $0xffff;
	_ =	sdelay $0x4  }
0x143: {  	v7 =	vadd.f32 v7, v8;
	_ =	sdelay $0x1  }
0x144: {  	v8 =	vmul.f32 $2.000000030e-01, v7  }
0x145: {  	vm0 =	vge.f32 v7, $0.0e+00  }
0x146: {  	v7 =	vsel vm0, v7, v8  }
0x147: {  	v7 =	vsub.f32 v7, v5;
	_ =	sdelay $0x1  }
0x148: {  	v7 =	vmul.f32 $1.442695020e+00, v7;
	_ =	sdelay $0x1  }
0x149: {  	(erf) = vpow2.f32 v7;
	_ =	sdelay $0x5  }
0x14a: {  	v7 =	vor.u32 $0x1, v6  }
0x14b: {  	v8 =	vor.u32 $0x5, v6;
	_ =	sdelay $0x1  }
0x14c: {  	v60 =	vpop (erf)  }
0x14d: {  	[tilespmem:v6+s12+$0x0] =	vst.idx.msk $0xffff, v60  }
0x14e: {  	v9 =	vld.idx.msk [tilespmem:v7+s3+$0x0], $0xffff  }
0x14f: {  	v8 =	vld.idx.msk [tilespmem:v8+s5+$0x0], $0xffff;
	_ =	sdelay $0x4  }
0x150: {  	v8 =	vadd.f32 v8, v9;
	_ =	sdelay $0x1  }
0x151: {  	v9 =	vmul.f32 $2.000000030e-01, v8  }
0x152: {  	vm13 =	vge.f32 v8, $0.0e+00  }
0x153: {  	v8 =	vsel vm13, v8, v9  }
0x154: {  	v8 =	vsub.f32 v8, v4;
	_ =	sdelay $0x1  }
0x155: {  	v8 =	vmul.f32 $1.442695020e+00, v8;
	_ =	sdelay $0x1  }
0x156: {  	(erf) = vpow2.f32 v8;
	_ =	sdelay $0x5  }
0x157: {  	v8 =	vor.u32 $0x2, v6  }
0x158: {  	v61 =	vor.u32 $0x6, v6;
	_ =	sdelay $0x1  }
0x159: {  	v62 =	vpop (erf)  }
0x15a: {  	[tilespmem:v7+s12+$0x0] =	vst.idx.msk $0xffff, v62  }
0x15b: {  	v7 =	vld.idx.msk [tilespmem:v8+s3+$0x0], $0xffff  }
0x15c: {  	v9 =	vld.idx.msk [tilespmem:v61+s5+$0x0], $0xffff;
	_ =	sdelay $0x4  }
0x15d: {  	v7 =	vadd.f32 v9, v7;
	_ =	sdelay $0x1  }
0x15e: {  	v9 =	vmul.f32 $2.000000030e-01, v7  }
0x15f: {  	vm14 =	vge.f32 v7, $0.0e+00  }
0x160: {  	v7 =	vsel vm14, v7, v9  }
0x161: {  	v7 =	vsub.f32 v7, v3;
	_ =	sdelay $0x1  }
0x162: {  	v7 =	vmul.f32 $1.442695020e+00, v7;
	_ =	sdelay $0x1  }
0x163: {  	(erf) = vpow2.f32 v7;
	_ =	sdelay $0x5  }
0x164: {  	v7 =	vor.u32 $0x3, v6  }
0x165: {  	v6 =	vor.u32 $0x7, v6;
	_ =	sdelay $0x1  }
0x166: {  	v63 =	vpop (erf)  }
0x167: {  	[tilespmem:v8+s12+$0x0] =	vst.idx.msk $0xffff, v63  }
0x168: {  	v8 =	vld.idx.msk [tilespmem:v7+s3+$0x0], $0xffff  }
0x169: {  	v6 =	vld.idx.msk [tilespmem:v6+s5+$0x0], $0xffff;
	_ =	sdelay $0x4  }
0x16a: {  	v6 =	vadd.f32 v6, v8;
	_ =	sdelay $0x1  }
0x16b: {  	v8 =	vmul.f32 $2.000000030e-01, v6  }
0x16c: {  	vm15 =	vge.f32 v6, $0.0e+00  }
0x16d: {  	v6 =	vsel vm15, v6, v8  }
0x16e: {  	v6 =	vsub.f32 v6, v2;
	_ =	sdelay $0x1  }
0x16f: {  	v6 =	vmul.f32 $1.442695020e+00, v6;
	_ =	sdelay $0x1  }
0x170: {  	(erf) = vpow2.f32 v6;
	_ =	sdelay $0x2  }
0x171: {  	s23 =	simm.s32 $0x10  }
0x172: {  	v8 =	vmov s23  }
0x173: {  	v8 =	vshll.u32 v8, $0x4  }
0x174: {  	s13 =	simm.s32 $0x20;
	v6 =	vor.u32 v1, v8  }
.LBB2_9:
0x175: {  	p0 =	sne.s32 s13, $0x40;
	v8 =	vor.u32 $0x4, v6;
	s15 =	smov.u32 s13;
	s13 =	sadd.s32 $0x10, s13  }
0x176: {  	_ = 	snop  }
0x177: {  	v9 =	vpop (erf)  }
0x178: {  	[tilespmem:v7+s12+$0x0] =	vst.idx.msk $0xffff, v9  }
0x179: {  	v7 =	vld.idx.msk [tilespmem:v6+s3+$0x0], $0xffff  }
0x17a: {  	v8 =	vld.idx.msk [tilespmem:v8+s5+$0x0], $0xffff;
	_ =	sdelay $0x5  }
0x17b: {  	v7 =	vadd.f32 v8, v7;
	_ =	sdelay $0x1  }
0x17c: {  	v8 =	vmul.f32 $2.000000030e-01, v7  }
0x17d: {  	vm0 =	vge.f32 v7, $0.0e+00  }
0x17e: {  	v7 =	vsel vm0, v7, v8  }
0x17f: {  	v7 =	vsub.f32 v7, v5;
	_ =	sdelay $0x1  }
0x180: {  	v7 =	vmul.f32 $1.442695020e+00, v7;
	_ =	sdelay $0x1  }
0x181: {  	(erf) = vpow2.f32 v7;
	_ =	sdelay $0x5  }
0x182: {  	v8 =	vor.u32 $0x5, v6;
	v7 =	vor.u32 $0x1, v6;
	_ =	sdelay $0x2  }
0x183: {  	v9 =	vpop (erf)  }
0x184: {  	[tilespmem:v6+s12+$0x0] =	vst.idx.msk $0xffff, v9  }
0x185: {  	v9 =	vld.idx.msk [tilespmem:v7+s3+$0x0], $0xffff  }
0x186: {  	v8 =	vld.idx.msk [tilespmem:v8+s5+$0x0], $0xffff;
	_ =	sdelay $0x5  }
0x187: {  	v8 =	vadd.f32 v8, v9;
	_ =	sdelay $0x1  }
0x188: {  	vm0 =	vge.f32 v8, $0.0e+00;
	v9 =	vmul.f32 $2.000000030e-01, v8;
	_ =	sdelay $0x1  }
0x189: {  	v8 =	vsel vm0, v8, v9  }
0x18a: {  	v8 =	vsub.f32 v8, v4;
	_ =	sdelay $0x1  }
0x18b: {  	v8 =	vmul.f32 $1.442695020e+00, v8;
	_ =	sdelay $0x1  }
0x18c: {  	(erf) = vpow2.f32 v8;
	_ =	sdelay $0x5  }
0x18d: {  	v9 =	vor.u32 $0x6, v6;
	v8 =	vor.u32 $0x2, v6;
	_ =	sdelay $0x2  }
0x18e: {  	v10 =	vpop (erf)  }
0x18f: {  	[tilespmem:v7+s12+$0x0] =	vst.idx.msk $0xffff, v10  }
0x190: {  	v7 =	vld.idx.msk [tilespmem:v8+s3+$0x0], $0xffff  }
0x191: {  	v9 =	vld.idx.msk [tilespmem:v9+s5+$0x0], $0xffff;
	_ =	sdelay $0x5  }
0x192: {  	v7 =	vadd.f32 v9, v7;
	_ =	sdelay $0x1  }
0x193: {  	vm0 =	vge.f32 v7, $0.0e+00;
	v9 =	vmul.f32 $2.000000030e-01, v7;
	_ =	sdelay $0x1  }
0x194: {  	v7 =	vsel vm0, v7, v9  }
0x195: {  	v7 =	vsub.f32 v7, v3;
	_ =	sdelay $0x1  }
0x196: {  	v7 =	vmul.f32 $1.442695020e+00, v7;
	_ =	sdelay $0x1  }
0x197: {  	(erf) = vpow2.f32 v7;
	_ =	sdelay $0x5  }
0x198: {  	v7 =	vor.u32 $0x3, v6;
	v6 =	vor.u32 $0x7, v6;
	_ =	sdelay $0x2  }
0x199: {  	v9 =	vpop (erf)  }
0x19a: {  	[tilespmem:v8+s12+$0x0] =	vst.idx.msk $0xffff, v9  }
0x19b: {  	v8 =	vld.idx.msk [tilespmem:v7+s3+$0x0], $0xffff  }
0x19c: {  	v6 =	vld.idx.msk [tilespmem:v6+s5+$0x0], $0xffff;
	_ =	sdelay $0x5  }
0x19d: {  	v6 =	vadd.f32 v6, v8;
	_ =	sdelay $0x1  }
0x19e: {  	vm0 =	vge.f32 v6, $0.0e+00;
	v8 =	vmul.f32 $2.000000030e-01, v6;
	_ =	sdelay $0x1  }
0x19f: {  	v6 =	vsel vm0, v6, v8  }
0x1a0: {  	v6 =	vsub.f32 v6, v2;
	_ =	sdelay $0x1  }
0x1a1: {  	v6 =	vmul.f32 $1.442695020e+00, v6;
	_ =	sdelay $0x1  }
0x1a2: {  	(erf) = vpow2.f32 v6;
	_ =	sdelay $0x1  }
.Ltmp4:
0x1a3: {  	(pc) =	sbr.rel @p0 .LBB2_9-.Ltmp4, $4  }
0x1a4: {  	_ = 	snop  }
0x1a5: {  	v6 =	vmov s15  }
0x1a6: {  	v6 =	vshll.u32 v6, $0x4  }
0x1a7: {  	v6 =	vor.u32 v1, v6  }
0x1a8: {  	_ = 	snop  }
0x1a9: {  	v8 =	vor.u32 $0x4, v6;
	_ =	sdelay $0x1  }
0x1aa: {  	v9 =	vpop (erf)  }
0x1ab: {  	[tilespmem:v7+s12+$0x0] =	vst.idx.msk $0xffff, v9  }
0x1ac: {  	v7 =	vld.idx.msk [tilespmem:v6+s3+$0x0], $0xffff  }
0x1ad: {  	v8 =	vld.idx.msk [tilespmem:v8+s5+$0x0], $0xffff;
	_ =	sdelay $0x4  }
0x1ae: {  	v7 =	vadd.f32 v8, v7;
	_ =	sdelay $0x1  }
0x1af: {  	v8 =	vmul.f32 $2.000000030e-01, v7  }
0x1b0: {  	vm0 =	vge.f32 v7, $0.0e+00  }
0x1b1: {  	v7 =	vsel vm0, v7, v8  }
0x1b2: {  	v7 =	vsub.f32 v7, v5;
	_ =	sdelay $0x1  }
0x1b3: {  	v7 =	vmul.f32 $1.442695020e+00, v7;
	_ =	sdelay $0x1  }
0x1b4: {  	(erf) = vpow2.f32 v7;
	_ =	sdelay $0x5  }
0x1b5: {  	v7 =	vor.u32 $0x1, v6  }
0x1b6: {  	v8 =	vor.u32 $0x5, v6;
	_ =	sdelay $0x1  }
0x1b7: {  	v9 =	vpop (erf)  }
0x1b8: {  	[tilespmem:v6+s12+$0x0] =	vst.idx.msk $0xffff, v9  }
0x1b9: {  	v9 =	vld.idx.msk [tilespmem:v7+s3+$0x0], $0xffff  }
0x1ba: {  	v8 =	vld.idx.msk [tilespmem:v8+s5+$0x0], $0xffff;
	_ =	sdelay $0x4  }
0x1bb: {  	v8 =	vadd.f32 v8, v9;
	_ =	sdelay $0x1  }
0x1bc: {  	v9 =	vmul.f32 $2.000000030e-01, v8  }
0x1bd: {  	vm13 =	vge.f32 v8, $0.0e+00  }
0x1be: {  	v8 =	vsel vm13, v8, v9  }
0x1bf: {  	v8 =	vsub.f32 v8, v4;
	_ =	sdelay $0x1  }
0x1c0: {  	v8 =	vmul.f32 $1.442695020e+00, v8;
	_ =	sdelay $0x1  }
0x1c1: {  	(erf) = vpow2.f32 v8;
	_ =	sdelay $0x5  }
0x1c2: {  	v8 =	vor.u32 $0x2, v6  }
0x1c3: {  	v9 =	vor.u32 $0x6, v6;
	_ =	sdelay $0x1  }
0x1c4: {  	v10 =	vpop (erf)  }
0x1c5: {  	[tilespmem:v7+s12+$0x0] =	vst.idx.msk $0xffff, v10  }
0x1c6: {  	v7 =	vld.idx.msk [tilespmem:v8+s3+$0x0], $0xffff  }
0x1c7: {  	v9 =	vld.idx.msk [tilespmem:v9+s5+$0x0], $0xffff;
	_ =	sdelay $0x4  }
0x1c8: {  	v7 =	vadd.f32 v9, v7;
	_ =	sdelay $0x1  }
0x1c9: {  	v9 =	vmul.f32 $2.000000030e-01, v7  }
0x1ca: {  	vm14 =	vge.f32 v7, $0.0e+00  }
0x1cb: {  	v7 =	vsel vm14, v7, v9  }
0x1cc: {  	v7 =	vsub.f32 v7, v3;
	_ =	sdelay $0x1  }
0x1cd: {  	v7 =	vmul.f32 $1.442695020e+00, v7;
	_ =	sdelay $0x1  }
0x1ce: {  	(erf) = vpow2.f32 v7;
	_ =	sdelay $0x5  }
0x1cf: {  	v7 =	vor.u32 $0x3, v6  }
0x1d0: {  	v6 =	vor.u32 $0x7, v6;
	_ =	sdelay $0x1  }
0x1d1: {  	v9 =	vpop (erf)  }
0x1d2: {  	[tilespmem:v8+s12+$0x0] =	vst.idx.msk $0xffff, v9  }
0x1d3: {  	v8 =	vld.idx.msk [tilespmem:v7+s3+$0x0], $0xffff  }
0x1d4: {  	v6 =	vld.idx.msk [tilespmem:v6+s5+$0x0], $0xffff;
	_ =	sdelay $0x4  }
0x1d5: {  	v6 =	vadd.f32 v6, v8;
	_ =	sdelay $0x1  }
0x1d6: {  	v8 =	vmul.f32 $2.000000030e-01, v6  }
0x1d7: {  	vm15 =	vge.f32 v6, $0.0e+00  }
0x1d8: {  	v6 =	vsel vm15, v6, v8  }
0x1d9: {  	v6 =	vsub.f32 v6, v2;
	_ =	sdelay $0x1  }
0x1da: {  	v6 =	vmul.f32 $1.442695020e+00, v6;
	_ =	sdelay $0x1  }
0x1db: {  	(erf) = vpow2.f32 v6;
	_ =	sdelay $0x8  }
0x1dc: {  	v6 =	vpop (erf)  }
0x1dd: {  	s13 =	simm.s32 $0x3DC0;
	[tilespmem:v7+s12+$0x0] =	vst.idx.msk $0xffff, v6  }
0x1de: {  	v6 =	vld [tilespmem:s13+$0xFFFFFFF0]  }
0x1df: {  	v7 =	vld [tilespmem:s13+$0xFFFFFFE0]  }
0x1e0: {  	s23 =	simm.s32 $0x0;
	s18 =	simm.s32 $0x40;
	s15 =	simm.s32 $0x3DC0;
	v8 =	vld [tilespmem:s13+$0xFFFFFFC0]  }
.LBB2_11:
0x1e1: {  	p0 =	sne.s32 s18, $0x13C0;
	v9 =	vld [tilespmem:s23+$0x6A50]  }
0x1e2: {  	v10 =	vld [tilespmem:s13+$0xFFFFFFA0]  }
0x1e3: {  	v11 =	vld [tilespmem:s13+$0xFFFFFF90]  }
0x1e4: {  	v12 =	vld [tilespmem:s13+$0xFFFFFFB0]  }
0x1e5: {  	v13 =	vld [tilespmem:s13+$0xFFFFFFD0]  }
0x1e6: {  	v14 =	vbroadcast v9, $0x0;
	v15 =	vbroadcast v9, $0x1;
	v16 =	vld [tilespmem:s13+$0x0]  }
0x1e7: {  	v17 =	vbroadcast v9, $0x2;
	v9 =	vbroadcast v9, $0x3  }
0x1e8: {  	v11 =	vmul.f32 v14, v11;
	v10 =	vmul.f32 v10, v14  }
0x1e9: {  	v8 =	vmul.f32 v8, v15;
	v12 =	vmul.f32 v12, v15  }
0x1ea: {  	v7 =	vmul.f32 v7, v17;
	[tilespmem:s13+$0xFFFFFF90] =	vst v11;
	v11 =	vmul.f32 v13, v17  }
0x1eb: {  	[tilespmem:s13+$0xFFFFFFA0] =	vst v10;
	v10 =	vmul.f32 v6, v9;
	v9 =	vmul.f32 v16, v9  }
0x1ec: {  	[tilespmem:s13+$0xFFFFFFB0] =	vst v12  }
.Ltmp5:
0x1ed: {  	[tilespmem:s13+$0xFFFFFFC0] =	vst v8;
	(pc) =	sbr.rel @p0 .LBB2_11-.Ltmp5, $4  }
0x1ee: {  	s13 =	sadd.s32 $0x80, s13;
	[tilespmem:s15+$0xFFFFFFD0] =	vst v11  }
0x1ef: {  	v6 =	vld [tilespmem:s13+$0xFFFFFFF0];
	[tilespmem:s15+$0xFFFFFFE0] =	vst v7  }
0x1f0: {  	v7 =	vld [tilespmem:s13+$0xFFFFFFE0];
	[tilespmem:s15+$0xFFFFFFF0] =	vst v10  }
0x1f1: {  	s23 =	sshra.s32 s18, $0x2;
	s18 =	sadd.s32 $0x40, s18;
	v8 =	vld [tilespmem:s13+$0xFFFFFFC0];
	[tilespmem:s15+$0x0] =	vst v9;
	s15 =	smov.u32 s13  }
0x1f2: {  	v9 =	vld [tilespmem:s23+$0x6A50];
	_ =	sdelay $0x1  }
0x1f3: {  	v10 =	vld [tilespmem:s13+$0xFFFFFF90]  }
0x1f4: {  	v11 =	vld [tilespmem:s13+$0xFFFFFFA0]  }
0x1f5: {  	v12 =	vld [tilespmem:s13+$0xFFFFFFB0]  }
0x1f6: {  	v13 =	vbroadcast v9, $0x0  }
0x1f7: {  	v61 =	vld [tilespmem:s13+$0x0]  }
0x1f8: {  	v14 =	vld [tilespmem:s13+$0xFFFFFFD0];
	v15 =	vbroadcast v9, $0x1;
	v10 =	vmul.f32 v13, v10  }
0x1f9: {  	v16 =	vbroadcast v9, $0x2;
	v11 =	vmul.f32 v11, v13  }
0x1fa: {  	v9 =	vbroadcast v9, $0x3;
	v12 =	vmul.f32 v12, v15;
	[tilespmem:s13+$0xFFFFFF90] =	vst v10  }
0x1fb: {  	v8 =	vmul.f32 v8, v15;
	[tilespmem:s13+$0xFFFFFFA0] =	vst v11  }
0x1fc: {  	v63 =	vmul.f32 v61, v9;
	[tilespmem:s13+$0xFFFFFFB0] =	vst v12  }
0x1fd: {  	v62 =	vmul.f32 v14, v16;
	[tilespmem:s13+$0xFFFFFFC0] =	vst v8  }
0x1fe: {  	s20 =	sadd.s32 $0x1, s20;
	v7 =	vmul.f32 v7, v16;
	[tilespmem:s15+$0x0] =	vst v63  }
0x1ff: {  	p0 =	sne.s32 s20, $0x3E;
	v6 =	vmul.f32 v6, v9;
	[tilespmem:s15+$0xFFFFFFD0] =	vst v62  }
.Ltmp6:
0x200: {  	[tilespmem:s15+$0xFFFFFFE0] =	vst v7;
	(pc) =	sbr.rel @p0 .LBB2_4-.Ltmp6, $4  }
0x201: {  	[tilespmem:s15+$0xFFFFFFF0] =	vst v6  }
0x202: {  	[spmem:s2] =	stream.indirect.scatter.add.f32 [tilespmem:s0], [sflag:$0x4], $0x80, s31, s26, $0xb8;
	[tilespmem:$0x1CEE0] =	vst v63  }
0x203: {  	_ = 	snop  }
0x204: {  	[spmem:s4] =	stream.indirect.scatter.add.f32 [tilespmem:s12], [sflag:$0x4], $0x10, s31, s26, $0xb8;
	[tilespmem:$0x1CEE0] =	vst v63  }
0x205: {  	_ =	swait.ge [sflag:s21], $0x2800  }
0x206: {  	s13 =	simm.s32 $0x0;
	[sflag:s21] =	ssyncset.done $0x0  }
0x207: {  	v6 =	vmov s13;
	[sflag:s21] =	ssyncadd.s32 $0xFFFFD800  }
0x208: {  	v6 =	vshll.u32 v6, $0x4;
	_ =	swait.ge [sflag:s21], $0x500  }
0x209: {  	v6 =	vor.u32 v1, v6;
	[sflag:s21] =	ssyncset.done $0x0  }
0x20a: {  	v7 =	vor.u32 $0x4, v6;
	[sflag:s21] =	ssyncadd.s32 $0xFFFFFB00  }
0x20b: {  	_ =	swait.ge [sflag:s21], $0x500  }
0x20c: {  	[sflag:s21] =	ssyncset.done $0x0  }
0x20d: {  	[sflag:s21] =	ssyncadd.s32 $0xFFFFFB00  }
0x20e: {  	v8 =	vld.idx.msk [tilespmem:v6+s13+$0x0], $0xffff  }
0x20f: {  	v7 =	vld.idx.msk [tilespmem:v7+s29+$0x0], $0xffff;
	_ =	sdelay $0x4  }
0x210: {  	v7 =	vadd.f32 v7, v8;
	_ =	sdelay $0x1  }
0x211: {  	v8 =	vmul.f32 $2.000000030e-01, v7  }
0x212: {  	vm0 =	vge.f32 v7, $0.0e+00  }
0x213: {  	v7 =	vsel vm0, v7, v8  }
0x214: {  	v7 =	vsub.f32 v7, v5;
	_ =	sdelay $0x1  }
0x215: {  	v7 =	vmul.f32 $1.442695020e+00, v7;
	_ =	sdelay $0x1  }
0x216: {  	(erf) = vpow2.f32 v7;
	_ =	sdelay $0x5  }
0x217: {  	v7 =	vor.u32 $0x1, v6  }
0x218: {  	v8 =	vor.u32 $0x5, v6;
	_ =	sdelay $0x1  }
0x219: {  	v9 =	vpop (erf)  }
0x21a: {  	[tilespmem:v6+s9+$0x0] =	vst.idx.msk $0xffff, v9  }
0x21b: {  	v9 =	vld.idx.msk [tilespmem:v7+s13+$0x0], $0xffff  }
0x21c: {  	v8 =	vld.idx.msk [tilespmem:v8+s29+$0x0], $0xffff;
	_ =	sdelay $0x4  }
0x21d: {  	v8 =	vadd.f32 v8, v9;
	_ =	sdelay $0x1  }
0x21e: {  	v9 =	vmul.f32 $2.000000030e-01, v8  }
0x21f: {  	vm13 =	vge.f32 v8, $0.0e+00  }
0x220: {  	v8 =	vsel vm13, v8, v9  }
0x221: {  	v8 =	vsub.f32 v8, v4;
	_ =	sdelay $0x1  }
0x222: {  	v8 =	vmul.f32 $1.442695020e+00, v8;
	_ =	sdelay $0x1  }
0x223: {  	(erf) = vpow2.f32 v8;
	_ =	sdelay $0x5  }
0x224: {  	v8 =	vor.u32 $0x2, v6  }
0x225: {  	v62 =	vor.u32 $0x6, v6;
	_ =	sdelay $0x1  }
0x226: {  	v10 =	vpop (erf)  }
0x227: {  	[tilespmem:v7+s9+$0x0] =	vst.idx.msk $0xffff, v10  }
0x228: {  	v7 =	vld.idx.msk [tilespmem:v8+s13+$0x0], $0xffff  }
0x229: {  	v9 =	vld.idx.msk [tilespmem:v62+s29+$0x0], $0xffff;
	_ =	sdelay $0x4  }
0x22a: {  	v7 =	vadd.f32 v9, v7;
	_ =	sdelay $0x1  }
0x22b: {  	v9 =	vmul.f32 $2.000000030e-01, v7  }
0x22c: {  	vm14 =	vge.f32 v7, $0.0e+00  }
0x22d: {  	v7 =	vsel vm14, v7, v9  }
0x22e: {  	v7 =	vsub.f32 v7, v3;
	_ =	sdelay $0x1  }
0x22f: {  	v7 =	vmul.f32 $1.442695020e+00, v7;
	_ =	sdelay $0x1  }
0x230: {  	(erf) = vpow2.f32 v7;
	_ =	sdelay $0x5  }
0x231: {  	v7 =	vor.u32 $0x3, v6  }
0x232: {  	v6 =	vor.u32 $0x7, v6;
	_ =	sdelay $0x1  }
0x233: {  	v63 =	vpop (erf)  }
0x234: {  	[tilespmem:v8+s9+$0x0] =	vst.idx.msk $0xffff, v63  }
0x235: {  	v8 =	vld.idx.msk [tilespmem:v7+s13+$0x0], $0xffff  }
0x236: {  	v6 =	vld.idx.msk [tilespmem:v6+s29+$0x0], $0xffff;
	_ =	sdelay $0x4  }
0x237: {  	v6 =	vadd.f32 v6, v8;
	_ =	sdelay $0x1  }
0x238: {  	v8 =	vmul.f32 $2.000000030e-01, v6  }
0x239: {  	vm15 =	vge.f32 v6, $0.0e+00  }
0x23a: {  	v6 =	vsel vm15, v6, v8  }
0x23b: {  	v6 =	vsub.f32 v6, v2;
	_ =	sdelay $0x1  }
0x23c: {  	v6 =	vmul.f32 $1.442695020e+00, v6;
	_ =	sdelay $0x1  }
0x23d: {  	(erf) = vpow2.f32 v6;
	_ =	sdelay $0x2  }
0x23e: {  	s14 =	simm.s32 $0x10  }
0x23f: {  	v8 =	vmov s14  }
0x240: {  	v8 =	vshll.u32 v8, $0x4  }
0x241: {  	s15 =	simm.s32 $0x20;
	v6 =	vor.u32 v1, v8  }
.LBB2_14:
0x242: {  	p0 =	sne.s32 s15, $0x40;
	v8 =	vor.u32 $0x4, v6;
	s18 =	smov.u32 s15;
	s15 =	sadd.s32 $0x10, s15  }
0x243: {  	_ = 	snop  }
0x244: {  	v9 =	vpop (erf)  }
0x245: {  	[tilespmem:v7+s9+$0x0] =	vst.idx.msk $0xffff, v9  }
0x246: {  	v7 =	vld.idx.msk [tilespmem:v6+s13+$0x0], $0xffff  }
0x247: {  	v8 =	vld.idx.msk [tilespmem:v8+s29+$0x0], $0xffff;
	_ =	sdelay $0x5  }
0x248: {  	v7 =	vadd.f32 v8, v7;
	_ =	sdelay $0x1  }
0x249: {  	v8 =	vmul.f32 $2.000000030e-01, v7  }
0x24a: {  	vm0 =	vge.f32 v7, $0.0e+00  }
0x24b: {  	v7 =	vsel vm0, v7, v8  }
0x24c: {  	v7 =	vsub.f32 v7, v5;
	_ =	sdelay $0x1  }
0x24d: {  	v7 =	vmul.f32 $1.442695020e+00, v7;
	_ =	sdelay $0x1  }
0x24e: {  	(erf) = vpow2.f32 v7;
	_ =	sdelay $0x5  }
0x24f: {  	v8 =	vor.u32 $0x5, v6;
	v7 =	vor.u32 $0x1, v6;
	_ =	sdelay $0x2  }
0x250: {  	v9 =	vpop (erf)  }
0x251: {  	[tilespmem:v6+s9+$0x0] =	vst.idx.msk $0xffff, v9  }
0x252: {  	v9 =	vld.idx.msk [tilespmem:v7+s13+$0x0], $0xffff  }
0x253: {  	v8 =	vld.idx.msk [tilespmem:v8+s29+$0x0], $0xffff;
	_ =	sdelay $0x5  }
0x254: {  	v8 =	vadd.f32 v8, v9;
	_ =	sdelay $0x1  }
0x255: {  	vm0 =	vge.f32 v8, $0.0e+00;
	v9 =	vmul.f32 $2.000000030e-01, v8;
	_ =	sdelay $0x1  }
0x256: {  	v8 =	vsel vm0, v8, v9  }
0x257: {  	v8 =	vsub.f32 v8, v4;
	_ =	sdelay $0x1  }
0x258: {  	v8 =	vmul.f32 $1.442695020e+00, v8;
	_ =	sdelay $0x1  }
0x259: {  	(erf) = vpow2.f32 v8;
	_ =	sdelay $0x5  }
0x25a: {  	v9 =	vor.u32 $0x6, v6;
	v8 =	vor.u32 $0x2, v6;
	_ =	sdelay $0x2  }
0x25b: {  	v10 =	vpop (erf)  }
0x25c: {  	[tilespmem:v7+s9+$0x0] =	vst.idx.msk $0xffff, v10  }
0x25d: {  	v7 =	vld.idx.msk [tilespmem:v8+s13+$0x0], $0xffff  }
0x25e: {  	v9 =	vld.idx.msk [tilespmem:v9+s29+$0x0], $0xffff;
	_ =	sdelay $0x5  }
0x25f: {  	v7 =	vadd.f32 v9, v7;
	_ =	sdelay $0x1  }
0x260: {  	vm0 =	vge.f32 v7, $0.0e+00;
	v9 =	vmul.f32 $2.000000030e-01, v7;
	_ =	sdelay $0x1  }
0x261: {  	v7 =	vsel vm0, v7, v9  }
0x262: {  	v7 =	vsub.f32 v7, v3;
	_ =	sdelay $0x1  }
0x263: {  	v7 =	vmul.f32 $1.442695020e+00, v7;
	_ =	sdelay $0x1  }
0x264: {  	(erf) = vpow2.f32 v7;
	_ =	sdelay $0x5  }
0x265: {  	v7 =	vor.u32 $0x3, v6;
	v6 =	vor.u32 $0x7, v6;
	_ =	sdelay $0x2  }
0x266: {  	v9 =	vpop (erf)  }
0x267: {  	[tilespmem:v8+s9+$0x0] =	vst.idx.msk $0xffff, v9  }
0x268: {  	v8 =	vld.idx.msk [tilespmem:v7+s13+$0x0], $0xffff  }
0x269: {  	v6 =	vld.idx.msk [tilespmem:v6+s29+$0x0], $0xffff;
	_ =	sdelay $0x5  }
0x26a: {  	v6 =	vadd.f32 v6, v8;
	_ =	sdelay $0x1  }
0x26b: {  	vm0 =	vge.f32 v6, $0.0e+00;
	v8 =	vmul.f32 $2.000000030e-01, v6;
	_ =	sdelay $0x1  }
0x26c: {  	v6 =	vsel vm0, v6, v8  }
0x26d: {  	v6 =	vsub.f32 v6, v2;
	_ =	sdelay $0x1  }
0x26e: {  	v6 =	vmul.f32 $1.442695020e+00, v6;
	_ =	sdelay $0x1  }
0x26f: {  	(erf) = vpow2.f32 v6;
	_ =	sdelay $0x1  }
.Ltmp7:
0x270: {  	(pc) =	sbr.rel @p0 .LBB2_14-.Ltmp7, $4  }
0x271: {  	_ = 	snop  }
0x272: {  	v6 =	vmov s18  }
0x273: {  	v6 =	vshll.u32 v6, $0x4  }
0x274: {  	v6 =	vor.u32 v1, v6  }
0x275: {  	_ = 	snop  }
0x276: {  	v8 =	vor.u32 $0x4, v6;
	_ =	sdelay $0x1  }
0x277: {  	v9 =	vpop (erf)  }
0x278: {  	[tilespmem:v7+s9+$0x0] =	vst.idx.msk $0xffff, v9  }
0x279: {  	v7 =	vld.idx.msk [tilespmem:v6+s13+$0x0], $0xffff  }
0x27a: {  	v8 =	vld.idx.msk [tilespmem:v8+s29+$0x0], $0xffff;
	_ =	sdelay $0x4  }
0x27b: {  	v7 =	vadd.f32 v8, v7;
	_ =	sdelay $0x1  }
0x27c: {  	v8 =	vmul.f32 $2.000000030e-01, v7  }
0x27d: {  	vm0 =	vge.f32 v7, $0.0e+00  }
0x27e: {  	v7 =	vsel vm0, v7, v8  }
0x27f: {  	v5 =	vsub.f32 v7, v5;
	_ =	sdelay $0x1  }
0x280: {  	v5 =	vmul.f32 $1.442695020e+00, v5;
	_ =	sdelay $0x1  }
0x281: {  	(erf) = vpow2.f32 v5;
	_ =	sdelay $0x5  }
0x282: {  	v5 =	vor.u32 $0x1, v6  }
0x283: {  	v7 =	vor.u32 $0x5, v6;
	_ =	sdelay $0x1  }
0x284: {  	v8 =	vpop (erf)  }
0x285: {  	[tilespmem:v6+s9+$0x0] =	vst.idx.msk $0xffff, v8  }
0x286: {  	v8 =	vld.idx.msk [tilespmem:v5+s13+$0x0], $0xffff  }
0x287: {  	v7 =	vld.idx.msk [tilespmem:v7+s29+$0x0], $0xffff;
	_ =	sdelay $0x4  }
0x288: {  	v7 =	vadd.f32 v7, v8;
	_ =	sdelay $0x1  }
0x289: {  	v8 =	vmul.f32 $2.000000030e-01, v7  }
0x28a: {  	vm13 =	vge.f32 v7, $0.0e+00  }
0x28b: {  	v7 =	vsel vm13, v7, v8  }
0x28c: {  	v4 =	vsub.f32 v7, v4;
	_ =	sdelay $0x1  }
0x28d: {  	v4 =	vmul.f32 $1.442695020e+00, v4;
	_ =	sdelay $0x1  }
0x28e: {  	(erf) = vpow2.f32 v4;
	_ =	sdelay $0x5  }
0x28f: {  	v4 =	vor.u32 $0x2, v6  }
0x290: {  	v7 =	vor.u32 $0x6, v6;
	_ =	sdelay $0x1  }
0x291: {  	v8 =	vpop (erf)  }
0x292: {  	[tilespmem:v5+s9+$0x0] =	vst.idx.msk $0xffff, v8  }
0x293: {  	v5 =	vld.idx.msk [tilespmem:v4+s13+$0x0], $0xffff  }
0x294: {  	v7 =	vld.idx.msk [tilespmem:v7+s29+$0x0], $0xffff;
	_ =	sdelay $0x4  }
0x295: {  	v5 =	vadd.f32 v7, v5;
	_ =	sdelay $0x1  }
0x296: {  	v7 =	vmul.f32 $2.000000030e-01, v5  }
0x297: {  	vm14 =	vge.f32 v5, $0.0e+00  }
0x298: {  	v5 =	vsel vm14, v5, v7  }
0x299: {  	v3 =	vsub.f32 v5, v3;
	_ =	sdelay $0x1  }
0x29a: {  	v3 =	vmul.f32 $1.442695020e+00, v3;
	_ =	sdelay $0x1  }
0x29b: {  	(erf) = vpow2.f32 v3;
	_ =	sdelay $0x5  }
0x29c: {  	v3 =	vor.u32 $0x3, v6  }
0x29d: {  	v5 =	vor.u32 $0x7, v6;
	_ =	sdelay $0x1  }
0x29e: {  	v6 =	vpop (erf)  }
0x29f: {  	[tilespmem:v4+s9+$0x0] =	vst.idx.msk $0xffff, v6  }
0x2a0: {  	v4 =	vld.idx.msk [tilespmem:v3+s13+$0x0], $0xffff  }
0x2a1: {  	v5 =	vld.idx.msk [tilespmem:v5+s29+$0x0], $0xffff;
	_ =	sdelay $0x4  }
0x2a2: {  	v4 =	vadd.f32 v5, v4;
	_ =	sdelay $0x1  }
0x2a3: {  	v5 =	vmul.f32 $2.000000030e-01, v4  }
0x2a4: {  	vm15 =	vge.f32 v4, $0.0e+00  }
0x2a5: {  	v4 =	vsel vm15, v4, v5  }
0x2a6: {  	v2 =	vsub.f32 v4, v2;
	_ =	sdelay $0x1  }
0x2a7: {  	v2 =	vmul.f32 $1.442695020e+00, v2;
	_ =	sdelay $0x1  }
0x2a8: {  	(erf) = vpow2.f32 v2;
	_ =	sdelay $0x8  }
0x2a9: {  	v2 =	vpop (erf)  }
0x2aa: {  	s13 =	simm.s32 $0x1590;
	[tilespmem:v3+s9+$0x0] =	vst.idx.msk $0xffff, v2  }
0x2ab: {  	s14 =	simm.s32 $0x0;
	v9 =	vld [tilespmem:s13+$0xFFFFFFD0]  }
0x2ac: {  	v4 =	vld [tilespmem:s14+$0x6550]  }
0x2ad: {  	v7 =	vld [tilespmem:s13+$0x20]  }
0x2ae: {  	v10 =	vld [tilespmem:s13+$0xFFFFFFC0]  }
0x2af: {  	v13 =	vld [tilespmem:s13+$0xFFFFFFE0]  }
0x2b0: {  	v2 =	vld [tilespmem:s13+$0xFFFFFFF0]  }
0x2b1: {  	v3 =	vld [tilespmem:s13+$0x30];
	v11 =	vbroadcast v4, $0x0;
	v8 =	vbroadcast v4, $0x3  }
0x2b2: {  	v5 =	vld [tilespmem:s13+$0x0];
	v6 =	vbroadcast v4, $0x1  }
0x2b3: {  	v12 =	vmul.f32 v11, v10;
	v10 =	vmul.f32 v7, v8;
	v7 =	vld [tilespmem:s13+$0x10]  }
0x2b4: {  	v4 =	vbroadcast v4, $0x2  }
0x2b5: {  	s15 =	simm.s32 $0x40;
	s18 =	simm.s32 $0x1590;
	v11 =	vmul.f32 v9, v11;
	v9 =	vmul.f32 v13, v6  }
.LBB2_16:
0x2b6: {  	p0 =	sne.s32 s15, $0x13C0  }
0x2b7: {  	[tilespmem:s13+$0xFFFFFFC0] =	vst v12;
	v5 =	vmul.f32 v5, v4;
	v3 =	vmul.f32 v3, v8;
	s18 =	sadd.s32 $0x80, s18;
	s14 =	smov.u32 s15;
	s15 =	sadd.s32 $0x40, s15  }
0x2b8: {  	v6 =	vmul.f32 v2, v6;
	v4 =	vmul.f32 v7, v4;
	[tilespmem:s13+$0x20] =	vst v10  }
0x2b9: {  	[tilespmem:s13+$0xFFFFFFD0] =	vst v11  }
0x2ba: {  	[tilespmem:s13+$0xFFFFFFE0] =	vst v9  }
0x2bb: {  	[tilespmem:s13+$0x30] =	vst v3  }
0x2bc: {  	v2 =	vld [tilespmem:s18+$0xFFFFFFF0];
	[tilespmem:s13+$0x10] =	vst v4  }
0x2bd: {  	v9 =	vld [tilespmem:s18+$0xFFFFFFD0];
	[tilespmem:s13+$0xFFFFFFF0] =	vst v6  }
0x2be: {  	s14 =	sshra.s32 s14, $0x2;
	v10 =	vld [tilespmem:s18+$0x20];
	[tilespmem:s13+$0x0] =	vst v5;
	s13 =	smov.u32 s18  }
0x2bf: {  	v4 =	vld [tilespmem:s14+$0x6550]  }
0x2c0: {  	v3 =	vld [tilespmem:s18+$0x30]  }
0x2c1: {  	v11 =	vld [tilespmem:s18+$0xFFFFFFC0]  }
0x2c2: {  	v13 =	vld [tilespmem:s18+$0xFFFFFFE0]  }
.Ltmp8:
0x2c3: {  	v5 =	vld [tilespmem:s18+$0x0];
	(pc) =	sbr.rel @p0 .LBB2_16-.Ltmp8, $4  }
0x2c4: {  	v14 =	vbroadcast v4, $0x0;
	v7 =	vld [tilespmem:s18+$0x10];
	v8 =	vbroadcast v4, $0x3  }
0x2c5: {  	v6 =	vbroadcast v4, $0x1;
	v4 =	vbroadcast v4, $0x2  }
0x2c6: {  	v12 =	vmul.f32 v14, v11;
	v10 =	vmul.f32 v10, v8  }
0x2c7: {  	v11 =	vmul.f32 v9, v14;
	v9 =	vmul.f32 v13, v6  }
0x2c8: {  	[tilespmem:s13+$0xFFFFFFC0] =	vst v12  }
0x2c9: {  	[tilespmem:s13+$0x20] =	vst v10  }
0x2ca: {  	v3 =	vmul.f32 v3, v8;
	[tilespmem:s13+$0xFFFFFFD0] =	vst v11  }
0x2cb: {  	v2 =	vmul.f32 v2, v6;
	[tilespmem:s13+$0xFFFFFFE0] =	vst v9  }
0x2cc: {  	v7 =	vmul.f32 v7, v4;
	[tilespmem:s13+$0x30] =	vst v3  }
0x2cd: {  	v3 =	vmul.f32 v5, v4;
	[tilespmem:s13+$0xFFFFFFF0] =	vst v2  }
0x2ce: {  	[tilespmem:s13+$0x10] =	vst v7  }
0x2cf: {  	[tilespmem:s13+$0x0] =	vst v3  }
0x2d0: {  	[spmem:s2] =	stream.indirect.scatter.add.f32 [tilespmem:s28], [sflag:$0x3], $0x80, s25, s26, $0xb8;
	[tilespmem:$0x1CEE0] =	vst v63  }
0x2d1: {  	s20 =	simm.s32 $0x4  }
0x2d2: {  	[spmem:s4] =	stream.indirect.scatter.add.f32 [tilespmem:s9], [sflag:$0x3], $0x10, s25, s26, $0xb8;
	[tilespmem:$0x1CEE0] =	vst v63  }
0x2d3: {  	_ =	swait.ge [sflag:s20], $0x2800  }
0x2d4: {  	[sflag:s20] =	ssyncset.done $0x0  }
0x2d5: {  	[sflag:s20] =	ssyncadd.s32 $0xFFFFD800  }
0x2d6: {  	_ =	swait.ge [sflag:s20], $0x500  }
0x2d7: {  	[sflag:s20] =	ssyncset.done $0x0  }
0x2d8: {  	[sflag:s20] =	ssyncadd.s32 $0xFFFFFB00  }
0x2d9: {  	_ =	swait.ge [sflag:s10], $0x2800  }
0x2da: {  	[sflag:s10] =	ssyncset.done $0x0  }
0x2db: {  	[sflag:s10] =	ssyncadd.s32 $0xFFFFD800  }
0x2dc: {  	_ =	swait.ge [sflag:s10], $0x500  }
0x2dd: {  	[sflag:s10] =	ssyncset.done $0x0  }
0x2de: {  	[sflag:s10] =	ssyncadd.s32 $0xFFFFFB00  }
0x2df: {  	[bflag:$0x0] =	sbarrier.arrive $0xFFFF  }
0x2e0: {  	s23 =	rddreg [dreg:$0xc]  }
0x2e1: {  	s18 =	rddreg [dreg:$0xf]  }
0x2e2: {  	s14 =	rddreg [dreg:$0x11]  }
0x2e3: {  	[hbm:s23], [sflag:s18] =	dma.local [spmem:s14], $0x2710  }
0x2e4: {  	_ =	swait.ge [sflag:s22], $0x2710  }
0x2e5: {  	[sflag:s22] =	ssyncset.done $0x0;
	s14 =	rddreg [dreg:$0xd]  }
0x2e6: {  	s15 =	rddreg [dreg:$0x12];
	[sflag:s22] =	ssyncadd.s32 $0xFFFFD8F0  }
0x2e7: {  	[hbm:s14], [sflag:s18] =	dma.local [spmem:s15], $0x4E2  }
0x2e8: {  	_ =	swait.ge [sflag:s22], $0x4E2  }
0x2e9: {  	s20 =	rddreg [dreg:$0x10]  }
0x2ea: {  	s23 =	rddreg [dreg:$0xe];
	s14 =	sadd.s32 $0x1, s20  }
0x2eb: {  	p0 =	sne.s32 s14, s23  }
.Ltmp9:
0x2ec: {  	_ = 	snop;
	(pc) =	sbr.rel @p0 .LBB2_1-.Ltmp9, $3  }
0x2ed: {  	_ =	sdelay $0x1  }
0x2ee: {  	[sflag:s22] =	ssyncset.done $0x0  }
0x2ef: {  	[sflag:s22] =	ssyncadd.s32 $0xFFFFFB1E  }
0x2f0: {  	_ =	sfence.sel $0x180000  }
0x2f1: {  	[bflag:$0x0] =	sbarrier.arrive $0xFFFF  }
0x2f2: {  	_ =	strace $0x9000004A  }
0x2f3: {  	s0 =	stileid.u32;
	[bflag:$0x2] =	sbarrier.arrive $0xFFFF  }
0x2f4: {  	p0 =	sne.s32 s0, $0x0;
	s0 =	rddreg [dreg:$0x4]  }
0x2f5: {  	s0 =	sadd.s32 @!p0 $0x100000, s0  }
0x2f6: {  	[sflag:s0] =	ssyncadd.tile.s32 @!p0 $0x1;
	_ =	shalt  }
.Lfunc_end2:
_tile_overlayer_lowered:
.L_overlay_start_2:
0x2f7: {  	(tag) =	ssettag $0x2  }
0x2f8: {  	s0 =	rddreg [dreg:$0x0];
	s2 =	stileid.u32  }
0x2f9: {  	s1 =	rddreg [dreg:$0x1];
	p0 =	sne.s32 s2, $0x0  }
0x2fa: {  	s3 =	rddreg [dreg:$0x2];
	[bflag:$0x3] =	sbarrier.arrive $0xFFFF;
	s2 =	simm.s32 @!p0 $0x1C05  }
0x2fb: {  	[timem:s3], [sflag:s2] =	dma.local @!p0 [hbm:s0], s1  }
0x2fc: {  	s0 =	simm.s32 @!p0 $0x5  }
0x2fd: {  	_ =	swait.ge @!p0 [sflag:s0], s1  }
0x2fe: {  	s1 =	ssub.s32 @!p0 $0x0, s1;
	[sflag:s0] =	ssyncset.done @!p0 $0x0  }
0x2ff: {  	[sflag:s0] =	ssyncadd.s32 @!p0 s1  }
0x300: {  	[bflag:$0x3] =	sbarrier.arrive $0xFFFF  }
0x301: {  	_ =	shalt  }

// kernel: kernel.8.cloned.1.call-start
scs
__scs_entry_jumppad:
0x0: {  	(pc) =	sbr.rel $0x88, $3  }
0x1: {  	(tag) =	ssettag $0x0;
	lr =	simm.s32 $0x1  }
0x2: {  	[smem:$0x3F99] =	sst lr;
	_ =	strace $0xD0000000  }
0x3: {  	_ = 	snop  }
0x4: {  	_ = 	snop  }
0x5: {  	_ = 	snop  }
0x6: {  	_ = 	snop  }
0x7: {  	_ = 	snop  }
__scs_overlays_trampoline_lowered:
0x8: {  	[smem:$0x3FA8] =	sst s0  }
0x9: {  	[smem:$0x3FA9] =	sst s1  }
0xa: {  	[smem:$0x3FAA] =	sst s2  }
0xb: {  	[smem:$0x3FAB] =	sst s3  }
0xc: {  	[smem:$0x3FAC] =	sst s4  }
0xd: {  	[smem:$0x3FAD] =	sst s5  }
0xe: {  	[smem:$0x3FAE] =	sst s6  }
0xf: {  	[smem:$0x3FAF] =	sst s7  }
0x10: {  	[smem:$0x3FB0] =	sst s8  }
0x11: {  	[smem:$0x3FB1] =	sst s9;
	s0 =	simm.s32 @!p0 $0x0  }
0x12: {  	s1 =	sld [smem:$0x3F97];
	s0 =	simm.s32 @p0 $0x1  }
0x13: {  	[smem:$0x3FB2] =	sst s0;
	s0 =	simm.s32 @!p1 $0x0  }
0x14: {  	s2 =	sld [smem:$0x3F96];
	s0 =	simm.s32 @p1 $0x1  }
0x15: {  	[smem:$0x3FB3] =	sst s0;
	s0 =	simm.s32 @!p2 $0x0  }
0x16: {  	s3 =	sld [smem:$0x3FDB];
	s0 =	simm.s32 @p2 $0x1  }
0x17: {  	s4 =	simm.s32 $0x1BF5;
	[smem:$0x3FB5] =	sst s0  }
0x18: {  	s0 =	sld [smem:$0x3F98];
	_ =	swait.ge [sflag:s4], $0x0  }
0x19: {  	s7 =	sld [smem:$0x3F99]  }
0x1a: {  	s8 =	sadd.s32 $0xFFFFE003, lr  }
0x1b: {  	s9 =	sadd.s32 $0xFFFFFEF7, lr;
	s5 =	simm.s32 $0xFFFFFFFF;
	p2 =	slt.u32 s8, $0xFFFFF086  }
0x1c: {  	p1 =	slt.u32 s9, $0xF7A;
	s5 =	simm.s32 @!p2 $0x0  }
0x1d: {  	s5 =	simm.s32 @p1 $0x1;
	p0 =	seq.s32 s7, s2  }
0x1e: {  	s7 =	smul.u32 @!p0 $0xF7A, s2;
	p2 =	seq.s32 @!p0 s5, $0x0  }
0x1f: {  	s9 =	smul.u32 $0xF7A, s1;
	s8 =	simm.s32 @!p0 $0x1BF5;
	p2 =	por !p2, p0  }
0x20: {  	[sflag:s8] =	ssyncset.s32 @!p0 $0xFFFFF086;
	s6 =	sadd.s32 @!p0 s3, s7;
	s7 =	simm.s32 @!p0 $0x108  }
0x21: {  	s3 =	sadd.s32 s3, s9;
	s6 =	sadd.s32 @!p0 $0x88, s6;
	s7 =	simm.s32 @p2 $0x1082  }
0x22: {  	[simem:s7], [sflag:s8] =	dma.local @!p0 [hbm:s6], $0xF7A  }
0x23: {  	s9 =	sor.u32 $0xD0000000, s2;
	s6 =	simm.s32 $0x108;
	_ =	swait.ge @!p0 [sflag:s8], $0x0  }
0x24: {  	s3 =	sadd.s32 $0x88, s3;
	s6 =	simm.s32 @!p1 $0x1082;
	[sflag:s4] =	ssyncset.s32 $0xFFFFF086  }
0x25: {  	[simem:s6], [sflag:s4] =	dma.local [hbm:s3], $0xF7A  }
0x26: {  	[smem:$0x3F99] =	sst s1;
	(tag) =	ssettag s2;
	_ =	strace s9  }
0x27: {  	s1 =	sld [smem:$0x3FA9]  }
0x28: {  	s2 =	sld [smem:$0x3FAA]  }
0x29: {  	s4 =	sld [smem:$0x3FAC]  }
0x2a: {  	p0 =	seq.s32 s5, $0x0;
	s5 =	sld [smem:$0x3FAD]  }
0x2b: {  	s6 =	sld [smem:$0x3FAE]  }
0x2c: {  	s7 =	sld [smem:$0x3FAF]  }
0x2d: {  	s3 =	simm.s32 $0x108;
	s8 =	sld [smem:$0x3FB0]  }
0x2e: {  	s3 =	simm.s32 @!p0 $0x1082;
	s9 =	sld [smem:$0x3FB1]  }
0x2f: {  	lr =	sadd.s32 s0, s3;
	s0 =	sld [smem:$0x3FA8]  }
0x30: {  	s3 =	sld [smem:$0x3FAB]  }
0x31: {  	[smem:$0x3FB4] =	sst s10  }
0x32: {  	s10 =	sld [smem:$0x3FB2];
	_ =	sdelay $0x3  }
0x33: {  	p0 =	seq.s32 s10, $0x1;
	s10 =	sld [smem:$0x3FB4];
	_ =	sdelay $0x3  }
0x34: {  	[smem:$0x3FB4] =	sst s10  }
0x35: {  	s10 =	sld [smem:$0x3FB3];
	_ =	sdelay $0x3  }
0x36: {  	p1 =	seq.s32 s10, $0x1;
	s10 =	sld [smem:$0x3FB4];
	_ =	sdelay $0x3  }
0x37: {  	[smem:$0x3FB4] =	sst s10  }
0x38: {  	s10 =	sld [smem:$0x3FB5]  }
0x39: {  	_ = 	snop;
	(pc) =	sbr.ind lr, $3  }
0x3a: {  	_ = 	snop  }
0x3b: {  	_ = 	snop  }
0x3c: {  	p2 =	seq.s32 s10, $0x1;
	s10 =	sld [smem:$0x3FB4]  }
0x3d: {  	_ =	shalt  }
0x3e: {  	_ =	shalt  }
0x3f: {  	_ =	shalt  }
0x40: {  	_ =	shalt  }
0x41: {  	_ =	shalt  }
0x42: {  	_ =	shalt  }
0x43: {  	_ =	shalt  }
0x44: {  	_ =	shalt  }
0x45: {  	_ =	shalt  }
0x46: {  	_ =	shalt  }
0x47: {  	_ =	shalt  }
0x48: {  	_ =	shalt  }
0x49: {  	_ =	shalt  }
0x4a: {  	_ =	shalt  }
0x4b: {  	_ =	shalt  }
0x4c: {  	_ =	shalt  }
0x4d: {  	_ =	shalt  }
0x4e: {  	_ =	shalt  }
0x4f: {  	_ =	shalt  }
0x50: {  	_ =	shalt  }
0x51: {  	_ =	shalt  }
0x52: {  	_ =	shalt  }
0x53: {  	_ =	shalt  }
0x54: {  	_ =	shalt  }
0x55: {  	_ =	shalt  }
0x56: {  	_ =	shalt  }
0x57: {  	_ =	shalt  }
0x58: {  	_ =	shalt  }
0x59: {  	_ =	shalt  }
0x5a: {  	_ =	shalt  }
0x5b: {  	_ =	shalt  }
0x5c: {  	_ =	shalt  }
0x5d: {  	_ =	shalt  }
0x5e: {  	_ =	shalt  }
0x5f: {  	_ =	shalt  }
0x60: {  	_ =	shalt  }
0x61: {  	_ =	shalt  }
0x62: {  	_ =	shalt  }
0x63: {  	_ =	shalt  }
0x64: {  	_ =	shalt  }
0x65: {  	_ =	shalt  }
0x66: {  	_ =	shalt  }
0x67: {  	_ =	shalt  }
0x68: {  	_ =	shalt  }
0x69: {  	_ =	shalt  }
0x6a: {  	_ =	shalt  }
0x6b: {  	_ =	shalt  }
0x6c: {  	_ =	shalt  }
0x6d: {  	_ =	shalt  }
0x6e: {  	_ =	shalt  }
0x6f: {  	_ =	shalt  }
0x70: {  	_ =	shalt  }
0x71: {  	_ =	shalt  }
0x72: {  	_ =	shalt  }
0x73: {  	_ =	shalt  }
0x74: {  	_ =	shalt  }
0x75: {  	_ =	shalt  }
0x76: {  	_ =	shalt  }
0x77: {  	_ =	shalt  }
0x78: {  	_ =	shalt  }
0x79: {  	_ =	shalt  }
0x7a: {  	_ =	shalt  }
0x7b: {  	_ =	shalt  }
0x7c: {  	_ =	shalt  }
0x7d: {  	_ =	shalt  }
0x7e: {  	_ =	shalt  }
0x7f: {  	_ =	shalt  }
0x80: {  	_ =	shalt  }
0x81: {  	_ =	shalt  }
0x82: {  	_ =	shalt  }
0x83: {  	_ =	shalt  }
0x84: {  	_ =	shalt  }
0x85: {  	_ =	shalt  }
0x86: {  	_ =	shalt  }
0x87: {  	_ =	shalt  }
.Lfunc_end0:
.L_simem_size_0:
called_computation_lowered:
.L_overlay_start_0:
0x88: {  	s2 =	sld [smem:$0x3FD9]  }
0x89: {  	s3 =	sld [smem:$0x3FFE];
	_ =	sdelay $0x1  }
0x8a: {  	s1 =	srdreg.scid  }
0x8b: {  	s0 =	sand.u32 $0x1, s1  }
0x8c: {  	s17 =	sshll.u32 s0, $0xA;
	s2 =	sadd.s32 s3, s2  }
0x8d: {  	s2 =	sadd.s32 s2, s17  }
0x8e: {  	[smem:$0x3FC0] =	sst s2  }
0x8f: {  	_ = 	snop  }
0x90: {  	s2 =	sld [smem:$0x3FD0];
	(tm) =	ssettm $0x1  }
0x91: {  	s18 =	sld [smem:$0x3FFB];
	_ =	sdelay $0x3  }
0x92: {  	_ =	strace s18  }
0x93: {  	s3 =	sld [smem:$0x3FFC];
	_ =	sdelay $0x3  }
0x94: {  	_ =	strace s3  }
0x95: {  	s3 =	sld [smem:$0x3FFD];
	_ =	sdelay $0x3  }
0x96: {  	_ =	strace s3  }
0x97: {  	_ =	strace $0x8FFFFFFF  }
0x98: {  	s19 =	sld [smem:$0x3FDB];
	_ =	sdelay $0x1  }
0x99: {  	s4 =	simm.s32 $_scs_section_size  }
0x9a: {  	s5 =	simm.s32 $_size__tile_overlayer_lowered;
	s6 =	simm.s32 $_tile_overlayer_lowered  }
0x9b: {  	s22 =	simm.s32 $0x1BFF;
	s21 =	sshll.u32 s6, $0x1;
	s3 =	sadd.s32 s4, s19  }
0x9c: {  	s7 =	simm.s32 $0x0;
	s20 =	sshll.u32 s5, $0x1;
	s5 =	sadd.s32 s21, s3  }
0x9d: {  	[timem:s7], [sflag:s22] =	dma.local [hbm:s5], s20  }
0x9e: {  	_ =	swait.ge [sflag:s22], s20  }
0x9f: {  	s4 =	ssub.s32 $0x0, s20;
	[sflag:s22] =	ssyncset.done $0x0  }
0xa0: {  	[sflag:s22] =	ssyncadd.s32 s4;
	_ =	sdelay $0x1  }
0xa1: {  	s23 =	simm.s32 $0x1B8B  }
0xa2: {  	_ =	swait.ge [sflag:s23], $0x1  }
0xa3: {  	[sflag:s23] =	ssyncset.done $0x0  }
0xa4: {  	s25 =	simm.s32 $0x1B8E;
	s24 =	sld [smem:$0x3FFE];
	[sflag:s23] =	ssyncadd.s32 $0xFFFFFFFF  }
0xa5: {  	s26 =	simm.s32 $execute0_lowered;
	[smem:$0x3FD2] =	sst s25  }
0xa6: {  	s5 =	sshll.u32 s26, $0x1;
	_ =	strace $0x80000046;
	[dreg:$0x1] =	wrdreg $0xFFFFFFFF  }
0xa7: {  	s28 =	simm.s32 $_size_execute0_lowered;
	s3 =	sadd.s32 s3, s5;
	[dreg:$0x0] =	wrdreg $0x0  }
0xa8: {  	s5 =	sshll.u32 s28, $0x1;
	[dreg:$0x2] =	wrdreg s3  }
0xa9: {  	[dreg:$0x3] =	wrdreg s5  }
0xaa: {  	[dreg:$0x4] =	wrdreg $0xC0  }
0xab: {  	_ =	task [dreg:s7], $0x5FFFF  }
0xac: {  	[dreg:$0x1] =	wrdreg $0xFFFFFFFF  }
0xad: {  	[dreg:$0x0] =	wrdreg $0x60  }
0xae: {  	[dreg:$0x2] =	wrdreg s24  }
0xaf: {  	[dreg:$0x3] =	wrdreg s2  }
0xb0: {  	[dreg:$0x4] =	wrdreg $0x6F500  }
0xb1: {  	[dreg:$0x5] =	wrdreg $0x1A7D00  }
0xb2: {  	[dreg:$0x6] =	wrdreg $0x9  }
0xb3: {  	_ =	task.clear_ibuf [dreg:s7], $0x7FFFF;
	_ =	strace $0x90000046  }
0xb4: {  	s29 =	simm.s32 $0x9;
	_ =	strace $0x80000048  }
0xb5: {  	_ =	swait.ge [sflag:s29], $0x1  }
0xb6: {  	[sflag:s29] =	ssyncadd.s32 $0xFFFFFFFF  }
0xb7: {  	_ =	strace $0x90000048  }
0xb8: {  	_ =	sfence  }
0xb9: {  	s30 =	sld [smem:$0x0];
	_ =	sdelay $0x2  }
0xba: {  	s31 =	sshll.u32 s1, $0xD;
	s1 =	sshrl.u32 s1, $0x2  }
0xbb: {  	s3 =	sand.u32 $0x4000, s31;
	s1 =	sadd.s32 s1, s30  }
0xbc: {  	s0 =	sor.u32 s3, s0;
	s1 =	sshll.u32 s1, $0x11  }
0xbd: {  	s0 =	sor.u32 s1, s0  }
0xbe: {  	s0 =	sadd.s32 $0x8F2B, s0  }
0xbf: {  	[sflag:s0] =	ssyncadd.remote.s32 $0x1  }
0xc0: {  	_ =	sfence.sel $0xFFFF  }
0xc1: {  	[dreg:$0x0] =	wrdreg $0xFFFFFFFF;
	(pc) =	sbr.abs _section_cstart, $3  }
0xc2: {  	[dreg:$0x1] =	wrdreg $0xFFFFFFFF  }
0xc3: {  	_ =	task.clear_ibuf [dreg:s7], $0x2FFFF;
	_ =	strace $0x9FFFFFFF  }
0xc4: {  	(tm) =	ssettm $0x7FFFFFFF  }
0xc5: {  	_ =	shalt  }
tec
execute0_lowered:
.L_overlay_start_1:
0x0: {  	(tag) =	ssettag $0x1  }
0x1: {  	s0 =	rddreg [dreg:$0x0]  }
0x2: {  	s1 =	rddreg [dreg:$0x1]  }
0x3: {  	s2 =	rddreg [dreg:$0x2]  }
0x4: {  	s4 =	rddreg [dreg:$0x3];
	s3 =	simm.s32 $0x0  }
0x5: {  	s18 =	stileid.u32;
	s5 =	srdreg.scid;
	s28 =	simm.s32 $0x1550  }
0x6: {  	s29 =	simm.s32 $0xA00;
	s30 =	simm.s32 $0x1460;
	s31 =	simm.s32 $0x1500  }
0x7: {  	[smem:$0x7FF] =	sst s3;
	s17 =	smul.u32 $0x13880, s18;
	s6 =	sadd.s32 $0x11000, s0  }
0x8: {  	s9 =	smul.u32 $0x2710, s18;
	s5 =	sand.u32 $0x1, s5;
	s7 =	sadd.s32 $0x7200, s0  }
0x9: {  	s8 =	sadd.s32 $0x2200, s0;
	s12 =	sadd.s32 $0x2000, s0;
	s26 =	sshll.u32 s18, $0x6  }
0xa: {  	_ =	strace $0x80000047;
	s11 =	smul.u32 $0x138800, s5;
	[dreg:$0x5] =	wrdreg s12  }
0xb: {  	s13 =	smul.u32 $0x27100, s5;
	s14 =	sshll.u32 s5, $0x4;
	s5 =	ssub.s32 $0x2, s5  }
0xc: {  	s10 =	sshrl.u32 s17, $0x3;
	s19 =	sshrl.u32 s9, $0x3;
	s14 =	sor.u32 s18, s14  }
0xd: {  	s15 =	sshrl.u32 s5, $0x1;
	s3 =	sadd.s32 s17, s2;
	s18 =	sor.u32 $0x1C05, s26  }
0xe: {  	s26 =	simm.s32 $0x50;
	s10 =	sadd.s32 s10, s0;
	s11 =	sadd.s32 s17, s11  }
0xf: {  	s12 =	sadd.s32 s19, s0;
	s13 =	sadd.s32 s9, s13;
	s14 =	smul.u32 $0x2710, s14  }
0x10: {  	s5 =	ssub.s32 s5, s15;
	[dreg:$0x6] =	wrdreg s3;
	s9 =	sadd.s32 s9, s4  }
0x11: {  	[dreg:$0xf] =	wrdreg s18;
	s19 =	simm.s32 $0x0;
	s11 =	sshrl.u32 s11, $0x3  }
0x12: {  	s13 =	sshrl.u32 s13, $0x3;
	s20 =	sadd.s32 $0x1AE00, s10;
	[dreg:$0x8] =	wrdreg s9  }
0x13: {  	s22 =	sadd.s32 $0x42000, s12;
	s25 =	smax.u32 s5, $0x1;
	s5 =	simm.s32 $0xF00  }
0x14: {  	s9 =	simm.s32 $0x6550;
	s10 =	simm.s32 $0x3;
	s12 =	simm.s32 $0x6A50  }
0x15: {  	s11 =	sadd.s32 s11, s0;
	s0 =	sadd.s32 s13, s0;
	[dreg:$0x7] =	wrdreg s20  }
0x16: {  	s21 =	sshrl.u32 s14, $0x3;
	[dreg:$0x9] =	wrdreg s22;
	s16 =	sadd.s32 $0x50, s14  }
0x17: {  	s17 =	sadd.s32 $0xA0, s14;
	[dreg:$0xe] =	wrdreg s25;
	s23 =	sadd.s32 s6, s21  }
0x18: {  	s22 =	simm.s32 $0x5;
	s3 =	sadd.s32 s7, s21;
	[dreg:$0xa] =	wrdreg s23  }
0x19: {  	s25 =	simm.s32 $0x14B0;
	s24 =	sadd.s32 $0x50E00, s11;
	[dreg:$0xb] =	wrdreg s3  }
0x1a: {  	s14 =	simm.s32 $0x0;
	s0 =	sadd.s32 $0x47000, s0;
	[dreg:$0xc] =	wrdreg s24  }
0x1b: {  	v1 =	vlaneseq.u32;
	s21 =	simm.s32 $0x1;
	s11 =	simm.s32 $0x2;
	[dreg:$0xd] =	wrdreg s0  }
0x1c: {  	v0 =	vimm.f32 $0.0e+00;
	v1 =	vmul.u32 $0x10, v1;
	s24 =	simm.s32 $0x1410;
	s0 =	simm.s32 $0x3D50;
	s3 =	simm.s32 $0x500  }
.LBB2_1:
0x1d: {  	[dreg:$0x10] =	wrdreg s14  }
0x1e: {  	s13 =	simm.s32 $0x0;
	s23 =	rddreg [dreg:$0x5];
	s15 =	simm.s32 $0x1400  }
0x1f: {  	[tilespmem:s15], [sflag:$0x5] =	stream.linear.gather [hbm4b:s23+s13], $0x10, $0x38;
	[tilespmem:$0x1CEE0] =	vst v63  }
0x20: {  	_ =	swait.ge [sflag:s22], $0x10  }
0x21: {  	s15 =	rddreg [dreg:$0x6]  }
0x22: {  	[sflag:s22] =	ssyncset.done $0x0;
	s23 =	rddreg [dreg:$0x7];
	s20 =	sshrl.u32 s15, $0x3  }
0x23: {  	[sflag:s22] =	ssyncadd.s32 $0xFFFFFFF0;
	[dreg:$0x11] =	wrdreg s20  }
0x24: {  	[spmem:s20], [sflag:s18] =	dma.local [hbm:s23], $0x2710  }
0x25: {  	_ =	swait.ge [sflag:s22], $0x2710  }
0x26: {  	s15 =	rddreg [dreg:$0x8]  }
0x27: {  	[sflag:s22] =	ssyncset.done $0x0;
	s23 =	rddreg [dreg:$0x9];
	s20 =	sshrl.u32 s15, $0x3  }
0x28: {  	[sflag:s22] =	ssyncadd.s32 $0xFFFFD8F0;
	[dreg:$0x12] =	wrdreg s20  }
0x29: {  	[spmem:s20], [sflag:s18] =	dma.local [hbm:s23], $0x4E2  }
0x2a: {  	_ =	swait.ge [sflag:s22], $0x4E2  }
0x2b: {  	[sflag:s22] =	ssyncset.done $0x0  }
0x2c: {  	s13 =	simm.s32 $0x40;
	s15 =	simm.s32 $0x0;
	[sflag:s22] =	ssyncadd.s32 $0xFFFFFB1E  }
.LBB2_2:
0x2d: {  	p0 =	sne.s32 s13, $0x13C0;
	[tilespmem:s15+$0x6550] =	vst v0;
	s18 =	smov.u32 s13;
	s13 =	sadd.s32 $0x40, s13  }
.Ltmp0:
0x2e: {  	[tilespmem:s15+$0x6A50] =	vst v0;
	(pc) =	sbr.rel @p0 .LBB2_2-.Ltmp0, $2  }
0x2f: {  	_ =	sdelay $0x2  }
0x30: {  	s15 =	sshra.s32 s18, $0x2  }
0x31: {  	[tilespmem:s15+$0x6550] =	vst v0  }
0x32: {  	[tilespmem:s15+$0x6A50] =	vst v0  }
0x33: {  	v2 =	vld [tilespmem:$0x1400];
	[bflag:$0x0] =	sbarrier.arrive $0xFFFF  }
0x34: {  	s13 =	rddreg [dreg:$0xa]  }
0x35: {  	[tilespmem:s24], [sflag:$0x5] =	stream.linear.gather [hbm4b:s13+s19], $0x50, $0x38;
	[tilespmem:$0x1CEE0] =	vst v63  }
0x36: {  	_ =	swait.ge [sflag:s22], $0x50  }
0x37: {  	[sflag:s22] =	ssyncset.done $0x0  }
0x38: {  	s23 =	rddreg [dreg:$0xb];
	[sflag:s22] =	ssyncadd.s32 $0xFFFFFFB0  }
0x39: {  	[tilespmem:s25], [sflag:$0x5] =	stream.linear.gather [hbm4b:s23+s19], $0x50, $0x38;
	[tilespmem:$0x1CEE0] =	vst v63  }
0x3a: {  	_ =	swait.ge [sflag:s22], $0x50  }
0x3b: {  	[sflag:s22] =	ssyncset.done $0x0  }
0x3c: {  	[sflag:s22] =	ssyncadd.s32 $0xFFFFFFB0  }
0x3d: {  	[tilespmem:s28], [sflag:$0x1] =	stream.indirect.gather [hbm4b:s1+s26], $0x80, s24, s26, $0xb8;
	[tilespmem:$0x1CEE0] =	vst v63  }
0x3e: {  	_ = 	snop  }
0x3f: {  	[tilespmem:s19], [sflag:$0x1] =	stream.indirect.gather [hbm4b:s8+s26], $0x10, s24, s26, $0xb8;
	[tilespmem:$0x1CEE0] =	vst v63  }
0x40: {  	s20 =	simm.s32 $0x0;
	v5 =	vbroadcast v2, $0x0;
	v4 =	vbroadcast v2, $0x1  }
0x41: {  	v3 =	vbroadcast v2, $0x2;
	v2 =	vbroadcast v2, $0x3;
	[tilespmem:s29], [sflag:$0x1] =	stream.indirect.gather [hbm4b:s8+s26], $0x10, s25, s26, $0xb8;
	[tilespmem:$0x1CEE0] =	vst v63  }
.LBB2_4:
0x42: {  	p0 =	seq.s32 s20, $0x0  }
0x43: {  	s15 =	simm.s32 @!p0 $0x4  }
0x44: {  	_ =	swait.ge @!p0 [sflag:s15], $0x2800  }
0x45: {  	s13 =	smul.u32 $0xA0, s20;
	[sflag:s15] =	ssyncset.done @!p0 $0x0  }
0x46: {  	[sflag:s15] =	ssyncadd.s32 @!p0 $0xFFFFD800  }
0x47: {  	s18 =	sadd.s32 s13, s16;
	_ =	swait.ge @!p0 [sflag:s15], $0x500  }
0x48: {  	s18 =	sshrl.u32 s18, $0x3;
	[sflag:s15] =	ssyncset.done @!p0 $0x0  }
0x49: {  	s14 =	sadd.s32 s6, s18;
	[sflag:s15] =	ssyncadd.s32 @!p0 $0xFFFFFB00  }
0x4a: {  	[tilespmem:s30], [sflag:$0x5] =	stream.linear.gather [hbm4b:s14+s19], $0x50, $0x38;
	[tilespmem:$0x1CEE0] =	vst v63  }
0x4b: {  	_ =	swait.ge [sflag:s22], $0x50  }
0x4c: {  	[sflag:s22] =	ssyncset.done $0x0  }
0x4d: {  	s18 =	sadd.s32 s7, s18;
	[sflag:s22] =	ssyncadd.s32 $0xFFFFFFB0  }
0x4e: {  	[tilespmem:s31], [sflag:$0x5] =	stream.linear.gather [hbm4b:s18+s19], $0x50, $0x38;
	[tilespmem:$0x1CEE0] =	vst v63  }
0x4f: {  	_ =	swait.ge [sflag:s22], $0x50  }
0x50: {  	[sflag:s22] =	ssyncset.done $0x0  }
0x51: {  	[sflag:s22] =	ssyncadd.s32 $0xFFFFFFB0  }
0x52: {  	[tilespmem:s0], [sflag:$0x2] =	stream.indirect.gather [hbm4b:s1+s26], $0x80, s30, s26, $0xb8;
	[tilespmem:$0x1CEE0] =	vst v63  }
0x53: {  	_ = 	snop  }
0x54: {  	[tilespmem:s3], [sflag:$0x2] =	stream.indirect.gather [hbm4b:s8+s26], $0x10, s30, s26, $0xb8;
	[tilespmem:$0x1CEE0] =	vst v63  }
0x55: {  	_ = 	snop  }
0x56: {  	[tilespmem:s5], [sflag:$0x2] =	stream.indirect.gather [hbm4b:s8+s26], $0x10, s31, s26, $0xb8;
	[tilespmem:$0x1CEE0] =	vst v63  }
0x57: {  	_ =	swait.ge [sflag:s21], $0x2800  }
0x58: {  	[sflag:s21] =	ssyncset.done $0x0  }
0x59: {  	v6 =	vmov s19;
	[sflag:s21] =	ssyncadd.s32 $0xFFFFD800  }
0x5a: {  	v6 =	vshll.u32 v6, $0x4;
	_ =	swait.ge [sflag:s21], $0x500  }
0x5b: {  	v6 =	vor.u32 v1, v6;
	[sflag:s21] =	ssyncset.done $0x0  }
0x5c: {  	v7 =	vor.u32 $0x4, v6;
	[sflag:s21] =	ssyncadd.s32 $0xFFFFFB00  }
0x5d: {  	_ =	swait.ge [sflag:s21], $0x500  }
0x5e: {  	[sflag:s21] =	ssyncset.done $0x0  }
0x5f: {  	[sflag:s21] =	ssyncadd.s32 $0xFFFFFB00  }
0x60: {  	v8 =	vld.idx.msk [tilespmem:v6+s19+$0x0], $0xffff  }
0x61: {  	v7 =	vld.idx.msk [tilespmem:v7+s29+$0x0], $0xffff;
	_ =	sdelay $0x4  }
0x62: {  	v7 =	vadd.f32 v7, v8;
	_ =	sdelay $0x1  }
0x63: {  	v8 =	vmul.f32 $2.000000030e-01, v7  }
0x64: {  	vm0 =	vge.f32 v7, $0.0e+00  }
0x65: {  	v7 =	vsel vm0, v7, v8  }
0x66: {  	v7 =	vsub.f32 v7, v5;
	_ =	sdelay $0x1  }
0x67: {  	v7 =	vmul.f32 $1.442695020e+00, v7;
	_ =	sdelay $0x1  }
0x68: {  	(erf) = vpow2.f32 v7;
	_ =	sdelay $0x5  }
0x69: {  	v7 =	vor.u32 $0x1, v6  }
0x6a: {  	v8 =	vor.u32 $0x5, v6;
	_ =	sdelay $0x1  }
0x6b: {  	v9 =	vpop (erf)  }
0x6c: {  	[tilespmem:v6+s9+$0x0] =	vst.idx.msk $0xffff, v9  }
0x6d: {  	v9 =	vld.idx.msk [tilespmem:v7+s19+$0x0], $0xffff  }
0x6e: {  	v8 =	vld.idx.msk [tilespmem:v8+s29+$0x0], $0xffff;
	_ =	sdelay $0x4  }
0x6f: {  	v8 =	vadd.f32 v8, v9;
	_ =	sdelay $0x1  }
0x70: {  	v9 =	vmul.f32 $2.000000030e-01, v8  }
0x71: {  	vm13 =	vge.f32 v8, $0.0e+00  }
0x72: {  	v8 =	vsel vm13, v8, v9  }
0x73: {  	v8 =	vsub.f32 v8, v4;
	_ =	sdelay $0x1  }
0x74: {  	v8 =	vmul.f32 $1.442695020e+00, v8;
	_ =	sdelay $0x1  }
0x75: {  	(erf) = vpow2.f32 v8;
	_ =	sdelay $0x5  }
0x76: {  	v8 =	vor.u32 $0x2, v6  }
0x77: {  	v62 =	vor.u32 $0x6, v6;
	_ =	sdelay $0x1  }
0x78: {  	v10 =	vpop (erf)  }
0x79: {  	[tilespmem:v7+s9+$0x0] =	vst.idx.msk $0xffff, v10  }
0x7a: {  	v7 =	vld.idx.msk [tilespmem:v8+s19+$0x0], $0xffff  }
0x7b: {  	v9 =	vld.idx.msk [tilespmem:v62+s29+$0x0], $0xffff;
	_ =	sdelay $0x4  }
0x7c: {  	v7 =	vadd.f32 v9, v7;
	_ =	sdelay $0x1  }
0x7d: {  	v9 =	vmul.f32 $2.000000030e-01, v7  }
0x7e: {  	vm14 =	vge.f32 v7, $0.0e+00  }
0x7f: {  	v7 =	vsel vm14, v7, v9  }
0x80: {  	v7 =	vsub.f32 v7, v3;
	_ =	sdelay $0x1  }
0x81: {  	v7 =	vmul.f32 $1.442695020e+00, v7;
	_ =	sdelay $0x1  }
0x82: {  	(erf) = vpow2.f32 v7;
	_ =	sdelay $0x5  }
0x83: {  	v7 =	vor.u32 $0x3, v6  }
0x84: {  	v6 =	vor.u32 $0x7, v6;
	_ =	sdelay $0x1  }
0x85: {  	v63 =	vpop (erf)  }
0x86: {  	[tilespmem:v8+s9+$0x0] =	vst.idx.msk $0xffff, v63  }
0x87: {  	v8 =	vld.idx.msk [tilespmem:v7+s19+$0x0], $0xffff  }
0x88: {  	v6 =	vld.idx.msk [tilespmem:v6+s29+$0x0], $0xffff;
	_ =	sdelay $0x4  }
0x89: {  	v6 =	vadd.f32 v6, v8;
	_ =	sdelay $0x1  }
0x8a: {  	v8 =	vmul.f32 $2.000000030e-01, v6  }
0x8b: {  	vm15 =	vge.f32 v6, $0.0e+00  }
0x8c: {  	v6 =	vsel vm15, v6, v8  }
0x8d: {  	v6 =	vsub.f32 v6, v2;
	_ =	sdelay $0x1  }
0x8e: {  	v6 =	vmul.f32 $1.442695020e+00, v6;
	_ =	sdelay $0x1  }
0x8f: {  	(erf) = vpow2.f32 v6;
	_ =	sdelay $0x2  }
0x90: {  	s23 =	simm.s32 $0x10  }
0x91: {  	v8 =	vmov s23  }
0x92: {  	v8 =	vshll.u32 v8, $0x4  }
0x93: {  	s18 =	simm.s32 $0x20;
	v6 =	vor.u32 v1, v8  }
.LBB2_5:
0x94: {  	p0 =	sne.s32 s18, $0x40;
	v8 =	vor.u32 $0x4, v6;
	s23 =	smov.u32 s18;
	s18 =	sadd.s32 $0x10, s18  }
0x95: {  	_ = 	snop  }
0x96: {  	v9 =	vpop (erf)  }
0x97: {  	s15 =	simm.s32 $0x0;
	[tilespmem:v7+s9+$0x0] =	vst.idx.msk $0xffff, v9  }
0x98: {  	v7 =	vld.idx.msk [tilespmem:v6+s15+$0x0], $0xffff  }
0x99: {  	v8 =	vld.idx.msk [tilespmem:v8+s29+$0x0], $0xffff;
	_ =	sdelay $0x5  }
0x9a: {  	v7 =	vadd.f32 v8, v7;
	_ =	sdelay $0x1  }
0x9b: {  	v8 =	vmul.f32 $2.000000030e-01, v7  }
0x9c: {  	vm0 =	vge.f32 v7, $0.0e+00  }
0x9d: {  	v7 =	vsel vm0, v7, v8  }
0x9e: {  	v7 =	vsub.f32 v7, v5;
	_ =	sdelay $0x1  }
0x9f: {  	v7 =	vmul.f32 $1.442695020e+00, v7;
	_ =	sdelay $0x1  }
0xa0: {  	(erf) = vpow2.f32 v7;
	_ =	sdelay $0x5  }
0xa1: {  	v8 =	vor.u32 $0x5, v6;
	v7 =	vor.u32 $0x1, v6;
	_ =	sdelay $0x2  }
0xa2: {  	v9 =	vpop (erf)  }
0xa3: {  	[tilespmem:v6+s9+$0x0] =	vst.idx.msk $0xffff, v9  }
0xa4: {  	v9 =	vld.idx.msk [tilespmem:v7+s15+$0x0], $0xffff  }
0xa5: {  	v8 =	vld.idx.msk [tilespmem:v8+s29+$0x0], $0xffff;
	_ =	sdelay $0x5  }
0xa6: {  	v8 =	vadd.f32 v8, v9;
	_ =	sdelay $0x1  }
0xa7: {  	vm0 =	vge.f32 v8, $0.0e+00;
	v9 =	vmul.f32 $2.000000030e-01, v8;
	_ =	sdelay $0x1  }
0xa8: {  	v8 =	vsel vm0, v8, v9  }
0xa9: {  	v8 =	vsub.f32 v8, v4;
	_ =	sdelay $0x1  }
0xaa: {  	v8 =	vmul.f32 $1.442695020e+00, v8;
	_ =	sdelay $0x1  }
0xab: {  	(erf) = vpow2.f32 v8;
	_ =	sdelay $0x5  }
0xac: {  	v9 =	vor.u32 $0x6, v6;
	v8 =	vor.u32 $0x2, v6;
	_ =	sdelay $0x2  }
0xad: {  	v10 =	vpop (erf)  }
0xae: {  	[tilespmem:v7+s9+$0x0] =	vst.idx.msk $0xffff, v10  }
0xaf: {  	v7 =	vld.idx.msk [tilespmem:v8+s15+$0x0], $0xffff  }
0xb0: {  	v9 =	vld.idx.msk [tilespmem:v9+s29+$0x0], $0xffff;
	_ =	sdelay $0x5  }
0xb1: {  	v7 =	vadd.f32 v9, v7;
	_ =	sdelay $0x1  }
0xb2: {  	vm0 =	vge.f32 v7, $0.0e+00;
	v9 =	vmul.f32 $2.000000030e-01, v7;
	_ =	sdelay $0x1  }
0xb3: {  	v7 =	vsel vm0, v7, v9  }
0xb4: {  	v7 =	vsub.f32 v7, v3;
	_ =	sdelay $0x1  }
0xb5: {  	v7 =	vmul.f32 $1.442695020e+00, v7;
	_ =	sdelay $0x1  }
0xb6: {  	(erf) = vpow2.f32 v7;
	_ =	sdelay $0x5  }
0xb7: {  	v7 =	vor.u32 $0x3, v6;
	v6 =	vor.u32 $0x7, v6;
	_ =	sdelay $0x2  }
0xb8: {  	v9 =	vpop (erf)  }
0xb9: {  	[tilespmem:v8+s9+$0x0] =	vst.idx.msk $0xffff, v9  }
0xba: {  	v8 =	vld.idx.msk [tilespmem:v7+s15+$0x0], $0xffff  }
0xbb: {  	v6 =	vld.idx.msk [tilespmem:v6+s29+$0x0], $0xffff;
	_ =	sdelay $0x5  }
0xbc: {  	v6 =	vadd.f32 v6, v8;
	_ =	sdelay $0x1  }
0xbd: {  	vm0 =	vge.f32 v6, $0.0e+00;
	v8 =	vmul.f32 $2.000000030e-01, v6;
	_ =	sdelay $0x1  }
0xbe: {  	v6 =	vsel vm0, v6, v8  }
0xbf: {  	v6 =	vsub.f32 v6, v2;
	_ =	sdelay $0x1  }
0xc0: {  	v6 =	vmul.f32 $1.442695020e+00, v6;
	_ =	sdelay $0x1  }
0xc1: {  	(erf) = vpow2.f32 v6;
	_ =	sdelay $0x1  }
.Ltmp1:
0xc2: {  	(pc) =	sbr.rel @p0 .LBB2_5-.Ltmp1, $4  }
0xc3: {  	_ = 	snop  }
0xc4: {  	v6 =	vmov s23  }
0xc5: {  	v6 =	vshll.u32 v6, $0x4  }
0xc6: {  	v6 =	vor.u32 v1, v6  }
0xc7: {  	_ = 	snop  }
0xc8: {  	v8 =	vor.u32 $0x4, v6;
	_ =	sdelay $0x1  }
0xc9: {  	v9 =	vpop (erf)  }
0xca: {  	[tilespmem:v7+s9+$0x0] =	vst.idx.msk $0xffff, v9  }
0xcb: {  	v7 =	vld.idx.msk [tilespmem:v6+s15+$0x0], $0xffff  }
0xcc: {  	v8 =	vld.idx.msk [tilespmem:v8+s29+$0x0], $0xffff;
	_ =	sdelay $0x4  }
0xcd: {  	v7 =	vadd.f32 v8, v7;
	_ =	sdelay $0x1  }
0xce: {  	v8 =	vmul.f32 $2.000000030e-01, v7  }
0xcf: {  	vm0 =	vge.f32 v7, $0.0e+00  }
0xd0: {  	v7 =	vsel vm0, v7, v8  }
0xd1: {  	v7 =	vsub.f32 v7, v5;
	_ =	sdelay $0x1  }
0xd2: {  	v7 =	vmul.f32 $1.442695020e+00, v7;
	_ =	sdelay $0x1  }
0xd3: {  	(erf) = vpow2.f32 v7;
	_ =	sdelay $0x5  }
0xd4: {  	v7 =	vor.u32 $0x1, v6  }
0xd5: {  	v8 =	vor.u32 $0x5, v6;
	_ =	sdelay $0x1  }
0xd6: {  	v9 =	vpop (erf)  }
0xd7: {  	[tilespmem:v6+s9+$0x0] =	vst.idx.msk $0xffff, v9  }
0xd8: {  	v9 =	vld.idx.msk [tilespmem:v7+s15+$0x0], $0xffff  }
0xd9: {  	v8 =	vld.idx.msk [tilespmem:v8+s29+$0x0], $0xffff;
	_ =	sdelay $0x4  }
0xda: {  	v8 =	vadd.f32 v8, v9;
	_ =	sdelay $0x1  }
0xdb: {  	v9 =	vmul.f32 $2.000000030e-01, v8  }
0xdc: {  	vm13 =	vge.f32 v8, $0.0e+00  }
0xdd: {  	v8 =	vsel vm13, v8, v9  }
0xde: {  	v8 =	vsub.f32 v8, v4;
	_ =	sdelay $0x1  }
0xdf: {  	v8 =	vmul.f32 $1.442695020e+00, v8;
	_ =	sdelay $0x1  }
0xe0: {  	(erf) = vpow2.f32 v8;
	_ =	sdelay $0x5  }
0xe1: {  	v8 =	vor.u32 $0x2, v6  }
0xe2: {  	v9 =	vor.u32 $0x6, v6;
	_ =	sdelay $0x1  }
0xe3: {  	v10 =	vpop (erf)  }
0xe4: {  	[tilespmem:v7+s9+$0x0] =	vst.idx.msk $0xffff, v10  }
0xe5: {  	v7 =	vld.idx.msk [tilespmem:v8+s15+$0x0], $0xffff  }
0xe6: {  	v9 =	vld.idx.msk [tilespmem:v9+s29+$0x0], $0xffff;
	_ =	sdelay $0x4  }
0xe7: {  	v7 =	vadd.f32 v9, v7;
	_ =	sdelay $0x1  }
0xe8: {  	v9 =	vmul.f32 $2.000000030e-01, v7  }
0xe9: {  	vm14 =	vge.f32 v7, $0.0e+00  }
0xea: {  	v7 =	vsel vm14, v7, v9  }
0xeb: {  	v7 =	vsub.f32 v7, v3;
	_ =	sdelay $0x1  }
0xec: {  	v7 =	vmul.f32 $1.442695020e+00, v7;
	_ =	sdelay $0x1  }
0xed: {  	(erf) = vpow2.f32 v7;
	_ =	sdelay $0x5  }
0xee: {  	v7 =	vor.u32 $0x3, v6  }
0xef: {  	v6 =	vor.u32 $0x7, v6;
	_ =	sdelay $0x1  }
0xf0: {  	v9 =	vpop (erf)  }
0xf1: {  	[tilespmem:v8+s9+$0x0] =	vst.idx.msk $0xffff, v9  }
0xf2: {  	v8 =	vld.idx.msk [tilespmem:v7+s15+$0x0], $0xffff  }
0xf3: {  	v6 =	vld.idx.msk [tilespmem:v6+s29+$0x0], $0xffff;
	_ =	sdelay $0x4  }
0xf4: {  	v6 =	vadd.f32 v6, v8;
	_ =	sdelay $0x1  }
0xf5: {  	v8 =	vmul.f32 $2.000000030e-01, v6  }
0xf6: {  	vm15 =	vge.f32 v6, $0.0e+00  }
0xf7: {  	v6 =	vsel vm15, v6, v8  }
0xf8: {  	v6 =	vsub.f32 v6, v2;
	_ =	sdelay $0x1  }
0xf9: {  	v6 =	vmul.f32 $1.442695020e+00, v6;
	_ =	sdelay $0x1  }
0xfa: {  	(erf) = vpow2.f32 v6;
	_ =	sdelay $0x8  }
0xfb: {  	v6 =	vpop (erf)  }
0xfc: {  	s15 =	simm.s32 $0x1590;
	[tilespmem:v7+s9+$0x0] =	vst.idx.msk $0xffff, v6  }
0xfd: {  	s18 =	simm.s32 $0x0;
	v13 =	vld [tilespmem:s15+$0xFFFFFFD0]  }
0xfe: {  	v8 =	vld [tilespmem:s18+$0x6550]  }
0xff: {  	v12 =	vld [tilespmem:s15+$0x20]  }
0x100: {  	v14 =	vld [tilespmem:s15+$0xFFFFFFC0]  }
0x101: {  	v17 =	vld [tilespmem:s15+$0xFFFFFFE0]  }
0x102: {  	p0 =	por $0x1, $0x1;
	v6 =	vld [tilespmem:s15+$0xFFFFFFF0]  }
.Ltmp2:
0x103: {  	v7 =	vld [tilespmem:s15+$0x30];
	v15 =	vbroadcast v8, $0x0;
	v11 =	vbroadcast v8, $0x3;
	(pc) =	sbr.rel @!p0 .LBB2_8-.Ltmp2, $4  }
0x104: {  	v10 =	vld [tilespmem:s15+$0x0];
	v9 =	vbroadcast v8, $0x1  }
0x105: {  	v16 =	vmul.f32 v15, v14;
	v14 =	vmul.f32 v12, v11;
	v12 =	vld [tilespmem:s15+$0x10]  }
0x106: {  	v8 =	vbroadcast v8, $0x2  }
0x107: {  	s23 =	simm.s32 $0x1590;
	s18 =	simm.s32 $0x40;
	v15 =	vmul.f32 v13, v15;
	v13 =	vmul.f32 v17, v9  }
.LBB2_7:
0x108: {  	p0 =	sne.s32 s18, $0x13C0  }
0x109: {  	[tilespmem:s15+$0xFFFFFFC0] =	vst v16;
	v10 =	vmul.f32 v10, v8;
	v7 =	vmul.f32 v7, v11;
	s23 =	sadd.s32 $0x80, s23;
	s14 =	smov.u32 s18;
	s18 =	sadd.s32 $0x40, s18  }
0x10a: {  	v9 =	vmul.f32 v6, v9;
	v8 =	vmul.f32 v12, v8;
	[tilespmem:s15+$0x20] =	vst v14  }
0x10b: {  	[tilespmem:s15+$0xFFFFFFD0] =	vst v15  }
0x10c: {  	[tilespmem:s15+$0xFFFFFFE0] =	vst v13  }
0x10d: {  	[tilespmem:s15+$0x30] =	vst v7  }
0x10e: {  	v6 =	vld [tilespmem:s23+$0xFFFFFFF0];
	[tilespmem:s15+$0x10] =	vst v8  }
0x10f: {  	v13 =	vld [tilespmem:s23+$0xFFFFFFD0];
	[tilespmem:s15+$0xFFFFFFF0] =	vst v9  }
0x110: {  	s14 =	sshra.s32 s14, $0x2;
	v14 =	vld [tilespmem:s23+$0x20];
	[tilespmem:s15+$0x0] =	vst v10;
	s15 =	smov.u32 s23  }
0x111: {  	v8 =	vld [tilespmem:s14+$0x6550]  }
0x112: {  	v7 =	vld [tilespmem:s23+$0x30]  }
0x113: {  	v15 =	vld [tilespmem:s23+$0xFFFFFFC0]  }
0x114: {  	v17 =	vld [tilespmem:s23+$0xFFFFFFE0]  }
.Ltmp3:
0x115: {  	v10 =	vld [tilespmem:s23+$0x0];
	(pc) =	sbr.rel @p0 .LBB2_7-.Ltmp3, $4  }
0x116: {  	v18 =	vbroadcast v8, $0x0;
	v12 =	vld [tilespmem:s23+$0x10];
	v11 =	vbroadcast v8, $0x3  }
0x117: {  	v9 =	vbroadcast v8, $0x1;
	v8 =	vbroadcast v8, $0x2  }
0x118: {  	v16 =	vmul.f32 v18, v15;
	v14 =	vmul.f32 v14, v11  }
0x119: {  	v15 =	vmul.f32 v13, v18;
	v13 =	vmul.f32 v17, v9  }
.LBB2_8:
0x11a: {  	[tilespmem:s15+$0xFFFFFFC0] =	vst v16  }
0x11b: {  	[tilespmem:s15+$0x20] =	vst v14  }
0x11c: {  	v7 =	vmul.f32 v7, v11;
	[tilespmem:s15+$0xFFFFFFD0] =	vst v15  }
0x11d: {  	v6 =	vmul.f32 v6, v9;
	[tilespmem:s15+$0xFFFFFFE0] =	vst v13  }
0x11e: {  	v59 =	vmul.f32 v12, v8;
	[tilespmem:s15+$0x30] =	vst v7  }
0x11f: {  	v7 =	vmul.f32 v10, v8;
	[tilespmem:s15+$0xFFFFFFF0] =	vst v6  }
0x120: {  	[tilespmem:s15+$0x10] =	vst v59  }
0x121: {  	[tilespmem:s15+$0x0] =	vst v7  }
0x122: {  	[spmem:s2] =	stream.indirect.scatter.add.f32 [tilespmem:s28], [sflag:$0x3], $0x80, s25, s26, $0xb8;
	[tilespmem:$0x1CEE0] =	vst v63  }
0x123: {  	_ = 	snop  }
0x124: {  	[spmem:s4] =	stream.indirect.scatter.add.f32 [tilespmem:s9], [sflag:$0x3], $0x10, s25, s26, $0xb8;
	[tilespmem:$0x1CEE0] =	vst v63  }
0x125: {  	_ =	swait.ge [sflag:s10], $0x2800  }
0x126: {  	[sflag:s10] =	ssyncset.done $0x0  }
0x127: {  	[sflag:s10] =	ssyncadd.s32 $0xFFFFD800  }
0x128: {  	s13 =	sadd.s32 s13, s17;
	_ =	swait.ge [sflag:s10], $0x500  }
0x129: {  	s13 =	sshrl.u32 s13, $0x3;
	[sflag:s10] =	ssyncset.done $0x0  }
0x12a: {  	s18 =	simm.s32 $0x0;
	s14 =	sadd.s32 s6, s13;
	[sflag:s10] =	ssyncadd.s32 $0xFFFFFB00  }
0x12b: {  	[tilespmem:s24], [sflag:$0x5] =	stream.linear.gather [hbm4b:s14+s18], $0x50, $0x38;
	[tilespmem:$0x1CEE0] =	vst v63  }
0x12c: {  	_ =	swait.ge [sflag:s22], $0x50  }
0x12d: {  	[sflag:s22] =	ssyncset.done $0x0  }
0x12e: {  	s13 =	sadd.s32 s7, s13;
	[sflag:s22] =	ssyncadd.s32 $0xFFFFFFB0  }
0x12f: {  	[tilespmem:s25], [sflag:$0x5] =	stream.linear.gather [hbm4b:s13+s18], $0x50, $0x38;
	[tilespmem:$0x1CEE0] =	vst v63  }
0x130: {  	_ =	swait.ge [sflag:s22], $0x50  }
0x131: {  	[sflag:s22] =	ssyncset.done $0x0  }
0x132: {  	[sflag:s22] =	ssyncadd.s32 $0xFFFFFFB0  }
0x133: {  	[tilespmem:s28], [sflag:$0x1] =	stream.indirect.gather [hbm4b:s1+s26], $0x80, s24, s26, $0xb8;
	[tilespmem:$0x1CEE0] =	vst v63  }
0x134: {  	_ = 	snop  }
0x135: {  	[tilespmem:s18], [sflag:$0x1] =	stream.indirect.gather [hbm4b:s8+s26], $0x10, s24, s26, $0xb8;
	[tilespmem:$0x1CEE0] =	vst v63  }
0x136: {  	_ = 	snop  }
0x137: {  	[tilespmem:s29], [sflag:$0x1] =	stream.indirect.gather [hbm4b:s8+s26], $0x10, s25, s26, $0xb8;
	[tilespmem:$0x1CEE0] =	vst v63  }
0x138: {  	_ =	swait.ge [sflag:s11], $0x2800  }
0x139: {  	[sflag:s11] =	ssyncset.done $0x0  }
0x13a: {  	v6 =	vmov s18;
	[sflag:s11] =	ssyncadd.s32 $0xFFFFD800  }
0x13b: {  	v6 =	vshll.u32 v6, $0x4;
	_ =	swait.ge [sflag:s11], $0x500  }
0x13c: {  	v6 =	vor.u32 v1, v6;
	[sflag:s11] =	ssyncset.done $0x0  }
0x13d: {  	v7 =	vor.u32 $0x4, v6;
	[sflag:s11] =	ssyncadd.s32 $0xFFFFFB00  }
0x13e: {  	_ =	swait.ge [sflag:s11], $0x500  }
0x13f: {  	[sflag:s11] =	ssyncset.done $0x0  }
0x140: {  	[sflag:s11] =	ssyncadd.s32 $0xFFFFFB00  }
0x141: {  	v8 =	vld.idx.msk [tilespmem:v6+s3+$0x0], $0xffff  }
0x142: {  	v7 =	vld.idx.msk [tilespmem:v7+s5+$0x0], $0xffff;
	_ =	sdelay $0x4  }
0x143: {  	v7 =	vadd.f32 v7, v8;
	_ =	sdelay $0x1  }
0x144: {  	v8 =	vmul.f32 $2.000000030e-01, v7  }
0x145: {  	vm0 =	vge.f32 v7, $0.0e+00  }
0x146: {  	v7 =	vsel vm0, v7, v8  }
0x147: {  	v7 =	vsub.f32 v7, v5;
	_ =	sdelay $0x1  }
0x148: {  	v7 =	vmul.f32 $1.442695020e+00, v7;
	_ =	sdelay $0x1  }
0x149: {  	(erf) = vpow2.f32 v7;
	_ =	sdelay $0x5  }
0x14a: {  	v7 =	vor.u32 $0x1, v6  }
0x14b: {  	v8 =	vor.u32 $0x5, v6;
	_ =	sdelay $0x1  }
0x14c: {  	v60 =	vpop (erf)  }
0x14d: {  	[tilespmem:v6+s12+$0x0] =	vst.idx.msk $0xffff, v60  }
0x14e: {  	v9 =	vld.idx.msk [tilespmem:v7+s3+$0x0], $0xffff  }
0x14f: {  	v8 =	vld.idx.msk [tilespmem:v8+s5+$0x0], $0xffff;
	_ =	sdelay $0x4  }
0x150: {  	v8 =	vadd.f32 v8, v9;
	_ =	sdelay $0x1  }
0x151: {  	v9 =	vmul.f32 $2.000000030e-01, v8  }
0x152: {  	vm13 =	vge.f32 v8, $0.0e+00  }
0x153: {  	v8 =	vsel vm13, v8, v9  }
0x154: {  	v8 =	vsub.f32 v8, v4;
	_ =	sdelay $0x1  }
0x155: {  	v8 =	vmul.f32 $1.442695020e+00, v8;
	_ =	sdelay $0x1  }
0x156: {  	(erf) = vpow2.f32 v8;
	_ =	sdelay $0x5  }
0x157: {  	v8 =	vor.u32 $0x2, v6  }
0x158: {  	v61 =	vor.u32 $0x6, v6;
	_ =	sdelay $0x1  }
0x159: {  	v62 =	vpop (erf)  }
0x15a: {  	[tilespmem:v7+s12+$0x0] =	vst.idx.msk $0xffff, v62  }
0x15b: {  	v7 =	vld.idx.msk [tilespmem:v8+s3+$0x0], $0xffff  }
0x15c: {  	v9 =	vld.idx.msk [tilespmem:v61+s5+$0x0], $0xffff;
	_ =	sdelay $0x4  }
0x15d: {  	v7 =	vadd.f32 v9, v7;
	_ =	sdelay $0x1  }
0x15e: {  	v9 =	vmul.f32 $2.000000030e-01, v7  }
0x15f: {  	vm14 =	vge.f32 v7, $0.0e+00  }
0x160: {  	v7 =	vsel vm14, v7, v9  }
0x161: {  	v7 =	vsub.f32 v7, v3;
	_ =	sdelay $0x1  }
0x162: {  	v7 =	vmul.f32 $1.442695020e+00, v7;
	_ =	sdelay $0x1  }
0x163: {  	(erf) = vpow2.f32 v7;
	_ =	sdelay $0x5  }
0x164: {  	v7 =	vor.u32 $0x3, v6  }
0x165: {  	v6 =	vor.u32 $0x7, v6;
	_ =	sdelay $0x1  }
0x166: {  	v63 =	vpop (erf)  }
0x167: {  	[tilespmem:v8+s12+$0x0] =	vst.idx.msk $0xffff, v63  }
0x168: {  	v8 =	vld.idx.msk [tilespmem:v7+s3+$0x0], $0xffff  }
0x169: {  	v6 =	vld.idx.msk [tilespmem:v6+s5+$0x0], $0xffff;
	_ =	sdelay $0x4  }
0x16a: {  	v6 =	vadd.f32 v6, v8;
	_ =	sdelay $0x1  }
0x16b: {  	v8 =	vmul.f32 $2.000000030e-01, v6  }
0x16c: {  	vm15 =	vge.f32 v6, $0.0e+00  }
0x16d: {  	v6 =	vsel vm15, v6, v8  }
0x16e: {  	v6 =	vsub.f32 v6, v2;
	_ =	sdelay $0x1  }
0x16f: {  	v6 =	vmul.f32 $1.442695020e+00, v6;
	_ =	sdelay $0x1  }
0x170: {  	(erf) = vpow2.f32 v6;
	_ =	sdelay $0x2  }
0x171: {  	s23 =	simm.s32 $0x10  }
0x172: {  	v8 =	vmov s23  }
0x173: {  	v8 =	vshll.u32 v8, $0x4  }
0x174: {  	s13 =	simm.s32 $0x20;
	v6 =	vor.u32 v1, v8  }
.LBB2_9:
0x175: {  	p0 =	sne.s32 s13, $0x40;
	v8 =	vor.u32 $0x4, v6;
	s15 =	smov.u32 s13;
	s13 =	sadd.s32 $0x10, s13  }
0x176: {  	_ = 	snop  }
0x177: {  	v9 =	vpop (erf)  }
0x178: {  	[tilespmem:v7+s12+$0x0] =	vst.idx.msk $0xffff, v9  }
0x179: {  	v7 =	vld.idx.msk [tilespmem:v6+s3+$0x0], $0xffff  }
0x17a: {  	v8 =	vld.idx.msk [tilespmem:v8+s5+$0x0], $0xffff;
	_ =	sdelay $0x5  }
0x17b: {  	v7 =	vadd.f32 v8, v7;
	_ =	sdelay $0x1  }
0x17c: {  	v8 =	vmul.f32 $2.000000030e-01, v7  }
0x17d: {  	vm0 =	vge.f32 v7, $0.0e+00  }
0x17e: {  	v7 =	vsel vm0, v7, v8  }
0x17f: {  	v7 =	vsub.f32 v7, v5;
	_ =	sdelay $0x1  }
0x180: {  	v7 =	vmul.f32 $1.442695020e+00, v7;
	_ =	sdelay $0x1  }
0x181: {  	(erf) = vpow2.f32 v7;
	_ =	sdelay $0x5  }
0x182: {  	v8 =	vor.u32 $0x5, v6;
	v7 =	vor.u32 $0x1, v6;
	_ =	sdelay $0x2  }
0x183: {  	v9 =	vpop (erf)  }
0x184: {  	[tilespmem:v6+s12+$0x0] =	vst.idx.msk $0xffff, v9  }
0x185: {  	v9 =	vld.idx.msk [tilespmem:v7+s3+$0x0], $0xffff  }
0x186: {  	v8 =	vld.idx.msk [tilespmem:v8+s5+$0x0], $0xffff;
	_ =	sdelay $0x5  }
0x187: {  	v8 =	vadd.f32 v8, v9;
	_ =	sdelay $0x1  }
0x188: {  	vm0 =	vge.f32 v8, $0.0e+00;
	v9 =	vmul.f32 $2.000000030e-01, v8;
	_ =	sdelay $0x1  }
0x189: {  	v8 =	vsel vm0, v8, v9  }
0x18a: {  	v8 =	vsub.f32 v8, v4;
	_ =	sdelay $0x1  }
0x18b: {  	v8 =	vmul.f32 $1.442695020e+00, v8;
	_ =	sdelay $0x1  }
0x18c: {  	(erf) = vpow2.f32 v8;
	_ =	sdelay $0x5  }
0x18d: {  	v9 =	vor.u32 $0x6, v6;
	v8 =	vor.u32 $0x2, v6;
	_ =	sdelay $0x2  }
0x18e: {  	v10 =	vpop (erf)  }
0x18f: {  	[tilespmem:v7+s12+$0x0] =	vst.idx.msk $0xffff, v10  }
0x190: {  	v7 =	vld.idx.msk [tilespmem:v8+s3+$0x0], $0xffff  }
0x191: {  	v9 =	vld.idx.msk [tilespmem:v9+s5+$0x0], $0xffff;
	_ =	sdelay $0x5  }
0x192: {  	v7 =	vadd.f32 v9, v7;
	_ =	sdelay $0x1  }
0x193: {  	vm0 =	vge.f32 v7, $0.0e+00;
	v9 =	vmul.f32 $2.000000030e-01, v7;
	_ =	sdelay $0x1  }
0x194: {  	v7 =	vsel vm0, v7, v9  }
0x195: {  	v7 =	vsub.f32 v7, v3;
	_ =	sdelay $0x1  }
0x196: {  	v7 =	vmul.f32 $1.442695020e+00, v7;
	_ =	sdelay $0x1  }
0x197: {  	(erf) = vpow2.f32 v7;
	_ =	sdelay $0x5  }
0x198: {  	v7 =	vor.u32 $0x3, v6;
	v6 =	vor.u32 $0x7, v6;
	_ =	sdelay $0x2  }
0x199: {  	v9 =	vpop (erf)  }
0x19a: {  	[tilespmem:v8+s12+$0x0] =	vst.idx.msk $0xffff, v9  }
0x19b: {  	v8 =	vld.idx.msk [tilespmem:v7+s3+$0x0], $0xffff  }
0x19c: {  	v6 =	vld.idx.msk [tilespmem:v6+s5+$0x0], $0xffff;
	_ =	sdelay $0x5  }
0x19d: {  	v6 =	vadd.f32 v6, v8;
	_ =	sdelay $0x1  }
0x19e: {  	vm0 =	vge.f32 v6, $0.0e+00;
	v8 =	vmul.f32 $2.000000030e-01, v6;
	_ =	sdelay $0x1  }
0x19f: {  	v6 =	vsel vm0, v6, v8  }
0x1a0: {  	v6 =	vsub.f32 v6, v2;
	_ =	sdelay $0x1  }
0x1a1: {  	v6 =	vmul.f32 $1.442695020e+00, v6;
	_ =	sdelay $0x1  }
0x1a2: {  	(erf) = vpow2.f32 v6;
	_ =	sdelay $0x1  }
.Ltmp4:
0x1a3: {  	(pc) =	sbr.rel @p0 .LBB2_9-.Ltmp4, $4  }
0x1a4: {  	_ = 	snop  }
0x1a5: {  	v6 =	vmov s15  }
0x1a6: {  	v6 =	vshll.u32 v6, $0x4  }
0x1a7: {  	v6 =	vor.u32 v1, v6  }
0x1a8: {  	_ = 	snop  }
0x1a9: {  	v8 =	vor.u32 $0x4, v6;
	_ =	sdelay $0x1  }
0x1aa: {  	v9 =	vpop (erf)  }
0x1ab: {  	[tilespmem:v7+s12+$0x0] =	vst.idx.msk $0xffff, v9  }
0x1ac: {  	v7 =	vld.idx.msk [tilespmem:v6+s3+$0x0], $0xffff  }
0x1ad: {  	v8 =	vld.idx.msk [tilespmem:v8+s5+$0x0], $0xffff;
	_ =	sdelay $0x4  }
0x1ae: {  	v7 =	vadd.f32 v8, v7;
	_ =	sdelay $0x1  }
0x1af: {  	v8 =	vmul.f32 $2.000000030e-01, v7  }
0x1b0: {  	vm0 =	vge.f32 v7, $0.0e+00  }
0x1b1: {  	v7 =	vsel vm0, v7, v8  }
0x1b2: {  	v7 =	vsub.f32 v7, v5;
	_ =	sdelay $0x1  }
0x1b3: {  	v7 =	vmul.f32 $1.442695020e+00, v7;
	_ =	sdelay $0x1  }
0x1b4: {  	(erf) = vpow2.f32 v7;
	_ =	sdelay $0x5  }
0x1b5: {  	v7 =	vor.u32 $0x1, v6  }
0x1b6: {  	v8 =	vor.u32 $0x5, v6;
	_ =	sdelay $0x1  }
0x1b7: {  	v9 =	vpop (erf)  }
0x1b8: {  	[tilespmem:v6+s12+$0x0] =	vst.idx.msk $0xffff, v9  }
0x1b9: {  	v9 =	vld.idx.msk [tilespmem:v7+s3+$0x0], $0xffff  }
0x1ba: {  	v8 =	vld.idx.msk [tilespmem:v8+s5+$0x0], $0xffff;
	_ =	sdelay $0x4  }
0x1bb: {  	v8 =	vadd.f32 v8, v9;
	_ =	sdelay $0x1  }
0x1bc: {  	v9 =	vmul.f32 $2.000000030e-01, v8  }
0x1bd: {  	vm13 =	vge.f32 v8, $0.0e+00  }
0x1be: {  	v8 =	vsel vm13, v8, v9  }
0x1bf: {  	v8 =	vsub.f32 v8, v4;
	_ =	sdelay $0x1  }
0x1c0: {  	v8 =	vmul.f32 $1.442695020e+00, v8;
	_ =	sdelay $0x1  }
0x1c1: {  	(erf) = vpow2.f32 v8;
	_ =	sdelay $0x5  }
0x1c2: {  	v8 =	vor.u32 $0x2, v6  }
0x1c3: {  	v9 =	vor.u32 $0x6, v6;
	_ =	sdelay $0x1  }
0x1c4: {  	v10 =	vpop (erf)  }
0x1c5: {  	[tilespmem:v7+s12+$0x0] =	vst.idx.msk $0xffff, v10  }
0x1c6: {  	v7 =	vld.idx.msk [tilespmem:v8+s3+$0x0], $0xffff  }
0x1c7: {  	v9 =	vld.idx.msk [tilespmem:v9+s5+$0x0], $0xffff;
	_ =	sdelay $0x4  }
0x1c8: {  	v7 =	vadd.f32 v9, v7;
	_ =	sdelay $0x1  }
0x1c9: {  	v9 =	vmul.f32 $2.000000030e-01, v7  }
0x1ca: {  	vm14 =	vge.f32 v7, $0.0e+00  }
0x1cb: {  	v7 =	vsel vm14, v7, v9  }
0x1cc: {  	v7 =	vsub.f32 v7, v3;
	_ =	sdelay $0x1  }
0x1cd: {  	v7 =	vmul.f32 $1.442695020e+00, v7;
	_ =	sdelay $0x1  }
0x1ce: {  	(erf) = vpow2.f32 v7;
	_ =	sdelay $0x5  }
0x1cf: {  	v7 =	vor.u32 $0x3, v6  }
0x1d0: {  	v6 =	vor.u32 $0x7, v6;
	_ =	sdelay $0x1  }
0x1d1: {  	v9 =	vpop (erf)  }
0x1d2: {  	[tilespmem:v8+s12+$0x0] =	vst.idx.msk $0xffff, v9  }
0x1d3: {  	v8 =	vld.idx.msk [tilespmem:v7+s3+$0x0], $0xffff  }
0x1d4: {  	v6 =	vld.idx.msk [tilespmem:v6+s5+$0x0], $0xffff;
	_ =	sdelay $0x4  }
0x1d5: {  	v6 =	vadd.f32 v6, v8;
	_ =	sdelay $0x1  }
0x1d6: {  	v8 =	vmul.f32 $2.000000030e-01, v6  }
0x1d7: {  	vm15 =	vge.f32 v6, $0.0e+00  }
0x1d8: {  	v6 =	vsel vm15, v6, v8  }
0x1d9: {  	v6 =	vsub.f32 v6, v2;
	_ =	sdelay $0x1  }
0x1da: {  	v6 =	vmul.f32 $1.442695020e+00, v6;
	_ =	sdelay $0x1  }
0x1db: {  	(erf) = vpow2.f32 v6;
	_ =	sdelay $0x8  }
0x1dc: {  	v6 =	vpop (erf)  }
0x1dd: {  	s13 =	simm.s32 $0x3DC0;
	[tilespmem:v7+s12+$0x0] =	vst.idx.msk $0xffff, v6  }
0x1de: {  	v6 =	vld [tilespmem:s13+$0xFFFFFFF0]  }
0x1df: {  	v7 =	vld [tilespmem:s13+$0xFFFFFFE0]  }
0x1e0: {  	s23 =	simm.s32 $0x0;
	s18 =	simm.s32 $0x40;
	s15 =	simm.s32 $0x3DC0;
	v8 =	vld [tilespmem:s13+$0xFFFFFFC0]  }
.LBB2_11:
0x1e1: {  	p0 =	sne.s32 s18, $0x13C0;
	v9 =	vld [tilespmem:s23+$0x6A50]  }
0x1e2: {  	v10 =	vld [tilespmem:s13+$0xFFFFFFA0]  }
0x1e3: {  	v11 =	vld [tilespmem:s13+$0xFFFFFF90]  }
0x1e4: {  	v12 =	vld [tilespmem:s13+$0xFFFFFFB0]  }
0x1e5: {  	v13 =	vld [tilespmem:s13+$0xFFFFFFD0]  }
0x1e6: {  	v14 =	vbroadcast v9, $0x0;
	v15 =	vbroadcast v9, $0x1;
	v16 =	vld [tilespmem:s13+$0x0]  }
0x1e7: {  	v17 =	vbroadcast v9, $0x2;
	v9 =	vbroadcast v9, $0x3  }
0x1e8: {  	v11 =	vmul.f32 v14, v11;
	v10 =	vmul.f32 v10, v14  }
0x1e9: {  	v8 =	vmul.f32 v8, v15;
	v12 =	vmul.f32 v12, v15  }
0x1ea: {  	v7 =	vmul.f32 v7, v17;
	[tilespmem:s13+$0xFFFFFF90] =	vst v11;
	v11 =	vmul.f32 v13, v17  }
0x1eb: {  	[tilespmem:s13+$0xFFFFFFA0] =	vst v10;
	v10 =	vmul.f32 v6, v9;
	v9 =	vmul.f32 v16, v9  }
0x1ec: {  	[tilespmem:s13+$0xFFFFFFB0] =	vst v12  }
.Ltmp5:
0x1ed: {  	[tilespmem:s13+$0xFFFFFFC0] =	vst v8;
	(pc) =	sbr.rel @p0 .LBB2_11-.Ltmp5, $4  }
0x1ee: {  	s13 =	sadd.s32 $0x80, s13;
	[tilespmem:s15+$0xFFFFFFD0] =	vst v11  }
0x1ef: {  	v6 =	vld [tilespmem:s13+$0xFFFFFFF0];
	[tilespmem:s15+$0xFFFFFFE0] =	vst v7  }
0x1f0: {  	v7 =	vld [tilespmem:s13+$0xFFFFFFE0];
	[tilespmem:s15+$0xFFFFFFF0] =	vst v10  }
0x1f1: {  	s23 =	sshra.s32 s18, $0x2;
	s18 =	sadd.s32 $0x40, s18;
	v8 =	vld [tilespmem:s13+$0xFFFFFFC0];
	[tilespmem:s15+$0x0] =	vst v9;
	s15 =	smov.u32 s13  }
0x1f2: {  	v9 =	vld [tilespmem:s23+$0x6A50];
	_ =	sdelay $0x1  }
0x1f3: {  	v10 =	vld [tilespmem:s13+$0xFFFFFF90]  }
0x1f4: {  	v11 =	vld [tilespmem:s13+$0xFFFFFFA0]  }
0x1f5: {  	v12 =	vld [tilespmem:s13+$0xFFFFFFB0]  }
0x1f6: {  	v13 =	vbroadcast v9, $0x0  }
0x1f7: {  	v61 =	vld [tilespmem:s13+$0x0]  }
0x1f8: {  	v14 =	vld [tilespmem:s13+$0xFFFFFFD0];
	v15 =	vbroadcast v9, $0x1;
	v10 =	vmul.f32 v13, v10  }
0x1f9: {  	v16 =	vbroadcast v9, $0x2;
	v11 =	vmul.f32 v11, v13  }
0x1fa: {  	v9 =	vbroadcast v9, $0x3;
	v12 =	vmul.f32 v12, v15;
	[tilespmem:s13+$0xFFFFFF90] =	vst v10  }
0x1fb: {  	v8 =	vmul.f32 v8, v15;
	[tilespmem:s13+$0xFFFFFFA0] =	vst v11  }
0x1fc: {  	v63 =	vmul.f32 v61, v9;
	[tilespmem:s13+$0xFFFFFFB0] =	vst v12  }
0x1fd: {  	v62 =	vmul.f32 v14, v16;
	[tilespmem:s13+$0xFFFFFFC0] =	vst v8  }
0x1fe: {  	s20 =	sadd.s32 $0x1, s20;
	v7 =	vmul.f32 v7, v16;
	[tilespmem:s15+$0x0] =	vst v63  }
0x1ff: {  	p0 =	sne.s32 s20, $0x3E;
	v6 =	vmul.f32 v6, v9;
	[tilespmem:s15+$0xFFFFFFD0] =	vst v62  }
.Ltmp6:
0x200: {  	[tilespmem:s15+$0xFFFFFFE0] =	vst v7;
	(pc) =	sbr.rel @p0 .LBB2_4-.Ltmp6, $4  }
0x201: {  	[tilespmem:s15+$0xFFFFFFF0] =	vst v6  }
0x202: {  	[spmem:s2] =	stream.indirect.scatter.add.f32 [tilespmem:s0], [sflag:$0x4], $0x80, s31, s26, $0xb8;
	[tilespmem:$0x1CEE0] =	vst v63  }
0x203: {  	_ = 	snop  }
0x204: {  	[spmem:s4] =	stream.indirect.scatter.add.f32 [tilespmem:s12], [sflag:$0x4], $0x10, s31, s26, $0xb8;
	[tilespmem:$0x1CEE0] =	vst v63  }
0x205: {  	_ =	swait.ge [sflag:s21], $0x2800  }
0x206: {  	s13 =	simm.s32 $0x0;
	[sflag:s21] =	ssyncset.done $0x0  }
0x207: {  	v6 =	vmov s13;
	[sflag:s21] =	ssyncadd.s32 $0xFFFFD800  }
0x208: {  	v6 =	vshll.u32 v6, $0x4;
	_ =	swait.ge [sflag:s21], $0x500  }
0x209: {  	v6 =	vor.u32 v1, v6;
	[sflag:s21] =	ssyncset.done $0x0  }
0x20a: {  	v7 =	vor.u32 $0x4, v6;
	[sflag:s21] =	ssyncadd.s32 $0xFFFFFB00  }
0x20b: {  	_ =	swait.ge [sflag:s21], $0x500  }
0x20c: {  	[sflag:s21] =	ssyncset.done $0x0  }
0x20d: {  	[sflag:s21] =	ssyncadd.s32 $0xFFFFFB00  }
0x20e: {  	v8 =	vld.idx.msk [tilespmem:v6+s13+$0x0], $0xffff  }
0x20f: {  	v7 =	vld.idx.msk [tilespmem:v7+s29+$0x0], $0xffff;
	_ =	sdelay $0x4  }
0x210: {  	v7 =	vadd.f32 v7, v8;
	_ =	sdelay $0x1  }
0x211: {  	v8 =	vmul.f32 $2.000000030e-01, v7  }
0x212: {  	vm0 =	vge.f32 v7, $0.0e+00  }
0x213: {  	v7 =	vsel vm0, v7, v8  }
0x214: {  	v7 =	vsub.f32 v7, v5;
	_ =	sdelay $0x1  }
0x215: {  	v7 =	vmul.f32 $1.442695020e+00, v7;
	_ =	sdelay $0x1  }
0x216: {  	(erf) = vpow2.f32 v7;
	_ =	sdelay $0x5  }
0x217: {  	v7 =	vor.u32 $0x1, v6  }
0x218: {  	v8 =	vor.u32 $0x5, v6;
	_ =	sdelay $0x1  }
0x219: {  	v9 =	vpop (erf)  }
0x21a: {  	[tilespmem:v6+s9+$0x0] =	vst.idx.msk $0xffff, v9  }
0x21b: {  	v9 =	vld.idx.msk [tilespmem:v7+s13+$0x0], $0xffff  }
0x21c: {  	v8 =	vld.idx.msk [tilespmem:v8+s29+$0x0], $0xffff;
	_ =	sdelay $0x4  }
0x21d: {  	v8 =	vadd.f32 v8, v9;
	_ =	sdelay $0x1  }
0x21e: {  	v9 =	vmul.f32 $2.000000030e-01, v8  }
0x21f: {  	vm13 =	vge.f32 v8, $0.0e+00  }
0x220: {  	v8 =	vsel vm13, v8, v9  }
0x221: {  	v8 =	vsub.f32 v8, v4;
	_ =	sdelay $0x1  }
0x222: {  	v8 =	vmul.f32 $1.442695020e+00, v8;
	_ =	sdelay $0x1  }
0x223: {  	(erf) = vpow2.f32 v8;
	_ =	sdelay $0x5  }
0x224: {  	v8 =	vor.u32 $0x2, v6  }
0x225: {  	v62 =	vor.u32 $0x6, v6;
	_ =	sdelay $0x1  }
0x226: {  	v10 =	vpop (erf)  }
0x227: {  	[tilespmem:v7+s9+$0x0] =	vst.idx.msk $0xffff, v10  }
0x228: {  	v7 =	vld.idx.msk [tilespmem:v8+s13+$0x0], $0xffff  }
0x229: {  	v9 =	vld.idx.msk [tilespmem:v62+s29+$0x0], $0xffff;
	_ =	sdelay $0x4  }
0x22a: {  	v7 =	vadd.f32 v9, v7;
	_ =	sdelay $0x1  }
0x22b: {  	v9 =	vmul.f32 $2.000000030e-01, v7  }
0x22c: {  	vm14 =	vge.f32 v7, $0.0e+00  }
0x22d: {  	v7 =	vsel vm14, v7, v9  }
0x22e: {  	v7 =	vsub.f32 v7, v3;
	_ =	sdelay $0x1  }
0x22f: {  	v7 =	vmul.f32 $1.442695020e+00, v7;
	_ =	sdelay $0x1  }
0x230: {  	(erf) = vpow2.f32 v7;
	_ =	sdelay $0x5  }
0x231: {  	v7 =	vor.u32 $0x3, v6  }
0x232: {  	v6 =	vor.u32 $0x7, v6;
	_ =	sdelay $0x1  }
0x233: {  	v63 =	vpop (erf)  }
0x234: {  	[tilespmem:v8+s9+$0x0] =	vst.idx.msk $0xffff, v63  }
0x235: {  	v8 =	vld.idx.msk [tilespmem:v7+s13+$0x0], $0xffff  }
0x236: {  	v6 =	vld.idx.msk [tilespmem:v6+s29+$0x0], $0xffff;
	_ =	sdelay $0x4  }
0x237: {  	v6 =	vadd.f32 v6, v8;
	_ =	sdelay $0x1  }
0x238: {  	v8 =	vmul.f32 $2.000000030e-01, v6  }
0x239: {  	vm15 =	vge.f32 v6, $0.0e+00  }
0x23a: {  	v6 =	vsel vm15, v6, v8  }
0x23b: {  	v6 =	vsub.f32 v6, v2;
	_ =	sdelay $0x1  }
0x23c: {  	v6 =	vmul.f32 $1.442695020e+00, v6;
	_ =	sdelay $0x1  }
0x23d: {  	(erf) = vpow2.f32 v6;
	_ =	sdelay $0x2  }
0x23e: {  	s14 =	simm.s32 $0x10  }
0x23f: {  	v8 =	vmov s14  }
0x240: {  	v8 =	vshll.u32 v8, $0x4  }
0x241: {  	s15 =	simm.s32 $0x20;
	v6 =	vor.u32 v1, v8  }
.LBB2_14:
0x242: {  	p0 =	sne.s32 s15, $0x40;
	v8 =	vor.u32 $0x4, v6;
	s18 =	smov.u32 s15;
	s15 =	sadd.s32 $0x10, s15  }
0x243: {  	_ = 	snop  }
0x244: {  	v9 =	vpop (erf)  }
0x245: {  	[tilespmem:v7+s9+$0x0] =	vst.idx.msk $0xffff, v9  }
0x246: {  	v7 =	vld.idx.msk [tilespmem:v6+s13+$0x0], $0xffff  }
0x247: {  	v8 =	vld.idx.msk [tilespmem:v8+s29+$0x0], $0xffff;
	_ =	sdelay $0x5  }
0x248: {  	v7 =	vadd.f32 v8, v7;
	_ =	sdelay $0x1  }
0x249: {  	v8 =	vmul.f32 $2.000000030e-01, v7  }
0x24a: {  	vm0 =	vge.f32 v7, $0.0e+00  }
0x24b: {  	v7 =	vsel vm0, v7, v8  }
0x24c: {  	v7 =	vsub.f32 v7, v5;
	_ =	sdelay $0x1  }
0x24d: {  	v7 =	vmul.f32 $1.442695020e+00, v7;
	_ =	sdelay $0x1  }
0x24e: {  	(erf) = vpow2.f32 v7;
	_ =	sdelay $0x5  }
0x24f: {  	v8 =	vor.u32 $0x5, v6;
	v7 =	vor.u32 $0x1, v6;
	_ =	sdelay $0x2  }
0x250: {  	v9 =	vpop (erf)  }
0x251: {  	[tilespmem:v6+s9+$0x0] =	vst.idx.msk $0xffff, v9  }
0x252: {  	v9 =	vld.idx.msk [tilespmem:v7+s13+$0x0], $0xffff  }
0x253: {  	v8 =	vld.idx.msk [tilespmem:v8+s29+$0x0], $0xffff;
	_ =	sdelay $0x5  }
0x254: {  	v8 =	vadd.f32 v8, v9;
	_ =	sdelay $0x1  }
0x255: {  	vm0 =	vge.f32 v8, $0.0e+00;
	v9 =	vmul.f32 $2.000000030e-01, v8;
	_ =	sdelay $0x1  }
0x256: {  	v8 =	vsel vm0, v8, v9  }
0x257: {  	v8 =	vsub.f32 v8, v4;
	_ =	sdelay $0x1  }
0x258: {  	v8 =	vmul.f32 $1.442695020e+00, v8;
	_ =	sdelay $0x1  }
0x259: {  	(erf) = vpow2.f32 v8;
	_ =	sdelay $0x5  }
0x25a: {  	v9 =	vor.u32 $0x6, v6;
	v8 =	vor.u32 $0x2, v6;
	_ =	sdelay $0x2  }
0x25b: {  	v10 =	vpop (erf)  }
0x25c: {  	[tilespmem:v7+s9+$0x0] =	vst.idx.msk $0xffff, v10  }
0x25d: {  	v7 =	vld.idx.msk [tilespmem:v8+s13+$0x0], $0xffff  }
0x25e: {  	v9 =	vld.idx.msk [tilespmem:v9+s29+$0x0], $0xffff;
	_ =	sdelay $0x5  }
0x25f: {  	v7 =	vadd.f32 v9, v7;
	_ =	sdelay $0x1  }
0x260: {  	vm0 =	vge.f32 v7, $0.0e+00;
	v9 =	vmul.f32 $2.000000030e-01, v7;
	_ =	sdelay $0x1  }
0x261: {  	v7 =	vsel vm0, v7, v9  }
0x262: {  	v7 =	vsub.f32 v7, v3;
	_ =	sdelay $0x1  }
0x263: {  	v7 =	vmul.f32 $1.442695020e+00, v7;
	_ =	sdelay $0x1  }
0x264: {  	(erf) = vpow2.f32 v7;
	_ =	sdelay $0x5  }
0x265: {  	v7 =	vor.u32 $0x3, v6;
	v6 =	vor.u32 $0x7, v6;
	_ =	sdelay $0x2  }
0x266: {  	v9 =	vpop (erf)  }
0x267: {  	[tilespmem:v8+s9+$0x0] =	vst.idx.msk $0xffff, v9  }
0x268: {  	v8 =	vld.idx.msk [tilespmem:v7+s13+$0x0], $0xffff  }
0x269: {  	v6 =	vld.idx.msk [tilespmem:v6+s29+$0x0], $0xffff;
	_ =	sdelay $0x5  }
0x26a: {  	v6 =	vadd.f32 v6, v8;
	_ =	sdelay $0x1  }
0x26b: {  	vm0 =	vge.f32 v6, $0.0e+00;
	v8 =	vmul.f32 $2.000000030e-01, v6;
	_ =	sdelay $0x1  }
0x26c: {  	v6 =	vsel vm0, v6, v8  }
0x26d: {  	v6 =	vsub.f32 v6, v2;
	_ =	sdelay $0x1  }
0x26e: {  	v6 =	vmul.f32 $1.442695020e+00, v6;
	_ =	sdelay $0x1  }
0x26f: {  	(erf) = vpow2.f32 v6;
	_ =	sdelay $0x1  }
.Ltmp7:
0x270: {  	(pc) =	sbr.rel @p0 .LBB2_14-.Ltmp7, $4  }
0x271: {  	_ = 	snop  }
0x272: {  	v6 =	vmov s18  }
0x273: {  	v6 =	vshll.u32 v6, $0x4  }
0x274: {  	v6 =	vor.u32 v1, v6  }
0x275: {  	_ = 	snop  }
0x276: {  	v8 =	vor.u32 $0x4, v6;
	_ =	sdelay $0x1  }
0x277: {  	v9 =	vpop (erf)  }
0x278: {  	[tilespmem:v7+s9+$0x0] =	vst.idx.msk $0xffff, v9  }
0x279: {  	v7 =	vld.idx.msk [tilespmem:v6+s13+$0x0], $0xffff  }
0x27a: {  	v8 =	vld.idx.msk [tilespmem:v8+s29+$0x0], $0xffff;
	_ =	sdelay $0x4  }
0x27b: {  	v7 =	vadd.f32 v8, v7;
	_ =	sdelay $0x1  }
0x27c: {  	v8 =	vmul.f32 $2.000000030e-01, v7  }
0x27d: {  	vm0 =	vge.f32 v7, $0.0e+00  }
0x27e: {  	v7 =	vsel vm0, v7, v8  }
0x27f: {  	v5 =	vsub.f32 v7, v5;
	_ =	sdelay $0x1  }
0x280: {  	v5 =	vmul.f32 $1.442695020e+00, v5;
	_ =	sdelay $0x1  }
0x281: {  	(erf) = vpow2.f32 v5;
	_ =	sdelay $0x5  }
0x282: {  	v5 =	vor.u32 $0x1, v6  }
0x283: {  	v7 =	vor.u32 $0x5, v6;
	_ =	sdelay $0x1  }
0x284: {  	v8 =	vpop (erf)  }
0x285: {  	[tilespmem:v6+s9+$0x0] =	vst.idx.msk $0xffff, v8  }
0x286: {  	v8 =	vld.idx.msk [tilespmem:v5+s13+$0x0], $0xffff  }
0x287: {  	v7 =	vld.idx.msk [tilespmem:v7+s29+$0x0], $0xffff;
	_ =	sdelay $0x4  }
0x288: {  	v7 =	vadd.f32 v7, v8;
	_ =	sdelay $0x1  }
0x289: {  	v8 =	vmul.f32 $2.000000030e-01, v7  }
0x28a: {  	vm13 =	vge.f32 v7, $0.0e+00  }
0x28b: {  	v7 =	vsel vm13, v7, v8  }
0x28c: {  	v4 =	vsub.f32 v7, v4;
	_ =	sdelay $0x1  }
0x28d: {  	v4 =	vmul.f32 $1.442695020e+00, v4;
	_ =	sdelay $0x1  }
0x28e: {  	(erf) = vpow2.f32 v4;
	_ =	sdelay $0x5  }
0x28f: {  	v4 =	vor.u32 $0x2, v6  }
0x290: {  	v7 =	vor.u32 $0x6, v6;
	_ =	sdelay $0x1  }
0x291: {  	v8 =	vpop (erf)  }
0x292: {  	[tilespmem:v5+s9+$0x0] =	vst.idx.msk $0xffff, v8  }
0x293: {  	v5 =	vld.idx.msk [tilespmem:v4+s13+$0x0], $0xffff  }
0x294: {  	v7 =	vld.idx.msk [tilespmem:v7+s29+$0x0], $0xffff;
	_ =	sdelay $0x4  }
0x295: {  	v5 =	vadd.f32 v7, v5;
	_ =	sdelay $0x1  }
0x296: {  	v7 =	vmul.f32 $2.000000030e-01, v5  }
0x297: {  	vm14 =	vge.f32 v5, $0.0e+00  }
0x298: {  	v5 =	vsel vm14, v5, v7  }
0x299: {  	v3 =	vsub.f32 v5, v3;
	_ =	sdelay $0x1  }
0x29a: {  	v3 =	vmul.f32 $1.442695020e+00, v3;
	_ =	sdelay $0x1  }
0x29b: {  	(erf) = vpow2.f32 v3;
	_ =	sdelay $0x5  }
0x29c: {  	v3 =	vor.u32 $0x3, v6  }
0x29d: {  	v5 =	vor.u32 $0x7, v6;
	_ =	sdelay $0x1  }
0x29e: {  	v6 =	vpop (erf)  }
0x29f: {  	[tilespmem:v4+s9+$0x0] =	vst.idx.msk $0xffff, v6  }
0x2a0: {  	v4 =	vld.idx.msk [tilespmem:v3+s13+$0x0], $0xffff  }
0x2a1: {  	v5 =	vld.idx.msk [tilespmem:v5+s29+$0x0], $0xffff;
	_ =	sdelay $0x4  }
0x2a2: {  	v4 =	vadd.f32 v5, v4;
	_ =	sdelay $0x1  }
0x2a3: {  	v5 =	vmul.f32 $2.000000030e-01, v4  }
0x2a4: {  	vm15 =	vge.f32 v4, $0.0e+00  }
0x2a5: {  	v4 =	vsel vm15, v4, v5  }
0x2a6: {  	v2 =	vsub.f32 v4, v2;
	_ =	sdelay $0x1  }
0x2a7: {  	v2 =	vmul.f32 $1.442695020e+00, v2;
	_ =	sdelay $0x1  }
0x2a8: {  	(erf) = vpow2.f32 v2;
	_ =	sdelay $0x8  }
0x2a9: {  	v2 =	vpop (erf)  }
0x2aa: {  	s13 =	simm.s32 $0x1590;
	[tilespmem:v3+s9+$0x0] =	vst.idx.msk $0xffff, v2  }
0x2ab: {  	s14 =	simm.s32 $0x0;
	v9 =	vld [tilespmem:s13+$0xFFFFFFD0]  }
0x2ac: {  	v4 =	vld [tilespmem:s14+$0x6550]  }
0x2ad: {  	v7 =	vld [tilespmem:s13+$0x20]  }
0x2ae: {  	v10 =	vld [tilespmem:s13+$0xFFFFFFC0]  }
0x2af: {  	v13 =	vld [tilespmem:s13+$0xFFFFFFE0]  }
0x2b0: {  	v2 =	vld [tilespmem:s13+$0xFFFFFFF0]  }
0x2b1: {  	v3 =	vld [tilespmem:s13+$0x30];
	v11 =	vbroadcast v4, $0x0;
	v8 =	vbroadcast v4, $0x3  }
0x2b2: {  	v5 =	vld [tilespmem:s13+$0x0];
	v6 =	vbroadcast v4, $0x1  }
0x2b3: {  	v12 =	vmul.f32 v11, v10;
	v10 =	vmul.f32 v7, v8;
	v7 =	vld [tilespmem:s13+$0x10]  }
0x2b4: {  	v4 =	vbroadcast v4, $0x2  }
0x2b5: {  	s15 =	simm.s32 $0x40;
	s18 =	simm.s32 $0x1590;
	v11 =	vmul.f32 v9, v11;
	v9 =	vmul.f32 v13, v6  }
.LBB2_16:
0x2b6: {  	p0 =	sne.s32 s15, $0x13C0  }
0x2b7: {  	[tilespmem:s13+$0xFFFFFFC0] =	vst v12;
	v5 =	vmul.f32 v5, v4;
	v3 =	vmul.f32 v3, v8;
	s18 =	sadd.s32 $0x80, s18;
	s14 =	smov.u32 s15;
	s15 =	sadd.s32 $0x40, s15  }
0x2b8: {  	v6 =	vmul.f32 v2, v6;
	v4 =	vmul.f32 v7, v4;
	[tilespmem:s13+$0x20] =	vst v10  }
0x2b9: {  	[tilespmem:s13+$0xFFFFFFD0] =	vst v11  }
0x2ba: {  	[tilespmem:s13+$0xFFFFFFE0] =	vst v9  }
0x2bb: {  	[tilespmem:s13+$0x30] =	vst v3  }
0x2bc: {  	v2 =	vld [tilespmem:s18+$0xFFFFFFF0];
	[tilespmem:s13+$0x10] =	vst v4  }
0x2bd: {  	v9 =	vld [tilespmem:s18+$0xFFFFFFD0];
	[tilespmem:s13+$0xFFFFFFF0] =	vst v6  }
0x2be: {  	s14 =	sshra.s32 s14, $0x2;
	v10 =	vld [tilespmem:s18+$0x20];
	[tilespmem:s13+$0x0] =	vst v5;
	s13 =	smov.u32 s18  }
0x2bf: {  	v4 =	vld [tilespmem:s14+$0x6550]  }
0x2c0: {  	v3 =	vld [tilespmem:s18+$0x30]  }
0x2c1: {  	v11 =	vld [tilespmem:s18+$0xFFFFFFC0]  }
0x2c2: {  	v13 =	vld [tilespmem:s18+$0xFFFFFFE0]  }
.Ltmp8:
0x2c3: {  	v5 =	vld [tilespmem:s18+$0x0];
	(pc) =	sbr.rel @p0 .LBB2_16-.Ltmp8, $4  }
0x2c4: {  	v14 =	vbroadcast v4, $0x0;
	v7 =	vld [tilespmem:s18+$0x10];
	v8 =	vbroadcast v4, $0x3  }
0x2c5: {  	v6 =	vbroadcast v4, $0x1;
	v4 =	vbroadcast v4, $0x2  }
0x2c6: {  	v12 =	vmul.f32 v14, v11;
	v10 =	vmul.f32 v10, v8  }
0x2c7: {  	v11 =	vmul.f32 v9, v14;
	v9 =	vmul.f32 v13, v6  }
0x2c8: {  	[tilespmem:s13+$0xFFFFFFC0] =	vst v12  }
0x2c9: {  	[tilespmem:s13+$0x20] =	vst v10  }
0x2ca: {  	v3 =	vmul.f32 v3, v8;
	[tilespmem:s13+$0xFFFFFFD0] =	vst v11  }
0x2cb: {  	v2 =	vmul.f32 v2, v6;
	[tilespmem:s13+$0xFFFFFFE0] =	vst v9  }
0x2cc: {  	v7 =	vmul.f32 v7, v4;
	[tilespmem:s13+$0x30] =	vst v3  }
0x2cd: {  	v3 =	vmul.f32 v5, v4;
	[tilespmem:s13+$0xFFFFFFF0] =	vst v2  }
0x2ce: {  	[tilespmem:s13+$0x10] =	vst v7  }
0x2cf: {  	[tilespmem:s13+$0x0] =	vst v3  }
0x2d0: {  	[spmem:s2] =	stream.indirect.scatter.add.f32 [tilespmem:s28], [sflag:$0x3], $0x80, s25, s26, $0xb8;
	[tilespmem:$0x1CEE0] =	vst v63  }
0x2d1: {  	s20 =	simm.s32 $0x4  }
0x2d2: {  	[spmem:s4] =	stream.indirect.scatter.add.f32 [tilespmem:s9], [sflag:$0x3], $0x10, s25, s26, $0xb8;
	[tilespmem:$0x1CEE0] =	vst v63  }
0x2d3: {  	_ =	swait.ge [sflag:s20], $0x2800  }
0x2d4: {  	[sflag:s20] =	ssyncset.done $0x0  }
0x2d5: {  	[sflag:s20] =	ssyncadd.s32 $0xFFFFD800  }
0x2d6: {  	_ =	swait.ge [sflag:s20], $0x500  }
0x2d7: {  	[sflag:s20] =	ssyncset.done $0x0  }
0x2d8: {  	[sflag:s20] =	ssyncadd.s32 $0xFFFFFB00  }
0x2d9: {  	_ =	swait.ge [sflag:s10], $0x2800  }
0x2da: {  	[sflag:s10] =	ssyncset.done $0x0  }
0x2db: {  	[sflag:s10] =	ssyncadd.s32 $0xFFFFD800  }
0x2dc: {  	_ =	swait.ge [sflag:s10], $0x500  }
0x2dd: {  	[sflag:s10] =	ssyncset.done $0x0  }
0x2de: {  	[sflag:s10] =	ssyncadd.s32 $0xFFFFFB00  }
0x2df: {  	[bflag:$0x0] =	sbarrier.arrive $0xFFFF  }
0x2e0: {  	s23 =	rddreg [dreg:$0xc]  }
0x2e1: {  	s18 =	rddreg [dreg:$0xf]  }
0x2e2: {  	s14 =	rddreg [dreg:$0x11]  }
0x2e3: {  	[hbm:s23], [sflag:s18] =	dma.local [spmem:s14], $0x2710  }
0x2e4: {  	_ =	swait.ge [sflag:s22], $0x2710  }
0x2e5: {  	[sflag:s22] =	ssyncset.done $0x0;
	s14 =	rddreg [dreg:$0xd]  }
0x2e6: {  	s15 =	rddreg [dreg:$0x12];
	[sflag:s22] =	ssyncadd.s32 $0xFFFFD8F0  }
0x2e7: {  	[hbm:s14], [sflag:s18] =	dma.local [spmem:s15], $0x4E2  }
0x2e8: {  	_ =	swait.ge [sflag:s22], $0x4E2  }
0x2e9: {  	s20 =	rddreg [dreg:$0x10]  }
0x2ea: {  	s23 =	rddreg [dreg:$0xe];
	s14 =	sadd.s32 $0x1, s20  }
0x2eb: {  	p0 =	sne.s32 s14, s23  }
.Ltmp9:
0x2ec: {  	_ = 	snop;
	(pc) =	sbr.rel @p0 .LBB2_1-.Ltmp9, $3  }
0x2ed: {  	_ =	sdelay $0x1  }
0x2ee: {  	[sflag:s22] =	ssyncset.done $0x0  }
0x2ef: {  	[sflag:s22] =	ssyncadd.s32 $0xFFFFFB1E  }
0x2f0: {  	_ =	sfence.sel $0x180000  }
0x2f1: {  	[bflag:$0x0] =	sbarrier.arrive $0xFFFF  }
0x2f2: {  	_ =	strace $0x90000047  }
0x2f3: {  	s0 =	stileid.u32;
	[bflag:$0x2] =	sbarrier.arrive $0xFFFF  }
0x2f4: {  	p0 =	sne.s32 s0, $0x0;
	s0 =	rddreg [dreg:$0x4]  }
0x2f5: {  	s0 =	sadd.s32 @!p0 $0x100000, s0  }
0x2f6: {  	[sflag:s0] =	ssyncadd.tile.s32 @!p0 $0x1;
	_ =	shalt  }
.Lfunc_end2:
_tile_overlayer_lowered:
.L_overlay_start_2:
0x2f7: {  	(tag) =	ssettag $0x2  }
0x2f8: {  	s0 =	rddreg [dreg:$0x0];
	s2 =	stileid.u32  }
0x2f9: {  	s1 =	rddreg [dreg:$0x1];
	p0 =	sne.s32 s2, $0x0  }
0x2fa: {  	s3 =	rddreg [dreg:$0x2];
	[bflag:$0x3] =	sbarrier.arrive $0xFFFF;
	s2 =	simm.s32 @!p0 $0x1C05  }
0x2fb: {  	[timem:s3], [sflag:s2] =	dma.local @!p0 [hbm:s0], s1  }
0x2fc: {  	s0 =	simm.s32 @!p0 $0x5  }
0x2fd: {  	_ =	swait.ge @!p0 [sflag:s0], s1  }
0x2fe: {  	s1 =	ssub.s32 @!p0 $0x0, s1;
	[sflag:s0] =	ssyncset.done @!p0 $0x0  }
0x2ff: {  	[sflag:s0] =	ssyncadd.s32 @!p0 s1  }
0x300: {  	[bflag:$0x3] =	sbarrier.arrive $0xFFFF  }
0x301: {  	_ =	shalt  }

</sc_bundles>
